<compile_context>
chip_gen: v7x
topology: tpu7x:2x2x1
jax: 0.10.2.dev20260603
libtpu: 0.0.44.dev20260713+nightly
codegen_flags: <defaults>
</compile_context>

<pallas_src>
import functools

import jax
import jax.numpy as jnp
from jax import lax
from jax.experimental import pallas as pl
from jax.experimental.pallas import tpu as pltpu
from jax.experimental.pallas import tpu_sc as plsc

D = 768
L = 16
NC = 2
NS = 16
NW = NC * NS
CHUNK = 8
RING = 4
PF = 2


def _make_sc_kernel(N):
    rows_per_w = N // NW
    steps = rows_per_w // CHUNK
    g_iters = steps // RING
    mesh = plsc.VectorSubcoreMesh(core_axis_name="c", subcore_axis_name="s")

    scratch = (
        [pltpu.VMEM((rows_per_w,), jnp.int32)]
        + [pltpu.VMEM((CHUNK, D), jnp.float32)] * (2 * RING)
        + [pltpu.SemaphoreType.DMA] * (4 * RING)
    )

    @functools.partial(
        pl.kernel,
        mesh=mesh,
        out_type=(
            jax.ShapeDtypeStruct((N, D), jnp.float32),
            jax.ShapeDtypeStruct((N, D), jnp.float32),
        ),
        scratch_types=scratch,
    )
    def sc_kernel(x_hbm, idx_hbm, tab_hbm, comp_hbm, res_hbm, *scr):
        idx_all = scr[0]
        x_bufs = scr[1:1 + RING]
        r_bufs = scr[1 + RING:1 + 2 * RING]
        sems = scr[1 + 2 * RING:]
        in_x = sems[0:RING]
        in_g = sems[RING:2 * RING]
        out_c = sems[2 * RING:3 * RING]
        out_r = sems[3 * RING:]

        wid = lax.axis_index("s") * NC + lax.axis_index("c")
        base = wid * rows_per_w
        pltpu.sync_copy(idx_hbm.at[pl.ds(base, rows_per_w)], idx_all)

        def issue_inputs(g, b):
            r0 = base + g * CHUNK
            pltpu.async_copy(
                tab_hbm.at[idx_all.at[pl.ds(g * CHUNK, CHUNK)]],
                r_bufs[b], in_g[b])
            pltpu.async_copy(x_hbm.at[pl.ds(r0, CHUNK)], x_bufs[b], in_x[b])

        def wait_inputs(b):
            pltpu.make_async_copy(
                x_hbm.at[pl.ds(0, CHUNK)], x_bufs[b], in_x[b]).wait()
            pltpu.make_async_copy(
                tab_hbm.at[idx_all.at[pl.ds(0, CHUNK)]],
                r_bufs[b], in_g[b]).wait()

        def issue_outputs(g, b):
            r0 = base + g * CHUNK
            pltpu.async_copy(r_bufs[b], comp_hbm.at[pl.ds(r0, CHUNK)], out_c[b])
            pltpu.async_copy(x_bufs[b], res_hbm.at[pl.ds(r0, CHUNK)], out_r[b])

        def wait_outputs(b):
            pltpu.make_async_copy(
                r_bufs[b], comp_hbm.at[pl.ds(0, CHUNK)], out_c[b]).wait()
            pltpu.make_async_copy(
                x_bufs[b], res_hbm.at[pl.ds(0, CHUNK)], out_r[b]).wait()

        def compute(b):
            def row(r, c):
                def col(j, c2):
                    sl = pl.ds(j * L, L)
                    x_bufs[b][r, sl] = x_bufs[b][r, sl] - r_bufs[b][r, sl]
                    return c2

                return lax.fori_loop(0, D // L, col, c, unroll=48)

            lax.fori_loop(0, CHUNK, row, 0)

        for p in range(PF):
            issue_inputs(p, p)

        def giter(G, carry):
            for b in range(RING):
                g = G * RING + b
                gp = g + PF
                pb = (b + PF) % RING
                wait_inputs(b)
                @pl.when(gp < steps)
                def _():
                    @pl.when(gp >= RING)
                    def _():
                        wait_outputs(pb)

                    issue_inputs(gp, pb)

                compute(b)
                issue_outputs(g, b)
            return carry

        lax.fori_loop(0, g_iters, giter, 0)
        for b in range(RING):
            wait_outputs(b)

    return sc_kernel


def kernel(x, cycle_indices, learnable_cycles):
    B, S, d = x.shape
    N = B * S
    x2 = x.reshape(N, d)
    idx = cycle_indices.reshape(N).astype(jnp.int32)
    comp, res = _make_sc_kernel(N)(x2, idx, learnable_cycles)
    return comp.reshape(B, S, d), res.reshape(B, S, d)

# --- scband reference (transcript-rebuilt; emitter-appended) ---
"""Pipeline reference for scband-residual-cycle-forecasting-19473381720268 (READ-ONLY COPY).

The authoritative reference and input builder live on the scoring server;
editing this copy changes nothing except your own understanding.
"""

import jax, jax.numpy as jnp
import numpy as np

CYCLE_LENGTH = 168
D_MODEL = 768
BATCH = 4
SEQ_LEN = 8192


def setup_inputs(seed: int = 0) -> dict:
    key = jax.random.key(seed)
    k1, k2, k3 = jax.random.split(key, 3)
    x = jax.random.normal(k1, (BATCH, SEQ_LEN, D_MODEL), dtype=jnp.float32)
    cycle_indices = jax.random.randint(k2, (BATCH, SEQ_LEN), 0, CYCLE_LENGTH, dtype=jnp.int64 if jax.config.jax_enable_x64 else jnp.int32)
    # learnable parameter (original inits to zeros; use small randn for a non-degenerate benchmark)
    learnable_cycles = jax.random.normal(k3, (CYCLE_LENGTH, D_MODEL), dtype=jnp.float32) * 0.02
    return {"x": x, "cycle_indices": cycle_indices, "learnable_cycles": learnable_cycles}


def reference(x, cycle_indices, learnable_cycles):
    # gather: learnable_cycles[cycle_indices] -> [B, S, d_model]
    cycle_components = jnp.take(learnable_cycles, cycle_indices.astype(jnp.int32), axis=0)
    residuals = x - cycle_components
    return (cycle_components, residuals)

if __name__ == "__main__":
    import jax
    _d = setup_inputs()
    print(jax.jit(kernel)(*tuple(_d.values())))

</pallas_src>

<mosaic_0001>
#map = affine_map<(d0, d1) -> (0, 0)>
#map1 = affine_map<(d0, d1) -> (0)>
module attributes {stable_mosaic.version = 14 : i64} {
  func.func @sc_kernel(%arg0: i32, %arg1: i32, %arg2: memref<32768x768xf32, #tpu.memory_space<hbm>>, %arg3: memref<32768xi32, #tpu.memory_space<hbm>>, %arg4: memref<168x768xf32, #tpu.memory_space<hbm>>, %arg5: memref<32768x768xf32, #tpu.memory_space<hbm>>, %arg6: memref<32768x768xf32, #tpu.memory_space<hbm>>, %arg7: memref<1024xi32, #tpu.memory_space<vmem>>, %arg8: memref<8x768xf32, #tpu.memory_space<vmem>>, %arg9: memref<8x768xf32, #tpu.memory_space<vmem>>, %arg10: memref<8x768xf32, #tpu.memory_space<vmem>>, %arg11: memref<8x768xf32, #tpu.memory_space<vmem>>, %arg12: memref<8x768xf32, #tpu.memory_space<vmem>>, %arg13: memref<8x768xf32, #tpu.memory_space<vmem>>, %arg14: memref<8x768xf32, #tpu.memory_space<vmem>>, %arg15: memref<8x768xf32, #tpu.memory_space<vmem>>, %arg16: memref<!tpu.dma_semaphore, #tpu.memory_space<semaphore_mem>>, %arg17: memref<!tpu.dma_semaphore, #tpu.memory_space<semaphore_mem>>, %arg18: memref<!tpu.dma_semaphore, #tpu.memory_space<semaphore_mem>>, %arg19: memref<!tpu.dma_semaphore, #tpu.memory_space<semaphore_mem>>, %arg20: memref<!tpu.dma_semaphore, #tpu.memory_space<semaphore_mem>>, %arg21: memref<!tpu.dma_semaphore, #tpu.memory_space<semaphore_mem>>, %arg22: memref<!tpu.dma_semaphore, #tpu.memory_space<semaphore_mem>>, %arg23: memref<!tpu.dma_semaphore, #tpu.memory_space<semaphore_mem>>, %arg24: memref<!tpu.dma_semaphore, #tpu.memory_space<semaphore_mem>>, %arg25: memref<!tpu.dma_semaphore, #tpu.memory_space<semaphore_mem>>, %arg26: memref<!tpu.dma_semaphore, #tpu.memory_space<semaphore_mem>>, %arg27: memref<!tpu.dma_semaphore, #tpu.memory_space<semaphore_mem>>, %arg28: memref<!tpu.dma_semaphore, #tpu.memory_space<semaphore_mem>>, %arg29: memref<!tpu.dma_semaphore, #tpu.memory_space<semaphore_mem>>, %arg30: memref<!tpu.dma_semaphore, #tpu.memory_space<semaphore_mem>>, %arg31: memref<!tpu.dma_semaphore, #tpu.memory_space<semaphore_mem>>) attributes {dimension_semantics = [#tpu.dimension_semantics<core_parallel>, #tpu.dimension_semantics<subcore_parallel>], iteration_bounds = array<i64: 2, 16>, scalar_prefetch = 0 : i64, scratch_operands = 25 : i64, tpu.core_type = #tpu.core_type<sc_vector_subcore>, window_params = [{transform_indices = #map}, {transform_indices = #map1}, {transform_indices = #map}, {transform_indices = #map}, {transform_indices = #map}]} {
    %mul3A = arith.constant 2 : i32
    %mul3A_0 = arith.muli %arg1, %mul3A : i32
    %add3A = arith.addi %mul3A_0, %arg0 : i32
    %mul3A_1 = arith.constant 1024 : i32
    %mul3A_2 = arith.muli %add3A, %mul3A_1 : i32
    "tpu.region"() ({
      %run_scoped3A = tpu.sem_alloc : memref<!tpu.dma_semaphore, #tpu.memory_space<semaphore_mem>>
      %dma_start3A_76 = tpu.memref_slice %arg3[%mul3A_2] : memref<32768xi32, #tpu.memory_space<hbm>> -> memref<1024xi32, #tpu.memory_space<hbm>>
      %dma_start3A_77 = tpu.memref_slice %arg3[%mul3A_2] : memref<32768xi32, #tpu.memory_space<hbm>> -> memref<1024xi32, #tpu.memory_space<hbm>>
      tpu.enqueue_dma source(%dma_start3A_77 : memref<1024xi32, #tpu.memory_space<hbm>>) target(%arg7 : memref<1024xi32, #tpu.memory_space<vmem>>) target_semaphore(%run_scoped3A : memref<!tpu.dma_semaphore, #tpu.memory_space<semaphore_mem>>)
      %dma_wait3A_78 = tpu.memref_slice %arg3[%mul3A_2] : memref<32768xi32, #tpu.memory_space<hbm>> -> memref<1024xi32, #tpu.memory_space<hbm>>
      %dma_wait3A_79 = tpu.memref_slice %arg3[%mul3A_2] : memref<32768xi32, #tpu.memory_space<hbm>> -> memref<1024xi32, #tpu.memory_space<hbm>>
      tpu.wait_dma2 semaphore(%run_scoped3A : memref<!tpu.dma_semaphore, #tpu.memory_space<semaphore_mem>>) src(%dma_wait3A_79 : memref<1024xi32, #tpu.memory_space<hbm>>) dst(%arg7 : memref<1024xi32, #tpu.memory_space<vmem>>)
      tpu.yield
    }) : () -> ()
    %add3A_3 = arith.constant 0 : i32
    %add3A_4 = arith.addi %mul3A_2, %add3A_3 : i32
    %dma_start3A = arith.constant 0 : i32
    %dma_start3A_5 = tpu.memref_slice %arg7[%dma_start3A] : memref<1024xi32, #tpu.memory_space<vmem>> -> memref<8xi32, #tpu.memory_space<vmem>>
    %dma_start3A_6 = arith.constant 0 : i32
    %dma_start3A_7 = arith.constant 0 : i32
    %dma_start3A_8 = tpu.memref_slice %arg4[%dma_start3A_6, %dma_start3A_7] : memref<168x768xf32, #tpu.memory_space<hbm>> -> memref<168x768xf32, #tpu.memory_space<hbm>>
    tpu.enqueue_indirect_dma source(%dma_start3A_8 : memref<168x768xf32, #tpu.memory_space<hbm>>) target(%arg12 : memref<8x768xf32, #tpu.memory_space<vmem>>) offsets(%dma_start3A_5 : memref<8xi32, #tpu.memory_space<vmem>>) semaphore(%arg20 : memref<!tpu.dma_semaphore, #tpu.memory_space<semaphore_mem>>)
    %dma_start3A_9 = arith.constant 0 : i32
    %dma_start3A_10 = tpu.memref_slice %arg2[%add3A_4, %dma_start3A_9] : memref<32768x768xf32, #tpu.memory_space<hbm>> -> memref<8x768xf32, #tpu.memory_space<hbm>>
    %dma_start3A_11 = arith.constant 0 : i32
    %dma_start3A_12 = tpu.memref_slice %arg2[%add3A_4, %dma_start3A_11] : memref<32768x768xf32, #tpu.memory_space<hbm>> -> memref<8x768xf32, #tpu.memory_space<hbm>>
    tpu.enqueue_dma source(%dma_start3A_12 : memref<8x768xf32, #tpu.memory_space<hbm>>) target(%arg8 : memref<8x768xf32, #tpu.memory_space<vmem>>) target_semaphore(%arg16 : memref<!tpu.dma_semaphore, #tpu.memory_space<semaphore_mem>>)
    %add3A_13 = arith.constant 8 : i32
    %add3A_14 = arith.addi %mul3A_2, %add3A_13 : i32
    %dma_start3A_15 = arith.constant 8 : i32
    %dma_start3A_16 = tpu.memref_slice %arg7[%dma_start3A_15] : memref<1024xi32, #tpu.memory_space<vmem>> -> memref<8xi32, #tpu.memory_space<vmem>>
    %dma_start3A_17 = arith.constant 0 : i32
    %dma_start3A_18 = arith.constant 0 : i32
    %dma_start3A_19 = tpu.memref_slice %arg4[%dma_start3A_17, %dma_start3A_18] : memref<168x768xf32, #tpu.memory_space<hbm>> -> memref<168x768xf32, #tpu.memory_space<hbm>>
    tpu.enqueue_indirect_dma source(%dma_start3A_19 : memref<168x768xf32, #tpu.memory_space<hbm>>) target(%arg13 : memref<8x768xf32, #tpu.memory_space<vmem>>) offsets(%dma_start3A_16 : memref<8xi32, #tpu.memory_space<vmem>>) semaphore(%arg21 : memref<!tpu.dma_semaphore, #tpu.memory_space<semaphore_mem>>)
    %dma_start3A_20 = arith.constant 0 : i32
    %dma_start3A_21 = tpu.memref_slice %arg2[%add3A_14, %dma_start3A_20] : memref<32768x768xf32, #tpu.memory_space<hbm>> -> memref<8x768xf32, #tpu.memory_space<hbm>>
    %dma_start3A_22 = arith.constant 0 : i32
    %dma_start3A_23 = tpu.memref_slice %arg2[%add3A_14, %dma_start3A_22] : memref<32768x768xf32, #tpu.memory_space<hbm>> -> memref<8x768xf32, #tpu.memory_space<hbm>>
    tpu.enqueue_dma source(%dma_start3A_23 : memref<8x768xf32, #tpu.memory_space<hbm>>) target(%arg9 : memref<8x768xf32, #tpu.memory_space<vmem>>) target_semaphore(%arg17 : memref<!tpu.dma_semaphore, #tpu.memory_space<semaphore_mem>>)
    %scan3A = arith.constant 0 : i32
    %scan3A_24 = arith.constant 0 : i32
    %scan3A_25 = arith.constant 32 : i32
    %scan3A_26 = arith.addi %scan3A_24, %scan3A_25 : i32
    %scan3A_27 = arith.constant 1 : i32
    scf.for %scan3A_76 = %scan3A_24 to %scan3A_26 step %scan3A_27  : i32 {
      %mul3A_77 = arith.constant 4 : i32
      %mul3A_78 = arith.muli %scan3A_76, %mul3A_77 : i32
      %add3A_79 = arith.constant 0 : i32
      %add3A_80 = arith.addi %mul3A_78, %add3A_79 : i32
      %add3A_81 = arith.constant 2 : i32
      %add3A_82 = arith.addi %add3A_80, %add3A_81 : i32
      %dma_wait3A_83 = arith.constant 0 : i32
      %dma_wait3A_84 = arith.constant 0 : i32
      %dma_wait3A_85 = tpu.memref_slice %arg2[%dma_wait3A_83, %dma_wait3A_84] : memref<32768x768xf32, #tpu.memory_space<hbm>> -> memref<8x768xf32, #tpu.memory_space<hbm>>
      %dma_wait3A_86 = arith.constant 0 : i32
      %dma_wait3A_87 = arith.constant 0 : i32
      %dma_wait3A_88 = tpu.memref_slice %arg2[%dma_wait3A_86, %dma_wait3A_87] : memref<32768x768xf32, #tpu.memory_space<hbm>> -> memref<8x768xf32, #tpu.memory_space<hbm>>
      tpu.wait_dma2 semaphore(%arg16 : memref<!tpu.dma_semaphore, #tpu.memory_space<semaphore_mem>>) src(%dma_wait3A_88 : memref<8x768xf32, #tpu.memory_space<hbm>>) dst(%arg8 : memref<8x768xf32, #tpu.memory_space<vmem>>)
      %dma_wait3A_89 = arith.constant 0 : i32
      %dma_wait3A_90 = tpu.memref_slice %arg7[%dma_wait3A_89] : memref<1024xi32, #tpu.memory_space<vmem>> -> memref<8xi32, #tpu.memory_space<vmem>>
      %dma_wait3A_91 = arith.constant 0 : i32
      %dma_wait3A_92 = arith.constant 0 : i32
      %dma_wait3A_93 = tpu.memref_slice %arg4[%dma_wait3A_91, %dma_wait3A_92] : memref<168x768xf32, #tpu.memory_space<hbm>> -> memref<168x768xf32, #tpu.memory_space<hbm>>
      tpu.wait_indirect_dma semaphore(%arg20 : memref<!tpu.dma_semaphore, #tpu.memory_space<semaphore_mem>>) src(%dma_wait3A_93 : memref<168x768xf32, #tpu.memory_space<hbm>>) dst(%arg12 : memref<8x768xf32, #tpu.memory_space<vmem>>)
      %lt3A = arith.constant 128 : i32
      %lt3A_94 = arith.cmpi slt, %add3A_82, %lt3A : i32
      %convert_element_type3A = arith.extui %lt3A_94 : i1 to i32
      %cond3A = arith.constant 0 : i32
      %cond3A_95 = arith.cmpi ne, %convert_element_type3A, %cond3A : i32
      scf.if %cond3A_95 {
        %ge3A = arith.constant 4 : i32
        %ge3A_230 = arith.cmpi sge, %add3A_82, %ge3A : i32
        %convert_element_type3A_231 = arith.extui %ge3A_230 : i1 to i32
        %cond3A_232 = arith.constant 0 : i32
        %cond3A_233 = arith.cmpi ne, %convert_element_type3A_231, %cond3A_232 : i32
        scf.if %cond3A_233 {
          %dma_wait3A_247 = arith.constant 0 : i32
          %dma_wait3A_248 = arith.constant 0 : i32
          %dma_wait3A_249 = tpu.memref_slice %arg5[%dma_wait3A_247, %dma_wait3A_248] : memref<32768x768xf32, #tpu.memory_space<hbm>> -> memref<8x768xf32, #tpu.memory_space<hbm>>
          %dma_wait3A_250 = arith.constant 0 : i32
          %dma_wait3A_251 = arith.constant 0 : i32
          %dma_wait3A_252 = tpu.memref_slice %arg5[%dma_wait3A_250, %dma_wait3A_251] : memref<32768x768xf32, #tpu.memory_space<hbm>> -> memref<8x768xf32, #tpu.memory_space<hbm>>
          tpu.wait_dma2 semaphore(%arg26 : memref<!tpu.dma_semaphore, #tpu.memory_space<semaphore_mem>>) src(%arg14 : memref<8x768xf32, #tpu.memory_space<vmem>>) dst(%dma_wait3A_252 : memref<8x768xf32, #tpu.memory_space<hbm>>)
          %dma_wait3A_253 = arith.constant 0 : i32
          %dma_wait3A_254 = arith.constant 0 : i32
          %dma_wait3A_255 = tpu.memref_slice %arg6[%dma_wait3A_253, %dma_wait3A_254] : memref<32768x768xf32, #tpu.memory_space<hbm>> -> memref<8x768xf32, #tpu.memory_space<hbm>>
          %dma_wait3A_256 = arith.constant 0 : i32
          %dma_wait3A_257 = arith.constant 0 : i32
          %dma_wait3A_258 = tpu.memref_slice %arg6[%dma_wait3A_256, %dma_wait3A_257] : memref<32768x768xf32, #tpu.memory_space<hbm>> -> memref<8x768xf32, #tpu.memory_space<hbm>>
          tpu.wait_dma2 semaphore(%arg30 : memref<!tpu.dma_semaphore, #tpu.memory_space<semaphore_mem>>) src(%arg10 : memref<8x768xf32, #tpu.memory_space<vmem>>) dst(%dma_wait3A_258 : memref<8x768xf32, #tpu.memory_space<hbm>>)
        } else {
        }
        %mul3A_234 = arith.constant 8 : i32
        %mul3A_235 = arith.muli %add3A_82, %mul3A_234 : i32
        %add3A_236 = arith.addi %mul3A_2, %mul3A_235 : i32
        %mul3A_237 = arith.constant 8 : i32
        %mul3A_238 = arith.muli %add3A_82, %mul3A_237 : i32
        %dma_start3A_239 = tpu.memref_slice %arg7[%mul3A_238] : memref<1024xi32, #tpu.memory_space<vmem>> -> memref<8xi32, #tpu.memory_space<vmem>>
        %dma_start3A_240 = arith.constant 0 : i32
        %dma_start3A_241 = arith.constant 0 : i32
        %dma_start3A_242 = tpu.memref_slice %arg4[%dma_start3A_240, %dma_start3A_241] : memref<168x768xf32, #tpu.memory_space<hbm>> -> memref<168x768xf32, #tpu.memory_space<hbm>>
        tpu.enqueue_indirect_dma source(%dma_start3A_242 : memref<168x768xf32, #tpu.memory_space<hbm>>) target(%arg14 : memref<8x768xf32, #tpu.memory_space<vmem>>) offsets(%dma_start3A_239 : memref<8xi32, #tpu.memory_space<vmem>>) semaphore(%arg22 : memref<!tpu.dma_semaphore, #tpu.memory_space<semaphore_mem>>)
        %dma_start3A_243 = arith.constant 0 : i32
        %dma_start3A_244 = tpu.memref_slice %arg2[%add3A_236, %dma_start3A_243] : memref<32768x768xf32, #tpu.memory_space<hbm>> -> memref<8x768xf32, #tpu.memory_space<hbm>>
        %dma_start3A_245 = arith.constant 0 : i32
        %dma_start3A_246 = tpu.memref_slice %arg2[%add3A_236, %dma_start3A_245] : memref<32768x768xf32, #tpu.memory_space<hbm>> -> memref<8x768xf32, #tpu.memory_space<hbm>>
        tpu.enqueue_dma source(%dma_start3A_246 : memref<8x768xf32, #tpu.memory_space<hbm>>) target(%arg10 : memref<8x768xf32, #tpu.memory_space<vmem>>) target_semaphore(%arg18 : memref<!tpu.dma_semaphore, #tpu.memory_space<semaphore_mem>>)
      } else {
      }
      %scan3A_96 = arith.constant 0 : i32
      %scan3A_97 = arith.constant 0 : i32
      %scan3A_98 = arith.constant 8 : i32
      %scan3A_99 = arith.addi %scan3A_97, %scan3A_98 : i32
      %scan3A_100 = arith.constant 1 : i32
      scf.for %scan3A_230 = %scan3A_97 to %scan3A_99 step %scan3A_100  : i32 {
        %scan3A_231 = arith.constant 0 : i32
        %mul3A_232 = arith.constant 16 : i32
        %mul3A_233 = arith.muli %scan3A_231, %mul3A_232 : i32
        %get3A = arith.index_cast %scan3A_230 : i32 to index
        %get3A_234 = arith.index_cast %mul3A_233 : i32 to index
        %get3A_235 = tpu.vector_load %arg8[%get3A, %get3A_234] {strides = array<i32>} : memref<8x768xf32, #tpu.memory_space<vmem>>, vector<1x16xf32>,
        %get3A_236 = vector.shape_cast %get3A_235 : vector<1x16xf32> to vector<16xf32>
        %get3A_237 = arith.index_cast %scan3A_230 : i32 to index
        %get3A_238 = arith.index_cast %mul3A_233 : i32 to index
        %get3A_239 = tpu.vector_load %arg12[%get3A_237, %get3A_238] {strides = array<i32>} : memref<8x768xf32, #tpu.memory_space<vmem>>, vector<1x16xf32>,
        %get3A_240 = vector.shape_cast %get3A_239 : vector<1x16xf32> to vector<16xf32>
        %sub3A = arith.subf %get3A_236, %get3A_240 : vector<16xf32>
        %swap3A = arith.index_cast %scan3A_230 : i32 to index
        %swap3A_241 = arith.index_cast %mul3A_233 : i32 to index
        %swap3A_242 = tpu.vector_load %arg8[%swap3A, %swap3A_241] {strides = array<i32>} : memref<8x768xf32, #tpu.memory_space<vmem>>, vector<1x16xf32>,
        %swap3A_243 = vector.shape_cast %swap3A_242 : vector<1x16xf32> to vector<16xf32>
        %swap3A_244 = vector.shape_cast %sub3A : vector<16xf32> to vector<1x16xf32>
        tpu.vector_store %arg8[%swap3A, %swap3A_241], %swap3A_244 {strides = array<i32>} : memref<8x768xf32, #tpu.memory_space<vmem>>, vector<1x16xf32>,
        %scan3A_245 = arith.constant 1 : i32
        %mul3A_246 = arith.constant 16 : i32
        %mul3A_247 = arith.muli %scan3A_245, %mul3A_246 : i32
        %get3A_248 = arith.index_cast %scan3A_230 : i32 to index
        %get3A_249 = arith.index_cast %mul3A_247 : i32 to index
        %get3A_250 = tpu.vector_load %arg8[%get3A_248, %get3A_249] {strides = array<i32>} : memref<8x768xf32, #tpu.memory_space<vmem>>, vector<1x16xf32>,
        %get3A_251 = vector.shape_cast %get3A_250 : vector<1x16xf32> to vector<16xf32>
        %get3A_252 = arith.index_cast %scan3A_230 : i32 to index
        %get3A_253 = arith.index_cast %mul3A_247 : i32 to index
        %get3A_254 = tpu.vector_load %arg12[%get3A_252, %get3A_253] {strides = array<i32>} : memref<8x768xf32, #tpu.memory_space<vmem>>, vector<1x16xf32>,
        %get3A_255 = vector.shape_cast %get3A_254 : vector<1x16xf32> to vector<16xf32>
        %sub3A_256 = arith.subf %get3A_251, %get3A_255 : vector<16xf32>
        %swap3A_257 = arith.index_cast %scan3A_230 : i32 to index
        %swap3A_258 = arith.index_cast %mul3A_247 : i32 to index
        %swap3A_259 = tpu.vector_load %arg8[%swap3A_257, %swap3A_258] {strides = array<i32>} : memref<8x768xf32, #tpu.memory_space<vmem>>, vector<1x16xf32>,
        %swap3A_260 = vector.shape_cast %swap3A_259 : vector<1x16xf32> to vector<16xf32>
        %swap3A_261 = vector.shape_cast %sub3A_256 : vector<16xf32> to vector<1x16xf32>
        tpu.vector_store %arg8[%swap3A_257, %swap3A_258], %swap3A_261 {strides = array<i32>} : memref<8x768xf32, #tpu.memory_space<vmem>>, vector<1x16xf32>,
        %scan3A_262 = arith.constant 2 : i32
        %mul3A_263 = arith.constant 16 : i32
        %mul3A_264 = arith.muli %scan3A_262, %mul3A_263 : i32
        %get3A_265 = arith.index_cast %scan3A_230 : i32 to index
        %get3A_266 = arith.index_cast %mul3A_264 : i32 to index
        %get3A_267 = tpu.vector_load %arg8[%get3A_265, %get3A_266] {strides = array<i32>} : memref<8x768xf32, #tpu.memory_space<vmem>>, vector<1x16xf32>,
        %get3A_268 = vector.shape_cast %get3A_267 : vector<1x16xf32> to vector<16xf32>
        %get3A_269 = arith.index_cast %scan3A_230 : i32 to index
        %get3A_270 = arith.index_cast %mul3A_264 : i32 to index
        %get3A_271 = tpu.vector_load %arg12[%get3A_269, %get3A_270] {strides = array<i32>} : memref<8x768xf32, #tpu.memory_space<vmem>>, vector<1x16xf32>,
        %get3A_272 = vector.shape_cast %get3A_271 : vector<1x16xf32> to vector<16xf32>
        %sub3A_273 = arith.subf %get3A_268, %get3A_272 : vector<16xf32>
        %swap3A_274 = arith.index_cast %scan3A_230 : i32 to index
        %swap3A_275 = arith.index_cast %mul3A_264 : i32 to index
        %swap3A_276 = tpu.vector_load %arg8[%swap3A_274, %swap3A_275] {strides = array<i32>} : memref<8x768xf32, #tpu.memory_space<vmem>>, vector<1x16xf32>,
        %swap3A_277 = vector.shape_cast %swap3A_276 : vector<1x16xf32> to vector<16xf32>
        %swap3A_278 = vector.shape_cast %sub3A_273 : vector<16xf32> to vector<1x16xf32>
        tpu.vector_store %arg8[%swap3A_274, %swap3A_275], %swap3A_278 {strides = array<i32>} : memref<8x768xf32, #tpu.memory_space<vmem>>, vector<1x16xf32>,
        %scan3A_279 = arith.constant 3 : i32
        %mul3A_280 = arith.constant 16 : i32
        %mul3A_281 = arith.muli %scan3A_279, %mul3A_280 : i32
        %get3A_282 = arith.index_cast %scan3A_230 : i32 to index
        %get3A_283 = arith.index_cast %mul3A_281 : i32 to index
        %get3A_284 = tpu.vector_load %arg8[%get3A_282, %get3A_283] {strides = array<i32>} : memref<8x768xf32, #tpu.memory_space<vmem>>, vector<1x16xf32>,
        %get3A_285 = vector.shape_cast %get3A_284 : vector<1x16xf32> to vector<16xf32>
        %get3A_286 = arith.index_cast %scan3A_230 : i32 to index
        %get3A_287 = arith.index_cast %mul3A_281 : i32 to index
        %get3A_288 = tpu.vector_load %arg12[%get3A_286, %get3A_287] {strides = array<i32>} : memref<8x768xf32, #tpu.memory_space<vmem>>, vector<1x16xf32>,
        %get3A_289 = vector.shape_cast %get3A_288 : vector<1x16xf32> to vector<16xf32>
        %sub3A_290 = arith.subf %get3A_285, %get3A_289 : vector<16xf32>
        %swap3A_291 = arith.index_cast %scan3A_230 : i32 to index
        %swap3A_292 = arith.index_cast %mul3A_281 : i32 to index
        %swap3A_293 = tpu.vector_load %arg8[%swap3A_291, %swap3A_292] {strides = array<i32>} : memref<8x768xf32, #tpu.memory_space<vmem>>, vector<1x16xf32>,
        %swap3A_294 = vector.shape_cast %swap3A_293 : vector<1x16xf32> to vector<16xf32>
        %swap3A_295 = vector.shape_cast %sub3A_290 : vector<16xf32> to vector<1x16xf32>
        tpu.vector_store %arg8[%swap3A_291, %swap3A_292], %swap3A_295 {strides = array<i32>} : memref<8x768xf32, #tpu.memory_space<vmem>>, vector<1x16xf32>,
        %scan3A_296 = arith.constant 4 : i32
        %mul3A_297 = arith.constant 16 : i32
        %mul3A_298 = arith.muli %scan3A_296, %mul3A_297 : i32
        %get3A_299 = arith.index_cast %scan3A_230 : i32 to index
        %get3A_300 = arith.index_cast %mul3A_298 : i32 to index
        %get3A_301 = tpu.vector_load %arg8[%get3A_299, %get3A_300] {strides = array<i32>} : memref<8x768xf32, #tpu.memory_space<vmem>>, vector<1x16xf32>,
        %get3A_302 = vector.shape_cast %get3A_301 : vector<1x16xf32> to vector<16xf32>
        %get3A_303 = arith.index_cast %scan3A_230 : i32 to index
        %get3A_304 = arith.index_cast %mul3A_298 : i32 to index
        %get3A_305 = tpu.vector_load %arg12[%get3A_303, %get3A_304] {strides = array<i32>} : memref<8x768xf32, #tpu.memory_space<vmem>>, vector<1x16xf32>,
        %get3A_306 = vector.shape_cast %get3A_305 : vector<1x16xf32> to vector<16xf32>
        %sub3A_307 = arith.subf %get3A_302, %get3A_306 : vector<16xf32>
        %swap3A_308 = arith.index_cast %scan3A_230 : i32 to index
        %swap3A_309 = arith.index_cast %mul3A_298 : i32 to index
        %swap3A_310 = tpu.vector_load %arg8[%swap3A_308, %swap3A_309] {strides = array<i32>} : memref<8x768xf32, #tpu.memory_space<vmem>>, vector<1x16xf32>,
        %swap3A_311 = vector.shape_cast %swap3A_310 : vector<1x16xf32> to vector<16xf32>
        %swap3A_312 = vector.shape_cast %sub3A_307 : vector<16xf32> to vector<1x16xf32>
        tpu.vector_store %arg8[%swap3A_308, %swap3A_309], %swap3A_312 {strides = array<i32>} : memref<8x768xf32, #tpu.memory_space<vmem>>, vector<1x16xf32>,
        %scan3A_313 = arith.constant 5 : i32
        %mul3A_314 = arith.constant 16 : i32
        %mul3A_315 = arith.muli %scan3A_313, %mul3A_314 : i32
        %get3A_316 = arith.index_cast %scan3A_230 : i32 to index
        %get3A_317 = arith.index_cast %mul3A_315 : i32 to index
        %get3A_318 = tpu.vector_load %arg8[%get3A_316, %get3A_317] {strides = array<i32>} : memref<8x768xf32, #tpu.memory_space<vmem>>, vector<1x16xf32>,
        %get3A_319 = vector.shape_cast %get3A_318 : vector<1x16xf32> to vector<16xf32>
        %get3A_320 = arith.index_cast %scan3A_230 : i32 to index
        %get3A_321 = arith.index_cast %mul3A_315 : i32 to index
        %get3A_322 = tpu.vector_load %arg12[%get3A_320, %get3A_321] {strides = array<i32>} : memref<8x768xf32, #tpu.memory_space<vmem>>, vector<1x16xf32>,
        %get3A_323 = vector.shape_cast %get3A_322 : vector<1x16xf32> to vector<16xf32>
        %sub3A_324 = arith.subf %get3A_319, %get3A_323 : vector<16xf32>
        %swap3A_325 = arith.index_cast %scan3A_230 : i32 to index
        %swap3A_326 = arith.index_cast %mul3A_315 : i32 to index
        %swap3A_327 = tpu.vector_load %arg8[%swap3A_325, %swap3A_326] {strides = array<i32>} : memref<8x768xf32, #tpu.memory_space<vmem>>, vector<1x16xf32>,
        %swap3A_328 = vector.shape_cast %swap3A_327 : vector<1x16xf32> to vector<16xf32>
        %swap3A_329 = vector.shape_cast %sub3A_324 : vector<16xf32> to vector<1x16xf32>
        tpu.vector_store %arg8[%swap3A_325, %swap3A_326], %swap3A_329 {strides = array<i32>} : memref<8x768xf32, #tpu.memory_space<vmem>>, vector<1x16xf32>,
        %scan3A_330 = arith.constant 6 : i32
        %mul3A_331 = arith.constant 16 : i32
        %mul3A_332 = arith.muli %scan3A_330, %mul3A_331 : i32
        %get3A_333 = arith.index_cast %scan3A_230 : i32 to index
        %get3A_334 = arith.index_cast %mul3A_332 : i32 to index
        %get3A_335 = tpu.vector_load %arg8[%get3A_333, %get3A_334] {strides = array<i32>} : memref<8x768xf32, #tpu.memory_space<vmem>>, vector<1x16xf32>,
        %get3A_336 = vector.shape_cast %get3A_335 : vector<1x16xf32> to vector<16xf32>
        %get3A_337 = arith.index_cast %scan3A_230 : i32 to index
        %get3A_338 = arith.index_cast %mul3A_332 : i32 to index
        %get3A_339 = tpu.vector_load %arg12[%get3A_337, %get3A_338] {strides = array<i32>} : memref<8x768xf32, #tpu.memory_space<vmem>>, vector<1x16xf32>,
        %get3A_340 = vector.shape_cast %get3A_339 : vector<1x16xf32> to vector<16xf32>
        %sub3A_341 = arith.subf %get3A_336, %get3A_340 : vector<16xf32>
        %swap3A_342 = arith.index_cast %scan3A_230 : i32 to index
        %swap3A_343 = arith.index_cast %mul3A_332 : i32 to index
        %swap3A_344 = tpu.vector_load %arg8[%swap3A_342, %swap3A_343] {strides = array<i32>} : memref<8x768xf32, #tpu.memory_space<vmem>>, vector<1x16xf32>,
        %swap3A_345 = vector.shape_cast %swap3A_344 : vector<1x16xf32> to vector<16xf32>
        %swap3A_346 = vector.shape_cast %sub3A_341 : vector<16xf32> to vector<1x16xf32>
        tpu.vector_store %arg8[%swap3A_342, %swap3A_343], %swap3A_346 {strides = array<i32>} : memref<8x768xf32, #tpu.memory_space<vmem>>, vector<1x16xf32>,
        %scan3A_347 = arith.constant 7 : i32
        %mul3A_348 = arith.constant 16 : i32
        %mul3A_349 = arith.muli %scan3A_347, %mul3A_348 : i32
        %get3A_350 = arith.index_cast %scan3A_230 : i32 to index
        %get3A_351 = arith.index_cast %mul3A_349 : i32 to index
        %get3A_352 = tpu.vector_load %arg8[%get3A_350, %get3A_351] {strides = array<i32>} : memref<8x768xf32, #tpu.memory_space<vmem>>, vector<1x16xf32>,
        %get3A_353 = vector.shape_cast %get3A_352 : vector<1x16xf32> to vector<16xf32>
        %get3A_354 = arith.index_cast %scan3A_230 : i32 to index
        %get3A_355 = arith.index_cast %mul3A_349 : i32 to index
        %get3A_356 = tpu.vector_load %arg12[%get3A_354, %get3A_355] {strides = array<i32>} : memref<8x768xf32, #tpu.memory_space<vmem>>, vector<1x16xf32>,
        %get3A_357 = vector.shape_cast %get3A_356 : vector<1x16xf32> to vector<16xf32>
        %sub3A_358 = arith.subf %get3A_353, %get3A_357 : vector<16xf32>
        %swap3A_359 = arith.index_cast %scan3A_230 : i32 to index
        %swap3A_360 = arith.index_cast %mul3A_349 : i32 to index
        %swap3A_361 = tpu.vector_load %arg8[%swap3A_359, %swap3A_360] {strides = array<i32>} : memref<8x768xf32, #tpu.memory_space<vmem>>, vector<1x16xf32>,
        %swap3A_362 = vector.shape_cast %swap3A_361 : vector<1x16xf32> to vector<16xf32>
        %swap3A_363 = vector.shape_cast %sub3A_358 : vector<16xf32> to vector<1x16xf32>
        tpu.vector_store %arg8[%swap3A_359, %swap3A_360], %swap3A_363 {strides = array<i32>} : memref<8x768xf32, #tpu.memory_space<vmem>>, vector<1x16xf32>,
        %scan3A_364 = arith.constant 8 : i32
        %mul3A_365 = arith.constant 16 : i32
        %mul3A_366 = arith.muli %scan3A_364, %mul3A_365 : i32
        %get3A_367 = arith.index_cast %scan3A_230 : i32 to index
        %get3A_368 = arith.index_cast %mul3A_366 : i32 to index
        %get3A_369 = tpu.vector_load %arg8[%get3A_367, %get3A_368] {strides = array<i32>} : memref<8x768xf32, #tpu.memory_space<vmem>>, vector<1x16xf32>,
        %get3A_370 = vector.shape_cast %get3A_369 : vector<1x16xf32> to vector<16xf32>
        %get3A_371 = arith.index_cast %scan3A_230 : i32 to index
        %get3A_372 = arith.index_cast %mul3A_366 : i32 to index
        %get3A_373 = tpu.vector_load %arg12[%get3A_371, %get3A_372] {strides = array<i32>} : memref<8x768xf32, #tpu.memory_space<vmem>>, vector<1x16xf32>,
        %get3A_374 = vector.shape_cast %get3A_373 : vector<1x16xf32> to vector<16xf32>
        %sub3A_375 = arith.subf %get3A_370, %get3A_374 : vector<16xf32>
        %swap3A_376 = arith.index_cast %scan3A_230 : i32 to index
        %swap3A_377 = arith.index_cast %mul3A_366 : i32 to index
        %swap3A_378 = tpu.vector_load %arg8[%swap3A_376, %swap3A_377] {strides = array<i32>} : memref<8x768xf32, #tpu.memory_space<vmem>>, vector<1x16xf32>,
        %swap3A_379 = vector.shape_cast %swap3A_378 : vector<1x16xf32> to vector<16xf32>
        %swap3A_380 = vector.shape_cast %sub3A_375 : vector<16xf32> to vector<1x16xf32>
        tpu.vector_store %arg8[%swap3A_376, %swap3A_377], %swap3A_380 {strides = array<i32>} : memref<8x768xf32, #tpu.memory_space<vmem>>, vector<1x16xf32>,
        %scan3A_381 = arith.constant 9 : i32
        %mul3A_382 = arith.constant 16 : i32
        %mul3A_383 = arith.muli %scan3A_381, %mul3A_382 : i32
        %get3A_384 = arith.index_cast %scan3A_230 : i32 to index
        %get3A_385 = arith.index_cast %mul3A_383 : i32 to index
        %get3A_386 = tpu.vector_load %arg8[%get3A_384, %get3A_385] {strides = array<i32>} : memref<8x768xf32, #tpu.memory_space<vmem>>, vector<1x16xf32>,
        %get3A_387 = vector.shape_cast %get3A_386 : vector<1x16xf32> to vector<16xf32>
        %get3A_388 = arith.index_cast %scan3A_230 : i32 to index
        %get3A_389 = arith.index_cast %mul3A_383 : i32 to index
        %get3A_390 = tpu.vector_load %arg12[%get3A_388, %get3A_389] {strides = array<i32>} : memref<8x768xf32, #tpu.memory_space<vmem>>, vector<1x16xf32>,
        %get3A_391 = vector.shape_cast %get3A_390 : vector<1x16xf32> to vector<16xf32>
        %sub3A_392 = arith.subf %get3A_387, %get3A_391 : vector<16xf32>
        %swap3A_393 = arith.index_cast %scan3A_230 : i32 to index
        %swap3A_394 = arith.index_cast %mul3A_383 : i32 to index
        %swap3A_395 = tpu.vector_load %arg8[%swap3A_393, %swap3A_394] {strides = array<i32>} : memref<8x768xf32, #tpu.memory_space<vmem>>, vector<1x16xf32>,
        %swap3A_396 = vector.shape_cast %swap3A_395 : vector<1x16xf32> to vector<16xf32>
        %swap3A_397 = vector.shape_cast %sub3A_392 : vector<16xf32> to vector<1x16xf32>
        tpu.vector_store %arg8[%swap3A_393, %swap3A_394], %swap3A_397 {strides = array<i32>} : memref<8x768xf32, #tpu.memory_space<vmem>>, vector<1x16xf32>,
        %scan3A_398 = arith.constant 10 : i32
        %mul3A_399 = arith.constant 16 : i32
        %mul3A_400 = arith.muli %scan3A_398, %mul3A_399 : i32
        %get3A_401 = arith.index_cast %scan3A_230 : i32 to index
        %get3A_402 = arith.index_cast %mul3A_400 : i32 to index
        %get3A_403 = tpu.vector_load %arg8[%get3A_401, %get3A_402] {strides = array<i32>} : memref<8x768xf32, #tpu.memory_space<vmem>>, vector<1x16xf32>,
        %get3A_404 = vector.shape_cast %get3A_403 : vector<1x16xf32> to vector<16xf32>
        %get3A_405 = arith.index_cast %scan3A_230 : i32 to index
        %get3A_406 = arith.index_cast %mul3A_400 : i32 to index
        %get3A_407 = tpu.vector_load %arg12[%get3A_405, %get3A_406] {strides = array<i32>} : memref<8x768xf32, #tpu.memory_space<vmem>>, vector<1x16xf32>,
        %get3A_408 = vector.shape_cast %get3A_407 : vector<1x16xf32> to vector<16xf32>
        %sub3A_409 = arith.subf %get3A_404, %get3A_408 : vector<16xf32>
        %swap3A_410 = arith.index_cast %scan3A_230 : i32 to index
        %swap3A_411 = arith.index_cast %mul3A_400 : i32 to index
        %swap3A_412 = tpu.vector_load %arg8[%swap3A_410, %swap3A_411] {strides = array<i32>} : memref<8x768xf32, #tpu.memory_space<vmem>>, vector<1x16xf32>,
        %swap3A_413 = vector.shape_cast %swap3A_412 : vector<1x16xf32> to vector<16xf32>
        %swap3A_414 = vector.shape_cast %sub3A_409 : vector<16xf32> to vector<1x16xf32>
        tpu.vector_store %arg8[%swap3A_410, %swap3A_411], %swap3A_414 {strides = array<i32>} : memref<8x768xf32, #tpu.memory_space<vmem>>, vector<1x16xf32>,
        %scan3A_415 = arith.constant 11 : i32
        %mul3A_416 = arith.constant 16 : i32
        %mul3A_417 = arith.muli %scan3A_415, %mul3A_416 : i32
        %get3A_418 = arith.index_cast %scan3A_230 : i32 to index
        %get3A_419 = arith.index_cast %mul3A_417 : i32 to index
        %get3A_420 = tpu.vector_load %arg8[%get3A_418, %get3A_419] {strides = array<i32>} : memref<8x768xf32, #tpu.memory_space<vmem>>, vector<1x16xf32>,
        %get3A_421 = vector.shape_cast %get3A_420 : vector<1x16xf32> to vector<16xf32>
        %get3A_422 = arith.index_cast %scan3A_230 : i32 to index
        %get3A_423 = arith.index_cast %mul3A_417 : i32 to index
        %get3A_424 = tpu.vector_load %arg12[%get3A_422, %get3A_423] {strides = array<i32>} : memref<8x768xf32, #tpu.memory_space<vmem>>, vector<1x16xf32>,
        %get3A_425 = vector.shape_cast %get3A_424 : vector<1x16xf32> to vector<16xf32>
        %sub3A_426 = arith.subf %get3A_421, %get3A_425 : vector<16xf32>
        %swap3A_427 = arith.index_cast %scan3A_230 : i32 to index
        %swap3A_428 = arith.index_cast %mul3A_417 : i32 to index
        %swap3A_429 = tpu.vector_load %arg8[%swap3A_427, %swap3A_428] {strides = array<i32>} : memref<8x768xf32, #tpu.memory_space<vmem>>, vector<1x16xf32>,
        %swap3A_430 = vector.shape_cast %swap3A_429 : vector<1x16xf32> to vector<16xf32>
        %swap3A_431 = vector.shape_cast %sub3A_426 : vector<16xf32> to vector<1x16xf32>
        tpu.vector_store %arg8[%swap3A_427, %swap3A_428], %swap3A_431 {strides = array<i32>} : memref<8x768xf32, #tpu.memory_space<vmem>>, vector<1x16xf32>,
        %scan3A_432 = arith.constant 12 : i32
        %mul3A_433 = arith.constant 16 : i32
        %mul3A_434 = arith.muli %scan3A_432, %mul3A_433 : i32
        %get3A_435 = arith.index_cast %scan3A_230 : i32 to index
        %get3A_436 = arith.index_cast %mul3A_434 : i32 to index
        %get3A_437 = tpu.vector_load %arg8[%get3A_435, %get3A_436] {strides = array<i32>} : memref<8x768xf32, #tpu.memory_space<vmem>>, vector<1x16xf32>,
        %get3A_438 = vector.shape_cast %get3A_437 : vector<1x16xf32> to vector<16xf32>
        %get3A_439 = arith.index_cast %scan3A_230 : i32 to index
        %get3A_440 = arith.index_cast %mul3A_434 : i32 to index
        %get3A_441 = tpu.vector_load %arg12[%get3A_439, %get3A_440] {strides = array<i32>} : memref<8x768xf32, #tpu.memory_space<vmem>>, vector<1x16xf32>,
        %get3A_442 = vector.shape_cast %get3A_441 : vector<1x16xf32> to vector<16xf32>
        %sub3A_443 = arith.subf %get3A_438, %get3A_442 : vector<16xf32>
        %swap3A_444 = arith.index_cast %scan3A_230 : i32 to index
        %swap3A_445 = arith.index_cast %mul3A_434 : i32 to index
        %swap3A_446 = tpu.vector_load %arg8[%swap3A_444, %swap3A_445] {strides = array<i32>} : memref<8x768xf32, #tpu.memory_space<vmem>>, vector<1x16xf32>,
        %swap3A_447 = vector.shape_cast %swap3A_446 : vector<1x16xf32> to vector<16xf32>
        %swap3A_448 = vector.shape_cast %sub3A_443 : vector<16xf32> to vector<1x16xf32>
        tpu.vector_store %arg8[%swap3A_444, %swap3A_445], %swap3A_448 {strides = array<i32>} : memref<8x768xf32, #tpu.memory_space<vmem>>, vector<1x16xf32>,
        %scan3A_449 = arith.constant 13 : i32
        %mul3A_450 = arith.constant 16 : i32
        %mul3A_451 = arith.muli %scan3A_449, %mul3A_450 : i32
        %get3A_452 = arith.index_cast %scan3A_230 : i32 to index
        %get3A_453 = arith.index_cast %mul3A_451 : i32 to index
        %get3A_454 = tpu.vector_load %arg8[%get3A_452, %get3A_453] {strides = array<i32>} : memref<8x768xf32, #tpu.memory_space<vmem>>, vector<1x16xf32>,
        %get3A_455 = vector.shape_cast %get3A_454 : vector<1x16xf32> to vector<16xf32>
        %get3A_456 = arith.index_cast %scan3A_230 : i32 to index
        %get3A_457 = arith.index_cast %mul3A_451 : i32 to index
        %get3A_458 = tpu.vector_load %arg12[%get3A_456, %get3A_457] {strides = array<i32>} : memref<8x768xf32, #tpu.memory_space<vmem>>, vector<1x16xf32>,
        %get3A_459 = vector.shape_cast %get3A_458 : vector<1x16xf32> to vector<16xf32>
        %sub3A_460 = arith.subf %get3A_455, %get3A_459 : vector<16xf32>
        %swap3A_461 = arith.index_cast %scan3A_230 : i32 to index
        %swap3A_462 = arith.index_cast %mul3A_451 : i32 to index
        %swap3A_463 = tpu.vector_load %arg8[%swap3A_461, %swap3A_462] {strides = array<i32>} : memref<8x768xf32, #tpu.memory_space<vmem>>, vector<1x16xf32>,
        %swap3A_464 = vector.shape_cast %swap3A_463 : vector<1x16xf32> to vector<16xf32>
        %swap3A_465 = vector.shape_cast %sub3A_460 : vector<16xf32> to vector<1x16xf32>
        tpu.vector_store %arg8[%swap3A_461, %swap3A_462], %swap3A_465 {strides = array<i32>} : memref<8x768xf32, #tpu.memory_space<vmem>>, vector<1x16xf32>,
        %scan3A_466 = arith.constant 14 : i32
        %mul3A_467 = arith.constant 16 : i32
        %mul3A_468 = arith.muli %scan3A_466, %mul3A_467 : i32
        %get3A_469 = arith.index_cast %scan3A_230 : i32 to index
        %get3A_470 = arith.index_cast %mul3A_468 : i32 to index
        %get3A_471 = tpu.vector_load %arg8[%get3A_469, %get3A_470] {strides = array<i32>} : memref<8x768xf32, #tpu.memory_space<vmem>>, vector<1x16xf32>,
        %get3A_472 = vector.shape_cast %get3A_471 : vector<1x16xf32> to vector<16xf32>
        %get3A_473 = arith.index_cast %scan3A_230 : i32 to index
        %get3A_474 = arith.index_cast %mul3A_468 : i32 to index
        %get3A_475 = tpu.vector_load %arg12[%get3A_473, %get3A_474] {strides = array<i32>} : memref<8x768xf32, #tpu.memory_space<vmem>>, vector<1x16xf32>,
        %get3A_476 = vector.shape_cast %get3A_475 : vector<1x16xf32> to vector<16xf32>
        %sub3A_477 = arith.subf %get3A_472, %get3A_476 : vector<16xf32>
        %swap3A_478 = arith.index_cast %scan3A_230 : i32 to index
        %swap3A_479 = arith.index_cast %mul3A_468 : i32 to index
        %swap3A_480 = tpu.vector_load %arg8[%swap3A_478, %swap3A_479] {strides = array<i32>} : memref<8x768xf32, #tpu.memory_space<vmem>>, vector<1x16xf32>,
        %swap3A_481 = vector.shape_cast %swap3A_480 : vector<1x16xf32> to vector<16xf32>
        %swap3A_482 = vector.shape_cast %sub3A_477 : vector<16xf32> to vector<1x16xf32>
        tpu.vector_store %arg8[%swap3A_478, %swap3A_479], %swap3A_482 {strides = array<i32>} : memref<8x768xf32, #tpu.memory_space<vmem>>, vector<1x16xf32>,
        %scan3A_483 = arith.constant 15 : i32
        %mul3A_484 = arith.constant 16 : i32
        %mul3A_485 = arith.muli %scan3A_483, %mul3A_484 : i32
        %get3A_486 = arith.index_cast %scan3A_230 : i32 to index
        %get3A_487 = arith.index_cast %mul3A_485 : i32 to index
        %get3A_488 = tpu.vector_load %arg8[%get3A_486, %get3A_487] {strides = array<i32>} : memref<8x768xf32, #tpu.memory_space<vmem>>, vector<1x16xf32>,
        %get3A_489 = vector.shape_cast %get3A_488 : vector<1x16xf32> to vector<16xf32>
        %get3A_490 = arith.index_cast %scan3A_230 : i32 to index
        %get3A_491 = arith.index_cast %mul3A_485 : i32 to index
        %get3A_492 = tpu.vector_load %arg12[%get3A_490, %get3A_491] {strides = array<i32>} : memref<8x768xf32, #tpu.memory_space<vmem>>, vector<1x16xf32>,
        %get3A_493 = vector.shape_cast %get3A_492 : vector<1x16xf32> to vector<16xf32>
        %sub3A_494 = arith.subf %get3A_489, %get3A_493 : vector<16xf32>
        %swap3A_495 = arith.index_cast %scan3A_230 : i32 to index
        %swap3A_496 = arith.index_cast %mul3A_485 : i32 to index
        %swap3A_497 = tpu.vector_load %arg8[%swap3A_495, %swap3A_496] {strides = array<i32>} : memref<8x768xf32, #tpu.memory_space<vmem>>, vector<1x16xf32>,
        %swap3A_498 = vector.shape_cast %swap3A_497 : vector<1x16xf32> to vector<16xf32>
        %swap3A_499 = vector.shape_cast %sub3A_494 : vector<16xf32> to vector<1x16xf32>
        tpu.vector_store %arg8[%swap3A_495, %swap3A_496], %swap3A_499 {strides = array<i32>} : memref<8x768xf32, #tpu.memory_space<vmem>>, vector<1x16xf32>,
        %scan3A_500 = arith.constant 16 : i32
        %mul3A_501 = arith.constant 16 : i32
        %mul3A_502 = arith.muli %scan3A_500, %mul3A_501 : i32
        %get3A_503 = arith.index_cast %scan3A_230 : i32 to index
        %get3A_504 = arith.index_cast %mul3A_502 : i32 to index
        %get3A_505 = tpu.vector_load %arg8[%get3A_503, %get3A_504] {strides = array<i32>} : memref<8x768xf32, #tpu.memory_space<vmem>>, vector<1x16xf32>,
        %get3A_506 = vector.shape_cast %get3A_505 : vector<1x16xf32> to vector<16xf32>
        %get3A_507 = arith.index_cast %scan3A_230 : i32 to index
        %get3A_508 = arith.index_cast %mul3A_502 : i32 to index
        %get3A_509 = tpu.vector_load %arg12[%get3A_507, %get3A_508] {strides = array<i32>} : memref<8x768xf32, #tpu.memory_space<vmem>>, vector<1x16xf32>,
        %get3A_510 = vector.shape_cast %get3A_509 : vector<1x16xf32> to vector<16xf32>
        %sub3A_511 = arith.subf %get3A_506, %get3A_510 : vector<16xf32>
        %swap3A_512 = arith.index_cast %scan3A_230 : i32 to index
        %swap3A_513 = arith.index_cast %mul3A_502 : i32 to index
        %swap3A_514 = tpu.vector_load %arg8[%swap3A_512, %swap3A_513] {strides = array<i32>} : memref<8x768xf32, #tpu.memory_space<vmem>>, vector<1x16xf32>,
        %swap3A_515 = vector.shape_cast %swap3A_514 : vector<1x16xf32> to vector<16xf32>
        %swap3A_516 = vector.shape_cast %sub3A_511 : vector<16xf32> to vector<1x16xf32>
        tpu.vector_store %arg8[%swap3A_512, %swap3A_513], %swap3A_516 {strides = array<i32>} : memref<8x768xf32, #tpu.memory_space<vmem>>, vector<1x16xf32>,
        %scan3A_517 = arith.constant 17 : i32
        %mul3A_518 = arith.constant 16 : i32
        %mul3A_519 = arith.muli %scan3A_517, %mul3A_518 : i32
        %get3A_520 = arith.index_cast %scan3A_230 : i32 to index
        %get3A_521 = arith.index_cast %mul3A_519 : i32 to index
        %get3A_522 = tpu.vector_load %arg8[%get3A_520, %get3A_521] {strides = array<i32>} : memref<8x768xf32, #tpu.memory_space<vmem>>, vector<1x16xf32>,
        %get3A_523 = vector.shape_cast %get3A_522 : vector<1x16xf32> to vector<16xf32>
        %get3A_524 = arith.index_cast %scan3A_230 : i32 to index
        %get3A_525 = arith.index_cast %mul3A_519 : i32 to index
        %get3A_526 = tpu.vector_load %arg12[%get3A_524, %get3A_525] {strides = array<i32>} : memref<8x768xf32, #tpu.memory_space<vmem>>, vector<1x16xf32>,
        %get3A_527 = vector.shape_cast %get3A_526 : vector<1x16xf32> to vector<16xf32>
        %sub3A_528 = arith.subf %get3A_523, %get3A_527 : vector<16xf32>
        %swap3A_529 = arith.index_cast %scan3A_230 : i32 to index
        %swap3A_530 = arith.index_cast %mul3A_519 : i32 to index
        %swap3A_531 = tpu.vector_load %arg8[%swap3A_529, %swap3A_530] {strides = array<i32>} : memref<8x768xf32, #tpu.memory_space<vmem>>, vector<1x16xf32>,
        %swap3A_532 = vector.shape_cast %swap3A_531 : vector<1x16xf32> to vector<16xf32>
        %swap3A_533 = vector.shape_cast %sub3A_528 : vector<16xf32> to vector<1x16xf32>
        tpu.vector_store %arg8[%swap3A_529, %swap3A_530], %swap3A_533 {strides = array<i32>} : memref<8x768xf32, #tpu.memory_space<vmem>>, vector<1x16xf32>,
        %scan3A_534 = arith.constant 18 : i32
        %mul3A_535 = arith.constant 16 : i32
        %mul3A_536 = arith.muli %scan3A_534, %mul3A_535 : i32
        %get3A_537 = arith.index_cast %scan3A_230 : i32 to index
        %get3A_538 = arith.index_cast %mul3A_536 : i32 to index
        %get3A_539 = tpu.vector_load %arg8[%get3A_537, %get3A_538] {strides = array<i32>} : memref<8x768xf32, #tpu.memory_space<vmem>>, vector<1x16xf32>,
        %get3A_540 = vector.shape_cast %get3A_539 : vector<1x16xf32> to vector<16xf32>
        %get3A_541 = arith.index_cast %scan3A_230 : i32 to index
        %get3A_542 = arith.index_cast %mul3A_536 : i32 to index
        %get3A_543 = tpu.vector_load %arg12[%get3A_541, %get3A_542] {strides = array<i32>} : memref<8x768xf32, #tpu.memory_space<vmem>>, vector<1x16xf32>,
        %get3A_544 = vector.shape_cast %get3A_543 : vector<1x16xf32> to vector<16xf32>
        %sub3A_545 = arith.subf %get3A_540, %get3A_544 : vector<16xf32>
        %swap3A_546 = arith.index_cast %scan3A_230 : i32 to index
        %swap3A_547 = arith.index_cast %mul3A_536 : i32 to index
        %swap3A_548 = tpu.vector_load %arg8[%swap3A_546, %swap3A_547] {strides = array<i32>} : memref<8x768xf32, #tpu.memory_space<vmem>>, vector<1x16xf32>,
        %swap3A_549 = vector.shape_cast %swap3A_548 : vector<1x16xf32> to vector<16xf32>
        %swap3A_550 = vector.shape_cast %sub3A_545 : vector<16xf32> to vector<1x16xf32>
        tpu.vector_store %arg8[%swap3A_546, %swap3A_547], %swap3A_550 {strides = array<i32>} : memref<8x768xf32, #tpu.memory_space<vmem>>, vector<1x16xf32>,
        %scan3A_551 = arith.constant 19 : i32
        %mul3A_552 = arith.constant 16 : i32
        %mul3A_553 = arith.muli %scan3A_551, %mul3A_552 : i32
        %get3A_554 = arith.index_cast %scan3A_230 : i32 to index
        %get3A_555 = arith.index_cast %mul3A_553 : i32 to index
        %get3A_556 = tpu.vector_load %arg8[%get3A_554, %get3A_555] {strides = array<i32>} : memref<8x768xf32, #tpu.memory_space<vmem>>, vector<1x16xf32>,
        %get3A_557 = vector.shape_cast %get3A_556 : vector<1x16xf32> to vector<16xf32>
        %get3A_558 = arith.index_cast %scan3A_230 : i32 to index
        %get3A_559 = arith.index_cast %mul3A_553 : i32 to index
        %get3A_560 = tpu.vector_load %arg12[%get3A_558, %get3A_559] {strides = array<i32>} : memref<8x768xf32, #tpu.memory_space<vmem>>, vector<1x16xf32>,
        %get3A_561 = vector.shape_cast %get3A_560 : vector<1x16xf32> to vector<16xf32>
        %sub3A_562 = arith.subf %get3A_557, %get3A_561 : vector<16xf32>
        %swap3A_563 = arith.index_cast %scan3A_230 : i32 to index
        %swap3A_564 = arith.index_cast %mul3A_553 : i32 to index
        %swap3A_565 = tpu.vector_load %arg8[%swap3A_563, %swap3A_564] {strides = array<i32>} : memref<8x768xf32, #tpu.memory_space<vmem>>, vector<1x16xf32>,
        %swap3A_566 = vector.shape_cast %swap3A_565 : vector<1x16xf32> to vector<16xf32>
        %swap3A_567 = vector.shape_cast %sub3A_562 : vector<16xf32> to vector<1x16xf32>
        tpu.vector_store %arg8[%swap3A_563, %swap3A_564], %swap3A_567 {strides = array<i32>} : memref<8x768xf32, #tpu.memory_space<vmem>>, vector<1x16xf32>,
        %scan3A_568 = arith.constant 20 : i32
        %mul3A_569 = arith.constant 16 : i32
        %mul3A_570 = arith.muli %scan3A_568, %mul3A_569 : i32
        %get3A_571 = arith.index_cast %scan3A_230 : i32 to index
        %get3A_572 = arith.index_cast %mul3A_570 : i32 to index
        %get3A_573 = tpu.vector_load %arg8[%get3A_571, %get3A_572] {strides = array<i32>} : memref<8x768xf32, #tpu.memory_space<vmem>>, vector<1x16xf32>,
        %get3A_574 = vector.shape_cast %get3A_573 : vector<1x16xf32> to vector<16xf32>
        %get3A_575 = arith.index_cast %scan3A_230 : i32 to index
        %get3A_576 = arith.index_cast %mul3A_570 : i32 to index
        %get3A_577 = tpu.vector_load %arg12[%get3A_575, %get3A_576] {strides = array<i32>} : memref<8x768xf32, #tpu.memory_space<vmem>>, vector<1x16xf32>,
        %get3A_578 = vector.shape_cast %get3A_577 : vector<1x16xf32> to vector<16xf32>
        %sub3A_579 = arith.subf %get3A_574, %get3A_578 : vector<16xf32>
        %swap3A_580 = arith.index_cast %scan3A_230 : i32 to index
        %swap3A_581 = arith.index_cast %mul3A_570 : i32 to index
        %swap3A_582 = tpu.vector_load %arg8[%swap3A_580, %swap3A_581] {strides = array<i32>} : memref<8x768xf32, #tpu.memory_space<vmem>>, vector<1x16xf32>,
        %swap3A_583 = vector.shape_cast %swap3A_582 : vector<1x16xf32> to vector<16xf32>
        %swap3A_584 = vector.shape_cast %sub3A_579 : vector<16xf32> to vector<1x16xf32>
        tpu.vector_store %arg8[%swap3A_580, %swap3A_581], %swap3A_584 {strides = array<i32>} : memref<8x768xf32, #tpu.memory_space<vmem>>, vector<1x16xf32>,
        %scan3A_585 = arith.constant 21 : i32
        %mul3A_586 = arith.constant 16 : i32
        %mul3A_587 = arith.muli %scan3A_585, %mul3A_586 : i32
        %get3A_588 = arith.index_cast %scan3A_230 : i32 to index
        %get3A_589 = arith.index_cast %mul3A_587 : i32 to index
        %get3A_590 = tpu.vector_load %arg8[%get3A_588, %get3A_589] {strides = array<i32>} : memref<8x768xf32, #tpu.memory_space<vmem>>, vector<1x16xf32>,
        %get3A_591 = vector.shape_cast %get3A_590 : vector<1x16xf32> to vector<16xf32>
        %get3A_592 = arith.index_cast %scan3A_230 : i32 to index
        %get3A_593 = arith.index_cast %mul3A_587 : i32 to index
        %get3A_594 = tpu.vector_load %arg12[%get3A_592, %get3A_593] {strides = array<i32>} : memref<8x768xf32, #tpu.memory_space<vmem>>, vector<1x16xf32>,
        %get3A_595 = vector.shape_cast %get3A_594 : vector<1x16xf32> to vector<16xf32>
        %sub3A_596 = arith.subf %get3A_591, %get3A_595 : vector<16xf32>
        %swap3A_597 = arith.index_cast %scan3A_230 : i32 to index
        %swap3A_598 = arith.index_cast %mul3A_587 : i32 to index
        %swap3A_599 = tpu.vector_load %arg8[%swap3A_597, %swap3A_598] {strides = array<i32>} : memref<8x768xf32, #tpu.memory_space<vmem>>, vector<1x16xf32>,
        %swap3A_600 = vector.shape_cast %swap3A_599 : vector<1x16xf32> to vector<16xf32>
        %swap3A_601 = vector.shape_cast %sub3A_596 : vector<16xf32> to vector<1x16xf32>
        tpu.vector_store %arg8[%swap3A_597, %swap3A_598], %swap3A_601 {strides = array<i32>} : memref<8x768xf32, #tpu.memory_space<vmem>>, vector<1x16xf32>,
        %scan3A_602 = arith.constant 22 : i32
        %mul3A_603 = arith.constant 16 : i32
        %mul3A_604 = arith.muli %scan3A_602, %mul3A_603 : i32
        %get3A_605 = arith.index_cast %scan3A_230 : i32 to index
        %get3A_606 = arith.index_cast %mul3A_604 : i32 to index
        %get3A_607 = tpu.vector_load %arg8[%get3A_605, %get3A_606] {strides = array<i32>} : memref<8x768xf32, #tpu.memory_space<vmem>>, vector<1x16xf32>,
        %get3A_608 = vector.shape_cast %get3A_607 : vector<1x16xf32> to vector<16xf32>
        %get3A_609 = arith.index_cast %scan3A_230 : i32 to index
        %get3A_610 = arith.index_cast %mul3A_604 : i32 to index
        %get3A_611 = tpu.vector_load %arg12[%get3A_609, %get3A_610] {strides = array<i32>} : memref<8x768xf32, #tpu.memory_space<vmem>>, vector<1x16xf32>,
        %get3A_612 = vector.shape_cast %get3A_611 : vector<1x16xf32> to vector<16xf32>
        %sub3A_613 = arith.subf %get3A_608, %get3A_612 : vector<16xf32>
        %swap3A_614 = arith.index_cast %scan3A_230 : i32 to index
        %swap3A_615 = arith.index_cast %mul3A_604 : i32 to index
        %swap3A_616 = tpu.vector_load %arg8[%swap3A_614, %swap3A_615] {strides = array<i32>} : memref<8x768xf32, #tpu.memory_space<vmem>>, vector<1x16xf32>,
        %swap3A_617 = vector.shape_cast %swap3A_616 : vector<1x16xf32> to vector<16xf32>
        %swap3A_618 = vector.shape_cast %sub3A_613 : vector<16xf32> to vector<1x16xf32>
        tpu.vector_store %arg8[%swap3A_614, %swap3A_615], %swap3A_618 {strides = array<i32>} : memref<8x768xf32, #tpu.memory_space<vmem>>, vector<1x16xf32>,
        %scan3A_619 = arith.constant 23 : i32
        %mul3A_620 = arith.constant 16 : i32
        %mul3A_621 = arith.muli %scan3A_619, %mul3A_620 : i32
        %get3A_622 = arith.index_cast %scan3A_230 : i32 to index
        %get3A_623 = arith.index_cast %mul3A_621 : i32 to index
        %get3A_624 = tpu.vector_load %arg8[%get3A_622, %get3A_623] {strides = array<i32>} : memref<8x768xf32, #tpu.memory_space<vmem>>, vector<1x16xf32>,
        %get3A_625 = vector.shape_cast %get3A_624 : vector<1x16xf32> to vector<16xf32>
        %get3A_626 = arith.index_cast %scan3A_230 : i32 to index
        %get3A_627 = arith.index_cast %mul3A_621 : i32 to index
        %get3A_628 = tpu.vector_load %arg12[%get3A_626, %get3A_627] {strides = array<i32>} : memref<8x768xf32, #tpu.memory_space<vmem>>, vector<1x16xf32>,
        %get3A_629 = vector.shape_cast %get3A_628 : vector<1x16xf32> to vector<16xf32>
        %sub3A_630 = arith.subf %get3A_625, %get3A_629 : vector<16xf32>
        %swap3A_631 = arith.index_cast %scan3A_230 : i32 to index
        %swap3A_632 = arith.index_cast %mul3A_621 : i32 to index
        %swap3A_633 = tpu.vector_load %arg8[%swap3A_631, %swap3A_632] {strides = array<i32>} : memref<8x768xf32, #tpu.memory_space<vmem>>, vector<1x16xf32>,
        %swap3A_634 = vector.shape_cast %swap3A_633 : vector<1x16xf32> to vector<16xf32>
        %swap3A_635 = vector.shape_cast %sub3A_630 : vector<16xf32> to vector<1x16xf32>
        tpu.vector_store %arg8[%swap3A_631, %swap3A_632], %swap3A_635 {strides = array<i32>} : memref<8x768xf32, #tpu.memory_space<vmem>>, vector<1x16xf32>,
        %scan3A_636 = arith.constant 24 : i32
        %mul3A_637 = arith.constant 16 : i32
        %mul3A_638 = arith.muli %scan3A_636, %mul3A_637 : i32
        %get3A_639 = arith.index_cast %scan3A_230 : i32 to index
        %get3A_640 = arith.index_cast %mul3A_638 : i32 to index
        %get3A_641 = tpu.vector_load %arg8[%get3A_639, %get3A_640] {strides = array<i32>} : memref<8x768xf32, #tpu.memory_space<vmem>>, vector<1x16xf32>,
        %get3A_642 = vector.shape_cast %get3A_641 : vector<1x16xf32> to vector<16xf32>
        %get3A_643 = arith.index_cast %scan3A_230 : i32 to index
        %get3A_644 = arith.index_cast %mul3A_638 : i32 to index
        %get3A_645 = tpu.vector_load %arg12[%get3A_643, %get3A_644] {strides = array<i32>} : memref<8x768xf32, #tpu.memory_space<vmem>>, vector<1x16xf32>,
        %get3A_646 = vector.shape_cast %get3A_645 : vector<1x16xf32> to vector<16xf32>
        %sub3A_647 = arith.subf %get3A_642, %get3A_646 : vector<16xf32>
        %swap3A_648 = arith.index_cast %scan3A_230 : i32 to index
        %swap3A_649 = arith.index_cast %mul3A_638 : i32 to index
        %swap3A_650 = tpu.vector_load %arg8[%swap3A_648, %swap3A_649] {strides = array<i32>} : memref<8x768xf32, #tpu.memory_space<vmem>>, vector<1x16xf32>,
        %swap3A_651 = vector.shape_cast %swap3A_650 : vector<1x16xf32> to vector<16xf32>
        %swap3A_652 = vector.shape_cast %sub3A_647 : vector<16xf32> to vector<1x16xf32>
        tpu.vector_store %arg8[%swap3A_648, %swap3A_649], %swap3A_652 {strides = array<i32>} : memref<8x768xf32, #tpu.memory_space<vmem>>, vector<1x16xf32>,
        %scan3A_653 = arith.constant 25 : i32
        %mul3A_654 = arith.constant 16 : i32
        %mul3A_655 = arith.muli %scan3A_653, %mul3A_654 : i32
        %get3A_656 = arith.index_cast %scan3A_230 : i32 to index
        %get3A_657 = arith.index_cast %mul3A_655 : i32 to index
        %get3A_658 = tpu.vector_load %arg8[%get3A_656, %get3A_657] {strides = array<i32>} : memref<8x768xf32, #tpu.memory_space<vmem>>, vector<1x16xf32>,
        %get3A_659 = vector.shape_cast %get3A_658 : vector<1x16xf32> to vector<16xf32>
        %get3A_660 = arith.index_cast %scan3A_230 : i32 to index
        %get3A_661 = arith.index_cast %mul3A_655 : i32 to index
        %get3A_662 = tpu.vector_load %arg12[%get3A_660, %get3A_661] {strides = array<i32>} : memref<8x768xf32, #tpu.memory_space<vmem>>, vector<1x16xf32>,
        %get3A_663 = vector.shape_cast %get3A_662 : vector<1x16xf32> to vector<16xf32>
        %sub3A_664 = arith.subf %get3A_659, %get3A_663 : vector<16xf32>
        %swap3A_665 = arith.index_cast %scan3A_230 : i32 to index
        %swap3A_666 = arith.index_cast %mul3A_655 : i32 to index
        %swap3A_667 = tpu.vector_load %arg8[%swap3A_665, %swap3A_666] {strides = array<i32>} : memref<8x768xf32, #tpu.memory_space<vmem>>, vector<1x16xf32>,
        %swap3A_668 = vector.shape_cast %swap3A_667 : vector<1x16xf32> to vector<16xf32>
        %swap3A_669 = vector.shape_cast %sub3A_664 : vector<16xf32> to vector<1x16xf32>
        tpu.vector_store %arg8[%swap3A_665, %swap3A_666], %swap3A_669 {strides = array<i32>} : memref<8x768xf32, #tpu.memory_space<vmem>>, vector<1x16xf32>,
        %scan3A_670 = arith.constant 26 : i32
        %mul3A_671 = arith.constant 16 : i32
        %mul3A_672 = arith.muli %scan3A_670, %mul3A_671 : i32
        %get3A_673 = arith.index_cast %scan3A_230 : i32 to index
        %get3A_674 = arith.index_cast %mul3A_672 : i32 to index
        %get3A_675 = tpu.vector_load %arg8[%get3A_673, %get3A_674] {strides = array<i32>} : memref<8x768xf32, #tpu.memory_space<vmem>>, vector<1x16xf32>,
        %get3A_676 = vector.shape_cast %get3A_675 : vector<1x16xf32> to vector<16xf32>
        %get3A_677 = arith.index_cast %scan3A_230 : i32 to index
        %get3A_678 = arith.index_cast %mul3A_672 : i32 to index
        %get3A_679 = tpu.vector_load %arg12[%get3A_677, %get3A_678] {strides = array<i32>} : memref<8x768xf32, #tpu.memory_space<vmem>>, vector<1x16xf32>,
        %get3A_680 = vector.shape_cast %get3A_679 : vector<1x16xf32> to vector<16xf32>
        %sub3A_681 = arith.subf %get3A_676, %get3A_680 : vector<16xf32>
        %swap3A_682 = arith.index_cast %scan3A_230 : i32 to index
        %swap3A_683 = arith.index_cast %mul3A_672 : i32 to index
        %swap3A_684 = tpu.vector_load %arg8[%swap3A_682, %swap3A_683] {strides = array<i32>} : memref<8x768xf32, #tpu.memory_space<vmem>>, vector<1x16xf32>,
        %swap3A_685 = vector.shape_cast %swap3A_684 : vector<1x16xf32> to vector<16xf32>
        %swap3A_686 = vector.shape_cast %sub3A_681 : vector<16xf32> to vector<1x16xf32>
        tpu.vector_store %arg8[%swap3A_682, %swap3A_683], %swap3A_686 {strides = array<i32>} : memref<8x768xf32, #tpu.memory_space<vmem>>, vector<1x16xf32>,
        %scan3A_687 = arith.constant 27 : i32
        %mul3A_688 = arith.constant 16 : i32
        %mul3A_689 = arith.muli %scan3A_687, %mul3A_688 : i32
        %get3A_690 = arith.index_cast %scan3A_230 : i32 to index
        %get3A_691 = arith.index_cast %mul3A_689 : i32 to index
        %get3A_692 = tpu.vector_load %arg8[%get3A_690, %get3A_691] {strides = array<i32>} : memref<8x768xf32, #tpu.memory_space<vmem>>, vector<1x16xf32>,
        %get3A_693 = vector.shape_cast %get3A_692 : vector<1x16xf32> to vector<16xf32>
        %get3A_694 = arith.index_cast %scan3A_230 : i32 to index
        %get3A_695 = arith.index_cast %mul3A_689 : i32 to index
        %get3A_696 = tpu.vector_load %arg12[%get3A_694, %get3A_695] {strides = array<i32>} : memref<8x768xf32, #tpu.memory_space<vmem>>, vector<1x16xf32>,
        %get3A_697 = vector.shape_cast %get3A_696 : vector<1x16xf32> to vector<16xf32>
        %sub3A_698 = arith.subf %get3A_693, %get3A_697 : vector<16xf32>
        %swap3A_699 = arith.index_cast %scan3A_230 : i32 to index
        %swap3A_700 = arith.index_cast %mul3A_689 : i32 to index
        %swap3A_701 = tpu.vector_load %arg8[%swap3A_699, %swap3A_700] {strides = array<i32>} : memref<8x768xf32, #tpu.memory_space<vmem>>, vector<1x16xf32>,
        %swap3A_702 = vector.shape_cast %swap3A_701 : vector<1x16xf32> to vector<16xf32>
        %swap3A_703 = vector.shape_cast %sub3A_698 : vector<16xf32> to vector<1x16xf32>
        tpu.vector_store %arg8[%swap3A_699, %swap3A_700], %swap3A_703 {strides = array<i32>} : memref<8x768xf32, #tpu.memory_space<vmem>>, vector<1x16xf32>,
        %scan3A_704 = arith.constant 28 : i32
        %mul3A_705 = arith.constant 16 : i32
        %mul3A_706 = arith.muli %scan3A_704, %mul3A_705 : i32
        %get3A_707 = arith.index_cast %scan3A_230 : i32 to index
        %get3A_708 = arith.index_cast %mul3A_706 : i32 to index
        %get3A_709 = tpu.vector_load %arg8[%get3A_707, %get3A_708] {strides = array<i32>} : memref<8x768xf32, #tpu.memory_space<vmem>>, vector<1x16xf32>,
        %get3A_710 = vector.shape_cast %get3A_709 : vector<1x16xf32> to vector<16xf32>
        %get3A_711 = arith.index_cast %scan3A_230 : i32 to index
        %get3A_712 = arith.index_cast %mul3A_706 : i32 to index
        %get3A_713 = tpu.vector_load %arg12[%get3A_711, %get3A_712] {strides = array<i32>} : memref<8x768xf32, #tpu.memory_space<vmem>>, vector<1x16xf32>,
        %get3A_714 = vector.shape_cast %get3A_713 : vector<1x16xf32> to vector<16xf32>
        %sub3A_715 = arith.subf %get3A_710, %get3A_714 : vector<16xf32>
        %swap3A_716 = arith.index_cast %scan3A_230 : i32 to index
        %swap3A_717 = arith.index_cast %mul3A_706 : i32 to index
        %swap3A_718 = tpu.vector_load %arg8[%swap3A_716, %swap3A_717] {strides = array<i32>} : memref<8x768xf32, #tpu.memory_space<vmem>>, vector<1x16xf32>,
        %swap3A_719 = vector.shape_cast %swap3A_718 : vector<1x16xf32> to vector<16xf32>
        %swap3A_720 = vector.shape_cast %sub3A_715 : vector<16xf32> to vector<1x16xf32>
        tpu.vector_store %arg8[%swap3A_716, %swap3A_717], %swap3A_720 {strides = array<i32>} : memref<8x768xf32, #tpu.memory_space<vmem>>, vector<1x16xf32>,
        %scan3A_721 = arith.constant 29 : i32
        %mul3A_722 = arith.constant 16 : i32
        %mul3A_723 = arith.muli %scan3A_721, %mul3A_722 : i32
        %get3A_724 = arith.index_cast %scan3A_230 : i32 to index
        %get3A_725 = arith.index_cast %mul3A_723 : i32 to index
        %get3A_726 = tpu.vector_load %arg8[%get3A_724, %get3A_725] {strides = array<i32>} : memref<8x768xf32, #tpu.memory_space<vmem>>, vector<1x16xf32>,
        %get3A_727 = vector.shape_cast %get3A_726 : vector<1x16xf32> to vector<16xf32>
        %get3A_728 = arith.index_cast %scan3A_230 : i32 to index
        %get3A_729 = arith.index_cast %mul3A_723 : i32 to index
        %get3A_730 = tpu.vector_load %arg12[%get3A_728, %get3A_729] {strides = array<i32>} : memref<8x768xf32, #tpu.memory_space<vmem>>, vector<1x16xf32>,
        %get3A_731 = vector.shape_cast %get3A_730 : vector<1x16xf32> to vector<16xf32>
        %sub3A_732 = arith.subf %get3A_727, %get3A_731 : vector<16xf32>
        %swap3A_733 = arith.index_cast %scan3A_230 : i32 to index
        %swap3A_734 = arith.index_cast %mul3A_723 : i32 to index
        %swap3A_735 = tpu.vector_load %arg8[%swap3A_733, %swap3A_734] {strides = array<i32>} : memref<8x768xf32, #tpu.memory_space<vmem>>, vector<1x16xf32>,
        %swap3A_736 = vector.shape_cast %swap3A_735 : vector<1x16xf32> to vector<16xf32>
        %swap3A_737 = vector.shape_cast %sub3A_732 : vector<16xf32> to vector<1x16xf32>
        tpu.vector_store %arg8[%swap3A_733, %swap3A_734], %swap3A_737 {strides = array<i32>} : memref<8x768xf32, #tpu.memory_space<vmem>>, vector<1x16xf32>,
        %scan3A_738 = arith.constant 30 : i32
        %mul3A_739 = arith.constant 16 : i32
        %mul3A_740 = arith.muli %scan3A_738, %mul3A_739 : i32
        %get3A_741 = arith.index_cast %scan3A_230 : i32 to index
        %get3A_742 = arith.index_cast %mul3A_740 : i32 to index
        %get3A_743 = tpu.vector_load %arg8[%get3A_741, %get3A_742] {strides = array<i32>} : memref<8x768xf32, #tpu.memory_space<vmem>>, vector<1x16xf32>,
        %get3A_744 = vector.shape_cast %get3A_743 : vector<1x16xf32> to vector<16xf32>
        %get3A_745 = arith.index_cast %scan3A_230 : i32 to index
        %get3A_746 = arith.index_cast %mul3A_740 : i32 to index
        %get3A_747 = tpu.vector_load %arg12[%get3A_745, %get3A_746] {strides = array<i32>} : memref<8x768xf32, #tpu.memory_space<vmem>>, vector<1x16xf32>,
        %get3A_748 = vector.shape_cast %get3A_747 : vector<1x16xf32> to vector<16xf32>
        %sub3A_749 = arith.subf %get3A_744, %get3A_748 : vector<16xf32>
        %swap3A_750 = arith.index_cast %scan3A_230 : i32 to index
        %swap3A_751 = arith.index_cast %mul3A_740 : i32 to index
        %swap3A_752 = tpu.vector_load %arg8[%swap3A_750, %swap3A_751] {strides = array<i32>} : memref<8x768xf32, #tpu.memory_space<vmem>>, vector<1x16xf32>,
        %swap3A_753 = vector.shape_cast %swap3A_752 : vector<1x16xf32> to vector<16xf32>
        %swap3A_754 = vector.shape_cast %sub3A_749 : vector<16xf32> to vector<1x16xf32>
        tpu.vector_store %arg8[%swap3A_750, %swap3A_751], %swap3A_754 {strides = array<i32>} : memref<8x768xf32, #tpu.memory_space<vmem>>, vector<1x16xf32>,
        %scan3A_755 = arith.constant 31 : i32
        %mul3A_756 = arith.constant 16 : i32
        %mul3A_757 = arith.muli %scan3A_755, %mul3A_756 : i32
        %get3A_758 = arith.index_cast %scan3A_230 : i32 to index
        %get3A_759 = arith.index_cast %mul3A_757 : i32 to index
        %get3A_760 = tpu.vector_load %arg8[%get3A_758, %get3A_759] {strides = array<i32>} : memref<8x768xf32, #tpu.memory_space<vmem>>, vector<1x16xf32>,
        %get3A_761 = vector.shape_cast %get3A_760 : vector<1x16xf32> to vector<16xf32>
        %get3A_762 = arith.index_cast %scan3A_230 : i32 to index
        %get3A_763 = arith.index_cast %mul3A_757 : i32 to index
        %get3A_764 = tpu.vector_load %arg12[%get3A_762, %get3A_763] {strides = array<i32>} : memref<8x768xf32, #tpu.memory_space<vmem>>, vector<1x16xf32>,
        %get3A_765 = vector.shape_cast %get3A_764 : vector<1x16xf32> to vector<16xf32>
        %sub3A_766 = arith.subf %get3A_761, %get3A_765 : vector<16xf32>
        %swap3A_767 = arith.index_cast %scan3A_230 : i32 to index
        %swap3A_768 = arith.index_cast %mul3A_757 : i32 to index
        %swap3A_769 = tpu.vector_load %arg8[%swap3A_767, %swap3A_768] {strides = array<i32>} : memref<8x768xf32, #tpu.memory_space<vmem>>, vector<1x16xf32>,
        %swap3A_770 = vector.shape_cast %swap3A_769 : vector<1x16xf32> to vector<16xf32>
        %swap3A_771 = vector.shape_cast %sub3A_766 : vector<16xf32> to vector<1x16xf32>
        tpu.vector_store %arg8[%swap3A_767, %swap3A_768], %swap3A_771 {strides = array<i32>} : memref<8x768xf32, #tpu.memory_space<vmem>>, vector<1x16xf32>,
        %scan3A_772 = arith.constant 32 : i32
        %mul3A_773 = arith.constant 16 : i32
        %mul3A_774 = arith.muli %scan3A_772, %mul3A_773 : i32
        %get3A_775 = arith.index_cast %scan3A_230 : i32 to index
        %get3A_776 = arith.index_cast %mul3A_774 : i32 to index
        %get3A_777 = tpu.vector_load %arg8[%get3A_775, %get3A_776] {strides = array<i32>} : memref<8x768xf32, #tpu.memory_space<vmem>>, vector<1x16xf32>,
        %get3A_778 = vector.shape_cast %get3A_777 : vector<1x16xf32> to vector<16xf32>
        %get3A_779 = arith.index_cast %scan3A_230 : i32 to index
        %get3A_780 = arith.index_cast %mul3A_774 : i32 to index
        %get3A_781 = tpu.vector_load %arg12[%get3A_779, %get3A_780] {strides = array<i32>} : memref<8x768xf32, #tpu.memory_space<vmem>>, vector<1x16xf32>,
        %get3A_782 = vector.shape_cast %get3A_781 : vector<1x16xf32> to vector<16xf32>
        %sub3A_783 = arith.subf %get3A_778, %get3A_782 : vector<16xf32>
        %swap3A_784 = arith.index_cast %scan3A_230 : i32 to index
        %swap3A_785 = arith.index_cast %mul3A_774 : i32 to index
        %swap3A_786 = tpu.vector_load %arg8[%swap3A_784, %swap3A_785] {strides = array<i32>} : memref<8x768xf32, #tpu.memory_space<vmem>>, vector<1x16xf32>,
        %swap3A_787 = vector.shape_cast %swap3A_786 : vector<1x16xf32> to vector<16xf32>
        %swap3A_788 = vector.shape_cast %sub3A_783 : vector<16xf32> to vector<1x16xf32>
        tpu.vector_store %arg8[%swap3A_784, %swap3A_785], %swap3A_788 {strides = array<i32>} : memref<8x768xf32, #tpu.memory_space<vmem>>, vector<1x16xf32>,
        %scan3A_789 = arith.constant 33 : i32
        %mul3A_790 = arith.constant 16 : i32
        %mul3A_791 = arith.muli %scan3A_789, %mul3A_790 : i32
        %get3A_792 = arith.index_cast %scan3A_230 : i32 to index
        %get3A_793 = arith.index_cast %mul3A_791 : i32 to index
        %get3A_794 = tpu.vector_load %arg8[%get3A_792, %get3A_793] {strides = array<i32>} : memref<8x768xf32, #tpu.memory_space<vmem>>, vector<1x16xf32>,
        %get3A_795 = vector.shape_cast %get3A_794 : vector<1x16xf32> to vector<16xf32>
        %get3A_796 = arith.index_cast %scan3A_230 : i32 to index
        %get3A_797 = arith.index_cast %mul3A_791 : i32 to index
        %get3A_798 = tpu.vector_load %arg12[%get3A_796, %get3A_797] {strides = array<i32>} : memref<8x768xf32, #tpu.memory_space<vmem>>, vector<1x16xf32>,
        %get3A_799 = vector.shape_cast %get3A_798 : vector<1x16xf32> to vector<16xf32>
        %sub3A_800 = arith.subf %get3A_795, %get3A_799 : vector<16xf32>
        %swap3A_801 = arith.index_cast %scan3A_230 : i32 to index
        %swap3A_802 = arith.index_cast %mul3A_791 : i32 to index
        %swap3A_803 = tpu.vector_load %arg8[%swap3A_801, %swap3A_802] {strides = array<i32>} : memref<8x768xf32, #tpu.memory_space<vmem>>, vector<1x16xf32>,
        %swap3A_804 = vector.shape_cast %swap3A_803 : vector<1x16xf32> to vector<16xf32>
        %swap3A_805 = vector.shape_cast %sub3A_800 : vector<16xf32> to vector<1x16xf32>
        tpu.vector_store %arg8[%swap3A_801, %swap3A_802], %swap3A_805 {strides = array<i32>} : memref<8x768xf32, #tpu.memory_space<vmem>>, vector<1x16xf32>,
        %scan3A_806 = arith.constant 34 : i32
        %mul3A_807 = arith.constant 16 : i32
        %mul3A_808 = arith.muli %scan3A_806, %mul3A_807 : i32
        %get3A_809 = arith.index_cast %scan3A_230 : i32 to index
        %get3A_810 = arith.index_cast %mul3A_808 : i32 to index
        %get3A_811 = tpu.vector_load %arg8[%get3A_809, %get3A_810] {strides = array<i32>} : memref<8x768xf32, #tpu.memory_space<vmem>>, vector<1x16xf32>,
        %get3A_812 = vector.shape_cast %get3A_811 : vector<1x16xf32> to vector<16xf32>
        %get3A_813 = arith.index_cast %scan3A_230 : i32 to index
        %get3A_814 = arith.index_cast %mul3A_808 : i32 to index
        %get3A_815 = tpu.vector_load %arg12[%get3A_813, %get3A_814] {strides = array<i32>} : memref<8x768xf32, #tpu.memory_space<vmem>>, vector<1x16xf32>,
        %get3A_816 = vector.shape_cast %get3A_815 : vector<1x16xf32> to vector<16xf32>
        %sub3A_817 = arith.subf %get3A_812, %get3A_816 : vector<16xf32>
        %swap3A_818 = arith.index_cast %scan3A_230 : i32 to index
        %swap3A_819 = arith.index_cast %mul3A_808 : i32 to index
        %swap3A_820 = tpu.vector_load %arg8[%swap3A_818, %swap3A_819] {strides = array<i32>} : memref<8x768xf32, #tpu.memory_space<vmem>>, vector<1x16xf32>,
        %swap3A_821 = vector.shape_cast %swap3A_820 : vector<1x16xf32> to vector<16xf32>
        %swap3A_822 = vector.shape_cast %sub3A_817 : vector<16xf32> to vector<1x16xf32>
        tpu.vector_store %arg8[%swap3A_818, %swap3A_819], %swap3A_822 {strides = array<i32>} : memref<8x768xf32, #tpu.memory_space<vmem>>, vector<1x16xf32>,
        %scan3A_823 = arith.constant 35 : i32
        %mul3A_824 = arith.constant 16 : i32
        %mul3A_825 = arith.muli %scan3A_823, %mul3A_824 : i32
        %get3A_826 = arith.index_cast %scan3A_230 : i32 to index
        %get3A_827 = arith.index_cast %mul3A_825 : i32 to index
        %get3A_828 = tpu.vector_load %arg8[%get3A_826, %get3A_827] {strides = array<i32>} : memref<8x768xf32, #tpu.memory_space<vmem>>, vector<1x16xf32>,
        %get3A_829 = vector.shape_cast %get3A_828 : vector<1x16xf32> to vector<16xf32>
        %get3A_830 = arith.index_cast %scan3A_230 : i32 to index
        %get3A_831 = arith.index_cast %mul3A_825 : i32 to index
        %get3A_832 = tpu.vector_load %arg12[%get3A_830, %get3A_831] {strides = array<i32>} : memref<8x768xf32, #tpu.memory_space<vmem>>, vector<1x16xf32>,
        %get3A_833 = vector.shape_cast %get3A_832 : vector<1x16xf32> to vector<16xf32>
        %sub3A_834 = arith.subf %get3A_829, %get3A_833 : vector<16xf32>
        %swap3A_835 = arith.index_cast %scan3A_230 : i32 to index
        %swap3A_836 = arith.index_cast %mul3A_825 : i32 to index
        %swap3A_837 = tpu.vector_load %arg8[%swap3A_835, %swap3A_836] {strides = array<i32>} : memref<8x768xf32, #tpu.memory_space<vmem>>, vector<1x16xf32>,
        %swap3A_838 = vector.shape_cast %swap3A_837 : vector<1x16xf32> to vector<16xf32>
        %swap3A_839 = vector.shape_cast %sub3A_834 : vector<16xf32> to vector<1x16xf32>
        tpu.vector_store %arg8[%swap3A_835, %swap3A_836], %swap3A_839 {strides = array<i32>} : memref<8x768xf32, #tpu.memory_space<vmem>>, vector<1x16xf32>,
        %scan3A_840 = arith.constant 36 : i32
        %mul3A_841 = arith.constant 16 : i32
        %mul3A_842 = arith.muli %scan3A_840, %mul3A_841 : i32
        %get3A_843 = arith.index_cast %scan3A_230 : i32 to index
        %get3A_844 = arith.index_cast %mul3A_842 : i32 to index
        %get3A_845 = tpu.vector_load %arg8[%get3A_843, %get3A_844] {strides = array<i32>} : memref<8x768xf32, #tpu.memory_space<vmem>>, vector<1x16xf32>,
        %get3A_846 = vector.shape_cast %get3A_845 : vector<1x16xf32> to vector<16xf32>
        %get3A_847 = arith.index_cast %scan3A_230 : i32 to index
        %get3A_848 = arith.index_cast %mul3A_842 : i32 to index
        %get3A_849 = tpu.vector_load %arg12[%get3A_847, %get3A_848] {strides = array<i32>} : memref<8x768xf32, #tpu.memory_space<vmem>>, vector<1x16xf32>,
        %get3A_850 = vector.shape_cast %get3A_849 : vector<1x16xf32> to vector<16xf32>
        %sub3A_851 = arith.subf %get3A_846, %get3A_850 : vector<16xf32>
        %swap3A_852 = arith.index_cast %scan3A_230 : i32 to index
        %swap3A_853 = arith.index_cast %mul3A_842 : i32 to index
        %swap3A_854 = tpu.vector_load %arg8[%swap3A_852, %swap3A_853] {strides = array<i32>} : memref<8x768xf32, #tpu.memory_space<vmem>>, vector<1x16xf32>,
        %swap3A_855 = vector.shape_cast %swap3A_854 : vector<1x16xf32> to vector<16xf32>
        %swap3A_856 = vector.shape_cast %sub3A_851 : vector<16xf32> to vector<1x16xf32>
        tpu.vector_store %arg8[%swap3A_852, %swap3A_853], %swap3A_856 {strides = array<i32>} : memref<8x768xf32, #tpu.memory_space<vmem>>, vector<1x16xf32>,
        %scan3A_857 = arith.constant 37 : i32
        %mul3A_858 = arith.constant 16 : i32
        %mul3A_859 = arith.muli %scan3A_857, %mul3A_858 : i32
        %get3A_860 = arith.index_cast %scan3A_230 : i32 to index
        %get3A_861 = arith.index_cast %mul3A_859 : i32 to index
        %get3A_862 = tpu.vector_load %arg8[%get3A_860, %get3A_861] {strides = array<i32>} : memref<8x768xf32, #tpu.memory_space<vmem>>, vector<1x16xf32>,
        %get3A_863 = vector.shape_cast %get3A_862 : vector<1x16xf32> to vector<16xf32>
        %get3A_864 = arith.index_cast %scan3A_230 : i32 to index
        %get3A_865 = arith.index_cast %mul3A_859 : i32 to index
        %get3A_866 = tpu.vector_load %arg12[%get3A_864, %get3A_865] {strides = array<i32>} : memref<8x768xf32, #tpu.memory_space<vmem>>, vector<1x16xf32>,
        %get3A_867 = vector.shape_cast %get3A_866 : vector<1x16xf32> to vector<16xf32>
        %sub3A_868 = arith.subf %get3A_863, %get3A_867 : vector<16xf32>
        %swap3A_869 = arith.index_cast %scan3A_230 : i32 to index
        %swap3A_870 = arith.index_cast %mul3A_859 : i32 to index
        %swap3A_871 = tpu.vector_load %arg8[%swap3A_869, %swap3A_870] {strides = array<i32>} : memref<8x768xf32, #tpu.memory_space<vmem>>, vector<1x16xf32>,
        %swap3A_872 = vector.shape_cast %swap3A_871 : vector<1x16xf32> to vector<16xf32>
        %swap3A_873 = vector.shape_cast %sub3A_868 : vector<16xf32> to vector<1x16xf32>
        tpu.vector_store %arg8[%swap3A_869, %swap3A_870], %swap3A_873 {strides = array<i32>} : memref<8x768xf32, #tpu.memory_space<vmem>>, vector<1x16xf32>,
        %scan3A_874 = arith.constant 38 : i32
        %mul3A_875 = arith.constant 16 : i32
        %mul3A_876 = arith.muli %scan3A_874, %mul3A_875 : i32
        %get3A_877 = arith.index_cast %scan3A_230 : i32 to index
        %get3A_878 = arith.index_cast %mul3A_876 : i32 to index
        %get3A_879 = tpu.vector_load %arg8[%get3A_877, %get3A_878] {strides = array<i32>} : memref<8x768xf32, #tpu.memory_space<vmem>>, vector<1x16xf32>,
        %get3A_880 = vector.shape_cast %get3A_879 : vector<1x16xf32> to vector<16xf32>
        %get3A_881 = arith.index_cast %scan3A_230 : i32 to index
        %get3A_882 = arith.index_cast %mul3A_876 : i32 to index
        %get3A_883 = tpu.vector_load %arg12[%get3A_881, %get3A_882] {strides = array<i32>} : memref<8x768xf32, #tpu.memory_space<vmem>>, vector<1x16xf32>,
        %get3A_884 = vector.shape_cast %get3A_883 : vector<1x16xf32> to vector<16xf32>
        %sub3A_885 = arith.subf %get3A_880, %get3A_884 : vector<16xf32>
        %swap3A_886 = arith.index_cast %scan3A_230 : i32 to index
        %swap3A_887 = arith.index_cast %mul3A_876 : i32 to index
        %swap3A_888 = tpu.vector_load %arg8[%swap3A_886, %swap3A_887] {strides = array<i32>} : memref<8x768xf32, #tpu.memory_space<vmem>>, vector<1x16xf32>,
        %swap3A_889 = vector.shape_cast %swap3A_888 : vector<1x16xf32> to vector<16xf32>
        %swap3A_890 = vector.shape_cast %sub3A_885 : vector<16xf32> to vector<1x16xf32>
        tpu.vector_store %arg8[%swap3A_886, %swap3A_887], %swap3A_890 {strides = array<i32>} : memref<8x768xf32, #tpu.memory_space<vmem>>, vector<1x16xf32>,
        %scan3A_891 = arith.constant 39 : i32
        %mul3A_892 = arith.constant 16 : i32
        %mul3A_893 = arith.muli %scan3A_891, %mul3A_892 : i32
        %get3A_894 = arith.index_cast %scan3A_230 : i32 to index
        %get3A_895 = arith.index_cast %mul3A_893 : i32 to index
        %get3A_896 = tpu.vector_load %arg8[%get3A_894, %get3A_895] {strides = array<i32>} : memref<8x768xf32, #tpu.memory_space<vmem>>, vector<1x16xf32>,
        %get3A_897 = vector.shape_cast %get3A_896 : vector<1x16xf32> to vector<16xf32>
        %get3A_898 = arith.index_cast %scan3A_230 : i32 to index
        %get3A_899 = arith.index_cast %mul3A_893 : i32 to index
        %get3A_900 = tpu.vector_load %arg12[%get3A_898, %get3A_899] {strides = array<i32>} : memref<8x768xf32, #tpu.memory_space<vmem>>, vector<1x16xf32>,
        %get3A_901 = vector.shape_cast %get3A_900 : vector<1x16xf32> to vector<16xf32>
        %sub3A_902 = arith.subf %get3A_897, %get3A_901 : vector<16xf32>
        %swap3A_903 = arith.index_cast %scan3A_230 : i32 to index
        %swap3A_904 = arith.index_cast %mul3A_893 : i32 to index
        %swap3A_905 = tpu.vector_load %arg8[%swap3A_903, %swap3A_904] {strides = array<i32>} : memref<8x768xf32, #tpu.memory_space<vmem>>, vector<1x16xf32>,
        %swap3A_906 = vector.shape_cast %swap3A_905 : vector<1x16xf32> to vector<16xf32>
        %swap3A_907 = vector.shape_cast %sub3A_902 : vector<16xf32> to vector<1x16xf32>
        tpu.vector_store %arg8[%swap3A_903, %swap3A_904], %swap3A_907 {strides = array<i32>} : memref<8x768xf32, #tpu.memory_space<vmem>>, vector<1x16xf32>,
        %scan3A_908 = arith.constant 40 : i32
        %mul3A_909 = arith.constant 16 : i32
        %mul3A_910 = arith.muli %scan3A_908, %mul3A_909 : i32
        %get3A_911 = arith.index_cast %scan3A_230 : i32 to index
        %get3A_912 = arith.index_cast %mul3A_910 : i32 to index
        %get3A_913 = tpu.vector_load %arg8[%get3A_911, %get3A_912] {strides = array<i32>} : memref<8x768xf32, #tpu.memory_space<vmem>>, vector<1x16xf32>,
        %get3A_914 = vector.shape_cast %get3A_913 : vector<1x16xf32> to vector<16xf32>
        %get3A_915 = arith.index_cast %scan3A_230 : i32 to index
        %get3A_916 = arith.index_cast %mul3A_910 : i32 to index
        %get3A_917 = tpu.vector_load %arg12[%get3A_915, %get3A_916] {strides = array<i32>} : memref<8x768xf32, #tpu.memory_space<vmem>>, vector<1x16xf32>,
        %get3A_918 = vector.shape_cast %get3A_917 : vector<1x16xf32> to vector<16xf32>
        %sub3A_919 = arith.subf %get3A_914, %get3A_918 : vector<16xf32>
        %swap3A_920 = arith.index_cast %scan3A_230 : i32 to index
        %swap3A_921 = arith.index_cast %mul3A_910 : i32 to index
        %swap3A_922 = tpu.vector_load %arg8[%swap3A_920, %swap3A_921] {strides = array<i32>} : memref<8x768xf32, #tpu.memory_space<vmem>>, vector<1x16xf32>,
        %swap3A_923 = vector.shape_cast %swap3A_922 : vector<1x16xf32> to vector<16xf32>
        %swap3A_924 = vector.shape_cast %sub3A_919 : vector<16xf32> to vector<1x16xf32>
        tpu.vector_store %arg8[%swap3A_920, %swap3A_921], %swap3A_924 {strides = array<i32>} : memref<8x768xf32, #tpu.memory_space<vmem>>, vector<1x16xf32>,
        %scan3A_925 = arith.constant 41 : i32
        %mul3A_926 = arith.constant 16 : i32
        %mul3A_927 = arith.muli %scan3A_925, %mul3A_926 : i32
        %get3A_928 = arith.index_cast %scan3A_230 : i32 to index
        %get3A_929 = arith.index_cast %mul3A_927 : i32 to index
        %get3A_930 = tpu.vector_load %arg8[%get3A_928, %get3A_929] {strides = array<i32>} : memref<8x768xf32, #tpu.memory_space<vmem>>, vector<1x16xf32>,
        %get3A_931 = vector.shape_cast %get3A_930 : vector<1x16xf32> to vector<16xf32>
        %get3A_932 = arith.index_cast %scan3A_230 : i32 to index
        %get3A_933 = arith.index_cast %mul3A_927 : i32 to index
        %get3A_934 = tpu.vector_load %arg12[%get3A_932, %get3A_933] {strides = array<i32>} : memref<8x768xf32, #tpu.memory_space<vmem>>, vector<1x16xf32>,
        %get3A_935 = vector.shape_cast %get3A_934 : vector<1x16xf32> to vector<16xf32>
        %sub3A_936 = arith.subf %get3A_931, %get3A_935 : vector<16xf32>
        %swap3A_937 = arith.index_cast %scan3A_230 : i32 to index
        %swap3A_938 = arith.index_cast %mul3A_927 : i32 to index
        %swap3A_939 = tpu.vector_load %arg8[%swap3A_937, %swap3A_938] {strides = array<i32>} : memref<8x768xf32, #tpu.memory_space<vmem>>, vector<1x16xf32>,
        %swap3A_940 = vector.shape_cast %swap3A_939 : vector<1x16xf32> to vector<16xf32>
        %swap3A_941 = vector.shape_cast %sub3A_936 : vector<16xf32> to vector<1x16xf32>
        tpu.vector_store %arg8[%swap3A_937, %swap3A_938], %swap3A_941 {strides = array<i32>} : memref<8x768xf32, #tpu.memory_space<vmem>>, vector<1x16xf32>,
        %scan3A_942 = arith.constant 42 : i32
        %mul3A_943 = arith.constant 16 : i32
        %mul3A_944 = arith.muli %scan3A_942, %mul3A_943 : i32
        %get3A_945 = arith.index_cast %scan3A_230 : i32 to index
        %get3A_946 = arith.index_cast %mul3A_944 : i32 to index
        %get3A_947 = tpu.vector_load %arg8[%get3A_945, %get3A_946] {strides = array<i32>} : memref<8x768xf32, #tpu.memory_space<vmem>>, vector<1x16xf32>,
        %get3A_948 = vector.shape_cast %get3A_947 : vector<1x16xf32> to vector<16xf32>
        %get3A_949 = arith.index_cast %scan3A_230 : i32 to index
        %get3A_950 = arith.index_cast %mul3A_944 : i32 to index
        %get3A_951 = tpu.vector_load %arg12[%get3A_949, %get3A_950] {strides = array<i32>} : memref<8x768xf32, #tpu.memory_space<vmem>>, vector<1x16xf32>,
        %get3A_952 = vector.shape_cast %get3A_951 : vector<1x16xf32> to vector<16xf32>
        %sub3A_953 = arith.subf %get3A_948, %get3A_952 : vector<16xf32>
        %swap3A_954 = arith.index_cast %scan3A_230 : i32 to index
        %swap3A_955 = arith.index_cast %mul3A_944 : i32 to index
        %swap3A_956 = tpu.vector_load %arg8[%swap3A_954, %swap3A_955] {strides = array<i32>} : memref<8x768xf32, #tpu.memory_space<vmem>>, vector<1x16xf32>,
        %swap3A_957 = vector.shape_cast %swap3A_956 : vector<1x16xf32> to vector<16xf32>
        %swap3A_958 = vector.shape_cast %sub3A_953 : vector<16xf32> to vector<1x16xf32>
        tpu.vector_store %arg8[%swap3A_954, %swap3A_955], %swap3A_958 {strides = array<i32>} : memref<8x768xf32, #tpu.memory_space<vmem>>, vector<1x16xf32>,
        %scan3A_959 = arith.constant 43 : i32
        %mul3A_960 = arith.constant 16 : i32
        %mul3A_961 = arith.muli %scan3A_959, %mul3A_960 : i32
        %get3A_962 = arith.index_cast %scan3A_230 : i32 to index
        %get3A_963 = arith.index_cast %mul3A_961 : i32 to index
        %get3A_964 = tpu.vector_load %arg8[%get3A_962, %get3A_963] {strides = array<i32>} : memref<8x768xf32, #tpu.memory_space<vmem>>, vector<1x16xf32>,
        %get3A_965 = vector.shape_cast %get3A_964 : vector<1x16xf32> to vector<16xf32>
        %get3A_966 = arith.index_cast %scan3A_230 : i32 to index
        %get3A_967 = arith.index_cast %mul3A_961 : i32 to index
        %get3A_968 = tpu.vector_load %arg12[%get3A_966, %get3A_967] {strides = array<i32>} : memref<8x768xf32, #tpu.memory_space<vmem>>, vector<1x16xf32>,
        %get3A_969 = vector.shape_cast %get3A_968 : vector<1x16xf32> to vector<16xf32>
        %sub3A_970 = arith.subf %get3A_965, %get3A_969 : vector<16xf32>
        %swap3A_971 = arith.index_cast %scan3A_230 : i32 to index
        %swap3A_972 = arith.index_cast %mul3A_961 : i32 to index
        %swap3A_973 = tpu.vector_load %arg8[%swap3A_971, %swap3A_972] {strides = array<i32>} : memref<8x768xf32, #tpu.memory_space<vmem>>, vector<1x16xf32>,
        %swap3A_974 = vector.shape_cast %swap3A_973 : vector<1x16xf32> to vector<16xf32>
        %swap3A_975 = vector.shape_cast %sub3A_970 : vector<16xf32> to vector<1x16xf32>
        tpu.vector_store %arg8[%swap3A_971, %swap3A_972], %swap3A_975 {strides = array<i32>} : memref<8x768xf32, #tpu.memory_space<vmem>>, vector<1x16xf32>,
        %scan3A_976 = arith.constant 44 : i32
        %mul3A_977 = arith.constant 16 : i32
        %mul3A_978 = arith.muli %scan3A_976, %mul3A_977 : i32
        %get3A_979 = arith.index_cast %scan3A_230 : i32 to index
        %get3A_980 = arith.index_cast %mul3A_978 : i32 to index
        %get3A_981 = tpu.vector_load %arg8[%get3A_979, %get3A_980] {strides = array<i32>} : memref<8x768xf32, #tpu.memory_space<vmem>>, vector<1x16xf32>,
        %get3A_982 = vector.shape_cast %get3A_981 : vector<1x16xf32> to vector<16xf32>
        %get3A_983 = arith.index_cast %scan3A_230 : i32 to index
        %get3A_984 = arith.index_cast %mul3A_978 : i32 to index
        %get3A_985 = tpu.vector_load %arg12[%get3A_983, %get3A_984] {strides = array<i32>} : memref<8x768xf32, #tpu.memory_space<vmem>>, vector<1x16xf32>,
        %get3A_986 = vector.shape_cast %get3A_985 : vector<1x16xf32> to vector<16xf32>
        %sub3A_987 = arith.subf %get3A_982, %get3A_986 : vector<16xf32>
        %swap3A_988 = arith.index_cast %scan3A_230 : i32 to index
        %swap3A_989 = arith.index_cast %mul3A_978 : i32 to index
        %swap3A_990 = tpu.vector_load %arg8[%swap3A_988, %swap3A_989] {strides = array<i32>} : memref<8x768xf32, #tpu.memory_space<vmem>>, vector<1x16xf32>,
        %swap3A_991 = vector.shape_cast %swap3A_990 : vector<1x16xf32> to vector<16xf32>
        %swap3A_992 = vector.shape_cast %sub3A_987 : vector<16xf32> to vector<1x16xf32>
        tpu.vector_store %arg8[%swap3A_988, %swap3A_989], %swap3A_992 {strides = array<i32>} : memref<8x768xf32, #tpu.memory_space<vmem>>, vector<1x16xf32>,
        %scan3A_993 = arith.constant 45 : i32
        %mul3A_994 = arith.constant 16 : i32
        %mul3A_995 = arith.muli %scan3A_993, %mul3A_994 : i32
        %get3A_996 = arith.index_cast %scan3A_230 : i32 to index
        %get3A_997 = arith.index_cast %mul3A_995 : i32 to index
        %get3A_998 = tpu.vector_load %arg8[%get3A_996, %get3A_997] {strides = array<i32>} : memref<8x768xf32, #tpu.memory_space<vmem>>, vector<1x16xf32>,
        %get3A_999 = vector.shape_cast %get3A_998 : vector<1x16xf32> to vector<16xf32>
        %get3A_1000 = arith.index_cast %scan3A_230 : i32 to index
        %get3A_1001 = arith.index_cast %mul3A_995 : i32 to index
        %get3A_1002 = tpu.vector_load %arg12[%get3A_1000, %get3A_1001] {strides = array<i32>} : memref<8x768xf32, #tpu.memory_space<vmem>>, vector<1x16xf32>,
        %get3A_1003 = vector.shape_cast %get3A_1002 : vector<1x16xf32> to vector<16xf32>
        %sub3A_1004 = arith.subf %get3A_999, %get3A_1003 : vector<16xf32>
        %swap3A_1005 = arith.index_cast %scan3A_230 : i32 to index
        %swap3A_1006 = arith.index_cast %mul3A_995 : i32 to index
        %swap3A_1007 = tpu.vector_load %arg8[%swap3A_1005, %swap3A_1006] {strides = array<i32>} : memref<8x768xf32, #tpu.memory_space<vmem>>, vector<1x16xf32>,
        %swap3A_1008 = vector.shape_cast %swap3A_1007 : vector<1x16xf32> to vector<16xf32>
        %swap3A_1009 = vector.shape_cast %sub3A_1004 : vector<16xf32> to vector<1x16xf32>
        tpu.vector_store %arg8[%swap3A_1005, %swap3A_1006], %swap3A_1009 {strides = array<i32>} : memref<8x768xf32, #tpu.memory_space<vmem>>, vector<1x16xf32>,
        %scan3A_1010 = arith.constant 46 : i32
        %mul3A_1011 = arith.constant 16 : i32
        %mul3A_1012 = arith.muli %scan3A_1010, %mul3A_1011 : i32
        %get3A_1013 = arith.index_cast %scan3A_230 : i32 to index
        %get3A_1014 = arith.index_cast %mul3A_1012 : i32 to index
        %get3A_1015 = tpu.vector_load %arg8[%get3A_1013, %get3A_1014] {strides = array<i32>} : memref<8x768xf32, #tpu.memory_space<vmem>>, vector<1x16xf32>,
        %get3A_1016 = vector.shape_cast %get3A_1015 : vector<1x16xf32> to vector<16xf32>
        %get3A_1017 = arith.index_cast %scan3A_230 : i32 to index
        %get3A_1018 = arith.index_cast %mul3A_1012 : i32 to index
        %get3A_1019 = tpu.vector_load %arg12[%get3A_1017, %get3A_1018] {strides = array<i32>} : memref<8x768xf32, #tpu.memory_space<vmem>>, vector<1x16xf32>,
        %get3A_1020 = vector.shape_cast %get3A_1019 : vector<1x16xf32> to vector<16xf32>
        %sub3A_1021 = arith.subf %get3A_1016, %get3A_1020 : vector<16xf32>
        %swap3A_1022 = arith.index_cast %scan3A_230 : i32 to index
        %swap3A_1023 = arith.index_cast %mul3A_1012 : i32 to index
        %swap3A_1024 = tpu.vector_load %arg8[%swap3A_1022, %swap3A_1023] {strides = array<i32>} : memref<8x768xf32, #tpu.memory_space<vmem>>, vector<1x16xf32>,
        %swap3A_1025 = vector.shape_cast %swap3A_1024 : vector<1x16xf32> to vector<16xf32>
        %swap3A_1026 = vector.shape_cast %sub3A_1021 : vector<16xf32> to vector<1x16xf32>
        tpu.vector_store %arg8[%swap3A_1022, %swap3A_1023], %swap3A_1026 {strides = array<i32>} : memref<8x768xf32, #tpu.memory_space<vmem>>, vector<1x16xf32>,
        %scan3A_1027 = arith.constant 47 : i32
        %mul3A_1028 = arith.constant 16 : i32
        %mul3A_1029 = arith.muli %scan3A_1027, %mul3A_1028 : i32
        %get3A_1030 = arith.index_cast %scan3A_230 : i32 to index
        %get3A_1031 = arith.index_cast %mul3A_1029 : i32 to index
        %get3A_1032 = tpu.vector_load %arg8[%get3A_1030, %get3A_1031] {strides = array<i32>} : memref<8x768xf32, #tpu.memory_space<vmem>>, vector<1x16xf32>,
        %get3A_1033 = vector.shape_cast %get3A_1032 : vector<1x16xf32> to vector<16xf32>
        %get3A_1034 = arith.index_cast %scan3A_230 : i32 to index
        %get3A_1035 = arith.index_cast %mul3A_1029 : i32 to index
        %get3A_1036 = tpu.vector_load %arg12[%get3A_1034, %get3A_1035] {strides = array<i32>} : memref<8x768xf32, #tpu.memory_space<vmem>>, vector<1x16xf32>,
        %get3A_1037 = vector.shape_cast %get3A_1036 : vector<1x16xf32> to vector<16xf32>
        %sub3A_1038 = arith.subf %get3A_1033, %get3A_1037 : vector<16xf32>
        %swap3A_1039 = arith.index_cast %scan3A_230 : i32 to index
        %swap3A_1040 = arith.index_cast %mul3A_1029 : i32 to index
        %swap3A_1041 = tpu.vector_load %arg8[%swap3A_1039, %swap3A_1040] {strides = array<i32>} : memref<8x768xf32, #tpu.memory_space<vmem>>, vector<1x16xf32>,
        %swap3A_1042 = vector.shape_cast %swap3A_1041 : vector<1x16xf32> to vector<16xf32>
        %swap3A_1043 = vector.shape_cast %sub3A_1038 : vector<16xf32> to vector<1x16xf32>
        tpu.vector_store %arg8[%swap3A_1039, %swap3A_1040], %swap3A_1043 {strides = array<i32>} : memref<8x768xf32, #tpu.memory_space<vmem>>, vector<1x16xf32>,
        %scan3A_1044 = arith.constant 48 : i32
      }
      %scan3A_101 = arith.constant 8 : i32
      %mul3A_102 = arith.constant 8 : i32
      %mul3A_103 = arith.muli %add3A_80, %mul3A_102 : i32
      %add3A_104 = arith.addi %mul3A_2, %mul3A_103 : i32
      %dma_start3A_105 = arith.constant 0 : i32
      %dma_start3A_106 = tpu.memref_slice %arg5[%add3A_104, %dma_start3A_105] : memref<32768x768xf32, #tpu.memory_space<hbm>> -> memref<8x768xf32, #tpu.memory_space<hbm>>
      %dma_start3A_107 = arith.constant 0 : i32
      %dma_start3A_108 = tpu.memref_slice %arg5[%add3A_104, %dma_start3A_107] : memref<32768x768xf32, #tpu.memory_space<hbm>> -> memref<8x768xf32, #tpu.memory_space<hbm>>
      tpu.enqueue_dma source(%arg12 : memref<8x768xf32, #tpu.memory_space<vmem>>) target(%dma_start3A_108 : memref<8x768xf32, #tpu.memory_space<hbm>>) target_semaphore(%arg24 : memref<!tpu.dma_semaphore, #tpu.memory_space<semaphore_mem>>)
      %dma_start3A_109 = arith.constant 0 : i32
      %dma_start3A_110 = tpu.memref_slice %arg6[%add3A_104, %dma_start3A_109] : memref<32768x768xf32, #tpu.memory_space<hbm>> -> memref<8x768xf32, #tpu.memory_space<hbm>>
      %dma_start3A_111 = arith.constant 0 : i32
      %dma_start3A_112 = tpu.memref_slice %arg6[%add3A_104, %dma_start3A_111] : memref<32768x768xf32, #tpu.memory_space<hbm>> -> memref<8x768xf32, #tpu.memory_space<hbm>>
      tpu.enqueue_dma source(%arg8 : memref<8x768xf32, #tpu.memory_space<vmem>>) target(%dma_start3A_112 : memref<8x768xf32, #tpu.memory_space<hbm>>) target_semaphore(%arg28 : memref<!tpu.dma_semaphore, #tpu.memory_space<semaphore_mem>>)
      %mul3A_113 = arith.constant 4 : i32
      %mul3A_114 = arith.muli %scan3A_76, %mul3A_113 : i32
      %add3A_115 = arith.constant 1 : i32
      %add3A_116 = arith.addi %mul3A_114, %add3A_115 : i32
      %add3A_117 = arith.constant 2 : i32
      %add3A_118 = arith.addi %add3A_116, %add3A_117 : i32
      %dma_wait3A_119 = arith.constant 0 : i32
      %dma_wait3A_120 = arith.constant 0 : i32
      %dma_wait3A_121 = tpu.memref_slice %arg2[%dma_wait3A_119, %dma_wait3A_120] : memref<32768x768xf32, #tpu.memory_space<hbm>> -> memref<8x768xf32, #tpu.memory_space<hbm>>
      %dma_wait3A_122 = arith.constant 0 : i32
      %dma_wait3A_123 = arith.constant 0 : i32
      %dma_wait3A_124 = tpu.memref_slice %arg2[%dma_wait3A_122, %dma_wait3A_123] : memref<32768x768xf32, #tpu.memory_space<hbm>> -> memref<8x768xf32, #tpu.memory_space<hbm>>
      tpu.wait_dma2 semaphore(%arg17 : memref<!tpu.dma_semaphore, #tpu.memory_space<semaphore_mem>>) src(%dma_wait3A_124 : memref<8x768xf32, #tpu.memory_space<hbm>>) dst(%arg9 : memref<8x768xf32, #tpu.memory_space<vmem>>)
      %dma_wait3A_125 = arith.constant 0 : i32
      %dma_wait3A_126 = tpu.memref_slice %arg7[%dma_wait3A_125] : memref<1024xi32, #tpu.memory_space<vmem>> -> memref<8xi32, #tpu.memory_space<vmem>>
      %dma_wait3A_127 = arith.constant 0 : i32
      %dma_wait3A_128 = arith.constant 0 : i32
      %dma_wait3A_129 = tpu.memref_slice %arg4[%dma_wait3A_127, %dma_wait3A_128] : memref<168x768xf32, #tpu.memory_space<hbm>> -> memref<168x768xf32, #tpu.memory_space<hbm>>
      tpu.wait_indirect_dma semaphore(%arg21 : memref<!tpu.dma_semaphore, #tpu.memory_space<semaphore_mem>>) src(%dma_wait3A_129 : memref<168x768xf32, #tpu.memory_space<hbm>>) dst(%arg13 : memref<8x768xf32, #tpu.memory_space<vmem>>)
      %lt3A_130 = arith.constant 128 : i32
      %lt3A_131 = arith.cmpi slt, %add3A_118, %lt3A_130 : i32
      %convert_element_type3A_132 = arith.extui %lt3A_131 : i1 to i32
      %cond3A_133 = arith.constant 0 : i32
      %cond3A_134 = arith.cmpi ne, %convert_element_type3A_132, %cond3A_133 : i32
      scf.if %cond3A_134 {
        %ge3A = arith.constant 4 : i32
        %ge3A_230 = arith.cmpi sge, %add3A_118, %ge3A : i32
        %convert_element_type3A_231 = arith.extui %ge3A_230 : i1 to i32
        %cond3A_232 = arith.constant 0 : i32
        %cond3A_233 = arith.cmpi ne, %convert_element_type3A_231, %cond3A_232 : i32
        scf.if %cond3A_233 {
          %dma_wait3A_247 = arith.constant 0 : i32
          %dma_wait3A_248 = arith.constant 0 : i32
          %dma_wait3A_249 = tpu.memref_slice %arg5[%dma_wait3A_247, %dma_wait3A_248] : memref<32768x768xf32, #tpu.memory_space<hbm>> -> memref<8x768xf32, #tpu.memory_space<hbm>>
          %dma_wait3A_250 = arith.constant 0 : i32
          %dma_wait3A_251 = arith.constant 0 : i32
          %dma_wait3A_252 = tpu.memref_slice %arg5[%dma_wait3A_250, %dma_wait3A_251] : memref<32768x768xf32, #tpu.memory_space<hbm>> -> memref<8x768xf32, #tpu.memory_space<hbm>>
          tpu.wait_dma2 semaphore(%arg27 : memref<!tpu.dma_semaphore, #tpu.memory_space<semaphore_mem>>) src(%arg15 : memref<8x768xf32, #tpu.memory_space<vmem>>) dst(%dma_wait3A_252 : memref<8x768xf32, #tpu.memory_space<hbm>>)
          %dma_wait3A_253 = arith.constant 0 : i32
          %dma_wait3A_254 = arith.constant 0 : i32
          %dma_wait3A_255 = tpu.memref_slice %arg6[%dma_wait3A_253, %dma_wait3A_254] : memref<32768x768xf32, #tpu.memory_space<hbm>> -> memref<8x768xf32, #tpu.memory_space<hbm>>
          %dma_wait3A_256 = arith.constant 0 : i32
          %dma_wait3A_257 = arith.constant 0 : i32
          %dma_wait3A_258 = tpu.memref_slice %arg6[%dma_wait3A_256, %dma_wait3A_257] : memref<32768x768xf32, #tpu.memory_space<hbm>> -> memref<8x768xf32, #tpu.memory_space<hbm>>
          tpu.wait_dma2 semaphore(%arg31 : memref<!tpu.dma_semaphore, #tpu.memory_space<semaphore_mem>>) src(%arg11 : memref<8x768xf32, #tpu.memory_space<vmem>>) dst(%dma_wait3A_258 : memref<8x768xf32, #tpu.memory_space<hbm>>)
        } else {
        }
        %mul3A_234 = arith.constant 8 : i32
        %mul3A_235 = arith.muli %add3A_118, %mul3A_234 : i32
        %add3A_236 = arith.addi %mul3A_2, %mul3A_235 : i32
        %mul3A_237 = arith.constant 8 : i32
        %mul3A_238 = arith.muli %add3A_118, %mul3A_237 : i32
        %dma_start3A_239 = tpu.memref_slice %arg7[%mul3A_238] : memref<1024xi32, #tpu.memory_space<vmem>> -> memref<8xi32, #tpu.memory_space<vmem>>
        %dma_start3A_240 = arith.constant 0 : i32
        %dma_start3A_241 = arith.constant 0 : i32
        %dma_start3A_242 = tpu.memref_slice %arg4[%dma_start3A_240, %dma_start3A_241] : memref<168x768xf32, #tpu.memory_space<hbm>> -> memref<168x768xf32, #tpu.memory_space<hbm>>
        tpu.enqueue_indirect_dma source(%dma_start3A_242 : memref<168x768xf32, #tpu.memory_space<hbm>>) target(%arg15 : memref<8x768xf32, #tpu.memory_space<vmem>>) offsets(%dma_start3A_239 : memref<8xi32, #tpu.memory_space<vmem>>) semaphore(%arg23 : memref<!tpu.dma_semaphore, #tpu.memory_space<semaphore_mem>>)
        %dma_start3A_243 = arith.constant 0 : i32
        %dma_start3A_244 = tpu.memref_slice %arg2[%add3A_236, %dma_start3A_243] : memref<32768x768xf32, #tpu.memory_space<hbm>> -> memref<8x768xf32, #tpu.memory_space<hbm>>
        %dma_start3A_245 = arith.constant 0 : i32
        %dma_start3A_246 = tpu.memref_slice %arg2[%add3A_236, %dma_start3A_245] : memref<32768x768xf32, #tpu.memory_space<hbm>> -> memref<8x768xf32, #tpu.memory_space<hbm>>
        tpu.enqueue_dma source(%dma_start3A_246 : memref<8x768xf32, #tpu.memory_space<hbm>>) target(%arg11 : memref<8x768xf32, #tpu.memory_space<vmem>>) target_semaphore(%arg19 : memref<!tpu.dma_semaphore, #tpu.memory_space<semaphore_mem>>)
      } else {
      }
      %scan3A_135 = arith.constant 0 : i32
      %scan3A_136 = arith.constant 0 : i32
      %scan3A_137 = arith.constant 8 : i32
      %scan3A_138 = arith.addi %scan3A_136, %scan3A_137 : i32
      %scan3A_139 = arith.constant 1 : i32
      scf.for %scan3A_230 = %scan3A_136 to %scan3A_138 step %scan3A_139  : i32 {
        %scan3A_231 = arith.constant 0 : i32
        %mul3A_232 = arith.constant 16 : i32
        %mul3A_233 = arith.muli %scan3A_231, %mul3A_232 : i32
        %get3A = arith.index_cast %scan3A_230 : i32 to index
        %get3A_234 = arith.index_cast %mul3A_233 : i32 to index
        %get3A_235 = tpu.vector_load %arg9[%get3A, %get3A_234] {strides = array<i32>} : memref<8x768xf32, #tpu.memory_space<vmem>>, vector<1x16xf32>,
        %get3A_236 = vector.shape_cast %get3A_235 : vector<1x16xf32> to vector<16xf32>
        %get3A_237 = arith.index_cast %scan3A_230 : i32 to index
        %get3A_238 = arith.index_cast %mul3A_233 : i32 to index
        %get3A_239 = tpu.vector_load %arg13[%get3A_237, %get3A_238] {strides = array<i32>} : memref<8x768xf32, #tpu.memory_space<vmem>>, vector<1x16xf32>,
        %get3A_240 = vector.shape_cast %get3A_239 : vector<1x16xf32> to vector<16xf32>
        %sub3A = arith.subf %get3A_236, %get3A_240 : vector<16xf32>
        %swap3A = arith.index_cast %scan3A_230 : i32 to index
        %swap3A_241 = arith.index_cast %mul3A_233 : i32 to index
        %swap3A_242 = tpu.vector_load %arg9[%swap3A, %swap3A_241] {strides = array<i32>} : memref<8x768xf32, #tpu.memory_space<vmem>>, vector<1x16xf32>,
        %swap3A_243 = vector.shape_cast %swap3A_242 : vector<1x16xf32> to vector<16xf32>
        %swap3A_244 = vector.shape_cast %sub3A : vector<16xf32> to vector<1x16xf32>
        tpu.vector_store %arg9[%swap3A, %swap3A_241], %swap3A_244 {strides = array<i32>} : memref<8x768xf32, #tpu.memory_space<vmem>>, vector<1x16xf32>,
        %scan3A_245 = arith.constant 1 : i32
        %mul3A_246 = arith.constant 16 : i32
        %mul3A_247 = arith.muli %scan3A_245, %mul3A_246 : i32
        %get3A_248 = arith.index_cast %scan3A_230 : i32 to index
        %get3A_249 = arith.index_cast %mul3A_247 : i32 to index
        %get3A_250 = tpu.vector_load %arg9[%get3A_248, %get3A_249] {strides = array<i32>} : memref<8x768xf32, #tpu.memory_space<vmem>>, vector<1x16xf32>,
        %get3A_251 = vector.shape_cast %get3A_250 : vector<1x16xf32> to vector<16xf32>
        %get3A_252 = arith.index_cast %scan3A_230 : i32 to index
        %get3A_253 = arith.index_cast %mul3A_247 : i32 to index
        %get3A_254 = tpu.vector_load %arg13[%get3A_252, %get3A_253] {strides = array<i32>} : memref<8x768xf32, #tpu.memory_space<vmem>>, vector<1x16xf32>,
        %get3A_255 = vector.shape_cast %get3A_254 : vector<1x16xf32> to vector<16xf32>
        %sub3A_256 = arith.subf %get3A_251, %get3A_255 : vector<16xf32>
        %swap3A_257 = arith.index_cast %scan3A_230 : i32 to index
        %swap3A_258 = arith.index_cast %mul3A_247 : i32 to index
        %swap3A_259 = tpu.vector_load %arg9[%swap3A_257, %swap3A_258] {strides = array<i32>} : memref<8x768xf32, #tpu.memory_space<vmem>>, vector<1x16xf32>,
        %swap3A_260 = vector.shape_cast %swap3A_259 : vector<1x16xf32> to vector<16xf32>
        %swap3A_261 = vector.shape_cast %sub3A_256 : vector<16xf32> to vector<1x16xf32>
        tpu.vector_store %arg9[%swap3A_257, %swap3A_258], %swap3A_261 {strides = array<i32>} : memref<8x768xf32, #tpu.memory_space<vmem>>, vector<1x16xf32>,
        %scan3A_262 = arith.constant 2 : i32
        %mul3A_263 = arith.constant 16 : i32
        %mul3A_264 = arith.muli %scan3A_262, %mul3A_263 : i32
        %get3A_265 = arith.index_cast %scan3A_230 : i32 to index
        %get3A_266 = arith.index_cast %mul3A_264 : i32 to index
        %get3A_267 = tpu.vector_load %arg9[%get3A_265, %get3A_266] {strides = array<i32>} : memref<8x768xf32, #tpu.memory_space<vmem>>, vector<1x16xf32>,
        %get3A_268 = vector.shape_cast %get3A_267 : vector<1x16xf32> to vector<16xf32>
        %get3A_269 = arith.index_cast %scan3A_230 : i32 to index
        %get3A_270 = arith.index_cast %mul3A_264 : i32 to index
        %get3A_271 = tpu.vector_load %arg13[%get3A_269, %get3A_270] {strides = array<i32>} : memref<8x768xf32, #tpu.memory_space<vmem>>, vector<1x16xf32>,
        %get3A_272 = vector.shape_cast %get3A_271 : vector<1x16xf32> to vector<16xf32>
        %sub3A_273 = arith.subf %get3A_268, %get3A_272 : vector<16xf32>
        %swap3A_274 = arith.index_cast %scan3A_230 : i32 to index
        %swap3A_275 = arith.index_cast %mul3A_264 : i32 to index
        %swap3A_276 = tpu.vector_load %arg9[%swap3A_274, %swap3A_275] {strides = array<i32>} : memref<8x768xf32, #tpu.memory_space<vmem>>, vector<1x16xf32>,
        %swap3A_277 = vector.shape_cast %swap3A_276 : vector<1x16xf32> to vector<16xf32>
        %swap3A_278 = vector.shape_cast %sub3A_273 : vector<16xf32> to vector<1x16xf32>
        tpu.vector_store %arg9[%swap3A_274, %swap3A_275], %swap3A_278 {strides = array<i32>} : memref<8x768xf32, #tpu.memory_space<vmem>>, vector<1x16xf32>,
        %scan3A_279 = arith.constant 3 : i32
        %mul3A_280 = arith.constant 16 : i32
        %mul3A_281 = arith.muli %scan3A_279, %mul3A_280 : i32
        %get3A_282 = arith.index_cast %scan3A_230 : i32 to index
        %get3A_283 = arith.index_cast %mul3A_281 : i32 to index
        %get3A_284 = tpu.vector_load %arg9[%get3A_282, %get3A_283] {strides = array<i32>} : memref<8x768xf32, #tpu.memory_space<vmem>>, vector<1x16xf32>,
        %get3A_285 = vector.shape_cast %get3A_284 : vector<1x16xf32> to vector<16xf32>
        %get3A_286 = arith.index_cast %scan3A_230 : i32 to index
        %get3A_287 = arith.index_cast %mul3A_281 : i32 to index
        %get3A_288 = tpu.vector_load %arg13[%get3A_286, %get3A_287] {strides = array<i32>} : memref<8x768xf32, #tpu.memory_space<vmem>>, vector<1x16xf32>,
        %get3A_289 = vector.shape_cast %get3A_288 : vector<1x16xf32> to vector<16xf32>
        %sub3A_290 = arith.subf %get3A_285, %get3A_289 : vector<16xf32>
        %swap3A_291 = arith.index_cast %scan3A_230 : i32 to index
        %swap3A_292 = arith.index_cast %mul3A_281 : i32 to index
        %swap3A_293 = tpu.vector_load %arg9[%swap3A_291, %swap3A_292] {strides = array<i32>} : memref<8x768xf32, #tpu.memory_space<vmem>>, vector<1x16xf32>,
        %swap3A_294 = vector.shape_cast %swap3A_293 : vector<1x16xf32> to vector<16xf32>
        %swap3A_295 = vector.shape_cast %sub3A_290 : vector<16xf32> to vector<1x16xf32>
        tpu.vector_store %arg9[%swap3A_291, %swap3A_292], %swap3A_295 {strides = array<i32>} : memref<8x768xf32, #tpu.memory_space<vmem>>, vector<1x16xf32>,
        %scan3A_296 = arith.constant 4 : i32
        %mul3A_297 = arith.constant 16 : i32
        %mul3A_298 = arith.muli %scan3A_296, %mul3A_297 : i32
        %get3A_299 = arith.index_cast %scan3A_230 : i32 to index
        %get3A_300 = arith.index_cast %mul3A_298 : i32 to index
        %get3A_301 = tpu.vector_load %arg9[%get3A_299, %get3A_300] {strides = array<i32>} : memref<8x768xf32, #tpu.memory_space<vmem>>, vector<1x16xf32>,
        %get3A_302 = vector.shape_cast %get3A_301 : vector<1x16xf32> to vector<16xf32>
        %get3A_303 = arith.index_cast %scan3A_230 : i32 to index
        %get3A_304 = arith.index_cast %mul3A_298 : i32 to index
        %get3A_305 = tpu.vector_load %arg13[%get3A_303, %get3A_304] {strides = array<i32>} : memref<8x768xf32, #tpu.memory_space<vmem>>, vector<1x16xf32>,
        %get3A_306 = vector.shape_cast %get3A_305 : vector<1x16xf32> to vector<16xf32>
        %sub3A_307 = arith.subf %get3A_302, %get3A_306 : vector<16xf32>
        %swap3A_308 = arith.index_cast %scan3A_230 : i32 to index
        %swap3A_309 = arith.index_cast %mul3A_298 : i32 to index
        %swap3A_310 = tpu.vector_load %arg9[%swap3A_308, %swap3A_309] {strides = array<i32>} : memref<8x768xf32, #tpu.memory_space<vmem>>, vector<1x16xf32>,
        %swap3A_311 = vector.shape_cast %swap3A_310 : vector<1x16xf32> to vector<16xf32>
        %swap3A_312 = vector.shape_cast %sub3A_307 : vector<16xf32> to vector<1x16xf32>
        tpu.vector_store %arg9[%swap3A_308, %swap3A_309], %swap3A_312 {strides = array<i32>} : memref<8x768xf32, #tpu.memory_space<vmem>>, vector<1x16xf32>,
        %scan3A_313 = arith.constant 5 : i32
        %mul3A_314 = arith.constant 16 : i32
        %mul3A_315 = arith.muli %scan3A_313, %mul3A_314 : i32
        %get3A_316 = arith.index_cast %scan3A_230 : i32 to index
        %get3A_317 = arith.index_cast %mul3A_315 : i32 to index
        %get3A_318 = tpu.vector_load %arg9[%get3A_316, %get3A_317] {strides = array<i32>} : memref<8x768xf32, #tpu.memory_space<vmem>>, vector<1x16xf32>,
        %get3A_319 = vector.shape_cast %get3A_318 : vector<1x16xf32> to vector<16xf32>
        %get3A_320 = arith.index_cast %scan3A_230 : i32 to index
        %get3A_321 = arith.index_cast %mul3A_315 : i32 to index
        %get3A_322 = tpu.vector_load %arg13[%get3A_320, %get3A_321] {strides = array<i32>} : memref<8x768xf32, #tpu.memory_space<vmem>>, vector<1x16xf32>,
        %get3A_323 = vector.shape_cast %get3A_322 : vector<1x16xf32> to vector<16xf32>
        %sub3A_324 = arith.subf %get3A_319, %get3A_323 : vector<16xf32>
        %swap3A_325 = arith.index_cast %scan3A_230 : i32 to index
        %swap3A_326 = arith.index_cast %mul3A_315 : i32 to index
        %swap3A_327 = tpu.vector_load %arg9[%swap3A_325, %swap3A_326] {strides = array<i32>} : memref<8x768xf32, #tpu.memory_space<vmem>>, vector<1x16xf32>,
        %swap3A_328 = vector.shape_cast %swap3A_327 : vector<1x16xf32> to vector<16xf32>
        %swap3A_329 = vector.shape_cast %sub3A_324 : vector<16xf32> to vector<1x16xf32>
        tpu.vector_store %arg9[%swap3A_325, %swap3A_326], %swap3A_329 {strides = array<i32>} : memref<8x768xf32, #tpu.memory_space<vmem>>, vector<1x16xf32>,
        %scan3A_330 = arith.constant 6 : i32
        %mul3A_331 = arith.constant 16 : i32
        %mul3A_332 = arith.muli %scan3A_330, %mul3A_331 : i32
        %get3A_333 = arith.index_cast %scan3A_230 : i32 to index
        %get3A_334 = arith.index_cast %mul3A_332 : i32 to index
        %get3A_335 = tpu.vector_load %arg9[%get3A_333, %get3A_334] {strides = array<i32>} : memref<8x768xf32, #tpu.memory_space<vmem>>, vector<1x16xf32>,
        %get3A_336 = vector.shape_cast %get3A_335 : vector<1x16xf32> to vector<16xf32>
        %get3A_337 = arith.index_cast %scan3A_230 : i32 to index
        %get3A_338 = arith.index_cast %mul3A_332 : i32 to index
        %get3A_339 = tpu.vector_load %arg13[%get3A_337, %get3A_338] {strides = array<i32>} : memref<8x768xf32, #tpu.memory_space<vmem>>, vector<1x16xf32>,
        %get3A_340 = vector.shape_cast %get3A_339 : vector<1x16xf32> to vector<16xf32>
        %sub3A_341 = arith.subf %get3A_336, %get3A_340 : vector<16xf32>
        %swap3A_342 = arith.index_cast %scan3A_230 : i32 to index
        %swap3A_343 = arith.index_cast %mul3A_332 : i32 to index
        %swap3A_344 = tpu.vector_load %arg9[%swap3A_342, %swap3A_343] {strides = array<i32>} : memref<8x768xf32, #tpu.memory_space<vmem>>, vector<1x16xf32>,
        %swap3A_345 = vector.shape_cast %swap3A_344 : vector<1x16xf32> to vector<16xf32>
        %swap3A_346 = vector.shape_cast %sub3A_341 : vector<16xf32> to vector<1x16xf32>
        tpu.vector_store %arg9[%swap3A_342, %swap3A_343], %swap3A_346 {strides = array<i32>} : memref<8x768xf32, #tpu.memory_space<vmem>>, vector<1x16xf32>,
        %scan3A_347 = arith.constant 7 : i32
        %mul3A_348 = arith.constant 16 : i32
        %mul3A_349 = arith.muli %scan3A_347, %mul3A_348 : i32
        %get3A_350 = arith.index_cast %scan3A_230 : i32 to index
        %get3A_351 = arith.index_cast %mul3A_349 : i32 to index
        %get3A_352 = tpu.vector_load %arg9[%get3A_350, %get3A_351] {strides = array<i32>} : memref<8x768xf32, #tpu.memory_space<vmem>>, vector<1x16xf32>,
        %get3A_353 = vector.shape_cast %get3A_352 : vector<1x16xf32> to vector<16xf32>
        %get3A_354 = arith.index_cast %scan3A_230 : i32 to index
        %get3A_355 = arith.index_cast %mul3A_349 : i32 to index
        %get3A_356 = tpu.vector_load %arg13[%get3A_354, %get3A_355] {strides = array<i32>} : memref<8x768xf32, #tpu.memory_space<vmem>>, vector<1x16xf32>,
        %get3A_357 = vector.shape_cast %get3A_356 : vector<1x16xf32> to vector<16xf32>
        %sub3A_358 = arith.subf %get3A_353, %get3A_357 : vector<16xf32>
        %swap3A_359 = arith.index_cast %scan3A_230 : i32 to index
        %swap3A_360 = arith.index_cast %mul3A_349 : i32 to index
        %swap3A_361 = tpu.vector_load %arg9[%swap3A_359, %swap3A_360] {strides = array<i32>} : memref<8x768xf32, #tpu.memory_space<vmem>>, vector<1x16xf32>,
        %swap3A_362 = vector.shape_cast %swap3A_361 : vector<1x16xf32> to vector<16xf32>
        %swap3A_363 = vector.shape_cast %sub3A_358 : vector<16xf32> to vector<1x16xf32>
        tpu.vector_store %arg9[%swap3A_359, %swap3A_360], %swap3A_363 {strides = array<i32>} : memref<8x768xf32, #tpu.memory_space<vmem>>, vector<1x16xf32>,
        %scan3A_364 = arith.constant 8 : i32
        %mul3A_365 = arith.constant 16 : i32
        %mul3A_366 = arith.muli %scan3A_364, %mul3A_365 : i32
        %get3A_367 = arith.index_cast %scan3A_230 : i32 to index
        %get3A_368 = arith.index_cast %mul3A_366 : i32 to index
        %get3A_369 = tpu.vector_load %arg9[%get3A_367, %get3A_368] {strides = array<i32>} : memref<8x768xf32, #tpu.memory_space<vmem>>, vector<1x16xf32>,
        %get3A_370 = vector.shape_cast %get3A_369 : vector<1x16xf32> to vector<16xf32>
        %get3A_371 = arith.index_cast %scan3A_230 : i32 to index
        %get3A_372 = arith.index_cast %mul3A_366 : i32 to index
        %get3A_373 = tpu.vector_load %arg13[%get3A_371, %get3A_372] {strides = array<i32>} : memref<8x768xf32, #tpu.memory_space<vmem>>, vector<1x16xf32>,
        %get3A_374 = vector.shape_cast %get3A_373 : vector<1x16xf32> to vector<16xf32>
        %sub3A_375 = arith.subf %get3A_370, %get3A_374 : vector<16xf32>
        %swap3A_376 = arith.index_cast %scan3A_230 : i32 to index
        %swap3A_377 = arith.index_cast %mul3A_366 : i32 to index
        %swap3A_378 = tpu.vector_load %arg9[%swap3A_376, %swap3A_377] {strides = array<i32>} : memref<8x768xf32, #tpu.memory_space<vmem>>, vector<1x16xf32>,
        %swap3A_379 = vector.shape_cast %swap3A_378 : vector<1x16xf32> to vector<16xf32>
        %swap3A_380 = vector.shape_cast %sub3A_375 : vector<16xf32> to vector<1x16xf32>
        tpu.vector_store %arg9[%swap3A_376, %swap3A_377], %swap3A_380 {strides = array<i32>} : memref<8x768xf32, #tpu.memory_space<vmem>>, vector<1x16xf32>,
        %scan3A_381 = arith.constant 9 : i32
        %mul3A_382 = arith.constant 16 : i32
        %mul3A_383 = arith.muli %scan3A_381, %mul3A_382 : i32
        %get3A_384 = arith.index_cast %scan3A_230 : i32 to index
        %get3A_385 = arith.index_cast %mul3A_383 : i32 to index
        %get3A_386 = tpu.vector_load %arg9[%get3A_384, %get3A_385] {strides = array<i32>} : memref<8x768xf32, #tpu.memory_space<vmem>>, vector<1x16xf32>,
        %get3A_387 = vector.shape_cast %get3A_386 : vector<1x16xf32> to vector<16xf32>
        %get3A_388 = arith.index_cast %scan3A_230 : i32 to index
        %get3A_389 = arith.index_cast %mul3A_383 : i32 to index
        %get3A_390 = tpu.vector_load %arg13[%get3A_388, %get3A_389] {strides = array<i32>} : memref<8x768xf32, #tpu.memory_space<vmem>>, vector<1x16xf32>,
        %get3A_391 = vector.shape_cast %get3A_390 : vector<1x16xf32> to vector<16xf32>
        %sub3A_392 = arith.subf %get3A_387, %get3A_391 : vector<16xf32>
        %swap3A_393 = arith.index_cast %scan3A_230 : i32 to index
        %swap3A_394 = arith.index_cast %mul3A_383 : i32 to index
        %swap3A_395 = tpu.vector_load %arg9[%swap3A_393, %swap3A_394] {strides = array<i32>} : memref<8x768xf32, #tpu.memory_space<vmem>>, vector<1x16xf32>,
        %swap3A_396 = vector.shape_cast %swap3A_395 : vector<1x16xf32> to vector<16xf32>
        %swap3A_397 = vector.shape_cast %sub3A_392 : vector<16xf32> to vector<1x16xf32>
        tpu.vector_store %arg9[%swap3A_393, %swap3A_394], %swap3A_397 {strides = array<i32>} : memref<8x768xf32, #tpu.memory_space<vmem>>, vector<1x16xf32>,
        %scan3A_398 = arith.constant 10 : i32
        %mul3A_399 = arith.constant 16 : i32
        %mul3A_400 = arith.muli %scan3A_398, %mul3A_399 : i32
        %get3A_401 = arith.index_cast %scan3A_230 : i32 to index
        %get3A_402 = arith.index_cast %mul3A_400 : i32 to index
        %get3A_403 = tpu.vector_load %arg9[%get3A_401, %get3A_402] {strides = array<i32>} : memref<8x768xf32, #tpu.memory_space<vmem>>, vector<1x16xf32>,
        %get3A_404 = vector.shape_cast %get3A_403 : vector<1x16xf32> to vector<16xf32>
        %get3A_405 = arith.index_cast %scan3A_230 : i32 to index
        %get3A_406 = arith.index_cast %mul3A_400 : i32 to index
        %get3A_407 = tpu.vector_load %arg13[%get3A_405, %get3A_406] {strides = array<i32>} : memref<8x768xf32, #tpu.memory_space<vmem>>, vector<1x16xf32>,
        %get3A_408 = vector.shape_cast %get3A_407 : vector<1x16xf32> to vector<16xf32>
        %sub3A_409 = arith.subf %get3A_404, %get3A_408 : vector<16xf32>
        %swap3A_410 = arith.index_cast %scan3A_230 : i32 to index
        %swap3A_411 = arith.index_cast %mul3A_400 : i32 to index
        %swap3A_412 = tpu.vector_load %arg9[%swap3A_410, %swap3A_411] {strides = array<i32>} : memref<8x768xf32, #tpu.memory_space<vmem>>, vector<1x16xf32>,
        %swap3A_413 = vector.shape_cast %swap3A_412 : vector<1x16xf32> to vector<16xf32>
        %swap3A_414 = vector.shape_cast %sub3A_409 : vector<16xf32> to vector<1x16xf32>
        tpu.vector_store %arg9[%swap3A_410, %swap3A_411], %swap3A_414 {strides = array<i32>} : memref<8x768xf32, #tpu.memory_space<vmem>>, vector<1x16xf32>,
        %scan3A_415 = arith.constant 11 : i32
        %mul3A_416 = arith.constant 16 : i32
        %mul3A_417 = arith.muli %scan3A_415, %mul3A_416 : i32
        %get3A_418 = arith.index_cast %scan3A_230 : i32 to index
        %get3A_419 = arith.index_cast %mul3A_417 : i32 to index
        %get3A_420 = tpu.vector_load %arg9[%get3A_418, %get3A_419] {strides = array<i32>} : memref<8x768xf32, #tpu.memory_space<vmem>>, vector<1x16xf32>,
        %get3A_421 = vector.shape_cast %get3A_420 : vector<1x16xf32> to vector<16xf32>
        %get3A_422 = arith.index_cast %scan3A_230 : i32 to index
        %get3A_423 = arith.index_cast %mul3A_417 : i32 to index
        %get3A_424 = tpu.vector_load %arg13[%get3A_422, %get3A_423] {strides = array<i32>} : memref<8x768xf32, #tpu.memory_space<vmem>>, vector<1x16xf32>,
        %get3A_425 = vector.shape_cast %get3A_424 : vector<1x16xf32> to vector<16xf32>
        %sub3A_426 = arith.subf %get3A_421, %get3A_425 : vector<16xf32>
        %swap3A_427 = arith.index_cast %scan3A_230 : i32 to index
        %swap3A_428 = arith.index_cast %mul3A_417 : i32 to index
        %swap3A_429 = tpu.vector_load %arg9[%swap3A_427, %swap3A_428] {strides = array<i32>} : memref<8x768xf32, #tpu.memory_space<vmem>>, vector<1x16xf32>,
        %swap3A_430 = vector.shape_cast %swap3A_429 : vector<1x16xf32> to vector<16xf32>
        %swap3A_431 = vector.shape_cast %sub3A_426 : vector<16xf32> to vector<1x16xf32>
        tpu.vector_store %arg9[%swap3A_427, %swap3A_428], %swap3A_431 {strides = array<i32>} : memref<8x768xf32, #tpu.memory_space<vmem>>, vector<1x16xf32>,
        %scan3A_432 = arith.constant 12 : i32
        %mul3A_433 = arith.constant 16 : i32
        %mul3A_434 = arith.muli %scan3A_432, %mul3A_433 : i32
        %get3A_435 = arith.index_cast %scan3A_230 : i32 to index
        %get3A_436 = arith.index_cast %mul3A_434 : i32 to index
        %get3A_437 = tpu.vector_load %arg9[%get3A_435, %get3A_436] {strides = array<i32>} : memref<8x768xf32, #tpu.memory_space<vmem>>, vector<1x16xf32>,
        %get3A_438 = vector.shape_cast %get3A_437 : vector<1x16xf32> to vector<16xf32>
        %get3A_439 = arith.index_cast %scan3A_230 : i32 to index
        %get3A_440 = arith.index_cast %mul3A_434 : i32 to index
        %get3A_441 = tpu.vector_load %arg13[%get3A_439, %get3A_440] {strides = array<i32>} : memref<8x768xf32, #tpu.memory_space<vmem>>, vector<1x16xf32>,
        %get3A_442 = vector.shape_cast %get3A_441 : vector<1x16xf32> to vector<16xf32>
        %sub3A_443 = arith.subf %get3A_438, %get3A_442 : vector<16xf32>
        %swap3A_444 = arith.index_cast %scan3A_230 : i32 to index
        %swap3A_445 = arith.index_cast %mul3A_434 : i32 to index
        %swap3A_446 = tpu.vector_load %arg9[%swap3A_444, %swap3A_445] {strides = array<i32>} : memref<8x768xf32, #tpu.memory_space<vmem>>, vector<1x16xf32>,
        %swap3A_447 = vector.shape_cast %swap3A_446 : vector<1x16xf32> to vector<16xf32>
        %swap3A_448 = vector.shape_cast %sub3A_443 : vector<16xf32> to vector<1x16xf32>
        tpu.vector_store %arg9[%swap3A_444, %swap3A_445], %swap3A_448 {strides = array<i32>} : memref<8x768xf32, #tpu.memory_space<vmem>>, vector<1x16xf32>,
        %scan3A_449 = arith.constant 13 : i32
        %mul3A_450 = arith.constant 16 : i32
        %mul3A_451 = arith.muli %scan3A_449, %mul3A_450 : i32
        %get3A_452 = arith.index_cast %scan3A_230 : i32 to index
        %get3A_453 = arith.index_cast %mul3A_451 : i32 to index
        %get3A_454 = tpu.vector_load %arg9[%get3A_452, %get3A_453] {strides = array<i32>} : memref<8x768xf32, #tpu.memory_space<vmem>>, vector<1x16xf32>,
        %get3A_455 = vector.shape_cast %get3A_454 : vector<1x16xf32> to vector<16xf32>
        %get3A_456 = arith.index_cast %scan3A_230 : i32 to index
        %get3A_457 = arith.index_cast %mul3A_451 : i32 to index
        %get3A_458 = tpu.vector_load %arg13[%get3A_456, %get3A_457] {strides = array<i32>} : memref<8x768xf32, #tpu.memory_space<vmem>>, vector<1x16xf32>,
        %get3A_459 = vector.shape_cast %get3A_458 : vector<1x16xf32> to vector<16xf32>
        %sub3A_460 = arith.subf %get3A_455, %get3A_459 : vector<16xf32>
        %swap3A_461 = arith.index_cast %scan3A_230 : i32 to index
        %swap3A_462 = arith.index_cast %mul3A_451 : i32 to index
        %swap3A_463 = tpu.vector_load %arg9[%swap3A_461, %swap3A_462] {strides = array<i32>} : memref<8x768xf32, #tpu.memory_space<vmem>>, vector<1x16xf32>,
        %swap3A_464 = vector.shape_cast %swap3A_463 : vector<1x16xf32> to vector<16xf32>
        %swap3A_465 = vector.shape_cast %sub3A_460 : vector<16xf32> to vector<1x16xf32>
        tpu.vector_store %arg9[%swap3A_461, %swap3A_462], %swap3A_465 {strides = array<i32>} : memref<8x768xf32, #tpu.memory_space<vmem>>, vector<1x16xf32>,
        %scan3A_466 = arith.constant 14 : i32
        %mul3A_467 = arith.constant 16 : i32
        %mul3A_468 = arith.muli %scan3A_466, %mul3A_467 : i32
        %get3A_469 = arith.index_cast %scan3A_230 : i32 to index
        %get3A_470 = arith.index_cast %mul3A_468 : i32 to index
        %get3A_471 = tpu.vector_load %arg9[%get3A_469, %get3A_470] {strides = array<i32>} : memref<8x768xf32, #tpu.memory_space<vmem>>, vector<1x16xf32>,
        %get3A_472 = vector.shape_cast %get3A_471 : vector<1x16xf32> to vector<16xf32>
        %get3A_473 = arith.index_cast %scan3A_230 : i32 to index
        %get3A_474 = arith.index_cast %mul3A_468 : i32 to index
        %get3A_475 = tpu.vector_load %arg13[%get3A_473, %get3A_474] {strides = array<i32>} : memref<8x768xf32, #tpu.memory_space<vmem>>, vector<1x16xf32>,
        %get3A_476 = vector.shape_cast %get3A_475 : vector<1x16xf32> to vector<16xf32>
        %sub3A_477 = arith.subf %get3A_472, %get3A_476 : vector<16xf32>
        %swap3A_478 = arith.index_cast %scan3A_230 : i32 to index
        %swap3A_479 = arith.index_cast %mul3A_468 : i32 to index
        %swap3A_480 = tpu.vector_load %arg9[%swap3A_478, %swap3A_479] {strides = array<i32>} : memref<8x768xf32, #tpu.memory_space<vmem>>, vector<1x16xf32>,
        %swap3A_481 = vector.shape_cast %swap3A_480 : vector<1x16xf32> to vector<16xf32>
        %swap3A_482 = vector.shape_cast %sub3A_477 : vector<16xf32> to vector<1x16xf32>
        tpu.vector_store %arg9[%swap3A_478, %swap3A_479], %swap3A_482 {strides = array<i32>} : memref<8x768xf32, #tpu.memory_space<vmem>>, vector<1x16xf32>,
        %scan3A_483 = arith.constant 15 : i32
        %mul3A_484 = arith.constant 16 : i32
        %mul3A_485 = arith.muli %scan3A_483, %mul3A_484 : i32
        %get3A_486 = arith.index_cast %scan3A_230 : i32 to index
        %get3A_487 = arith.index_cast %mul3A_485 : i32 to index
        %get3A_488 = tpu.vector_load %arg9[%get3A_486, %get3A_487] {strides = array<i32>} : memref<8x768xf32, #tpu.memory_space<vmem>>, vector<1x16xf32>,
        %get3A_489 = vector.shape_cast %get3A_488 : vector<1x16xf32> to vector<16xf32>
        %get3A_490 = arith.index_cast %scan3A_230 : i32 to index
        %get3A_491 = arith.index_cast %mul3A_485 : i32 to index
        %get3A_492 = tpu.vector_load %arg13[%get3A_490, %get3A_491] {strides = array<i32>} : memref<8x768xf32, #tpu.memory_space<vmem>>, vector<1x16xf32>,
        %get3A_493 = vector.shape_cast %get3A_492 : vector<1x16xf32> to vector<16xf32>
        %sub3A_494 = arith.subf %get3A_489, %get3A_493 : vector<16xf32>
        %swap3A_495 = arith.index_cast %scan3A_230 : i32 to index
        %swap3A_496 = arith.index_cast %mul3A_485 : i32 to index
        %swap3A_497 = tpu.vector_load %arg9[%swap3A_495, %swap3A_496] {strides = array<i32>} : memref<8x768xf32, #tpu.memory_space<vmem>>, vector<1x16xf32>,
        %swap3A_498 = vector.shape_cast %swap3A_497 : vector<1x16xf32> to vector<16xf32>
        %swap3A_499 = vector.shape_cast %sub3A_494 : vector<16xf32> to vector<1x16xf32>
        tpu.vector_store %arg9[%swap3A_495, %swap3A_496], %swap3A_499 {strides = array<i32>} : memref<8x768xf32, #tpu.memory_space<vmem>>, vector<1x16xf32>,
        %scan3A_500 = arith.constant 16 : i32
        %mul3A_501 = arith.constant 16 : i32
        %mul3A_502 = arith.muli %scan3A_500, %mul3A_501 : i32
        %get3A_503 = arith.index_cast %scan3A_230 : i32 to index
        %get3A_504 = arith.index_cast %mul3A_502 : i32 to index
        %get3A_505 = tpu.vector_load %arg9[%get3A_503, %get3A_504] {strides = array<i32>} : memref<8x768xf32, #tpu.memory_space<vmem>>, vector<1x16xf32>,
        %get3A_506 = vector.shape_cast %get3A_505 : vector<1x16xf32> to vector<16xf32>
        %get3A_507 = arith.index_cast %scan3A_230 : i32 to index
        %get3A_508 = arith.index_cast %mul3A_502 : i32 to index
        %get3A_509 = tpu.vector_load %arg13[%get3A_507, %get3A_508] {strides = array<i32>} : memref<8x768xf32, #tpu.memory_space<vmem>>, vector<1x16xf32>,
        %get3A_510 = vector.shape_cast %get3A_509 : vector<1x16xf32> to vector<16xf32>
        %sub3A_511 = arith.subf %get3A_506, %get3A_510 : vector<16xf32>
        %swap3A_512 = arith.index_cast %scan3A_230 : i32 to index
        %swap3A_513 = arith.index_cast %mul3A_502 : i32 to index
        %swap3A_514 = tpu.vector_load %arg9[%swap3A_512, %swap3A_513] {strides = array<i32>} : memref<8x768xf32, #tpu.memory_space<vmem>>, vector<1x16xf32>,
        %swap3A_515 = vector.shape_cast %swap3A_514 : vector<1x16xf32> to vector<16xf32>
        %swap3A_516 = vector.shape_cast %sub3A_511 : vector<16xf32> to vector<1x16xf32>
        tpu.vector_store %arg9[%swap3A_512, %swap3A_513], %swap3A_516 {strides = array<i32>} : memref<8x768xf32, #tpu.memory_space<vmem>>, vector<1x16xf32>,
        %scan3A_517 = arith.constant 17 : i32
        %mul3A_518 = arith.constant 16 : i32
        %mul3A_519 = arith.muli %scan3A_517, %mul3A_518 : i32
        %get3A_520 = arith.index_cast %scan3A_230 : i32 to index
        %get3A_521 = arith.index_cast %mul3A_519 : i32 to index
        %get3A_522 = tpu.vector_load %arg9[%get3A_520, %get3A_521] {strides = array<i32>} : memref<8x768xf32, #tpu.memory_space<vmem>>, vector<1x16xf32>,
        %get3A_523 = vector.shape_cast %get3A_522 : vector<1x16xf32> to vector<16xf32>
        %get3A_524 = arith.index_cast %scan3A_230 : i32 to index
        %get3A_525 = arith.index_cast %mul3A_519 : i32 to index
        %get3A_526 = tpu.vector_load %arg13[%get3A_524, %get3A_525] {strides = array<i32>} : memref<8x768xf32, #tpu.memory_space<vmem>>, vector<1x16xf32>,
        %get3A_527 = vector.shape_cast %get3A_526 : vector<1x16xf32> to vector<16xf32>
        %sub3A_528 = arith.subf %get3A_523, %get3A_527 : vector<16xf32>
        %swap3A_529 = arith.index_cast %scan3A_230 : i32 to index
        %swap3A_530 = arith.index_cast %mul3A_519 : i32 to index
        %swap3A_531 = tpu.vector_load %arg9[%swap3A_529, %swap3A_530] {strides = array<i32>} : memref<8x768xf32, #tpu.memory_space<vmem>>, vector<1x16xf32>,
        %swap3A_532 = vector.shape_cast %swap3A_531 : vector<1x16xf32> to vector<16xf32>
        %swap3A_533 = vector.shape_cast %sub3A_528 : vector<16xf32> to vector<1x16xf32>
        tpu.vector_store %arg9[%swap3A_529, %swap3A_530], %swap3A_533 {strides = array<i32>} : memref<8x768xf32, #tpu.memory_space<vmem>>, vector<1x16xf32>,
        %scan3A_534 = arith.constant 18 : i32
        %mul3A_535 = arith.constant 16 : i32
        %mul3A_536 = arith.muli %scan3A_534, %mul3A_535 : i32
        %get3A_537 = arith.index_cast %scan3A_230 : i32 to index
        %get3A_538 = arith.index_cast %mul3A_536 : i32 to index
        %get3A_539 = tpu.vector_load %arg9[%get3A_537, %get3A_538] {strides = array<i32>} : memref<8x768xf32, #tpu.memory_space<vmem>>, vector<1x16xf32>,
        %get3A_540 = vector.shape_cast %get3A_539 : vector<1x16xf32> to vector<16xf32>
        %get3A_541 = arith.index_cast %scan3A_230 : i32 to index
        %get3A_542 = arith.index_cast %mul3A_536 : i32 to index
        %get3A_543 = tpu.vector_load %arg13[%get3A_541, %get3A_542] {strides = array<i32>} : memref<8x768xf32, #tpu.memory_space<vmem>>, vector<1x16xf32>,
        %get3A_544 = vector.shape_cast %get3A_543 : vector<1x16xf32> to vector<16xf32>
        %sub3A_545 = arith.subf %get3A_540, %get3A_544 : vector<16xf32>
        %swap3A_546 = arith.index_cast %scan3A_230 : i32 to index
        %swap3A_547 = arith.index_cast %mul3A_536 : i32 to index
        %swap3A_548 = tpu.vector_load %arg9[%swap3A_546, %swap3A_547] {strides = array<i32>} : memref<8x768xf32, #tpu.memory_space<vmem>>, vector<1x16xf32>,
        %swap3A_549 = vector.shape_cast %swap3A_548 : vector<1x16xf32> to vector<16xf32>
        %swap3A_550 = vector.shape_cast %sub3A_545 : vector<16xf32> to vector<1x16xf32>
        tpu.vector_store %arg9[%swap3A_546, %swap3A_547], %swap3A_550 {strides = array<i32>} : memref<8x768xf32, #tpu.memory_space<vmem>>, vector<1x16xf32>,
        %scan3A_551 = arith.constant 19 : i32
        %mul3A_552 = arith.constant 16 : i32
        %mul3A_553 = arith.muli %scan3A_551, %mul3A_552 : i32
        %get3A_554 = arith.index_cast %scan3A_230 : i32 to index
        %get3A_555 = arith.index_cast %mul3A_553 : i32 to index
        %get3A_556 = tpu.vector_load %arg9[%get3A_554, %get3A_555] {strides = array<i32>} : memref<8x768xf32, #tpu.memory_space<vmem>>, vector<1x16xf32>,
        %get3A_557 = vector.shape_cast %get3A_556 : vector<1x16xf32> to vector<16xf32>
        %get3A_558 = arith.index_cast %scan3A_230 : i32 to index
        %get3A_559 = arith.index_cast %mul3A_553 : i32 to index
        %get3A_560 = tpu.vector_load %arg13[%get3A_558, %get3A_559] {strides = array<i32>} : memref<8x768xf32, #tpu.memory_space<vmem>>, vector<1x16xf32>,
        %get3A_561 = vector.shape_cast %get3A_560 : vector<1x16xf32> to vector<16xf32>
        %sub3A_562 = arith.subf %get3A_557, %get3A_561 : vector<16xf32>
        %swap3A_563 = arith.index_cast %scan3A_230 : i32 to index
        %swap3A_564 = arith.index_cast %mul3A_553 : i32 to index
        %swap3A_565 = tpu.vector_load %arg9[%swap3A_563, %swap3A_564] {strides = array<i32>} : memref<8x768xf32, #tpu.memory_space<vmem>>, vector<1x16xf32>,
        %swap3A_566 = vector.shape_cast %swap3A_565 : vector<1x16xf32> to vector<16xf32>
        %swap3A_567 = vector.shape_cast %sub3A_562 : vector<16xf32> to vector<1x16xf32>
        tpu.vector_store %arg9[%swap3A_563, %swap3A_564], %swap3A_567 {strides = array<i32>} : memref<8x768xf32, #tpu.memory_space<vmem>>, vector<1x16xf32>,
        %scan3A_568 = arith.constant 20 : i32
        %mul3A_569 = arith.constant 16 : i32
        %mul3A_570 = arith.muli %scan3A_568, %mul3A_569 : i32
        %get3A_571 = arith.index_cast %scan3A_230 : i32 to index
        %get3A_572 = arith.index_cast %mul3A_570 : i32 to index
        %get3A_573 = tpu.vector_load %arg9[%get3A_571, %get3A_572] {strides = array<i32>} : memref<8x768xf32, #tpu.memory_space<vmem>>, vector<1x16xf32>,
        %get3A_574 = vector.shape_cast %get3A_573 : vector<1x16xf32> to vector<16xf32>
        %get3A_575 = arith.index_cast %scan3A_230 : i32 to index
        %get3A_576 = arith.index_cast %mul3A_570 : i32 to index
        %get3A_577 = tpu.vector_load %arg13[%get3A_575, %get3A_576] {strides = array<i32>} : memref<8x768xf32, #tpu.memory_space<vmem>>, vector<1x16xf32>,
        %get3A_578 = vector.shape_cast %get3A_577 : vector<1x16xf32> to vector<16xf32>
        %sub3A_579 = arith.subf %get3A_574, %get3A_578 : vector<16xf32>
        %swap3A_580 = arith.index_cast %scan3A_230 : i32 to index
        %swap3A_581 = arith.index_cast %mul3A_570 : i32 to index
        %swap3A_582 = tpu.vector_load %arg9[%swap3A_580, %swap3A_581] {strides = array<i32>} : memref<8x768xf32, #tpu.memory_space<vmem>>, vector<1x16xf32>,
        %swap3A_583 = vector.shape_cast %swap3A_582 : vector<1x16xf32> to vector<16xf32>
        %swap3A_584 = vector.shape_cast %sub3A_579 : vector<16xf32> to vector<1x16xf32>
        tpu.vector_store %arg9[%swap3A_580, %swap3A_581], %swap3A_584 {strides = array<i32>} : memref<8x768xf32, #tpu.memory_space<vmem>>, vector<1x16xf32>,
        %scan3A_585 = arith.constant 21 : i32
        %mul3A_586 = arith.constant 16 : i32
        %mul3A_587 = arith.muli %scan3A_585, %mul3A_586 : i32
        %get3A_588 = arith.index_cast %scan3A_230 : i32 to index
        %get3A_589 = arith.index_cast %mul3A_587 : i32 to index
        %get3A_590 = tpu.vector_load %arg9[%get3A_588, %get3A_589] {strides = array<i32>} : memref<8x768xf32, #tpu.memory_space<vmem>>, vector<1x16xf32>,
        %get3A_591 = vector.shape_cast %get3A_590 : vector<1x16xf32> to vector<16xf32>
        %get3A_592 = arith.index_cast %scan3A_230 : i32 to index
        %get3A_593 = arith.index_cast %mul3A_587 : i32 to index
        %get3A_594 = tpu.vector_load %arg13[%get3A_592, %get3A_593] {strides = array<i32>} : memref<8x768xf32, #tpu.memory_space<vmem>>, vector<1x16xf32>,
        %get3A_595 = vector.shape_cast %get3A_594 : vector<1x16xf32> to vector<16xf32>
        %sub3A_596 = arith.subf %get3A_591, %get3A_595 : vector<16xf32>
        %swap3A_597 = arith.index_cast %scan3A_230 : i32 to index
        %swap3A_598 = arith.index_cast %mul3A_587 : i32 to index
        %swap3A_599 = tpu.vector_load %arg9[%swap3A_597, %swap3A_598] {strides = array<i32>} : memref<8x768xf32, #tpu.memory_space<vmem>>, vector<1x16xf32>,
        %swap3A_600 = vector.shape_cast %swap3A_599 : vector<1x16xf32> to vector<16xf32>
        %swap3A_601 = vector.shape_cast %sub3A_596 : vector<16xf32> to vector<1x16xf32>
        tpu.vector_store %arg9[%swap3A_597, %swap3A_598], %swap3A_601 {strides = array<i32>} : memref<8x768xf32, #tpu.memory_space<vmem>>, vector<1x16xf32>,
        %scan3A_602 = arith.constant 22 : i32
        %mul3A_603 = arith.constant 16 : i32
        %mul3A_604 = arith.muli %scan3A_602, %mul3A_603 : i32
        %get3A_605 = arith.index_cast %scan3A_230 : i32 to index
        %get3A_606 = arith.index_cast %mul3A_604 : i32 to index
        %get3A_607 = tpu.vector_load %arg9[%get3A_605, %get3A_606] {strides = array<i32>} : memref<8x768xf32, #tpu.memory_space<vmem>>, vector<1x16xf32>,
        %get3A_608 = vector.shape_cast %get3A_607 : vector<1x16xf32> to vector<16xf32>
        %get3A_609 = arith.index_cast %scan3A_230 : i32 to index
        %get3A_610 = arith.index_cast %mul3A_604 : i32 to index
        %get3A_611 = tpu.vector_load %arg13[%get3A_609, %get3A_610] {strides = array<i32>} : memref<8x768xf32, #tpu.memory_space<vmem>>, vector<1x16xf32>,
        %get3A_612 = vector.shape_cast %get3A_611 : vector<1x16xf32> to vector<16xf32>
        %sub3A_613 = arith.subf %get3A_608, %get3A_612 : vector<16xf32>
        %swap3A_614 = arith.index_cast %scan3A_230 : i32 to index
        %swap3A_615 = arith.index_cast %mul3A_604 : i32 to index
        %swap3A_616 = tpu.vector_load %arg9[%swap3A_614, %swap3A_615] {strides = array<i32>} : memref<8x768xf32, #tpu.memory_space<vmem>>, vector<1x16xf32>,
        %swap3A_617 = vector.shape_cast %swap3A_616 : vector<1x16xf32> to vector<16xf32>
        %swap3A_618 = vector.shape_cast %sub3A_613 : vector<16xf32> to vector<1x16xf32>
        tpu.vector_store %arg9[%swap3A_614, %swap3A_615], %swap3A_618 {strides = array<i32>} : memref<8x768xf32, #tpu.memory_space<vmem>>, vector<1x16xf32>,
        %scan3A_619 = arith.constant 23 : i32
        %mul3A_620 = arith.constant 16 : i32
        %mul3A_621 = arith.muli %scan3A_619, %mul3A_620 : i32
        %get3A_622 = arith.index_cast %scan3A_230 : i32 to index
        %get3A_623 = arith.index_cast %mul3A_621 : i32 to index
        %get3A_624 = tpu.vector_load %arg9[%get3A_622, %get3A_623] {strides = array<i32>} : memref<8x768xf32, #tpu.memory_space<vmem>>, vector<1x16xf32>,
        %get3A_625 = vector.shape_cast %get3A_624 : vector<1x16xf32> to vector<16xf32>
        %get3A_626 = arith.index_cast %scan3A_230 : i32 to index
        %get3A_627 = arith.index_cast %mul3A_621 : i32 to index
        %get3A_628 = tpu.vector_load %arg13[%get3A_626, %get3A_627] {strides = array<i32>} : memref<8x768xf32, #tpu.memory_space<vmem>>, vector<1x16xf32>,
        %get3A_629 = vector.shape_cast %get3A_628 : vector<1x16xf32> to vector<16xf32>
        %sub3A_630 = arith.subf %get3A_625, %get3A_629 : vector<16xf32>
        %swap3A_631 = arith.index_cast %scan3A_230 : i32 to index
        %swap3A_632 = arith.index_cast %mul3A_621 : i32 to index
        %swap3A_633 = tpu.vector_load %arg9[%swap3A_631, %swap3A_632] {strides = array<i32>} : memref<8x768xf32, #tpu.memory_space<vmem>>, vector<1x16xf32>,
        %swap3A_634 = vector.shape_cast %swap3A_633 : vector<1x16xf32> to vector<16xf32>
        %swap3A_635 = vector.shape_cast %sub3A_630 : vector<16xf32> to vector<1x16xf32>
        tpu.vector_store %arg9[%swap3A_631, %swap3A_632], %swap3A_635 {strides = array<i32>} : memref<8x768xf32, #tpu.memory_space<vmem>>, vector<1x16xf32>,
        %scan3A_636 = arith.constant 24 : i32
        %mul3A_637 = arith.constant 16 : i32
        %mul3A_638 = arith.muli %scan3A_636, %mul3A_637 : i32
        %get3A_639 = arith.index_cast %scan3A_230 : i32 to index
        %get3A_640 = arith.index_cast %mul3A_638 : i32 to index
        %get3A_641 = tpu.vector_load %arg9[%get3A_639, %get3A_640] {strides = array<i32>} : memref<8x768xf32, #tpu.memory_space<vmem>>, vector<1x16xf32>,
        %get3A_642 = vector.shape_cast %get3A_641 : vector<1x16xf32> to vector<16xf32>
        %get3A_643 = arith.index_cast %scan3A_230 : i32 to index
        %get3A_644 = arith.index_cast %mul3A_638 : i32 to index
        %get3A_645 = tpu.vector_load %arg13[%get3A_643, %get3A_644] {strides = array<i32>} : memref<8x768xf32, #tpu.memory_space<vmem>>, vector<1x16xf32>,
        %get3A_646 = vector.shape_cast %get3A_645 : vector<1x16xf32> to vector<16xf32>
        %sub3A_647 = arith.subf %get3A_642, %get3A_646 : vector<16xf32>
        %swap3A_648 = arith.index_cast %scan3A_230 : i32 to index
        %swap3A_649 = arith.index_cast %mul3A_638 : i32 to index
        %swap3A_650 = tpu.vector_load %arg9[%swap3A_648, %swap3A_649] {strides = array<i32>} : memref<8x768xf32, #tpu.memory_space<vmem>>, vector<1x16xf32>,
        %swap3A_651 = vector.shape_cast %swap3A_650 : vector<1x16xf32> to vector<16xf32>
        %swap3A_652 = vector.shape_cast %sub3A_647 : vector<16xf32> to vector<1x16xf32>
        tpu.vector_store %arg9[%swap3A_648, %swap3A_649], %swap3A_652 {strides = array<i32>} : memref<8x768xf32, #tpu.memory_space<vmem>>, vector<1x16xf32>,
        %scan3A_653 = arith.constant 25 : i32
        %mul3A_654 = arith.constant 16 : i32
        %mul3A_655 = arith.muli %scan3A_653, %mul3A_654 : i32
        %get3A_656 = arith.index_cast %scan3A_230 : i32 to index
        %get3A_657 = arith.index_cast %mul3A_655 : i32 to index
        %get3A_658 = tpu.vector_load %arg9[%get3A_656, %get3A_657] {strides = array<i32>} : memref<8x768xf32, #tpu.memory_space<vmem>>, vector<1x16xf32>,
        %get3A_659 = vector.shape_cast %get3A_658 : vector<1x16xf32> to vector<16xf32>
        %get3A_660 = arith.index_cast %scan3A_230 : i32 to index
        %get3A_661 = arith.index_cast %mul3A_655 : i32 to index
        %get3A_662 = tpu.vector_load %arg13[%get3A_660, %get3A_661] {strides = array<i32>} : memref<8x768xf32, #tpu.memory_space<vmem>>, vector<1x16xf32>,
        %get3A_663 = vector.shape_cast %get3A_662 : vector<1x16xf32> to vector<16xf32>
        %sub3A_664 = arith.subf %get3A_659, %get3A_663 : vector<16xf32>
        %swap3A_665 = arith.index_cast %scan3A_230 : i32 to index
        %swap3A_666 = arith.index_cast %mul3A_655 : i32 to index
        %swap3A_667 = tpu.vector_load %arg9[%swap3A_665, %swap3A_666] {strides = array<i32>} : memref<8x768xf32, #tpu.memory_space<vmem>>, vector<1x16xf32>,
        %swap3A_668 = vector.shape_cast %swap3A_667 : vector<1x16xf32> to vector<16xf32>
        %swap3A_669 = vector.shape_cast %sub3A_664 : vector<16xf32> to vector<1x16xf32>
        tpu.vector_store %arg9[%swap3A_665, %swap3A_666], %swap3A_669 {strides = array<i32>} : memref<8x768xf32, #tpu.memory_space<vmem>>, vector<1x16xf32>,
        %scan3A_670 = arith.constant 26 : i32
        %mul3A_671 = arith.constant 16 : i32
        %mul3A_672 = arith.muli %scan3A_670, %mul3A_671 : i32
        %get3A_673 = arith.index_cast %scan3A_230 : i32 to index
        %get3A_674 = arith.index_cast %mul3A_672 : i32 to index
        %get3A_675 = tpu.vector_load %arg9[%get3A_673, %get3A_674] {strides = array<i32>} : memref<8x768xf32, #tpu.memory_space<vmem>>, vector<1x16xf32>,
        %get3A_676 = vector.shape_cast %get3A_675 : vector<1x16xf32> to vector<16xf32>
        %get3A_677 = arith.index_cast %scan3A_230 : i32 to index
        %get3A_678 = arith.index_cast %mul3A_672 : i32 to index
        %get3A_679 = tpu.vector_load %arg13[%get3A_677, %get3A_678] {strides = array<i32>} : memref<8x768xf32, #tpu.memory_space<vmem>>, vector<1x16xf32>,
        %get3A_680 = vector.shape_cast %get3A_679 : vector<1x16xf32> to vector<16xf32>
        %sub3A_681 = arith.subf %get3A_676, %get3A_680 : vector<16xf32>
        %swap3A_682 = arith.index_cast %scan3A_230 : i32 to index
        %swap3A_683 = arith.index_cast %mul3A_672 : i32 to index
        %swap3A_684 = tpu.vector_load %arg9[%swap3A_682, %swap3A_683] {strides = array<i32>} : memref<8x768xf32, #tpu.memory_space<vmem>>, vector<1x16xf32>,
        %swap3A_685 = vector.shape_cast %swap3A_684 : vector<1x16xf32> to vector<16xf32>
        %swap3A_686 = vector.shape_cast %sub3A_681 : vector<16xf32> to vector<1x16xf32>
        tpu.vector_store %arg9[%swap3A_682, %swap3A_683], %swap3A_686 {strides = array<i32>} : memref<8x768xf32, #tpu.memory_space<vmem>>, vector<1x16xf32>,
        %scan3A_687 = arith.constant 27 : i32
        %mul3A_688 = arith.constant 16 : i32
        %mul3A_689 = arith.muli %scan3A_687, %mul3A_688 : i32
        %get3A_690 = arith.index_cast %scan3A_230 : i32 to index
        %get3A_691 = arith.index_cast %mul3A_689 : i32 to index
        %get3A_692 = tpu.vector_load %arg9[%get3A_690, %get3A_691] {strides = array<i32>} : memref<8x768xf32, #tpu.memory_space<vmem>>, vector<1x16xf32>,
        %get3A_693 = vector.shape_cast %get3A_692 : vector<1x16xf32> to vector<16xf32>
        %get3A_694 = arith.index_cast %scan3A_230 : i32 to index
        %get3A_695 = arith.index_cast %mul3A_689 : i32 to index
        %get3A_696 = tpu.vector_load %arg13[%get3A_694, %get3A_695] {strides = array<i32>} : memref<8x768xf32, #tpu.memory_space<vmem>>, vector<1x16xf32>,
        %get3A_697 = vector.shape_cast %get3A_696 : vector<1x16xf32> to vector<16xf32>
        %sub3A_698 = arith.subf %get3A_693, %get3A_697 : vector<16xf32>
        %swap3A_699 = arith.index_cast %scan3A_230 : i32 to index
        %swap3A_700 = arith.index_cast %mul3A_689 : i32 to index
        %swap3A_701 = tpu.vector_load %arg9[%swap3A_699, %swap3A_700] {strides = array<i32>} : memref<8x768xf32, #tpu.memory_space<vmem>>, vector<1x16xf32>,
        %swap3A_702 = vector.shape_cast %swap3A_701 : vector<1x16xf32> to vector<16xf32>
        %swap3A_703 = vector.shape_cast %sub3A_698 : vector<16xf32> to vector<1x16xf32>
        tpu.vector_store %arg9[%swap3A_699, %swap3A_700], %swap3A_703 {strides = array<i32>} : memref<8x768xf32, #tpu.memory_space<vmem>>, vector<1x16xf32>,
        %scan3A_704 = arith.constant 28 : i32
        %mul3A_705 = arith.constant 16 : i32
        %mul3A_706 = arith.muli %scan3A_704, %mul3A_705 : i32
        %get3A_707 = arith.index_cast %scan3A_230 : i32 to index
        %get3A_708 = arith.index_cast %mul3A_706 : i32 to index
        %get3A_709 = tpu.vector_load %arg9[%get3A_707, %get3A_708] {strides = array<i32>} : memref<8x768xf32, #tpu.memory_space<vmem>>, vector<1x16xf32>,
        %get3A_710 = vector.shape_cast %get3A_709 : vector<1x16xf32> to vector<16xf32>
        %get3A_711 = arith.index_cast %scan3A_230 : i32 to index
        %get3A_712 = arith.index_cast %mul3A_706 : i32 to index
        %get3A_713 = tpu.vector_load %arg13[%get3A_711, %get3A_712] {strides = array<i32>} : memref<8x768xf32, #tpu.memory_space<vmem>>, vector<1x16xf32>,
        %get3A_714 = vector.shape_cast %get3A_713 : vector<1x16xf32> to vector<16xf32>
        %sub3A_715 = arith.subf %get3A_710, %get3A_714 : vector<16xf32>
        %swap3A_716 = arith.index_cast %scan3A_230 : i32 to index
        %swap3A_717 = arith.index_cast %mul3A_706 : i32 to index
        %swap3A_718 = tpu.vector_load %arg9[%swap3A_716, %swap3A_717] {strides = array<i32>} : memref<8x768xf32, #tpu.memory_space<vmem>>, vector<1x16xf32>,
        %swap3A_719 = vector.shape_cast %swap3A_718 : vector<1x16xf32> to vector<16xf32>
        %swap3A_720 = vector.shape_cast %sub3A_715 : vector<16xf32> to vector<1x16xf32>
        tpu.vector_store %arg9[%swap3A_716, %swap3A_717], %swap3A_720 {strides = array<i32>} : memref<8x768xf32, #tpu.memory_space<vmem>>, vector<1x16xf32>,
        %scan3A_721 = arith.constant 29 : i32
        %mul3A_722 = arith.constant 16 : i32
        %mul3A_723 = arith.muli %scan3A_721, %mul3A_722 : i32
        %get3A_724 = arith.index_cast %scan3A_230 : i32 to index
        %get3A_725 = arith.index_cast %mul3A_723 : i32 to index
        %get3A_726 = tpu.vector_load %arg9[%get3A_724, %get3A_725] {strides = array<i32>} : memref<8x768xf32, #tpu.memory_space<vmem>>, vector<1x16xf32>,
        %get3A_727 = vector.shape_cast %get3A_726 : vector<1x16xf32> to vector<16xf32>
        %get3A_728 = arith.index_cast %scan3A_230 : i32 to index
        %get3A_729 = arith.index_cast %mul3A_723 : i32 to index
        %get3A_730 = tpu.vector_load %arg13[%get3A_728, %get3A_729] {strides = array<i32>} : memref<8x768xf32, #tpu.memory_space<vmem>>, vector<1x16xf32>,
        %get3A_731 = vector.shape_cast %get3A_730 : vector<1x16xf32> to vector<16xf32>
        %sub3A_732 = arith.subf %get3A_727, %get3A_731 : vector<16xf32>
        %swap3A_733 = arith.index_cast %scan3A_230 : i32 to index
        %swap3A_734 = arith.index_cast %mul3A_723 : i32 to index
        %swap3A_735 = tpu.vector_load %arg9[%swap3A_733, %swap3A_734] {strides = array<i32>} : memref<8x768xf32, #tpu.memory_space<vmem>>, vector<1x16xf32>,
        %swap3A_736 = vector.shape_cast %swap3A_735 : vector<1x16xf32> to vector<16xf32>
        %swap3A_737 = vector.shape_cast %sub3A_732 : vector<16xf32> to vector<1x16xf32>
        tpu.vector_store %arg9[%swap3A_733, %swap3A_734], %swap3A_737 {strides = array<i32>} : memref<8x768xf32, #tpu.memory_space<vmem>>, vector<1x16xf32>,
        %scan3A_738 = arith.constant 30 : i32
        %mul3A_739 = arith.constant 16 : i32
        %mul3A_740 = arith.muli %scan3A_738, %mul3A_739 : i32
        %get3A_741 = arith.index_cast %scan3A_230 : i32 to index
        %get3A_742 = arith.index_cast %mul3A_740 : i32 to index
        %get3A_743 = tpu.vector_load %arg9[%get3A_741, %get3A_742] {strides = array<i32>} : memref<8x768xf32, #tpu.memory_space<vmem>>, vector<1x16xf32>,
        %get3A_744 = vector.shape_cast %get3A_743 : vector<1x16xf32> to vector<16xf32>
        %get3A_745 = arith.index_cast %scan3A_230 : i32 to index
        %get3A_746 = arith.index_cast %mul3A_740 : i32 to index
        %get3A_747 = tpu.vector_load %arg13[%get3A_745, %get3A_746] {strides = array<i32>} : memref<8x768xf32, #tpu.memory_space<vmem>>, vector<1x16xf32>,
        %get3A_748 = vector.shape_cast %get3A_747 : vector<1x16xf32> to vector<16xf32>
        %sub3A_749 = arith.subf %get3A_744, %get3A_748 : vector<16xf32>
        %swap3A_750 = arith.index_cast %scan3A_230 : i32 to index
        %swap3A_751 = arith.index_cast %mul3A_740 : i32 to index
        %swap3A_752 = tpu.vector_load %arg9[%swap3A_750, %swap3A_751] {strides = array<i32>} : memref<8x768xf32, #tpu.memory_space<vmem>>, vector<1x16xf32>,
        %swap3A_753 = vector.shape_cast %swap3A_752 : vector<1x16xf32> to vector<16xf32>
        %swap3A_754 = vector.shape_cast %sub3A_749 : vector<16xf32> to vector<1x16xf32>
        tpu.vector_store %arg9[%swap3A_750, %swap3A_751], %swap3A_754 {strides = array<i32>} : memref<8x768xf32, #tpu.memory_space<vmem>>, vector<1x16xf32>,
        %scan3A_755 = arith.constant 31 : i32
        %mul3A_756 = arith.constant 16 : i32
        %mul3A_757 = arith.muli %scan3A_755, %mul3A_756 : i32
        %get3A_758 = arith.index_cast %scan3A_230 : i32 to index
        %get3A_759 = arith.index_cast %mul3A_757 : i32 to index
        %get3A_760 = tpu.vector_load %arg9[%get3A_758, %get3A_759] {strides = array<i32>} : memref<8x768xf32, #tpu.memory_space<vmem>>, vector<1x16xf32>,
        %get3A_761 = vector.shape_cast %get3A_760 : vector<1x16xf32> to vector<16xf32>
        %get3A_762 = arith.index_cast %scan3A_230 : i32 to index
        %get3A_763 = arith.index_cast %mul3A_757 : i32 to index
        %get3A_764 = tpu.vector_load %arg13[%get3A_762, %get3A_763] {strides = array<i32>} : memref<8x768xf32, #tpu.memory_space<vmem>>, vector<1x16xf32>,
        %get3A_765 = vector.shape_cast %get3A_764 : vector<1x16xf32> to vector<16xf32>
        %sub3A_766 = arith.subf %get3A_761, %get3A_765 : vector<16xf32>
        %swap3A_767 = arith.index_cast %scan3A_230 : i32 to index
        %swap3A_768 = arith.index_cast %mul3A_757 : i32 to index
        %swap3A_769 = tpu.vector_load %arg9[%swap3A_767, %swap3A_768] {strides = array<i32>} : memref<8x768xf32, #tpu.memory_space<vmem>>, vector<1x16xf32>,
        %swap3A_770 = vector.shape_cast %swap3A_769 : vector<1x16xf32> to vector<16xf32>
        %swap3A_771 = vector.shape_cast %sub3A_766 : vector<16xf32> to vector<1x16xf32>
        tpu.vector_store %arg9[%swap3A_767, %swap3A_768], %swap3A_771 {strides = array<i32>} : memref<8x768xf32, #tpu.memory_space<vmem>>, vector<1x16xf32>,
        %scan3A_772 = arith.constant 32 : i32
        %mul3A_773 = arith.constant 16 : i32
        %mul3A_774 = arith.muli %scan3A_772, %mul3A_773 : i32
        %get3A_775 = arith.index_cast %scan3A_230 : i32 to index
        %get3A_776 = arith.index_cast %mul3A_774 : i32 to index
        %get3A_777 = tpu.vector_load %arg9[%get3A_775, %get3A_776] {strides = array<i32>} : memref<8x768xf32, #tpu.memory_space<vmem>>, vector<1x16xf32>,
        %get3A_778 = vector.shape_cast %get3A_777 : vector<1x16xf32> to vector<16xf32>
        %get3A_779 = arith.index_cast %scan3A_230 : i32 to index
        %get3A_780 = arith.index_cast %mul3A_774 : i32 to index
        %get3A_781 = tpu.vector_load %arg13[%get3A_779, %get3A_780] {strides = array<i32>} : memref<8x768xf32, #tpu.memory_space<vmem>>, vector<1x16xf32>,
        %get3A_782 = vector.shape_cast %get3A_781 : vector<1x16xf32> to vector<16xf32>
        %sub3A_783 = arith.subf %get3A_778, %get3A_782 : vector<16xf32>
        %swap3A_784 = arith.index_cast %scan3A_230 : i32 to index
        %swap3A_785 = arith.index_cast %mul3A_774 : i32 to index
        %swap3A_786 = tpu.vector_load %arg9[%swap3A_784, %swap3A_785] {strides = array<i32>} : memref<8x768xf32, #tpu.memory_space<vmem>>, vector<1x16xf32>,
        %swap3A_787 = vector.shape_cast %swap3A_786 : vector<1x16xf32> to vector<16xf32>
        %swap3A_788 = vector.shape_cast %sub3A_783 : vector<16xf32> to vector<1x16xf32>
        tpu.vector_store %arg9[%swap3A_784, %swap3A_785], %swap3A_788 {strides = array<i32>} : memref<8x768xf32, #tpu.memory_space<vmem>>, vector<1x16xf32>,
        %scan3A_789 = arith.constant 33 : i32
        %mul3A_790 = arith.constant 16 : i32
        %mul3A_791 = arith.muli %scan3A_789, %mul3A_790 : i32
        %get3A_792 = arith.index_cast %scan3A_230 : i32 to index
        %get3A_793 = arith.index_cast %mul3A_791 : i32 to index
        %get3A_794 = tpu.vector_load %arg9[%get3A_792, %get3A_793] {strides = array<i32>} : memref<8x768xf32, #tpu.memory_space<vmem>>, vector<1x16xf32>,
        %get3A_795 = vector.shape_cast %get3A_794 : vector<1x16xf32> to vector<16xf32>
        %get3A_796 = arith.index_cast %scan3A_230 : i32 to index
        %get3A_797 = arith.index_cast %mul3A_791 : i32 to index
        %get3A_798 = tpu.vector_load %arg13[%get3A_796, %get3A_797] {strides = array<i32>} : memref<8x768xf32, #tpu.memory_space<vmem>>, vector<1x16xf32>,
        %get3A_799 = vector.shape_cast %get3A_798 : vector<1x16xf32> to vector<16xf32>
        %sub3A_800 = arith.subf %get3A_795, %get3A_799 : vector<16xf32>
        %swap3A_801 = arith.index_cast %scan3A_230 : i32 to index
        %swap3A_802 = arith.index_cast %mul3A_791 : i32 to index
        %swap3A_803 = tpu.vector_load %arg9[%swap3A_801, %swap3A_802] {strides = array<i32>} : memref<8x768xf32, #tpu.memory_space<vmem>>, vector<1x16xf32>,
        %swap3A_804 = vector.shape_cast %swap3A_803 : vector<1x16xf32> to vector<16xf32>
        %swap3A_805 = vector.shape_cast %sub3A_800 : vector<16xf32> to vector<1x16xf32>
        tpu.vector_store %arg9[%swap3A_801, %swap3A_802], %swap3A_805 {strides = array<i32>} : memref<8x768xf32, #tpu.memory_space<vmem>>, vector<1x16xf32>,
        %scan3A_806 = arith.constant 34 : i32
        %mul3A_807 = arith.constant 16 : i32
        %mul3A_808 = arith.muli %scan3A_806, %mul3A_807 : i32
        %get3A_809 = arith.index_cast %scan3A_230 : i32 to index
        %get3A_810 = arith.index_cast %mul3A_808 : i32 to index
        %get3A_811 = tpu.vector_load %arg9[%get3A_809, %get3A_810] {strides = array<i32>} : memref<8x768xf32, #tpu.memory_space<vmem>>, vector<1x16xf32>,
        %get3A_812 = vector.shape_cast %get3A_811 : vector<1x16xf32> to vector<16xf32>
        %get3A_813 = arith.index_cast %scan3A_230 : i32 to index
        %get3A_814 = arith.index_cast %mul3A_808 : i32 to index
        %get3A_815 = tpu.vector_load %arg13[%get3A_813, %get3A_814] {strides = array<i32>} : memref<8x768xf32, #tpu.memory_space<vmem>>, vector<1x16xf32>,
        %get3A_816 = vector.shape_cast %get3A_815 : vector<1x16xf32> to vector<16xf32>
        %sub3A_817 = arith.subf %get3A_812, %get3A_816 : vector<16xf32>
        %swap3A_818 = arith.index_cast %scan3A_230 : i32 to index
        %swap3A_819 = arith.index_cast %mul3A_808 : i32 to index
        %swap3A_820 = tpu.vector_load %arg9[%swap3A_818, %swap3A_819] {strides = array<i32>} : memref<8x768xf32, #tpu.memory_space<vmem>>, vector<1x16xf32>,
        %swap3A_821 = vector.shape_cast %swap3A_820 : vector<1x16xf32> to vector<16xf32>
        %swap3A_822 = vector.shape_cast %sub3A_817 : vector<16xf32> to vector<1x16xf32>
        tpu.vector_store %arg9[%swap3A_818, %swap3A_819], %swap3A_822 {strides = array<i32>} : memref<8x768xf32, #tpu.memory_space<vmem>>, vector<1x16xf32>,
        %scan3A_823 = arith.constant 35 : i32
        %mul3A_824 = arith.constant 16 : i32
        %mul3A_825 = arith.muli %scan3A_823, %mul3A_824 : i32
        %get3A_826 = arith.index_cast %scan3A_230 : i32 to index
        %get3A_827 = arith.index_cast %mul3A_825 : i32 to index
        %get3A_828 = tpu.vector_load %arg9[%get3A_826, %get3A_827] {strides = array<i32>} : memref<8x768xf32, #tpu.memory_space<vmem>>, vector<1x16xf32>,
        %get3A_829 = vector.shape_cast %get3A_828 : vector<1x16xf32> to vector<16xf32>
        %get3A_830 = arith.index_cast %scan3A_230 : i32 to index
        %get3A_831 = arith.index_cast %mul3A_825 : i32 to index
        %get3A_832 = tpu.vector_load %arg13[%get3A_830, %get3A_831] {strides = array<i32>} : memref<8x768xf32, #tpu.memory_space<vmem>>, vector<1x16xf32>,
        %get3A_833 = vector.shape_cast %get3A_832 : vector<1x16xf32> to vector<16xf32>
        %sub3A_834 = arith.subf %get3A_829, %get3A_833 : vector<16xf32>
        %swap3A_835 = arith.index_cast %scan3A_230 : i32 to index
        %swap3A_836 = arith.index_cast %mul3A_825 : i32 to index
        %swap3A_837 = tpu.vector_load %arg9[%swap3A_835, %swap3A_836] {strides = array<i32>} : memref<8x768xf32, #tpu.memory_space<vmem>>, vector<1x16xf32>,
        %swap3A_838 = vector.shape_cast %swap3A_837 : vector<1x16xf32> to vector<16xf32>
        %swap3A_839 = vector.shape_cast %sub3A_834 : vector<16xf32> to vector<1x16xf32>
        tpu.vector_store %arg9[%swap3A_835, %swap3A_836], %swap3A_839 {strides = array<i32>} : memref<8x768xf32, #tpu.memory_space<vmem>>, vector<1x16xf32>,
        %scan3A_840 = arith.constant 36 : i32
        %mul3A_841 = arith.constant 16 : i32
        %mul3A_842 = arith.muli %scan3A_840, %mul3A_841 : i32
        %get3A_843 = arith.index_cast %scan3A_230 : i32 to index
        %get3A_844 = arith.index_cast %mul3A_842 : i32 to index
        %get3A_845 = tpu.vector_load %arg9[%get3A_843, %get3A_844] {strides = array<i32>} : memref<8x768xf32, #tpu.memory_space<vmem>>, vector<1x16xf32>,
        %get3A_846 = vector.shape_cast %get3A_845 : vector<1x16xf32> to vector<16xf32>
        %get3A_847 = arith.index_cast %scan3A_230 : i32 to index
        %get3A_848 = arith.index_cast %mul3A_842 : i32 to index
        %get3A_849 = tpu.vector_load %arg13[%get3A_847, %get3A_848] {strides = array<i32>} : memref<8x768xf32, #tpu.memory_space<vmem>>, vector<1x16xf32>,
        %get3A_850 = vector.shape_cast %get3A_849 : vector<1x16xf32> to vector<16xf32>
        %sub3A_851 = arith.subf %get3A_846, %get3A_850 : vector<16xf32>
        %swap3A_852 = arith.index_cast %scan3A_230 : i32 to index
        %swap3A_853 = arith.index_cast %mul3A_842 : i32 to index
        %swap3A_854 = tpu.vector_load %arg9[%swap3A_852, %swap3A_853] {strides = array<i32>} : memref<8x768xf32, #tpu.memory_space<vmem>>, vector<1x16xf32>,
        %swap3A_855 = vector.shape_cast %swap3A_854 : vector<1x16xf32> to vector<16xf32>
        %swap3A_856 = vector.shape_cast %sub3A_851 : vector<16xf32> to vector<1x16xf32>
        tpu.vector_store %arg9[%swap3A_852, %swap3A_853], %swap3A_856 {strides = array<i32>} : memref<8x768xf32, #tpu.memory_space<vmem>>, vector<1x16xf32>,
        %scan3A_857 = arith.constant 37 : i32
        %mul3A_858 = arith.constant 16 : i32
        %mul3A_859 = arith.muli %scan3A_857, %mul3A_858 : i32
        %get3A_860 = arith.index_cast %scan3A_230 : i32 to index
        %get3A_861 = arith.index_cast %mul3A_859 : i32 to index
        %get3A_862 = tpu.vector_load %arg9[%get3A_860, %get3A_861] {strides = array<i32>} : memref<8x768xf32, #tpu.memory_space<vmem>>, vector<1x16xf32>,
        %get3A_863 = vector.shape_cast %get3A_862 : vector<1x16xf32> to vector<16xf32>
        %get3A_864 = arith.index_cast %scan3A_230 : i32 to index
        %get3A_865 = arith.index_cast %mul3A_859 : i32 to index
        %get3A_866 = tpu.vector_load %arg13[%get3A_864, %get3A_865] {strides = array<i32>} : memref<8x768xf32, #tpu.memory_space<vmem>>, vector<1x16xf32>,
        %get3A_867 = vector.shape_cast %get3A_866 : vector<1x16xf32> to vector<16xf32>
        %sub3A_868 = arith.subf %get3A_863, %get3A_867 : vector<16xf32>
        %swap3A_869 = arith.index_cast %scan3A_230 : i32 to index
        %swap3A_870 = arith.index_cast %mul3A_859 : i32 to index
        %swap3A_871 = tpu.vector_load %arg9[%swap3A_869, %swap3A_870] {strides = array<i32>} : memref<8x768xf32, #tpu.memory_space<vmem>>, vector<1x16xf32>,
        %swap3A_872 = vector.shape_cast %swap3A_871 : vector<1x16xf32> to vector<16xf32>
        %swap3A_873 = vector.shape_cast %sub3A_868 : vector<16xf32> to vector<1x16xf32>
        tpu.vector_store %arg9[%swap3A_869, %swap3A_870], %swap3A_873 {strides = array<i32>} : memref<8x768xf32, #tpu.memory_space<vmem>>, vector<1x16xf32>,
        %scan3A_874 = arith.constant 38 : i32
        %mul3A_875 = arith.constant 16 : i32
        %mul3A_876 = arith.muli %scan3A_874, %mul3A_875 : i32
        %get3A_877 = arith.index_cast %scan3A_230 : i32 to index
        %get3A_878 = arith.index_cast %mul3A_876 : i32 to index
        %get3A_879 = tpu.vector_load %arg9[%get3A_877, %get3A_878] {strides = array<i32>} : memref<8x768xf32, #tpu.memory_space<vmem>>, vector<1x16xf32>,
        %get3A_880 = vector.shape_cast %get3A_879 : vector<1x16xf32> to vector<16xf32>
        %get3A_881 = arith.index_cast %scan3A_230 : i32 to index
        %get3A_882 = arith.index_cast %mul3A_876 : i32 to index
        %get3A_883 = tpu.vector_load %arg13[%get3A_881, %get3A_882] {strides = array<i32>} : memref<8x768xf32, #tpu.memory_space<vmem>>, vector<1x16xf32>,
        %get3A_884 = vector.shape_cast %get3A_883 : vector<1x16xf32> to vector<16xf32>
        %sub3A_885 = arith.subf %get3A_880, %get3A_884 : vector<16xf32>
        %swap3A_886 = arith.index_cast %scan3A_230 : i32 to index
        %swap3A_887 = arith.index_cast %mul3A_876 : i32 to index
        %swap3A_888 = tpu.vector_load %arg9[%swap3A_886, %swap3A_887] {strides = array<i32>} : memref<8x768xf32, #tpu.memory_space<vmem>>, vector<1x16xf32>,
        %swap3A_889 = vector.shape_cast %swap3A_888 : vector<1x16xf32> to vector<16xf32>
        %swap3A_890 = vector.shape_cast %sub3A_885 : vector<16xf32> to vector<1x16xf32>
        tpu.vector_store %arg9[%swap3A_886, %swap3A_887], %swap3A_890 {strides = array<i32>} : memref<8x768xf32, #tpu.memory_space<vmem>>, vector<1x16xf32>,
        %scan3A_891 = arith.constant 39 : i32
        %mul3A_892 = arith.constant 16 : i32
        %mul3A_893 = arith.muli %scan3A_891, %mul3A_892 : i32
        %get3A_894 = arith.index_cast %scan3A_230 : i32 to index
        %get3A_895 = arith.index_cast %mul3A_893 : i32 to index
        %get3A_896 = tpu.vector_load %arg9[%get3A_894, %get3A_895] {strides = array<i32>} : memref<8x768xf32, #tpu.memory_space<vmem>>, vector<1x16xf32>,
        %get3A_897 = vector.shape_cast %get3A_896 : vector<1x16xf32> to vector<16xf32>
        %get3A_898 = arith.index_cast %scan3A_230 : i32 to index
        %get3A_899 = arith.index_cast %mul3A_893 : i32 to index
        %get3A_900 = tpu.vector_load %arg13[%get3A_898, %get3A_899] {strides = array<i32>} : memref<8x768xf32, #tpu.memory_space<vmem>>, vector<1x16xf32>,
        %get3A_901 = vector.shape_cast %get3A_900 : vector<1x16xf32> to vector<16xf32>
        %sub3A_902 = arith.subf %get3A_897, %get3A_901 : vector<16xf32>
        %swap3A_903 = arith.index_cast %scan3A_230 : i32 to index
        %swap3A_904 = arith.index_cast %mul3A_893 : i32 to index
        %swap3A_905 = tpu.vector_load %arg9[%swap3A_903, %swap3A_904] {strides = array<i32>} : memref<8x768xf32, #tpu.memory_space<vmem>>, vector<1x16xf32>,
        %swap3A_906 = vector.shape_cast %swap3A_905 : vector<1x16xf32> to vector<16xf32>
        %swap3A_907 = vector.shape_cast %sub3A_902 : vector<16xf32> to vector<1x16xf32>
        tpu.vector_store %arg9[%swap3A_903, %swap3A_904], %swap3A_907 {strides = array<i32>} : memref<8x768xf32, #tpu.memory_space<vmem>>, vector<1x16xf32>,
        %scan3A_908 = arith.constant 40 : i32
        %mul3A_909 = arith.constant 16 : i32
        %mul3A_910 = arith.muli %scan3A_908, %mul3A_909 : i32
        %get3A_911 = arith.index_cast %scan3A_230 : i32 to index
        %get3A_912 = arith.index_cast %mul3A_910 : i32 to index
        %get3A_913 = tpu.vector_load %arg9[%get3A_911, %get3A_912] {strides = array<i32>} : memref<8x768xf32, #tpu.memory_space<vmem>>, vector<1x16xf32>,
        %get3A_914 = vector.shape_cast %get3A_913 : vector<1x16xf32> to vector<16xf32>
        %get3A_915 = arith.index_cast %scan3A_230 : i32 to index
        %get3A_916 = arith.index_cast %mul3A_910 : i32 to index
        %get3A_917 = tpu.vector_load %arg13[%get3A_915, %get3A_916] {strides = array<i32>} : memref<8x768xf32, #tpu.memory_space<vmem>>, vector<1x16xf32>,
        %get3A_918 = vector.shape_cast %get3A_917 : vector<1x16xf32> to vector<16xf32>
        %sub3A_919 = arith.subf %get3A_914, %get3A_918 : vector<16xf32>
        %swap3A_920 = arith.index_cast %scan3A_230 : i32 to index
        %swap3A_921 = arith.index_cast %mul3A_910 : i32 to index
        %swap3A_922 = tpu.vector_load %arg9[%swap3A_920, %swap3A_921] {strides = array<i32>} : memref<8x768xf32, #tpu.memory_space<vmem>>, vector<1x16xf32>,
        %swap3A_923 = vector.shape_cast %swap3A_922 : vector<1x16xf32> to vector<16xf32>
        %swap3A_924 = vector.shape_cast %sub3A_919 : vector<16xf32> to vector<1x16xf32>
        tpu.vector_store %arg9[%swap3A_920, %swap3A_921], %swap3A_924 {strides = array<i32>} : memref<8x768xf32, #tpu.memory_space<vmem>>, vector<1x16xf32>,
        %scan3A_925 = arith.constant 41 : i32
        %mul3A_926 = arith.constant 16 : i32
        %mul3A_927 = arith.muli %scan3A_925, %mul3A_926 : i32
        %get3A_928 = arith.index_cast %scan3A_230 : i32 to index
        %get3A_929 = arith.index_cast %mul3A_927 : i32 to index
        %get3A_930 = tpu.vector_load %arg9[%get3A_928, %get3A_929] {strides = array<i32>} : memref<8x768xf32, #tpu.memory_space<vmem>>, vector<1x16xf32>,
        %get3A_931 = vector.shape_cast %get3A_930 : vector<1x16xf32> to vector<16xf32>
        %get3A_932 = arith.index_cast %scan3A_230 : i32 to index
        %get3A_933 = arith.index_cast %mul3A_927 : i32 to index
        %get3A_934 = tpu.vector_load %arg13[%get3A_932, %get3A_933] {strides = array<i32>} : memref<8x768xf32, #tpu.memory_space<vmem>>, vector<1x16xf32>,
        %get3A_935 = vector.shape_cast %get3A_934 : vector<1x16xf32> to vector<16xf32>
        %sub3A_936 = arith.subf %get3A_931, %get3A_935 : vector<16xf32>
        %swap3A_937 = arith.index_cast %scan3A_230 : i32 to index
        %swap3A_938 = arith.index_cast %mul3A_927 : i32 to index
        %swap3A_939 = tpu.vector_load %arg9[%swap3A_937, %swap3A_938] {strides = array<i32>} : memref<8x768xf32, #tpu.memory_space<vmem>>, vector<1x16xf32>,
        %swap3A_940 = vector.shape_cast %swap3A_939 : vector<1x16xf32> to vector<16xf32>
        %swap3A_941 = vector.shape_cast %sub3A_936 : vector<16xf32> to vector<1x16xf32>
        tpu.vector_store %arg9[%swap3A_937, %swap3A_938], %swap3A_941 {strides = array<i32>} : memref<8x768xf32, #tpu.memory_space<vmem>>, vector<1x16xf32>,
        %scan3A_942 = arith.constant 42 : i32
        %mul3A_943 = arith.constant 16 : i32
        %mul3A_944 = arith.muli %scan3A_942, %mul3A_943 : i32
        %get3A_945 = arith.index_cast %scan3A_230 : i32 to index
        %get3A_946 = arith.index_cast %mul3A_944 : i32 to index
        %get3A_947 = tpu.vector_load %arg9[%get3A_945, %get3A_946] {strides = array<i32>} : memref<8x768xf32, #tpu.memory_space<vmem>>, vector<1x16xf32>,
        %get3A_948 = vector.shape_cast %get3A_947 : vector<1x16xf32> to vector<16xf32>
        %get3A_949 = arith.index_cast %scan3A_230 : i32 to index
        %get3A_950 = arith.index_cast %mul3A_944 : i32 to index
        %get3A_951 = tpu.vector_load %arg13[%get3A_949, %get3A_950] {strides = array<i32>} : memref<8x768xf32, #tpu.memory_space<vmem>>, vector<1x16xf32>,
        %get3A_952 = vector.shape_cast %get3A_951 : vector<1x16xf32> to vector<16xf32>
        %sub3A_953 = arith.subf %get3A_948, %get3A_952 : vector<16xf32>
        %swap3A_954 = arith.index_cast %scan3A_230 : i32 to index
        %swap3A_955 = arith.index_cast %mul3A_944 : i32 to index
        %swap3A_956 = tpu.vector_load %arg9[%swap3A_954, %swap3A_955] {strides = array<i32>} : memref<8x768xf32, #tpu.memory_space<vmem>>, vector<1x16xf32>,
        %swap3A_957 = vector.shape_cast %swap3A_956 : vector<1x16xf32> to vector<16xf32>
        %swap3A_958 = vector.shape_cast %sub3A_953 : vector<16xf32> to vector<1x16xf32>
        tpu.vector_store %arg9[%swap3A_954, %swap3A_955], %swap3A_958 {strides = array<i32>} : memref<8x768xf32, #tpu.memory_space<vmem>>, vector<1x16xf32>,
        %scan3A_959 = arith.constant 43 : i32
        %mul3A_960 = arith.constant 16 : i32
        %mul3A_961 = arith.muli %scan3A_959, %mul3A_960 : i32
        %get3A_962 = arith.index_cast %scan3A_230 : i32 to index
        %get3A_963 = arith.index_cast %mul3A_961 : i32 to index
        %get3A_964 = tpu.vector_load %arg9[%get3A_962, %get3A_963] {strides = array<i32>} : memref<8x768xf32, #tpu.memory_space<vmem>>, vector<1x16xf32>,
        %get3A_965 = vector.shape_cast %get3A_964 : vector<1x16xf32> to vector<16xf32>
        %get3A_966 = arith.index_cast %scan3A_230 : i32 to index
        %get3A_967 = arith.index_cast %mul3A_961 : i32 to index
        %get3A_968 = tpu.vector_load %arg13[%get3A_966, %get3A_967] {strides = array<i32>} : memref<8x768xf32, #tpu.memory_space<vmem>>, vector<1x16xf32>,
        %get3A_969 = vector.shape_cast %get3A_968 : vector<1x16xf32> to vector<16xf32>
        %sub3A_970 = arith.subf %get3A_965, %get3A_969 : vector<16xf32>
        %swap3A_971 = arith.index_cast %scan3A_230 : i32 to index
        %swap3A_972 = arith.index_cast %mul3A_961 : i32 to index
        %swap3A_973 = tpu.vector_load %arg9[%swap3A_971, %swap3A_972] {strides = array<i32>} : memref<8x768xf32, #tpu.memory_space<vmem>>, vector<1x16xf32>,
        %swap3A_974 = vector.shape_cast %swap3A_973 : vector<1x16xf32> to vector<16xf32>
        %swap3A_975 = vector.shape_cast %sub3A_970 : vector<16xf32> to vector<1x16xf32>
        tpu.vector_store %arg9[%swap3A_971, %swap3A_972], %swap3A_975 {strides = array<i32>} : memref<8x768xf32, #tpu.memory_space<vmem>>, vector<1x16xf32>,
        %scan3A_976 = arith.constant 44 : i32
        %mul3A_977 = arith.constant 16 : i32
        %mul3A_978 = arith.muli %scan3A_976, %mul3A_977 : i32
        %get3A_979 = arith.index_cast %scan3A_230 : i32 to index
        %get3A_980 = arith.index_cast %mul3A_978 : i32 to index
        %get3A_981 = tpu.vector_load %arg9[%get3A_979, %get3A_980] {strides = array<i32>} : memref<8x768xf32, #tpu.memory_space<vmem>>, vector<1x16xf32>,
        %get3A_982 = vector.shape_cast %get3A_981 : vector<1x16xf32> to vector<16xf32>
        %get3A_983 = arith.index_cast %scan3A_230 : i32 to index
        %get3A_984 = arith.index_cast %mul3A_978 : i32 to index
        %get3A_985 = tpu.vector_load %arg13[%get3A_983, %get3A_984] {strides = array<i32>} : memref<8x768xf32, #tpu.memory_space<vmem>>, vector<1x16xf32>,
        %get3A_986 = vector.shape_cast %get3A_985 : vector<1x16xf32> to vector<16xf32>
        %sub3A_987 = arith.subf %get3A_982, %get3A_986 : vector<16xf32>
        %swap3A_988 = arith.index_cast %scan3A_230 : i32 to index
        %swap3A_989 = arith.index_cast %mul3A_978 : i32 to index
        %swap3A_990 = tpu.vector_load %arg9[%swap3A_988, %swap3A_989] {strides = array<i32>} : memref<8x768xf32, #tpu.memory_space<vmem>>, vector<1x16xf32>,
        %swap3A_991 = vector.shape_cast %swap3A_990 : vector<1x16xf32> to vector<16xf32>
        %swap3A_992 = vector.shape_cast %sub3A_987 : vector<16xf32> to vector<1x16xf32>
        tpu.vector_store %arg9[%swap3A_988, %swap3A_989], %swap3A_992 {strides = array<i32>} : memref<8x768xf32, #tpu.memory_space<vmem>>, vector<1x16xf32>,
        %scan3A_993 = arith.constant 45 : i32
        %mul3A_994 = arith.constant 16 : i32
        %mul3A_995 = arith.muli %scan3A_993, %mul3A_994 : i32
        %get3A_996 = arith.index_cast %scan3A_230 : i32 to index
        %get3A_997 = arith.index_cast %mul3A_995 : i32 to index
        %get3A_998 = tpu.vector_load %arg9[%get3A_996, %get3A_997] {strides = array<i32>} : memref<8x768xf32, #tpu.memory_space<vmem>>, vector<1x16xf32>,
        %get3A_999 = vector.shape_cast %get3A_998 : vector<1x16xf32> to vector<16xf32>
        %get3A_1000 = arith.index_cast %scan3A_230 : i32 to index
        %get3A_1001 = arith.index_cast %mul3A_995 : i32 to index
        %get3A_1002 = tpu.vector_load %arg13[%get3A_1000, %get3A_1001] {strides = array<i32>} : memref<8x768xf32, #tpu.memory_space<vmem>>, vector<1x16xf32>,
        %get3A_1003 = vector.shape_cast %get3A_1002 : vector<1x16xf32> to vector<16xf32>
        %sub3A_1004 = arith.subf %get3A_999, %get3A_1003 : vector<16xf32>
        %swap3A_1005 = arith.index_cast %scan3A_230 : i32 to index
        %swap3A_1006 = arith.index_cast %mul3A_995 : i32 to index
        %swap3A_1007 = tpu.vector_load %arg9[%swap3A_1005, %swap3A_1006] {strides = array<i32>} : memref<8x768xf32, #tpu.memory_space<vmem>>, vector<1x16xf32>,
        %swap3A_1008 = vector.shape_cast %swap3A_1007 : vector<1x16xf32> to vector<16xf32>
        %swap3A_1009 = vector.shape_cast %sub3A_1004 : vector<16xf32> to vector<1x16xf32>
        tpu.vector_store %arg9[%swap3A_1005, %swap3A_1006], %swap3A_1009 {strides = array<i32>} : memref<8x768xf32, #tpu.memory_space<vmem>>, vector<1x16xf32>,
        %scan3A_1010 = arith.constant 46 : i32
        %mul3A_1011 = arith.constant 16 : i32
        %mul3A_1012 = arith.muli %scan3A_1010, %mul3A_1011 : i32
        %get3A_1013 = arith.index_cast %scan3A_230 : i32 to index
        %get3A_1014 = arith.index_cast %mul3A_1012 : i32 to index
        %get3A_1015 = tpu.vector_load %arg9[%get3A_1013, %get3A_1014] {strides = array<i32>} : memref<8x768xf32, #tpu.memory_space<vmem>>, vector<1x16xf32>,
        %get3A_1016 = vector.shape_cast %get3A_1015 : vector<1x16xf32> to vector<16xf32>
        %get3A_1017 = arith.index_cast %scan3A_230 : i32 to index
        %get3A_1018 = arith.index_cast %mul3A_1012 : i32 to index
        %get3A_1019 = tpu.vector_load %arg13[%get3A_1017, %get3A_1018] {strides = array<i32>} : memref<8x768xf32, #tpu.memory_space<vmem>>, vector<1x16xf32>,
        %get3A_1020 = vector.shape_cast %get3A_1019 : vector<1x16xf32> to vector<16xf32>
        %sub3A_1021 = arith.subf %get3A_1016, %get3A_1020 : vector<16xf32>
        %swap3A_1022 = arith.index_cast %scan3A_230 : i32 to index
        %swap3A_1023 = arith.index_cast %mul3A_1012 : i32 to index
        %swap3A_1024 = tpu.vector_load %arg9[%swap3A_1022, %swap3A_1023] {strides = array<i32>} : memref<8x768xf32, #tpu.memory_space<vmem>>, vector<1x16xf32>,
        %swap3A_1025 = vector.shape_cast %swap3A_1024 : vector<1x16xf32> to vector<16xf32>
        %swap3A_1026 = vector.shape_cast %sub3A_1021 : vector<16xf32> to vector<1x16xf32>
        tpu.vector_store %arg9[%swap3A_1022, %swap3A_1023], %swap3A_1026 {strides = array<i32>} : memref<8x768xf32, #tpu.memory_space<vmem>>, vector<1x16xf32>,
        %scan3A_1027 = arith.constant 47 : i32
        %mul3A_1028 = arith.constant 16 : i32
        %mul3A_1029 = arith.muli %scan3A_1027, %mul3A_1028 : i32
        %get3A_1030 = arith.index_cast %scan3A_230 : i32 to index
        %get3A_1031 = arith.index_cast %mul3A_1029 : i32 to index
        %get3A_1032 = tpu.vector_load %arg9[%get3A_1030, %get3A_1031] {strides = array<i32>} : memref<8x768xf32, #tpu.memory_space<vmem>>, vector<1x16xf32>,
        %get3A_1033 = vector.shape_cast %get3A_1032 : vector<1x16xf32> to vector<16xf32>
        %get3A_1034 = arith.index_cast %scan3A_230 : i32 to index
        %get3A_1035 = arith.index_cast %mul3A_1029 : i32 to index
        %get3A_1036 = tpu.vector_load %arg13[%get3A_1034, %get3A_1035] {strides = array<i32>} : memref<8x768xf32, #tpu.memory_space<vmem>>, vector<1x16xf32>,
        %get3A_1037 = vector.shape_cast %get3A_1036 : vector<1x16xf32> to vector<16xf32>
        %sub3A_1038 = arith.subf %get3A_1033, %get3A_1037 : vector<16xf32>
        %swap3A_1039 = arith.index_cast %scan3A_230 : i32 to index
        %swap3A_1040 = arith.index_cast %mul3A_1029 : i32 to index
        %swap3A_1041 = tpu.vector_load %arg9[%swap3A_1039, %swap3A_1040] {strides = array<i32>} : memref<8x768xf32, #tpu.memory_space<vmem>>, vector<1x16xf32>,
        %swap3A_1042 = vector.shape_cast %swap3A_1041 : vector<1x16xf32> to vector<16xf32>
        %swap3A_1043 = vector.shape_cast %sub3A_1038 : vector<16xf32> to vector<1x16xf32>
        tpu.vector_store %arg9[%swap3A_1039, %swap3A_1040], %swap3A_1043 {strides = array<i32>} : memref<8x768xf32, #tpu.memory_space<vmem>>, vector<1x16xf32>,
        %scan3A_1044 = arith.constant 48 : i32
      }
      %scan3A_140 = arith.constant 8 : i32
      %mul3A_141 = arith.constant 8 : i32
      %mul3A_142 = arith.muli %add3A_116, %mul3A_141 : i32
      %add3A_143 = arith.addi %mul3A_2, %mul3A_142 : i32
      %dma_start3A_144 = arith.constant 0 : i32
      %dma_start3A_145 = tpu.memref_slice %arg5[%add3A_143, %dma_start3A_144] : memref<32768x768xf32, #tpu.memory_space<hbm>> -> memref<8x768xf32, #tpu.memory_space<hbm>>
      %dma_start3A_146 = arith.constant 0 : i32
      %dma_start3A_147 = tpu.memref_slice %arg5[%add3A_143, %dma_start3A_146] : memref<32768x768xf32, #tpu.memory_space<hbm>> -> memref<8x768xf32, #tpu.memory_space<hbm>>
      tpu.enqueue_dma source(%arg13 : memref<8x768xf32, #tpu.memory_space<vmem>>) target(%dma_start3A_147 : memref<8x768xf32, #tpu.memory_space<hbm>>) target_semaphore(%arg25 : memref<!tpu.dma_semaphore, #tpu.memory_space<semaphore_mem>>)
      %dma_start3A_148 = arith.constant 0 : i32
      %dma_start3A_149 = tpu.memref_slice %arg6[%add3A_143, %dma_start3A_148] : memref<32768x768xf32, #tpu.memory_space<hbm>> -> memref<8x768xf32, #tpu.memory_space<hbm>>
      %dma_start3A_150 = arith.constant 0 : i32
      %dma_start3A_151 = tpu.memref_slice %arg6[%add3A_143, %dma_start3A_150] : memref<32768x768xf32, #tpu.memory_space<hbm>> -> memref<8x768xf32, #tpu.memory_space<hbm>>
      tpu.enqueue_dma source(%arg9 : memref<8x768xf32, #tpu.memory_space<vmem>>) target(%dma_start3A_151 : memref<8x768xf32, #tpu.memory_space<hbm>>) target_semaphore(%arg29 : memref<!tpu.dma_semaphore, #tpu.memory_space<semaphore_mem>>)
      %mul3A_152 = arith.constant 4 : i32
      %mul3A_153 = arith.muli %scan3A_76, %mul3A_152 : i32
      %add3A_154 = arith.constant 2 : i32
      %add3A_155 = arith.addi %mul3A_153, %add3A_154 : i32
      %add3A_156 = arith.constant 2 : i32
      %add3A_157 = arith.addi %add3A_155, %add3A_156 : i32
      %dma_wait3A_158 = arith.constant 0 : i32
      %dma_wait3A_159 = arith.constant 0 : i32
      %dma_wait3A_160 = tpu.memref_slice %arg2[%dma_wait3A_158, %dma_wait3A_159] : memref<32768x768xf32, #tpu.memory_space<hbm>> -> memref<8x768xf32, #tpu.memory_space<hbm>>
      %dma_wait3A_161 = arith.constant 0 : i32
      %dma_wait3A_162 = arith.constant 0 : i32
      %dma_wait3A_163 = tpu.memref_slice %arg2[%dma_wait3A_161, %dma_wait3A_162] : memref<32768x768xf32, #tpu.memory_space<hbm>> -> memref<8x768xf32, #tpu.memory_space<hbm>>
      tpu.wait_dma2 semaphore(%arg18 : memref<!tpu.dma_semaphore, #tpu.memory_space<semaphore_mem>>) src(%dma_wait3A_163 : memref<8x768xf32, #tpu.memory_space<hbm>>) dst(%arg10 : memref<8x768xf32, #tpu.memory_space<vmem>>)
      %dma_wait3A_164 = arith.constant 0 : i32
      %dma_wait3A_165 = tpu.memref_slice %arg7[%dma_wait3A_164] : memref<1024xi32, #tpu.memory_space<vmem>> -> memref<8xi32, #tpu.memory_space<vmem>>
      %dma_wait3A_166 = arith.constant 0 : i32
      %dma_wait3A_167 = arith.constant 0 : i32
      %dma_wait3A_168 = tpu.memref_slice %arg4[%dma_wait3A_166, %dma_wait3A_167] : memref<168x768xf32, #tpu.memory_space<hbm>> -> memref<168x768xf32, #tpu.memory_space<hbm>>
      tpu.wait_indirect_dma semaphore(%arg22 : memref<!tpu.dma_semaphore, #tpu.memory_space<semaphore_mem>>) src(%dma_wait3A_168 : memref<168x768xf32, #tpu.memory_space<hbm>>) dst(%arg14 : memref<8x768xf32, #tpu.memory_space<vmem>>)
      %lt3A_169 = arith.constant 128 : i32
      %lt3A_170 = arith.cmpi slt, %add3A_157, %lt3A_169 : i32
      %convert_element_type3A_171 = arith.extui %lt3A_170 : i1 to i32
      %cond3A_172 = arith.constant 0 : i32
      %cond3A_173 = arith.cmpi ne, %convert_element_type3A_171, %cond3A_172 : i32
      scf.if %cond3A_173 {
        %ge3A = arith.constant 4 : i32
        %ge3A_230 = arith.cmpi sge, %add3A_157, %ge3A : i32
        %convert_element_type3A_231 = arith.extui %ge3A_230 : i1 to i32
        %cond3A_232 = arith.constant 0 : i32
        %cond3A_233 = arith.cmpi ne, %convert_element_type3A_231, %cond3A_232 : i32
        scf.if %cond3A_233 {
          %dma_wait3A_247 = arith.constant 0 : i32
          %dma_wait3A_248 = arith.constant 0 : i32
          %dma_wait3A_249 = tpu.memref_slice %arg5[%dma_wait3A_247, %dma_wait3A_248] : memref<32768x768xf32, #tpu.memory_space<hbm>> -> memref<8x768xf32, #tpu.memory_space<hbm>>
          %dma_wait3A_250 = arith.constant 0 : i32
          %dma_wait3A_251 = arith.constant 0 : i32
          %dma_wait3A_252 = tpu.memref_slice %arg5[%dma_wait3A_250, %dma_wait3A_251] : memref<32768x768xf32, #tpu.memory_space<hbm>> -> memref<8x768xf32, #tpu.memory_space<hbm>>
          tpu.wait_dma2 semaphore(%arg24 : memref<!tpu.dma_semaphore, #tpu.memory_space<semaphore_mem>>) src(%arg12 : memref<8x768xf32, #tpu.memory_space<vmem>>) dst(%dma_wait3A_252 : memref<8x768xf32, #tpu.memory_space<hbm>>)
          %dma_wait3A_253 = arith.constant 0 : i32
          %dma_wait3A_254 = arith.constant 0 : i32
          %dma_wait3A_255 = tpu.memref_slice %arg6[%dma_wait3A_253, %dma_wait3A_254] : memref<32768x768xf32, #tpu.memory_space<hbm>> -> memref<8x768xf32, #tpu.memory_space<hbm>>
          %dma_wait3A_256 = arith.constant 0 : i32
          %dma_wait3A_257 = arith.constant 0 : i32
          %dma_wait3A_258 = tpu.memref_slice %arg6[%dma_wait3A_256, %dma_wait3A_257] : memref<32768x768xf32, #tpu.memory_space<hbm>> -> memref<8x768xf32, #tpu.memory_space<hbm>>
          tpu.wait_dma2 semaphore(%arg28 : memref<!tpu.dma_semaphore, #tpu.memory_space<semaphore_mem>>) src(%arg8 : memref<8x768xf32, #tpu.memory_space<vmem>>) dst(%dma_wait3A_258 : memref<8x768xf32, #tpu.memory_space<hbm>>)
        } else {
        }
        %mul3A_234 = arith.constant 8 : i32
        %mul3A_235 = arith.muli %add3A_157, %mul3A_234 : i32
        %add3A_236 = arith.addi %mul3A_2, %mul3A_235 : i32
        %mul3A_237 = arith.constant 8 : i32
        %mul3A_238 = arith.muli %add3A_157, %mul3A_237 : i32
        %dma_start3A_239 = tpu.memref_slice %arg7[%mul3A_238] : memref<1024xi32, #tpu.memory_space<vmem>> -> memref<8xi32, #tpu.memory_space<vmem>>
        %dma_start3A_240 = arith.constant 0 : i32
        %dma_start3A_241 = arith.constant 0 : i32
        %dma_start3A_242 = tpu.memref_slice %arg4[%dma_start3A_240, %dma_start3A_241] : memref<168x768xf32, #tpu.memory_space<hbm>> -> memref<168x768xf32, #tpu.memory_space<hbm>>
        tpu.enqueue_indirect_dma source(%dma_start3A_242 : memref<168x768xf32, #tpu.memory_space<hbm>>) target(%arg12 : memref<8x768xf32, #tpu.memory_space<vmem>>) offsets(%dma_start3A_239 : memref<8xi32, #tpu.memory_space<vmem>>) semaphore(%arg20 : memref<!tpu.dma_semaphore, #tpu.memory_space<semaphore_mem>>)
        %dma_start3A_243 = arith.constant 0 : i32
        %dma_start3A_244 = tpu.memref_slice %arg2[%add3A_236, %dma_start3A_243] : memref<32768x768xf32, #tpu.memory_space<hbm>> -> memref<8x768xf32, #tpu.memory_space<hbm>>
        %dma_start3A_245 = arith.constant 0 : i32
        %dma_start3A_246 = tpu.memref_slice %arg2[%add3A_236, %dma_start3A_245] : memref<32768x768xf32, #tpu.memory_space<hbm>> -> memref<8x768xf32, #tpu.memory_space<hbm>>
        tpu.enqueue_dma source(%dma_start3A_246 : memref<8x768xf32, #tpu.memory_space<hbm>>) target(%arg8 : memref<8x768xf32, #tpu.memory_space<vmem>>) target_semaphore(%arg16 : memref<!tpu.dma_semaphore, #tpu.memory_space<semaphore_mem>>)
      } else {
      }
      %scan3A_174 = arith.constant 0 : i32
      %scan3A_175 = arith.constant 0 : i32
      %scan3A_176 = arith.constant 8 : i32
      %scan3A_177 = arith.addi %scan3A_175, %scan3A_176 : i32
      %scan3A_178 = arith.constant 1 : i32
      scf.for %scan3A_230 = %scan3A_175 to %scan3A_177 step %scan3A_178  : i32 {
        %scan3A_231 = arith.constant 0 : i32
        %mul3A_232 = arith.constant 16 : i32
        %mul3A_233 = arith.muli %scan3A_231, %mul3A_232 : i32
        %get3A = arith.index_cast %scan3A_230 : i32 to index
        %get3A_234 = arith.index_cast %mul3A_233 : i32 to index
        %get3A_235 = tpu.vector_load %arg10[%get3A, %get3A_234] {strides = array<i32>} : memref<8x768xf32, #tpu.memory_space<vmem>>, vector<1x16xf32>,
        %get3A_236 = vector.shape_cast %get3A_235 : vector<1x16xf32> to vector<16xf32>
        %get3A_237 = arith.index_cast %scan3A_230 : i32 to index
        %get3A_238 = arith.index_cast %mul3A_233 : i32 to index
        %get3A_239 = tpu.vector_load %arg14[%get3A_237, %get3A_238] {strides = array<i32>} : memref<8x768xf32, #tpu.memory_space<vmem>>, vector<1x16xf32>,
        %get3A_240 = vector.shape_cast %get3A_239 : vector<1x16xf32> to vector<16xf32>
        %sub3A = arith.subf %get3A_236, %get3A_240 : vector<16xf32>
        %swap3A = arith.index_cast %scan3A_230 : i32 to index
        %swap3A_241 = arith.index_cast %mul3A_233 : i32 to index
        %swap3A_242 = tpu.vector_load %arg10[%swap3A, %swap3A_241] {strides = array<i32>} : memref<8x768xf32, #tpu.memory_space<vmem>>, vector<1x16xf32>,
        %swap3A_243 = vector.shape_cast %swap3A_242 : vector<1x16xf32> to vector<16xf32>
        %swap3A_244 = vector.shape_cast %sub3A : vector<16xf32> to vector<1x16xf32>
        tpu.vector_store %arg10[%swap3A, %swap3A_241], %swap3A_244 {strides = array<i32>} : memref<8x768xf32, #tpu.memory_space<vmem>>, vector<1x16xf32>,
        %scan3A_245 = arith.constant 1 : i32
        %mul3A_246 = arith.constant 16 : i32
        %mul3A_247 = arith.muli %scan3A_245, %mul3A_246 : i32
        %get3A_248 = arith.index_cast %scan3A_230 : i32 to index
        %get3A_249 = arith.index_cast %mul3A_247 : i32 to index
        %get3A_250 = tpu.vector_load %arg10[%get3A_248, %get3A_249] {strides = array<i32>} : memref<8x768xf32, #tpu.memory_space<vmem>>, vector<1x16xf32>,
        %get3A_251 = vector.shape_cast %get3A_250 : vector<1x16xf32> to vector<16xf32>
        %get3A_252 = arith.index_cast %scan3A_230 : i32 to index
        %get3A_253 = arith.index_cast %mul3A_247 : i32 to index
        %get3A_254 = tpu.vector_load %arg14[%get3A_252, %get3A_253] {strides = array<i32>} : memref<8x768xf32, #tpu.memory_space<vmem>>, vector<1x16xf32>,
        %get3A_255 = vector.shape_cast %get3A_254 : vector<1x16xf32> to vector<16xf32>
        %sub3A_256 = arith.subf %get3A_251, %get3A_255 : vector<16xf32>
        %swap3A_257 = arith.index_cast %scan3A_230 : i32 to index
        %swap3A_258 = arith.index_cast %mul3A_247 : i32 to index
        %swap3A_259 = tpu.vector_load %arg10[%swap3A_257, %swap3A_258] {strides = array<i32>} : memref<8x768xf32, #tpu.memory_space<vmem>>, vector<1x16xf32>,
        %swap3A_260 = vector.shape_cast %swap3A_259 : vector<1x16xf32> to vector<16xf32>
        %swap3A_261 = vector.shape_cast %sub3A_256 : vector<16xf32> to vector<1x16xf32>
        tpu.vector_store %arg10[%swap3A_257, %swap3A_258], %swap3A_261 {strides = array<i32>} : memref<8x768xf32, #tpu.memory_space<vmem>>, vector<1x16xf32>,
        %scan3A_262 = arith.constant 2 : i32
        %mul3A_263 = arith.constant 16 : i32
        %mul3A_264 = arith.muli %scan3A_262, %mul3A_263 : i32
        %get3A_265 = arith.index_cast %scan3A_230 : i32 to index
        %get3A_266 = arith.index_cast %mul3A_264 : i32 to index
        %get3A_267 = tpu.vector_load %arg10[%get3A_265, %get3A_266] {strides = array<i32>} : memref<8x768xf32, #tpu.memory_space<vmem>>, vector<1x16xf32>,
        %get3A_268 = vector.shape_cast %get3A_267 : vector<1x16xf32> to vector<16xf32>
        %get3A_269 = arith.index_cast %scan3A_230 : i32 to index
        %get3A_270 = arith.index_cast %mul3A_264 : i32 to index
        %get3A_271 = tpu.vector_load %arg14[%get3A_269, %get3A_270] {strides = array<i32>} : memref<8x768xf32, #tpu.memory_space<vmem>>, vector<1x16xf32>,
        %get3A_272 = vector.shape_cast %get3A_271 : vector<1x16xf32> to vector<16xf32>
        %sub3A_273 = arith.subf %get3A_268, %get3A_272 : vector<16xf32>
        %swap3A_274 = arith.index_cast %scan3A_230 : i32 to index
        %swap3A_275 = arith.index_cast %mul3A_264 : i32 to index
        %swap3A_276 = tpu.vector_load %arg10[%swap3A_274, %swap3A_275] {strides = array<i32>} : memref<8x768xf32, #tpu.memory_space<vmem>>, vector<1x16xf32>,
        %swap3A_277 = vector.shape_cast %swap3A_276 : vector<1x16xf32> to vector<16xf32>
        %swap3A_278 = vector.shape_cast %sub3A_273 : vector<16xf32> to vector<1x16xf32>
        tpu.vector_store %arg10[%swap3A_274, %swap3A_275], %swap3A_278 {strides = array<i32>} : memref<8x768xf32, #tpu.memory_space<vmem>>, vector<1x16xf32>,
        %scan3A_279 = arith.constant 3 : i32
        %mul3A_280 = arith.constant 16 : i32
        %mul3A_281 = arith.muli %scan3A_279, %mul3A_280 : i32
        %get3A_282 = arith.index_cast %scan3A_230 : i32 to index
        %get3A_283 = arith.index_cast %mul3A_281 : i32 to index
        %get3A_284 = tpu.vector_load %arg10[%get3A_282, %get3A_283] {strides = array<i32>} : memref<8x768xf32, #tpu.memory_space<vmem>>, vector<1x16xf32>,
        %get3A_285 = vector.shape_cast %get3A_284 : vector<1x16xf32> to vector<16xf32>
        %get3A_286 = arith.index_cast %scan3A_230 : i32 to index
        %get3A_287 = arith.index_cast %mul3A_281 : i32 to index
        %get3A_288 = tpu.vector_load %arg14[%get3A_286, %get3A_287] {strides = array<i32>} : memref<8x768xf32, #tpu.memory_space<vmem>>, vector<1x16xf32>,
        %get3A_289 = vector.shape_cast %get3A_288 : vector<1x16xf32> to vector<16xf32>
        %sub3A_290 = arith.subf %get3A_285, %get3A_289 : vector<16xf32>
        %swap3A_291 = arith.index_cast %scan3A_230 : i32 to index
        %swap3A_292 = arith.index_cast %mul3A_281 : i32 to index
        %swap3A_293 = tpu.vector_load %arg10[%swap3A_291, %swap3A_292] {strides = array<i32>} : memref<8x768xf32, #tpu.memory_space<vmem>>, vector<1x16xf32>,
        %swap3A_294 = vector.shape_cast %swap3A_293 : vector<1x16xf32> to vector<16xf32>
        %swap3A_295 = vector.shape_cast %sub3A_290 : vector<16xf32> to vector<1x16xf32>
        tpu.vector_store %arg10[%swap3A_291, %swap3A_292], %swap3A_295 {strides = array<i32>} : memref<8x768xf32, #tpu.memory_space<vmem>>, vector<1x16xf32>,
        %scan3A_296 = arith.constant 4 : i32
        %mul3A_297 = arith.constant 16 : i32
        %mul3A_298 = arith.muli %scan3A_296, %mul3A_297 : i32
        %get3A_299 = arith.index_cast %scan3A_230 : i32 to index
        %get3A_300 = arith.index_cast %mul3A_298 : i32 to index
        %get3A_301 = tpu.vector_load %arg10[%get3A_299, %get3A_300] {strides = array<i32>} : memref<8x768xf32, #tpu.memory_space<vmem>>, vector<1x16xf32>,
        %get3A_302 = vector.shape_cast %get3A_301 : vector<1x16xf32> to vector<16xf32>
        %get3A_303 = arith.index_cast %scan3A_230 : i32 to index
        %get3A_304 = arith.index_cast %mul3A_298 : i32 to index
        %get3A_305 = tpu.vector_load %arg14[%get3A_303, %get3A_304] {strides = array<i32>} : memref<8x768xf32, #tpu.memory_space<vmem>>, vector<1x16xf32>,
        %get3A_306 = vector.shape_cast %get3A_305 : vector<1x16xf32> to vector<16xf32>
        %sub3A_307 = arith.subf %get3A_302, %get3A_306 : vector<16xf32>
        %swap3A_308 = arith.index_cast %scan3A_230 : i32 to index
        %swap3A_309 = arith.index_cast %mul3A_298 : i32 to index
        %swap3A_310 = tpu.vector_load %arg10[%swap3A_308, %swap3A_309] {strides = array<i32>} : memref<8x768xf32, #tpu.memory_space<vmem>>, vector<1x16xf32>,
        %swap3A_311 = vector.shape_cast %swap3A_310 : vector<1x16xf32> to vector<16xf32>
        %swap3A_312 = vector.shape_cast %sub3A_307 : vector<16xf32> to vector<1x16xf32>
        tpu.vector_store %arg10[%swap3A_308, %swap3A_309], %swap3A_312 {strides = array<i32>} : memref<8x768xf32, #tpu.memory_space<vmem>>, vector<1x16xf32>,
        %scan3A_313 = arith.constant 5 : i32
        %mul3A_314 = arith.constant 16 : i32
        %mul3A_315 = arith.muli %scan3A_313, %mul3A_314 : i32
        %get3A_316 = arith.index_cast %scan3A_230 : i32 to index
        %get3A_317 = arith.index_cast %mul3A_315 : i32 to index
        %get3A_318 = tpu.vector_load %arg10[%get3A_316, %get3A_317] {strides = array<i32>} : memref<8x768xf32, #tpu.memory_space<vmem>>, vector<1x16xf32>,
        %get3A_319 = vector.shape_cast %get3A_318 : vector<1x16xf32> to vector<16xf32>
        %get3A_320 = arith.index_cast %scan3A_230 : i32 to index
        %get3A_321 = arith.index_cast %mul3A_315 : i32 to index
        %get3A_322 = tpu.vector_load %arg14[%get3A_320, %get3A_321] {strides = array<i32>} : memref<8x768xf32, #tpu.memory_space<vmem>>, vector<1x16xf32>,
        %get3A_323 = vector.shape_cast %get3A_322 : vector<1x16xf32> to vector<16xf32>
        %sub3A_324 = arith.subf %get3A_319, %get3A_323 : vector<16xf32>
        %swap3A_325 = arith.index_cast %scan3A_230 : i32 to index
        %swap3A_326 = arith.index_cast %mul3A_315 : i32 to index
        %swap3A_327 = tpu.vector_load %arg10[%swap3A_325, %swap3A_326] {strides = array<i32>} : memref<8x768xf32, #tpu.memory_space<vmem>>, vector<1x16xf32>,
        %swap3A_328 = vector.shape_cast %swap3A_327 : vector<1x16xf32> to vector<16xf32>
        %swap3A_329 = vector.shape_cast %sub3A_324 : vector<16xf32> to vector<1x16xf32>
        tpu.vector_store %arg10[%swap3A_325, %swap3A_326], %swap3A_329 {strides = array<i32>} : memref<8x768xf32, #tpu.memory_space<vmem>>, vector<1x16xf32>,
        %scan3A_330 = arith.constant 6 : i32
        %mul3A_331 = arith.constant 16 : i32
        %mul3A_332 = arith.muli %scan3A_330, %mul3A_331 : i32
        %get3A_333 = arith.index_cast %scan3A_230 : i32 to index
        %get3A_334 = arith.index_cast %mul3A_332 : i32 to index
        %get3A_335 = tpu.vector_load %arg10[%get3A_333, %get3A_334] {strides = array<i32>} : memref<8x768xf32, #tpu.memory_space<vmem>>, vector<1x16xf32>,
        %get3A_336 = vector.shape_cast %get3A_335 : vector<1x16xf32> to vector<16xf32>
        %get3A_337 = arith.index_cast %scan3A_230 : i32 to index
        %get3A_338 = arith.index_cast %mul3A_332 : i32 to index
        %get3A_339 = tpu.vector_load %arg14[%get3A_337, %get3A_338] {strides = array<i32>} : memref<8x768xf32, #tpu.memory_space<vmem>>, vector<1x16xf32>,
        %get3A_340 = vector.shape_cast %get3A_339 : vector<1x16xf32> to vector<16xf32>
        %sub3A_341 = arith.subf %get3A_336, %get3A_340 : vector<16xf32>
        %swap3A_342 = arith.index_cast %scan3A_230 : i32 to index
        %swap3A_343 = arith.index_cast %mul3A_332 : i32 to index
        %swap3A_344 = tpu.vector_load %arg10[%swap3A_342, %swap3A_343] {strides = array<i32>} : memref<8x768xf32, #tpu.memory_space<vmem>>, vector<1x16xf32>,
        %swap3A_345 = vector.shape_cast %swap3A_344 : vector<1x16xf32> to vector<16xf32>
        %swap3A_346 = vector.shape_cast %sub3A_341 : vector<16xf32> to vector<1x16xf32>
        tpu.vector_store %arg10[%swap3A_342, %swap3A_343], %swap3A_346 {strides = array<i32>} : memref<8x768xf32, #tpu.memory_space<vmem>>, vector<1x16xf32>,
        %scan3A_347 = arith.constant 7 : i32
        %mul3A_348 = arith.constant 16 : i32
        %mul3A_349 = arith.muli %scan3A_347, %mul3A_348 : i32
        %get3A_350 = arith.index_cast %scan3A_230 : i32 to index
        %get3A_351 = arith.index_cast %mul3A_349 : i32 to index
        %get3A_352 = tpu.vector_load %arg10[%get3A_350, %get3A_351] {strides = array<i32>} : memref<8x768xf32, #tpu.memory_space<vmem>>, vector<1x16xf32>,
        %get3A_353 = vector.shape_cast %get3A_352 : vector<1x16xf32> to vector<16xf32>
        %get3A_354 = arith.index_cast %scan3A_230 : i32 to index
        %get3A_355 = arith.index_cast %mul3A_349 : i32 to index
        %get3A_356 = tpu.vector_load %arg14[%get3A_354, %get3A_355] {strides = array<i32>} : memref<8x768xf32, #tpu.memory_space<vmem>>, vector<1x16xf32>,
        %get3A_357 = vector.shape_cast %get3A_356 : vector<1x16xf32> to vector<16xf32>
        %sub3A_358 = arith.subf %get3A_353, %get3A_357 : vector<16xf32>
        %swap3A_359 = arith.index_cast %scan3A_230 : i32 to index
        %swap3A_360 = arith.index_cast %mul3A_349 : i32 to index
        %swap3A_361 = tpu.vector_load %arg10[%swap3A_359, %swap3A_360] {strides = array<i32>} : memref<8x768xf32, #tpu.memory_space<vmem>>, vector<1x16xf32>,
        %swap3A_362 = vector.shape_cast %swap3A_361 : vector<1x16xf32> to vector<16xf32>
        %swap3A_363 = vector.shape_cast %sub3A_358 : vector<16xf32> to vector<1x16xf32>
        tpu.vector_store %arg10[%swap3A_359, %swap3A_360], %swap3A_363 {strides = array<i32>} : memref<8x768xf32, #tpu.memory_space<vmem>>, vector<1x16xf32>,
        %scan3A_364 = arith.constant 8 : i32
        %mul3A_365 = arith.constant 16 : i32
        %mul3A_366 = arith.muli %scan3A_364, %mul3A_365 : i32
        %get3A_367 = arith.index_cast %scan3A_230 : i32 to index
        %get3A_368 = arith.index_cast %mul3A_366 : i32 to index
        %get3A_369 = tpu.vector_load %arg10[%get3A_367, %get3A_368] {strides = array<i32>} : memref<8x768xf32, #tpu.memory_space<vmem>>, vector<1x16xf32>,
        %get3A_370 = vector.shape_cast %get3A_369 : vector<1x16xf32> to vector<16xf32>
        %get3A_371 = arith.index_cast %scan3A_230 : i32 to index
        %get3A_372 = arith.index_cast %mul3A_366 : i32 to index
        %get3A_373 = tpu.vector_load %arg14[%get3A_371, %get3A_372] {strides = array<i32>} : memref<8x768xf32, #tpu.memory_space<vmem>>, vector<1x16xf32>,
        %get3A_374 = vector.shape_cast %get3A_373 : vector<1x16xf32> to vector<16xf32>
        %sub3A_375 = arith.subf %get3A_370, %get3A_374 : vector<16xf32>
        %swap3A_376 = arith.index_cast %scan3A_230 : i32 to index
        %swap3A_377 = arith.index_cast %mul3A_366 : i32 to index
        %swap3A_378 = tpu.vector_load %arg10[%swap3A_376, %swap3A_377] {strides = array<i32>} : memref<8x768xf32, #tpu.memory_space<vmem>>, vector<1x16xf32>,
        %swap3A_379 = vector.shape_cast %swap3A_378 : vector<1x16xf32> to vector<16xf32>
        %swap3A_380 = vector.shape_cast %sub3A_375 : vector<16xf32> to vector<1x16xf32>
        tpu.vector_store %arg10[%swap3A_376, %swap3A_377], %swap3A_380 {strides = array<i32>} : memref<8x768xf32, #tpu.memory_space<vmem>>, vector<1x16xf32>,
        %scan3A_381 = arith.constant 9 : i32
        %mul3A_382 = arith.constant 16 : i32
        %mul3A_383 = arith.muli %scan3A_381, %mul3A_382 : i32
        %get3A_384 = arith.index_cast %scan3A_230 : i32 to index
        %get3A_385 = arith.index_cast %mul3A_383 : i32 to index
        %get3A_386 = tpu.vector_load %arg10[%get3A_384, %get3A_385] {strides = array<i32>} : memref<8x768xf32, #tpu.memory_space<vmem>>, vector<1x16xf32>,
        %get3A_387 = vector.shape_cast %get3A_386 : vector<1x16xf32> to vector<16xf32>
        %get3A_388 = arith.index_cast %scan3A_230 : i32 to index
        %get3A_389 = arith.index_cast %mul3A_383 : i32 to index
        %get3A_390 = tpu.vector_load %arg14[%get3A_388, %get3A_389] {strides = array<i32>} : memref<8x768xf32, #tpu.memory_space<vmem>>, vector<1x16xf32>,
        %get3A_391 = vector.shape_cast %get3A_390 : vector<1x16xf32> to vector<16xf32>
        %sub3A_392 = arith.subf %get3A_387, %get3A_391 : vector<16xf32>
        %swap3A_393 = arith.index_cast %scan3A_230 : i32 to index
        %swap3A_394 = arith.index_cast %mul3A_383 : i32 to index
        %swap3A_395 = tpu.vector_load %arg10[%swap3A_393, %swap3A_394] {strides = array<i32>} : memref<8x768xf32, #tpu.memory_space<vmem>>, vector<1x16xf32>,
        %swap3A_396 = vector.shape_cast %swap3A_395 : vector<1x16xf32> to vector<16xf32>
        %swap3A_397 = vector.shape_cast %sub3A_392 : vector<16xf32> to vector<1x16xf32>
        tpu.vector_store %arg10[%swap3A_393, %swap3A_394], %swap3A_397 {strides = array<i32>} : memref<8x768xf32, #tpu.memory_space<vmem>>, vector<1x16xf32>,
        %scan3A_398 = arith.constant 10 : i32
        %mul3A_399 = arith.constant 16 : i32
        %mul3A_400 = arith.muli %scan3A_398, %mul3A_399 : i32
        %get3A_401 = arith.index_cast %scan3A_230 : i32 to index
        %get3A_402 = arith.index_cast %mul3A_400 : i32 to index
        %get3A_403 = tpu.vector_load %arg10[%get3A_401, %get3A_402] {strides = array<i32>} : memref<8x768xf32, #tpu.memory_space<vmem>>, vector<1x16xf32>,
        %get3A_404 = vector.shape_cast %get3A_403 : vector<1x16xf32> to vector<16xf32>
        %get3A_405 = arith.index_cast %scan3A_230 : i32 to index
        %get3A_406 = arith.index_cast %mul3A_400 : i32 to index
        %get3A_407 = tpu.vector_load %arg14[%get3A_405, %get3A_406] {strides = array<i32>} : memref<8x768xf32, #tpu.memory_space<vmem>>, vector<1x16xf32>,
        %get3A_408 = vector.shape_cast %get3A_407 : vector<1x16xf32> to vector<16xf32>
        %sub3A_409 = arith.subf %get3A_404, %get3A_408 : vector<16xf32>
        %swap3A_410 = arith.index_cast %scan3A_230 : i32 to index
        %swap3A_411 = arith.index_cast %mul3A_400 : i32 to index
        %swap3A_412 = tpu.vector_load %arg10[%swap3A_410, %swap3A_411] {strides = array<i32>} : memref<8x768xf32, #tpu.memory_space<vmem>>, vector<1x16xf32>,
        %swap3A_413 = vector.shape_cast %swap3A_412 : vector<1x16xf32> to vector<16xf32>
        %swap3A_414 = vector.shape_cast %sub3A_409 : vector<16xf32> to vector<1x16xf32>
        tpu.vector_store %arg10[%swap3A_410, %swap3A_411], %swap3A_414 {strides = array<i32>} : memref<8x768xf32, #tpu.memory_space<vmem>>, vector<1x16xf32>,
        %scan3A_415 = arith.constant 11 : i32
        %mul3A_416 = arith.constant 16 : i32
        %mul3A_417 = arith.muli %scan3A_415, %mul3A_416 : i32
        %get3A_418 = arith.index_cast %scan3A_230 : i32 to index
        %get3A_419 = arith.index_cast %mul3A_417 : i32 to index
        %get3A_420 = tpu.vector_load %arg10[%get3A_418, %get3A_419] {strides = array<i32>} : memref<8x768xf32, #tpu.memory_space<vmem>>, vector<1x16xf32>,
        %get3A_421 = vector.shape_cast %get3A_420 : vector<1x16xf32> to vector<16xf32>
        %get3A_422 = arith.index_cast %scan3A_230 : i32 to index
        %get3A_423 = arith.index_cast %mul3A_417 : i32 to index
        %get3A_424 = tpu.vector_load %arg14[%get3A_422, %get3A_423] {strides = array<i32>} : memref<8x768xf32, #tpu.memory_space<vmem>>, vector<1x16xf32>,
        %get3A_425 = vector.shape_cast %get3A_424 : vector<1x16xf32> to vector<16xf32>
        %sub3A_426 = arith.subf %get3A_421, %get3A_425 : vector<16xf32>
        %swap3A_427 = arith.index_cast %scan3A_230 : i32 to index
        %swap3A_428 = arith.index_cast %mul3A_417 : i32 to index
        %swap3A_429 = tpu.vector_load %arg10[%swap3A_427, %swap3A_428] {strides = array<i32>} : memref<8x768xf32, #tpu.memory_space<vmem>>, vector<1x16xf32>,
        %swap3A_430 = vector.shape_cast %swap3A_429 : vector<1x16xf32> to vector<16xf32>
        %swap3A_431 = vector.shape_cast %sub3A_426 : vector<16xf32> to vector<1x16xf32>
        tpu.vector_store %arg10[%swap3A_427, %swap3A_428], %swap3A_431 {strides = array<i32>} : memref<8x768xf32, #tpu.memory_space<vmem>>, vector<1x16xf32>,
        %scan3A_432 = arith.constant 12 : i32
        %mul3A_433 = arith.constant 16 : i32
        %mul3A_434 = arith.muli %scan3A_432, %mul3A_433 : i32
        %get3A_435 = arith.index_cast %scan3A_230 : i32 to index
        %get3A_436 = arith.index_cast %mul3A_434 : i32 to index
        %get3A_437 = tpu.vector_load %arg10[%get3A_435, %get3A_436] {strides = array<i32>} : memref<8x768xf32, #tpu.memory_space<vmem>>, vector<1x16xf32>,
        %get3A_438 = vector.shape_cast %get3A_437 : vector<1x16xf32> to vector<16xf32>
        %get3A_439 = arith.index_cast %scan3A_230 : i32 to index
        %get3A_440 = arith.index_cast %mul3A_434 : i32 to index
        %get3A_441 = tpu.vector_load %arg14[%get3A_439, %get3A_440] {strides = array<i32>} : memref<8x768xf32, #tpu.memory_space<vmem>>, vector<1x16xf32>,
        %get3A_442 = vector.shape_cast %get3A_441 : vector<1x16xf32> to vector<16xf32>
        %sub3A_443 = arith.subf %get3A_438, %get3A_442 : vector<16xf32>
        %swap3A_444 = arith.index_cast %scan3A_230 : i32 to index
        %swap3A_445 = arith.index_cast %mul3A_434 : i32 to index
        %swap3A_446 = tpu.vector_load %arg10[%swap3A_444, %swap3A_445] {strides = array<i32>} : memref<8x768xf32, #tpu.memory_space<vmem>>, vector<1x16xf32>,
        %swap3A_447 = vector.shape_cast %swap3A_446 : vector<1x16xf32> to vector<16xf32>
        %swap3A_448 = vector.shape_cast %sub3A_443 : vector<16xf32> to vector<1x16xf32>
        tpu.vector_store %arg10[%swap3A_444, %swap3A_445], %swap3A_448 {strides = array<i32>} : memref<8x768xf32, #tpu.memory_space<vmem>>, vector<1x16xf32>,
        %scan3A_449 = arith.constant 13 : i32
        %mul3A_450 = arith.constant 16 : i32
        %mul3A_451 = arith.muli %scan3A_449, %mul3A_450 : i32
        %get3A_452 = arith.index_cast %scan3A_230 : i32 to index
        %get3A_453 = arith.index_cast %mul3A_451 : i32 to index
        %get3A_454 = tpu.vector_load %arg10[%get3A_452, %get3A_453] {strides = array<i32>} : memref<8x768xf32, #tpu.memory_space<vmem>>, vector<1x16xf32>,
        %get3A_455 = vector.shape_cast %get3A_454 : vector<1x16xf32> to vector<16xf32>
        %get3A_456 = arith.index_cast %scan3A_230 : i32 to index
        %get3A_457 = arith.index_cast %mul3A_451 : i32 to index
        %get3A_458 = tpu.vector_load %arg14[%get3A_456, %get3A_457] {strides = array<i32>} : memref<8x768xf32, #tpu.memory_space<vmem>>, vector<1x16xf32>,
        %get3A_459 = vector.shape_cast %get3A_458 : vector<1x16xf32> to vector<16xf32>
        %sub3A_460 = arith.subf %get3A_455, %get3A_459 : vector<16xf32>
        %swap3A_461 = arith.index_cast %scan3A_230 : i32 to index
        %swap3A_462 = arith.index_cast %mul3A_451 : i32 to index
        %swap3A_463 = tpu.vector_load %arg10[%swap3A_461, %swap3A_462] {strides = array<i32>} : memref<8x768xf32, #tpu.memory_space<vmem>>, vector<1x16xf32>,
        %swap3A_464 = vector.shape_cast %swap3A_463 : vector<1x16xf32> to vector<16xf32>
        %swap3A_465 = vector.shape_cast %sub3A_460 : vector<16xf32> to vector<1x16xf32>
        tpu.vector_store %arg10[%swap3A_461, %swap3A_462], %swap3A_465 {strides = array<i32>} : memref<8x768xf32, #tpu.memory_space<vmem>>, vector<1x16xf32>,
        %scan3A_466 = arith.constant 14 : i32
        %mul3A_467 = arith.constant 16 : i32
        %mul3A_468 = arith.muli %scan3A_466, %mul3A_467 : i32
        %get3A_469 = arith.index_cast %scan3A_230 : i32 to index
        %get3A_470 = arith.index_cast %mul3A_468 : i32 to index
        %get3A_471 = tpu.vector_load %arg10[%get3A_469, %get3A_470] {strides = array<i32>} : memref<8x768xf32, #tpu.memory_space<vmem>>, vector<1x16xf32>,
        %get3A_472 = vector.shape_cast %get3A_471 : vector<1x16xf32> to vector<16xf32>
        %get3A_473 = arith.index_cast %scan3A_230 : i32 to index
        %get3A_474 = arith.index_cast %mul3A_468 : i32 to index
        %get3A_475 = tpu.vector_load %arg14[%get3A_473, %get3A_474] {strides = array<i32>} : memref<8x768xf32, #tpu.memory_space<vmem>>, vector<1x16xf32>,
        %get3A_476 = vector.shape_cast %get3A_475 : vector<1x16xf32> to vector<16xf32>
        %sub3A_477 = arith.subf %get3A_472, %get3A_476 : vector<16xf32>
        %swap3A_478 = arith.index_cast %scan3A_230 : i32 to index
        %swap3A_479 = arith.index_cast %mul3A_468 : i32 to index
        %swap3A_480 = tpu.vector_load %arg10[%swap3A_478, %swap3A_479] {strides = array<i32>} : memref<8x768xf32, #tpu.memory_space<vmem>>, vector<1x16xf32>,
        %swap3A_481 = vector.shape_cast %swap3A_480 : vector<1x16xf32> to vector<16xf32>
        %swap3A_482 = vector.shape_cast %sub3A_477 : vector<16xf32> to vector<1x16xf32>
        tpu.vector_store %arg10[%swap3A_478, %swap3A_479], %swap3A_482 {strides = array<i32>} : memref<8x768xf32, #tpu.memory_space<vmem>>, vector<1x16xf32>,
        %scan3A_483 = arith.constant 15 : i32
        %mul3A_484 = arith.constant 16 : i32
        %mul3A_485 = arith.muli %scan3A_483, %mul3A_484 : i32
        %get3A_486 = arith.index_cast %scan3A_230 : i32 to index
        %get3A_487 = arith.index_cast %mul3A_485 : i32 to index
        %get3A_488 = tpu.vector_load %arg10[%get3A_486, %get3A_487] {strides = array<i32>} : memref<8x768xf32, #tpu.memory_space<vmem>>, vector<1x16xf32>,
        %get3A_489 = vector.shape_cast %get3A_488 : vector<1x16xf32> to vector<16xf32>
        %get3A_490 = arith.index_cast %scan3A_230 : i32 to index
        %get3A_491 = arith.index_cast %mul3A_485 : i32 to index
        %get3A_492 = tpu.vector_load %arg14[%get3A_490, %get3A_491] {strides = array<i32>} : memref<8x768xf32, #tpu.memory_space<vmem>>, vector<1x16xf32>,
        %get3A_493 = vector.shape_cast %get3A_492 : vector<1x16xf32> to vector<16xf32>
        %sub3A_494 = arith.subf %get3A_489, %get3A_493 : vector<16xf32>
        %swap3A_495 = arith.index_cast %scan3A_230 : i32 to index
        %swap3A_496 = arith.index_cast %mul3A_485 : i32 to index
        %swap3A_497 = tpu.vector_load %arg10[%swap3A_495, %swap3A_496] {strides = array<i32>} : memref<8x768xf32, #tpu.memory_space<vmem>>, vector<1x16xf32>,
        %swap3A_498 = vector.shape_cast %swap3A_497 : vector<1x16xf32> to vector<16xf32>
        %swap3A_499 = vector.shape_cast %sub3A_494 : vector<16xf32> to vector<1x16xf32>
        tpu.vector_store %arg10[%swap3A_495, %swap3A_496], %swap3A_499 {strides = array<i32>} : memref<8x768xf32, #tpu.memory_space<vmem>>, vector<1x16xf32>,
        %scan3A_500 = arith.constant 16 : i32
        %mul3A_501 = arith.constant 16 : i32
        %mul3A_502 = arith.muli %scan3A_500, %mul3A_501 : i32
        %get3A_503 = arith.index_cast %scan3A_230 : i32 to index
        %get3A_504 = arith.index_cast %mul3A_502 : i32 to index
        %get3A_505 = tpu.vector_load %arg10[%get3A_503, %get3A_504] {strides = array<i32>} : memref<8x768xf32, #tpu.memory_space<vmem>>, vector<1x16xf32>,
        %get3A_506 = vector.shape_cast %get3A_505 : vector<1x16xf32> to vector<16xf32>
        %get3A_507 = arith.index_cast %scan3A_230 : i32 to index
        %get3A_508 = arith.index_cast %mul3A_502 : i32 to index
        %get3A_509 = tpu.vector_load %arg14[%get3A_507, %get3A_508] {strides = array<i32>} : memref<8x768xf32, #tpu.memory_space<vmem>>, vector<1x16xf32>,
        %get3A_510 = vector.shape_cast %get3A_509 : vector<1x16xf32> to vector<16xf32>
        %sub3A_511 = arith.subf %get3A_506, %get3A_510 : vector<16xf32>
        %swap3A_512 = arith.index_cast %scan3A_230 : i32 to index
        %swap3A_513 = arith.index_cast %mul3A_502 : i32 to index
        %swap3A_514 = tpu.vector_load %arg10[%swap3A_512, %swap3A_513] {strides = array<i32>} : memref<8x768xf32, #tpu.memory_space<vmem>>, vector<1x16xf32>,
        %swap3A_515 = vector.shape_cast %swap3A_514 : vector<1x16xf32> to vector<16xf32>
        %swap3A_516 = vector.shape_cast %sub3A_511 : vector<16xf32> to vector<1x16xf32>
        tpu.vector_store %arg10[%swap3A_512, %swap3A_513], %swap3A_516 {strides = array<i32>} : memref<8x768xf32, #tpu.memory_space<vmem>>, vector<1x16xf32>,
        %scan3A_517 = arith.constant 17 : i32
        %mul3A_518 = arith.constant 16 : i32
        %mul3A_519 = arith.muli %scan3A_517, %mul3A_518 : i32
        %get3A_520 = arith.index_cast %scan3A_230 : i32 to index
        %get3A_521 = arith.index_cast %mul3A_519 : i32 to index
        %get3A_522 = tpu.vector_load %arg10[%get3A_520, %get3A_521] {strides = array<i32>} : memref<8x768xf32, #tpu.memory_space<vmem>>, vector<1x16xf32>,
        %get3A_523 = vector.shape_cast %get3A_522 : vector<1x16xf32> to vector<16xf32>
        %get3A_524 = arith.index_cast %scan3A_230 : i32 to index
        %get3A_525 = arith.index_cast %mul3A_519 : i32 to index
        %get3A_526 = tpu.vector_load %arg14[%get3A_524, %get3A_525] {strides = array<i32>} : memref<8x768xf32, #tpu.memory_space<vmem>>, vector<1x16xf32>,
        %get3A_527 = vector.shape_cast %get3A_526 : vector<1x16xf32> to vector<16xf32>
        %sub3A_528 = arith.subf %get3A_523, %get3A_527 : vector<16xf32>
        %swap3A_529 = arith.index_cast %scan3A_230 : i32 to index
        %swap3A_530 = arith.index_cast %mul3A_519 : i32 to index
        %swap3A_531 = tpu.vector_load %arg10[%swap3A_529, %swap3A_530] {strides = array<i32>} : memref<8x768xf32, #tpu.memory_space<vmem>>, vector<1x16xf32>,
        %swap3A_532 = vector.shape_cast %swap3A_531 : vector<1x16xf32> to vector<16xf32>
        %swap3A_533 = vector.shape_cast %sub3A_528 : vector<16xf32> to vector<1x16xf32>
        tpu.vector_store %arg10[%swap3A_529, %swap3A_530], %swap3A_533 {strides = array<i32>} : memref<8x768xf32, #tpu.memory_space<vmem>>, vector<1x16xf32>,
        %scan3A_534 = arith.constant 18 : i32
        %mul3A_535 = arith.constant 16 : i32
        %mul3A_536 = arith.muli %scan3A_534, %mul3A_535 : i32
        %get3A_537 = arith.index_cast %scan3A_230 : i32 to index
        %get3A_538 = arith.index_cast %mul3A_536 : i32 to index
        %get3A_539 = tpu.vector_load %arg10[%get3A_537, %get3A_538] {strides = array<i32>} : memref<8x768xf32, #tpu.memory_space<vmem>>, vector<1x16xf32>,
        %get3A_540 = vector.shape_cast %get3A_539 : vector<1x16xf32> to vector<16xf32>
        %get3A_541 = arith.index_cast %scan3A_230 : i32 to index
        %get3A_542 = arith.index_cast %mul3A_536 : i32 to index
        %get3A_543 = tpu.vector_load %arg14[%get3A_541, %get3A_542] {strides = array<i32>} : memref<8x768xf32, #tpu.memory_space<vmem>>, vector<1x16xf32>,
        %get3A_544 = vector.shape_cast %get3A_543 : vector<1x16xf32> to vector<16xf32>
        %sub3A_545 = arith.subf %get3A_540, %get3A_544 : vector<16xf32>
        %swap3A_546 = arith.index_cast %scan3A_230 : i32 to index
        %swap3A_547 = arith.index_cast %mul3A_536 : i32 to index
        %swap3A_548 = tpu.vector_load %arg10[%swap3A_546, %swap3A_547] {strides = array<i32>} : memref<8x768xf32, #tpu.memory_space<vmem>>, vector<1x16xf32>,
        %swap3A_549 = vector.shape_cast %swap3A_548 : vector<1x16xf32> to vector<16xf32>
        %swap3A_550 = vector.shape_cast %sub3A_545 : vector<16xf32> to vector<1x16xf32>
        tpu.vector_store %arg10[%swap3A_546, %swap3A_547], %swap3A_550 {strides = array<i32>} : memref<8x768xf32, #tpu.memory_space<vmem>>, vector<1x16xf32>,
        %scan3A_551 = arith.constant 19 : i32
        %mul3A_552 = arith.constant 16 : i32
        %mul3A_553 = arith.muli %scan3A_551, %mul3A_552 : i32
        %get3A_554 = arith.index_cast %scan3A_230 : i32 to index
        %get3A_555 = arith.index_cast %mul3A_553 : i32 to index
        %get3A_556 = tpu.vector_load %arg10[%get3A_554, %get3A_555] {strides = array<i32>} : memref<8x768xf32, #tpu.memory_space<vmem>>, vector<1x16xf32>,
        %get3A_557 = vector.shape_cast %get3A_556 : vector<1x16xf32> to vector<16xf32>
        %get3A_558 = arith.index_cast %scan3A_230 : i32 to index
        %get3A_559 = arith.index_cast %mul3A_553 : i32 to index
        %get3A_560 = tpu.vector_load %arg14[%get3A_558, %get3A_559] {strides = array<i32>} : memref<8x768xf32, #tpu.memory_space<vmem>>, vector<1x16xf32>,
        %get3A_561 = vector.shape_cast %get3A_560 : vector<1x16xf32> to vector<16xf32>
        %sub3A_562 = arith.subf %get3A_557, %get3A_561 : vector<16xf32>
        %swap3A_563 = arith.index_cast %scan3A_230 : i32 to index
        %swap3A_564 = arith.index_cast %mul3A_553 : i32 to index
        %swap3A_565 = tpu.vector_load %arg10[%swap3A_563, %swap3A_564] {strides = array<i32>} : memref<8x768xf32, #tpu.memory_space<vmem>>, vector<1x16xf32>,
        %swap3A_566 = vector.shape_cast %swap3A_565 : vector<1x16xf32> to vector<16xf32>
        %swap3A_567 = vector.shape_cast %sub3A_562 : vector<16xf32> to vector<1x16xf32>
        tpu.vector_store %arg10[%swap3A_563, %swap3A_564], %swap3A_567 {strides = array<i32>} : memref<8x768xf32, #tpu.memory_space<vmem>>, vector<1x16xf32>,
        %scan3A_568 = arith.constant 20 : i32
        %mul3A_569 = arith.constant 16 : i32
        %mul3A_570 = arith.muli %scan3A_568, %mul3A_569 : i32
        %get3A_571 = arith.index_cast %scan3A_230 : i32 to index
        %get3A_572 = arith.index_cast %mul3A_570 : i32 to index
        %get3A_573 = tpu.vector_load %arg10[%get3A_571, %get3A_572] {strides = array<i32>} : memref<8x768xf32, #tpu.memory_space<vmem>>, vector<1x16xf32>,
        %get3A_574 = vector.shape_cast %get3A_573 : vector<1x16xf32> to vector<16xf32>
        %get3A_575 = arith.index_cast %scan3A_230 : i32 to index
        %get3A_576 = arith.index_cast %mul3A_570 : i32 to index
        %get3A_577 = tpu.vector_load %arg14[%get3A_575, %get3A_576] {strides = array<i32>} : memref<8x768xf32, #tpu.memory_space<vmem>>, vector<1x16xf32>,
        %get3A_578 = vector.shape_cast %get3A_577 : vector<1x16xf32> to vector<16xf32>
        %sub3A_579 = arith.subf %get3A_574, %get3A_578 : vector<16xf32>
        %swap3A_580 = arith.index_cast %scan3A_230 : i32 to index
        %swap3A_581 = arith.index_cast %mul3A_570 : i32 to index
        %swap3A_582 = tpu.vector_load %arg10[%swap3A_580, %swap3A_581] {strides = array<i32>} : memref<8x768xf32, #tpu.memory_space<vmem>>, vector<1x16xf32>,
        %swap3A_583 = vector.shape_cast %swap3A_582 : vector<1x16xf32> to vector<16xf32>
        %swap3A_584 = vector.shape_cast %sub3A_579 : vector<16xf32> to vector<1x16xf32>
        tpu.vector_store %arg10[%swap3A_580, %swap3A_581], %swap3A_584 {strides = array<i32>} : memref<8x768xf32, #tpu.memory_space<vmem>>, vector<1x16xf32>,
        %scan3A_585 = arith.constant 21 : i32
        %mul3A_586 = arith.constant 16 : i32
        %mul3A_587 = arith.muli %scan3A_585, %mul3A_586 : i32
        %get3A_588 = arith.index_cast %scan3A_230 : i32 to index
        %get3A_589 = arith.index_cast %mul3A_587 : i32 to index
        %get3A_590 = tpu.vector_load %arg10[%get3A_588, %get3A_589] {strides = array<i32>} : memref<8x768xf32, #tpu.memory_space<vmem>>, vector<1x16xf32>,
        %get3A_591 = vector.shape_cast %get3A_590 : vector<1x16xf32> to vector<16xf32>
        %get3A_592 = arith.index_cast %scan3A_230 : i32 to index
        %get3A_593 = arith.index_cast %mul3A_587 : i32 to index
        %get3A_594 = tpu.vector_load %arg14[%get3A_592, %get3A_593] {strides = array<i32>} : memref<8x768xf32, #tpu.memory_space<vmem>>, vector<1x16xf32>,
        %get3A_595 = vector.shape_cast %get3A_594 : vector<1x16xf32> to vector<16xf32>
        %sub3A_596 = arith.subf %get3A_591, %get3A_595 : vector<16xf32>
        %swap3A_597 = arith.index_cast %scan3A_230 : i32 to index
        %swap3A_598 = arith.index_cast %mul3A_587 : i32 to index
        %swap3A_599 = tpu.vector_load %arg10[%swap3A_597, %swap3A_598] {strides = array<i32>} : memref<8x768xf32, #tpu.memory_space<vmem>>, vector<1x16xf32>,
        %swap3A_600 = vector.shape_cast %swap3A_599 : vector<1x16xf32> to vector<16xf32>
        %swap3A_601 = vector.shape_cast %sub3A_596 : vector<16xf32> to vector<1x16xf32>
        tpu.vector_store %arg10[%swap3A_597, %swap3A_598], %swap3A_601 {strides = array<i32>} : memref<8x768xf32, #tpu.memory_space<vmem>>, vector<1x16xf32>,
        %scan3A_602 = arith.constant 22 : i32
        %mul3A_603 = arith.constant 16 : i32
        %mul3A_604 = arith.muli %scan3A_602, %mul3A_603 : i32
        %get3A_605 = arith.index_cast %scan3A_230 : i32 to index
        %get3A_606 = arith.index_cast %mul3A_604 : i32 to index
        %get3A_607 = tpu.vector_load %arg10[%get3A_605, %get3A_606] {strides = array<i32>} : memref<8x768xf32, #tpu.memory_space<vmem>>, vector<1x16xf32>,
        %get3A_608 = vector.shape_cast %get3A_607 : vector<1x16xf32> to vector<16xf32>
        %get3A_609 = arith.index_cast %scan3A_230 : i32 to index
        %get3A_610 = arith.index_cast %mul3A_604 : i32 to index
        %get3A_611 = tpu.vector_load %arg14[%get3A_609, %get3A_610] {strides = array<i32>} : memref<8x768xf32, #tpu.memory_space<vmem>>, vector<1x16xf32>,
        %get3A_612 = vector.shape_cast %get3A_611 : vector<1x16xf32> to vector<16xf32>
        %sub3A_613 = arith.subf %get3A_608, %get3A_612 : vector<16xf32>
        %swap3A_614 = arith.index_cast %scan3A_230 : i32 to index
        %swap3A_615 = arith.index_cast %mul3A_604 : i32 to index
        %swap3A_616 = tpu.vector_load %arg10[%swap3A_614, %swap3A_615] {strides = array<i32>} : memref<8x768xf32, #tpu.memory_space<vmem>>, vector<1x16xf32>,
        %swap3A_617 = vector.shape_cast %swap3A_616 : vector<1x16xf32> to vector<16xf32>
        %swap3A_618 = vector.shape_cast %sub3A_613 : vector<16xf32> to vector<1x16xf32>
        tpu.vector_store %arg10[%swap3A_614, %swap3A_615], %swap3A_618 {strides = array<i32>} : memref<8x768xf32, #tpu.memory_space<vmem>>, vector<1x16xf32>,
        %scan3A_619 = arith.constant 23 : i32
        %mul3A_620 = arith.constant 16 : i32
        %mul3A_621 = arith.muli %scan3A_619, %mul3A_620 : i32
        %get3A_622 = arith.index_cast %scan3A_230 : i32 to index
        %get3A_623 = arith.index_cast %mul3A_621 : i32 to index
        %get3A_624 = tpu.vector_load %arg10[%get3A_622, %get3A_623] {strides = array<i32>} : memref<8x768xf32, #tpu.memory_space<vmem>>, vector<1x16xf32>,
        %get3A_625 = vector.shape_cast %get3A_624 : vector<1x16xf32> to vector<16xf32>
        %get3A_626 = arith.index_cast %scan3A_230 : i32 to index
        %get3A_627 = arith.index_cast %mul3A_621 : i32 to index
        %get3A_628 = tpu.vector_load %arg14[%get3A_626, %get3A_627] {strides = array<i32>} : memref<8x768xf32, #tpu.memory_space<vmem>>, vector<1x16xf32>,
        %get3A_629 = vector.shape_cast %get3A_628 : vector<1x16xf32> to vector<16xf32>
        %sub3A_630 = arith.subf %get3A_625, %get3A_629 : vector<16xf32>
        %swap3A_631 = arith.index_cast %scan3A_230 : i32 to index
        %swap3A_632 = arith.index_cast %mul3A_621 : i32 to index
        %swap3A_633 = tpu.vector_load %arg10[%swap3A_631, %swap3A_632] {strides = array<i32>} : memref<8x768xf32, #tpu.memory_space<vmem>>, vector<1x16xf32>,
        %swap3A_634 = vector.shape_cast %swap3A_633 : vector<1x16xf32> to vector<16xf32>
        %swap3A_635 = vector.shape_cast %sub3A_630 : vector<16xf32> to vector<1x16xf32>
        tpu.vector_store %arg10[%swap3A_631, %swap3A_632], %swap3A_635 {strides = array<i32>} : memref<8x768xf32, #tpu.memory_space<vmem>>, vector<1x16xf32>,
        %scan3A_636 = arith.constant 24 : i32
        %mul3A_637 = arith.constant 16 : i32
        %mul3A_638 = arith.muli %scan3A_636, %mul3A_637 : i32
        %get3A_639 = arith.index_cast %scan3A_230 : i32 to index
        %get3A_640 = arith.index_cast %mul3A_638 : i32 to index
        %get3A_641 = tpu.vector_load %arg10[%get3A_639, %get3A_640] {strides = array<i32>} : memref<8x768xf32, #tpu.memory_space<vmem>>, vector<1x16xf32>,
        %get3A_642 = vector.shape_cast %get3A_641 : vector<1x16xf32> to vector<16xf32>
        %get3A_643 = arith.index_cast %scan3A_230 : i32 to index
        %get3A_644 = arith.index_cast %mul3A_638 : i32 to index
        %get3A_645 = tpu.vector_load %arg14[%get3A_643, %get3A_644] {strides = array<i32>} : memref<8x768xf32, #tpu.memory_space<vmem>>, vector<1x16xf32>,
        %get3A_646 = vector.shape_cast %get3A_645 : vector<1x16xf32> to vector<16xf32>
        %sub3A_647 = arith.subf %get3A_642, %get3A_646 : vector<16xf32>
        %swap3A_648 = arith.index_cast %scan3A_230 : i32 to index
        %swap3A_649 = arith.index_cast %mul3A_638 : i32 to index
        %swap3A_650 = tpu.vector_load %arg10[%swap3A_648, %swap3A_649] {strides = array<i32>} : memref<8x768xf32, #tpu.memory_space<vmem>>, vector<1x16xf32>,
        %swap3A_651 = vector.shape_cast %swap3A_650 : vector<1x16xf32> to vector<16xf32>
        %swap3A_652 = vector.shape_cast %sub3A_647 : vector<16xf32> to vector<1x16xf32>
        tpu.vector_store %arg10[%swap3A_648, %swap3A_649], %swap3A_652 {strides = array<i32>} : memref<8x768xf32, #tpu.memory_space<vmem>>, vector<1x16xf32>,
        %scan3A_653 = arith.constant 25 : i32
        %mul3A_654 = arith.constant 16 : i32
        %mul3A_655 = arith.muli %scan3A_653, %mul3A_654 : i32
        %get3A_656 = arith.index_cast %scan3A_230 : i32 to index
        %get3A_657 = arith.index_cast %mul3A_655 : i32 to index
        %get3A_658 = tpu.vector_load %arg10[%get3A_656, %get3A_657] {strides = array<i32>} : memref<8x768xf32, #tpu.memory_space<vmem>>, vector<1x16xf32>,
        %get3A_659 = vector.shape_cast %get3A_658 : vector<1x16xf32> to vector<16xf32>
        %get3A_660 = arith.index_cast %scan3A_230 : i32 to index
        %get3A_661 = arith.index_cast %mul3A_655 : i32 to index
        %get3A_662 = tpu.vector_load %arg14[%get3A_660, %get3A_661] {strides = array<i32>} : memref<8x768xf32, #tpu.memory_space<vmem>>, vector<1x16xf32>,
        %get3A_663 = vector.shape_cast %get3A_662 : vector<1x16xf32> to vector<16xf32>
        %sub3A_664 = arith.subf %get3A_659, %get3A_663 : vector<16xf32>
        %swap3A_665 = arith.index_cast %scan3A_230 : i32 to index
        %swap3A_666 = arith.index_cast %mul3A_655 : i32 to index
        %swap3A_667 = tpu.vector_load %arg10[%swap3A_665, %swap3A_666] {strides = array<i32>} : memref<8x768xf32, #tpu.memory_space<vmem>>, vector<1x16xf32>,
        %swap3A_668 = vector.shape_cast %swap3A_667 : vector<1x16xf32> to vector<16xf32>
        %swap3A_669 = vector.shape_cast %sub3A_664 : vector<16xf32> to vector<1x16xf32>
        tpu.vector_store %arg10[%swap3A_665, %swap3A_666], %swap3A_669 {strides = array<i32>} : memref<8x768xf32, #tpu.memory_space<vmem>>, vector<1x16xf32>,
        %scan3A_670 = arith.constant 26 : i32
        %mul3A_671 = arith.constant 16 : i32
        %mul3A_672 = arith.muli %scan3A_670, %mul3A_671 : i32
        %get3A_673 = arith.index_cast %scan3A_230 : i32 to index
        %get3A_674 = arith.index_cast %mul3A_672 : i32 to index
        %get3A_675 = tpu.vector_load %arg10[%get3A_673, %get3A_674] {strides = array<i32>} : memref<8x768xf32, #tpu.memory_space<vmem>>, vector<1x16xf32>,
        %get3A_676 = vector.shape_cast %get3A_675 : vector<1x16xf32> to vector<16xf32>
        %get3A_677 = arith.index_cast %scan3A_230 : i32 to index
        %get3A_678 = arith.index_cast %mul3A_672 : i32 to index
        %get3A_679 = tpu.vector_load %arg14[%get3A_677, %get3A_678] {strides = array<i32>} : memref<8x768xf32, #tpu.memory_space<vmem>>, vector<1x16xf32>,
        %get3A_680 = vector.shape_cast %get3A_679 : vector<1x16xf32> to vector<16xf32>
        %sub3A_681 = arith.subf %get3A_676, %get3A_680 : vector<16xf32>
        %swap3A_682 = arith.index_cast %scan3A_230 : i32 to index
        %swap3A_683 = arith.index_cast %mul3A_672 : i32 to index
        %swap3A_684 = tpu.vector_load %arg10[%swap3A_682, %swap3A_683] {strides = array<i32>} : memref<8x768xf32, #tpu.memory_space<vmem>>, vector<1x16xf32>,
        %swap3A_685 = vector.shape_cast %swap3A_684 : vector<1x16xf32> to vector<16xf32>
        %swap3A_686 = vector.shape_cast %sub3A_681 : vector<16xf32> to vector<1x16xf32>
        tpu.vector_store %arg10[%swap3A_682, %swap3A_683], %swap3A_686 {strides = array<i32>} : memref<8x768xf32, #tpu.memory_space<vmem>>, vector<1x16xf32>,
        %scan3A_687 = arith.constant 27 : i32
        %mul3A_688 = arith.constant 16 : i32
        %mul3A_689 = arith.muli %scan3A_687, %mul3A_688 : i32
        %get3A_690 = arith.index_cast %scan3A_230 : i32 to index
        %get3A_691 = arith.index_cast %mul3A_689 : i32 to index
        %get3A_692 = tpu.vector_load %arg10[%get3A_690, %get3A_691] {strides = array<i32>} : memref<8x768xf32, #tpu.memory_space<vmem>>, vector<1x16xf32>,
        %get3A_693 = vector.shape_cast %get3A_692 : vector<1x16xf32> to vector<16xf32>
        %get3A_694 = arith.index_cast %scan3A_230 : i32 to index
        %get3A_695 = arith.index_cast %mul3A_689 : i32 to index
        %get3A_696 = tpu.vector_load %arg14[%get3A_694, %get3A_695] {strides = array<i32>} : memref<8x768xf32, #tpu.memory_space<vmem>>, vector<1x16xf32>,
        %get3A_697 = vector.shape_cast %get3A_696 : vector<1x16xf32> to vector<16xf32>
        %sub3A_698 = arith.subf %get3A_693, %get3A_697 : vector<16xf32>
        %swap3A_699 = arith.index_cast %scan3A_230 : i32 to index
        %swap3A_700 = arith.index_cast %mul3A_689 : i32 to index
        %swap3A_701 = tpu.vector_load %arg10[%swap3A_699, %swap3A_700] {strides = array<i32>} : memref<8x768xf32, #tpu.memory_space<vmem>>, vector<1x16xf32>,
        %swap3A_702 = vector.shape_cast %swap3A_701 : vector<1x16xf32> to vector<16xf32>
        %swap3A_703 = vector.shape_cast %sub3A_698 : vector<16xf32> to vector<1x16xf32>
        tpu.vector_store %arg10[%swap3A_699, %swap3A_700], %swap3A_703 {strides = array<i32>} : memref<8x768xf32, #tpu.memory_space<vmem>>, vector<1x16xf32>,
        %scan3A_704 = arith.constant 28 : i32
        %mul3A_705 = arith.constant 16 : i32
        %mul3A_706 = arith.muli %scan3A_704, %mul3A_705 : i32
        %get3A_707 = arith.index_cast %scan3A_230 : i32 to index
        %get3A_708 = arith.index_cast %mul3A_706 : i32 to index
        %get3A_709 = tpu.vector_load %arg10[%get3A_707, %get3A_708] {strides = array<i32>} : memref<8x768xf32, #tpu.memory_space<vmem>>, vector<1x16xf32>,
        %get3A_710 = vector.shape_cast %get3A_709 : vector<1x16xf32> to vector<16xf32>
        %get3A_711 = arith.index_cast %scan3A_230 : i32 to index
        %get3A_712 = arith.index_cast %mul3A_706 : i32 to index
        %get3A_713 = tpu.vector_load %arg14[%get3A_711, %get3A_712] {strides = array<i32>} : memref<8x768xf32, #tpu.memory_space<vmem>>, vector<1x16xf32>,
        %get3A_714 = vector.shape_cast %get3A_713 : vector<1x16xf32> to vector<16xf32>
        %sub3A_715 = arith.subf %get3A_710, %get3A_714 : vector<16xf32>
        %swap3A_716 = arith.index_cast %scan3A_230 : i32 to index
        %swap3A_717 = arith.index_cast %mul3A_706 : i32 to index
        %swap3A_718 = tpu.vector_load %arg10[%swap3A_716, %swap3A_717] {strides = array<i32>} : memref<8x768xf32, #tpu.memory_space<vmem>>, vector<1x16xf32>,
        %swap3A_719 = vector.shape_cast %swap3A_718 : vector<1x16xf32> to vector<16xf32>
        %swap3A_720 = vector.shape_cast %sub3A_715 : vector<16xf32> to vector<1x16xf32>
        tpu.vector_store %arg10[%swap3A_716, %swap3A_717], %swap3A_720 {strides = array<i32>} : memref<8x768xf32, #tpu.memory_space<vmem>>, vector<1x16xf32>,
        %scan3A_721 = arith.constant 29 : i32
        %mul3A_722 = arith.constant 16 : i32
        %mul3A_723 = arith.muli %scan3A_721, %mul3A_722 : i32
        %get3A_724 = arith.index_cast %scan3A_230 : i32 to index
        %get3A_725 = arith.index_cast %mul3A_723 : i32 to index
        %get3A_726 = tpu.vector_load %arg10[%get3A_724, %get3A_725] {strides = array<i32>} : memref<8x768xf32, #tpu.memory_space<vmem>>, vector<1x16xf32>,
        %get3A_727 = vector.shape_cast %get3A_726 : vector<1x16xf32> to vector<16xf32>
        %get3A_728 = arith.index_cast %scan3A_230 : i32 to index
        %get3A_729 = arith.index_cast %mul3A_723 : i32 to index
        %get3A_730 = tpu.vector_load %arg14[%get3A_728, %get3A_729] {strides = array<i32>} : memref<8x768xf32, #tpu.memory_space<vmem>>, vector<1x16xf32>,
        %get3A_731 = vector.shape_cast %get3A_730 : vector<1x16xf32> to vector<16xf32>
        %sub3A_732 = arith.subf %get3A_727, %get3A_731 : vector<16xf32>
        %swap3A_733 = arith.index_cast %scan3A_230 : i32 to index
        %swap3A_734 = arith.index_cast %mul3A_723 : i32 to index
        %swap3A_735 = tpu.vector_load %arg10[%swap3A_733, %swap3A_734] {strides = array<i32>} : memref<8x768xf32, #tpu.memory_space<vmem>>, vector<1x16xf32>,
        %swap3A_736 = vector.shape_cast %swap3A_735 : vector<1x16xf32> to vector<16xf32>
        %swap3A_737 = vector.shape_cast %sub3A_732 : vector<16xf32> to vector<1x16xf32>
        tpu.vector_store %arg10[%swap3A_733, %swap3A_734], %swap3A_737 {strides = array<i32>} : memref<8x768xf32, #tpu.memory_space<vmem>>, vector<1x16xf32>,
        %scan3A_738 = arith.constant 30 : i32
        %mul3A_739 = arith.constant 16 : i32
        %mul3A_740 = arith.muli %scan3A_738, %mul3A_739 : i32
        %get3A_741 = arith.index_cast %scan3A_230 : i32 to index
        %get3A_742 = arith.index_cast %mul3A_740 : i32 to index
        %get3A_743 = tpu.vector_load %arg10[%get3A_741, %get3A_742] {strides = array<i32>} : memref<8x768xf32, #tpu.memory_space<vmem>>, vector<1x16xf32>,
        %get3A_744 = vector.shape_cast %get3A_743 : vector<1x16xf32> to vector<16xf32>
        %get3A_745 = arith.index_cast %scan3A_230 : i32 to index
        %get3A_746 = arith.index_cast %mul3A_740 : i32 to index
        %get3A_747 = tpu.vector_load %arg14[%get3A_745, %get3A_746] {strides = array<i32>} : memref<8x768xf32, #tpu.memory_space<vmem>>, vector<1x16xf32>,
        %get3A_748 = vector.shape_cast %get3A_747 : vector<1x16xf32> to vector<16xf32>
        %sub3A_749 = arith.subf %get3A_744, %get3A_748 : vector<16xf32>
        %swap3A_750 = arith.index_cast %scan3A_230 : i32 to index
        %swap3A_751 = arith.index_cast %mul3A_740 : i32 to index
        %swap3A_752 = tpu.vector_load %arg10[%swap3A_750, %swap3A_751] {strides = array<i32>} : memref<8x768xf32, #tpu.memory_space<vmem>>, vector<1x16xf32>,
        %swap3A_753 = vector.shape_cast %swap3A_752 : vector<1x16xf32> to vector<16xf32>
        %swap3A_754 = vector.shape_cast %sub3A_749 : vector<16xf32> to vector<1x16xf32>
        tpu.vector_store %arg10[%swap3A_750, %swap3A_751], %swap3A_754 {strides = array<i32>} : memref<8x768xf32, #tpu.memory_space<vmem>>, vector<1x16xf32>,
        %scan3A_755 = arith.constant 31 : i32
        %mul3A_756 = arith.constant 16 : i32
        %mul3A_757 = arith.muli %scan3A_755, %mul3A_756 : i32
        %get3A_758 = arith.index_cast %scan3A_230 : i32 to index
        %get3A_759 = arith.index_cast %mul3A_757 : i32 to index
        %get3A_760 = tpu.vector_load %arg10[%get3A_758, %get3A_759] {strides = array<i32>} : memref<8x768xf32, #tpu.memory_space<vmem>>, vector<1x16xf32>,
        %get3A_761 = vector.shape_cast %get3A_760 : vector<1x16xf32> to vector<16xf32>
        %get3A_762 = arith.index_cast %scan3A_230 : i32 to index
        %get3A_763 = arith.index_cast %mul3A_757 : i32 to index
        %get3A_764 = tpu.vector_load %arg14[%get3A_762, %get3A_763] {strides = array<i32>} : memref<8x768xf32, #tpu.memory_space<vmem>>, vector<1x16xf32>,
        %get3A_765 = vector.shape_cast %get3A_764 : vector<1x16xf32> to vector<16xf32>
        %sub3A_766 = arith.subf %get3A_761, %get3A_765 : vector<16xf32>
        %swap3A_767 = arith.index_cast %scan3A_230 : i32 to index
        %swap3A_768 = arith.index_cast %mul3A_757 : i32 to index
        %swap3A_769 = tpu.vector_load %arg10[%swap3A_767, %swap3A_768] {strides = array<i32>} : memref<8x768xf32, #tpu.memory_space<vmem>>, vector<1x16xf32>,
        %swap3A_770 = vector.shape_cast %swap3A_769 : vector<1x16xf32> to vector<16xf32>
        %swap3A_771 = vector.shape_cast %sub3A_766 : vector<16xf32> to vector<1x16xf32>
        tpu.vector_store %arg10[%swap3A_767, %swap3A_768], %swap3A_771 {strides = array<i32>} : memref<8x768xf32, #tpu.memory_space<vmem>>, vector<1x16xf32>,
        %scan3A_772 = arith.constant 32 : i32
        %mul3A_773 = arith.constant 16 : i32
        %mul3A_774 = arith.muli %scan3A_772, %mul3A_773 : i32
        %get3A_775 = arith.index_cast %scan3A_230 : i32 to index
        %get3A_776 = arith.index_cast %mul3A_774 : i32 to index
        %get3A_777 = tpu.vector_load %arg10[%get3A_775, %get3A_776] {strides = array<i32>} : memref<8x768xf32, #tpu.memory_space<vmem>>, vector<1x16xf32>,
        %get3A_778 = vector.shape_cast %get3A_777 : vector<1x16xf32> to vector<16xf32>
        %get3A_779 = arith.index_cast %scan3A_230 : i32 to index
        %get3A_780 = arith.index_cast %mul3A_774 : i32 to index
        %get3A_781 = tpu.vector_load %arg14[%get3A_779, %get3A_780] {strides = array<i32>} : memref<8x768xf32, #tpu.memory_space<vmem>>, vector<1x16xf32>,
        %get3A_782 = vector.shape_cast %get3A_781 : vector<1x16xf32> to vector<16xf32>
        %sub3A_783 = arith.subf %get3A_778, %get3A_782 : vector<16xf32>
        %swap3A_784 = arith.index_cast %scan3A_230 : i32 to index
        %swap3A_785 = arith.index_cast %mul3A_774 : i32 to index
        %swap3A_786 = tpu.vector_load %arg10[%swap3A_784, %swap3A_785] {strides = array<i32>} : memref<8x768xf32, #tpu.memory_space<vmem>>, vector<1x16xf32>,
        %swap3A_787 = vector.shape_cast %swap3A_786 : vector<1x16xf32> to vector<16xf32>
        %swap3A_788 = vector.shape_cast %sub3A_783 : vector<16xf32> to vector<1x16xf32>
        tpu.vector_store %arg10[%swap3A_784, %swap3A_785], %swap3A_788 {strides = array<i32>} : memref<8x768xf32, #tpu.memory_space<vmem>>, vector<1x16xf32>,
        %scan3A_789 = arith.constant 33 : i32
        %mul3A_790 = arith.constant 16 : i32
        %mul3A_791 = arith.muli %scan3A_789, %mul3A_790 : i32
        %get3A_792 = arith.index_cast %scan3A_230 : i32 to index
        %get3A_793 = arith.index_cast %mul3A_791 : i32 to index
        %get3A_794 = tpu.vector_load %arg10[%get3A_792, %get3A_793] {strides = array<i32>} : memref<8x768xf32, #tpu.memory_space<vmem>>, vector<1x16xf32>,
        %get3A_795 = vector.shape_cast %get3A_794 : vector<1x16xf32> to vector<16xf32>
        %get3A_796 = arith.index_cast %scan3A_230 : i32 to index
        %get3A_797 = arith.index_cast %mul3A_791 : i32 to index
        %get3A_798 = tpu.vector_load %arg14[%get3A_796, %get3A_797] {strides = array<i32>} : memref<8x768xf32, #tpu.memory_space<vmem>>, vector<1x16xf32>,
        %get3A_799 = vector.shape_cast %get3A_798 : vector<1x16xf32> to vector<16xf32>
        %sub3A_800 = arith.subf %get3A_795, %get3A_799 : vector<16xf32>
        %swap3A_801 = arith.index_cast %scan3A_230 : i32 to index
        %swap3A_802 = arith.index_cast %mul3A_791 : i32 to index
        %swap3A_803 = tpu.vector_load %arg10[%swap3A_801, %swap3A_802] {strides = array<i32>} : memref<8x768xf32, #tpu.memory_space<vmem>>, vector<1x16xf32>,
        %swap3A_804 = vector.shape_cast %swap3A_803 : vector<1x16xf32> to vector<16xf32>
        %swap3A_805 = vector.shape_cast %sub3A_800 : vector<16xf32> to vector<1x16xf32>
        tpu.vector_store %arg10[%swap3A_801, %swap3A_802], %swap3A_805 {strides = array<i32>} : memref<8x768xf32, #tpu.memory_space<vmem>>, vector<1x16xf32>,
        %scan3A_806 = arith.constant 34 : i32
        %mul3A_807 = arith.constant 16 : i32
        %mul3A_808 = arith.muli %scan3A_806, %mul3A_807 : i32
        %get3A_809 = arith.index_cast %scan3A_230 : i32 to index
        %get3A_810 = arith.index_cast %mul3A_808 : i32 to index
        %get3A_811 = tpu.vector_load %arg10[%get3A_809, %get3A_810] {strides = array<i32>} : memref<8x768xf32, #tpu.memory_space<vmem>>, vector<1x16xf32>,
        %get3A_812 = vector.shape_cast %get3A_811 : vector<1x16xf32> to vector<16xf32>
        %get3A_813 = arith.index_cast %scan3A_230 : i32 to index
        %get3A_814 = arith.index_cast %mul3A_808 : i32 to index
        %get3A_815 = tpu.vector_load %arg14[%get3A_813, %get3A_814] {strides = array<i32>} : memref<8x768xf32, #tpu.memory_space<vmem>>, vector<1x16xf32>,
        %get3A_816 = vector.shape_cast %get3A_815 : vector<1x16xf32> to vector<16xf32>
        %sub3A_817 = arith.subf %get3A_812, %get3A_816 : vector<16xf32>
        %swap3A_818 = arith.index_cast %scan3A_230 : i32 to index
        %swap3A_819 = arith.index_cast %mul3A_808 : i32 to index
        %swap3A_820 = tpu.vector_load %arg10[%swap3A_818, %swap3A_819] {strides = array<i32>} : memref<8x768xf32, #tpu.memory_space<vmem>>, vector<1x16xf32>,
        %swap3A_821 = vector.shape_cast %swap3A_820 : vector<1x16xf32> to vector<16xf32>
        %swap3A_822 = vector.shape_cast %sub3A_817 : vector<16xf32> to vector<1x16xf32>
        tpu.vector_store %arg10[%swap3A_818, %swap3A_819], %swap3A_822 {strides = array<i32>} : memref<8x768xf32, #tpu.memory_space<vmem>>, vector<1x16xf32>,
        %scan3A_823 = arith.constant 35 : i32
        %mul3A_824 = arith.constant 16 : i32
        %mul3A_825 = arith.muli %scan3A_823, %mul3A_824 : i32
        %get3A_826 = arith.index_cast %scan3A_230 : i32 to index
        %get3A_827 = arith.index_cast %mul3A_825 : i32 to index
        %get3A_828 = tpu.vector_load %arg10[%get3A_826, %get3A_827] {strides = array<i32>} : memref<8x768xf32, #tpu.memory_space<vmem>>, vector<1x16xf32>,
        %get3A_829 = vector.shape_cast %get3A_828 : vector<1x16xf32> to vector<16xf32>
        %get3A_830 = arith.index_cast %scan3A_230 : i32 to index
        %get3A_831 = arith.index_cast %mul3A_825 : i32 to index
        %get3A_832 = tpu.vector_load %arg14[%get3A_830, %get3A_831] {strides = array<i32>} : memref<8x768xf32, #tpu.memory_space<vmem>>, vector<1x16xf32>,
        %get3A_833 = vector.shape_cast %get3A_832 : vector<1x16xf32> to vector<16xf32>
        %sub3A_834 = arith.subf %get3A_829, %get3A_833 : vector<16xf32>
        %swap3A_835 = arith.index_cast %scan3A_230 : i32 to index
        %swap3A_836 = arith.index_cast %mul3A_825 : i32 to index
        %swap3A_837 = tpu.vector_load %arg10[%swap3A_835, %swap3A_836] {strides = array<i32>} : memref<8x768xf32, #tpu.memory_space<vmem>>, vector<1x16xf32>,
        %swap3A_838 = vector.shape_cast %swap3A_837 : vector<1x16xf32> to vector<16xf32>
        %swap3A_839 = vector.shape_cast %sub3A_834 : vector<16xf32> to vector<1x16xf32>
        tpu.vector_store %arg10[%swap3A_835, %swap3A_836], %swap3A_839 {strides = array<i32>} : memref<8x768xf32, #tpu.memory_space<vmem>>, vector<1x16xf32>,
        %scan3A_840 = arith.constant 36 : i32
        %mul3A_841 = arith.constant 16 : i32
        %mul3A_842 = arith.muli %scan3A_840, %mul3A_841 : i32
        %get3A_843 = arith.index_cast %scan3A_230 : i32 to index
        %get3A_844 = arith.index_cast %mul3A_842 : i32 to index
        %get3A_845 = tpu.vector_load %arg10[%get3A_843, %get3A_844] {strides = array<i32>} : memref<8x768xf32, #tpu.memory_space<vmem>>, vector<1x16xf32>,
        %get3A_846 = vector.shape_cast %get3A_845 : vector<1x16xf32> to vector<16xf32>
        %get3A_847 = arith.index_cast %scan3A_230 : i32 to index
        %get3A_848 = arith.index_cast %mul3A_842 : i32 to index
        %get3A_849 = tpu.vector_load %arg14[%get3A_847, %get3A_848] {strides = array<i32>} : memref<8x768xf32, #tpu.memory_space<vmem>>, vector<1x16xf32>,
        %get3A_850 = vector.shape_cast %get3A_849 : vector<1x16xf32> to vector<16xf32>
        %sub3A_851 = arith.subf %get3A_846, %get3A_850 : vector<16xf32>
        %swap3A_852 = arith.index_cast %scan3A_230 : i32 to index
        %swap3A_853 = arith.index_cast %mul3A_842 : i32 to index
        %swap3A_854 = tpu.vector_load %arg10[%swap3A_852, %swap3A_853] {strides = array<i32>} : memref<8x768xf32, #tpu.memory_space<vmem>>, vector<1x16xf32>,
        %swap3A_855 = vector.shape_cast %swap3A_854 : vector<1x16xf32> to vector<16xf32>
        %swap3A_856 = vector.shape_cast %sub3A_851 : vector<16xf32> to vector<1x16xf32>
        tpu.vector_store %arg10[%swap3A_852, %swap3A_853], %swap3A_856 {strides = array<i32>} : memref<8x768xf32, #tpu.memory_space<vmem>>, vector<1x16xf32>,
        %scan3A_857 = arith.constant 37 : i32
        %mul3A_858 = arith.constant 16 : i32
        %mul3A_859 = arith.muli %scan3A_857, %mul3A_858 : i32
        %get3A_860 = arith.index_cast %scan3A_230 : i32 to index
        %get3A_861 = arith.index_cast %mul3A_859 : i32 to index
        %get3A_862 = tpu.vector_load %arg10[%get3A_860, %get3A_861] {strides = array<i32>} : memref<8x768xf32, #tpu.memory_space<vmem>>, vector<1x16xf32>,
        %get3A_863 = vector.shape_cast %get3A_862 : vector<1x16xf32> to vector<16xf32>
        %get3A_864 = arith.index_cast %scan3A_230 : i32 to index
        %get3A_865 = arith.index_cast %mul3A_859 : i32 to index
        %get3A_866 = tpu.vector_load %arg14[%get3A_864, %get3A_865] {strides = array<i32>} : memref<8x768xf32, #tpu.memory_space<vmem>>, vector<1x16xf32>,
        %get3A_867 = vector.shape_cast %get3A_866 : vector<1x16xf32> to vector<16xf32>
        %sub3A_868 = arith.subf %get3A_863, %get3A_867 : vector<16xf32>
        %swap3A_869 = arith.index_cast %scan3A_230 : i32 to index
        %swap3A_870 = arith.index_cast %mul3A_859 : i32 to index
        %swap3A_871 = tpu.vector_load %arg10[%swap3A_869, %swap3A_870] {strides = array<i32>} : memref<8x768xf32, #tpu.memory_space<vmem>>, vector<1x16xf32>,
        %swap3A_872 = vector.shape_cast %swap3A_871 : vector<1x16xf32> to vector<16xf32>
        %swap3A_873 = vector.shape_cast %sub3A_868 : vector<16xf32> to vector<1x16xf32>
        tpu.vector_store %arg10[%swap3A_869, %swap3A_870], %swap3A_873 {strides = array<i32>} : memref<8x768xf32, #tpu.memory_space<vmem>>, vector<1x16xf32>,
        %scan3A_874 = arith.constant 38 : i32
        %mul3A_875 = arith.constant 16 : i32
        %mul3A_876 = arith.muli %scan3A_874, %mul3A_875 : i32
        %get3A_877 = arith.index_cast %scan3A_230 : i32 to index
        %get3A_878 = arith.index_cast %mul3A_876 : i32 to index
        %get3A_879 = tpu.vector_load %arg10[%get3A_877, %get3A_878] {strides = array<i32>} : memref<8x768xf32, #tpu.memory_space<vmem>>, vector<1x16xf32>,
        %get3A_880 = vector.shape_cast %get3A_879 : vector<1x16xf32> to vector<16xf32>
        %get3A_881 = arith.index_cast %scan3A_230 : i32 to index
        %get3A_882 = arith.index_cast %mul3A_876 : i32 to index
        %get3A_883 = tpu.vector_load %arg14[%get3A_881, %get3A_882] {strides = array<i32>} : memref<8x768xf32, #tpu.memory_space<vmem>>, vector<1x16xf32>,
        %get3A_884 = vector.shape_cast %get3A_883 : vector<1x16xf32> to vector<16xf32>
        %sub3A_885 = arith.subf %get3A_880, %get3A_884 : vector<16xf32>
        %swap3A_886 = arith.index_cast %scan3A_230 : i32 to index
        %swap3A_887 = arith.index_cast %mul3A_876 : i32 to index
        %swap3A_888 = tpu.vector_load %arg10[%swap3A_886, %swap3A_887] {strides = array<i32>} : memref<8x768xf32, #tpu.memory_space<vmem>>, vector<1x16xf32>,
        %swap3A_889 = vector.shape_cast %swap3A_888 : vector<1x16xf32> to vector<16xf32>
        %swap3A_890 = vector.shape_cast %sub3A_885 : vector<16xf32> to vector<1x16xf32>
        tpu.vector_store %arg10[%swap3A_886, %swap3A_887], %swap3A_890 {strides = array<i32>} : memref<8x768xf32, #tpu.memory_space<vmem>>, vector<1x16xf32>,
        %scan3A_891 = arith.constant 39 : i32
        %mul3A_892 = arith.constant 16 : i32
        %mul3A_893 = arith.muli %scan3A_891, %mul3A_892 : i32
        %get3A_894 = arith.index_cast %scan3A_230 : i32 to index
        %get3A_895 = arith.index_cast %mul3A_893 : i32 to index
        %get3A_896 = tpu.vector_load %arg10[%get3A_894, %get3A_895] {strides = array<i32>} : memref<8x768xf32, #tpu.memory_space<vmem>>, vector<1x16xf32>,
        %get3A_897 = vector.shape_cast %get3A_896 : vector<1x16xf32> to vector<16xf32>
        %get3A_898 = arith.index_cast %scan3A_230 : i32 to index
        %get3A_899 = arith.index_cast %mul3A_893 : i32 to index
        %get3A_900 = tpu.vector_load %arg14[%get3A_898, %get3A_899] {strides = array<i32>} : memref<8x768xf32, #tpu.memory_space<vmem>>, vector<1x16xf32>,
        %get3A_901 = vector.shape_cast %get3A_900 : vector<1x16xf32> to vector<16xf32>
        %sub3A_902 = arith.subf %get3A_897, %get3A_901 : vector<16xf32>
        %swap3A_903 = arith.index_cast %scan3A_230 : i32 to index
        %swap3A_904 = arith.index_cast %mul3A_893 : i32 to index
        %swap3A_905 = tpu.vector_load %arg10[%swap3A_903, %swap3A_904] {strides = array<i32>} : memref<8x768xf32, #tpu.memory_space<vmem>>, vector<1x16xf32>,
        %swap3A_906 = vector.shape_cast %swap3A_905 : vector<1x16xf32> to vector<16xf32>
        %swap3A_907 = vector.shape_cast %sub3A_902 : vector<16xf32> to vector<1x16xf32>
        tpu.vector_store %arg10[%swap3A_903, %swap3A_904], %swap3A_907 {strides = array<i32>} : memref<8x768xf32, #tpu.memory_space<vmem>>, vector<1x16xf32>,
        %scan3A_908 = arith.constant 40 : i32
        %mul3A_909 = arith.constant 16 : i32
        %mul3A_910 = arith.muli %scan3A_908, %mul3A_909 : i32
        %get3A_911 = arith.index_cast %scan3A_230 : i32 to index
        %get3A_912 = arith.index_cast %mul3A_910 : i32 to index
        %get3A_913 = tpu.vector_load %arg10[%get3A_911, %get3A_912] {strides = array<i32>} : memref<8x768xf32, #tpu.memory_space<vmem>>, vector<1x16xf32>,
        %get3A_914 = vector.shape_cast %get3A_913 : vector<1x16xf32> to vector<16xf32>
        %get3A_915 = arith.index_cast %scan3A_230 : i32 to index
        %get3A_916 = arith.index_cast %mul3A_910 : i32 to index
        %get3A_917 = tpu.vector_load %arg14[%get3A_915, %get3A_916] {strides = array<i32>} : memref<8x768xf32, #tpu.memory_space<vmem>>, vector<1x16xf32>,
        %get3A_918 = vector.shape_cast %get3A_917 : vector<1x16xf32> to vector<16xf32>
        %sub3A_919 = arith.subf %get3A_914, %get3A_918 : vector<16xf32>
        %swap3A_920 = arith.index_cast %scan3A_230 : i32 to index
        %swap3A_921 = arith.index_cast %mul3A_910 : i32 to index
        %swap3A_922 = tpu.vector_load %arg10[%swap3A_920, %swap3A_921] {strides = array<i32>} : memref<8x768xf32, #tpu.memory_space<vmem>>, vector<1x16xf32>,
        %swap3A_923 = vector.shape_cast %swap3A_922 : vector<1x16xf32> to vector<16xf32>
        %swap3A_924 = vector.shape_cast %sub3A_919 : vector<16xf32> to vector<1x16xf32>
        tpu.vector_store %arg10[%swap3A_920, %swap3A_921], %swap3A_924 {strides = array<i32>} : memref<8x768xf32, #tpu.memory_space<vmem>>, vector<1x16xf32>,
        %scan3A_925 = arith.constant 41 : i32
        %mul3A_926 = arith.constant 16 : i32
        %mul3A_927 = arith.muli %scan3A_925, %mul3A_926 : i32
        %get3A_928 = arith.index_cast %scan3A_230 : i32 to index
        %get3A_929 = arith.index_cast %mul3A_927 : i32 to index
        %get3A_930 = tpu.vector_load %arg10[%get3A_928, %get3A_929] {strides = array<i32>} : memref<8x768xf32, #tpu.memory_space<vmem>>, vector<1x16xf32>,
        %get3A_931 = vector.shape_cast %get3A_930 : vector<1x16xf32> to vector<16xf32>
        %get3A_932 = arith.index_cast %scan3A_230 : i32 to index
        %get3A_933 = arith.index_cast %mul3A_927 : i32 to index
        %get3A_934 = tpu.vector_load %arg14[%get3A_932, %get3A_933] {strides = array<i32>} : memref<8x768xf32, #tpu.memory_space<vmem>>, vector<1x16xf32>,
        %get3A_935 = vector.shape_cast %get3A_934 : vector<1x16xf32> to vector<16xf32>
        %sub3A_936 = arith.subf %get3A_931, %get3A_935 : vector<16xf32>
        %swap3A_937 = arith.index_cast %scan3A_230 : i32 to index
        %swap3A_938 = arith.index_cast %mul3A_927 : i32 to index
        %swap3A_939 = tpu.vector_load %arg10[%swap3A_937, %swap3A_938] {strides = array<i32>} : memref<8x768xf32, #tpu.memory_space<vmem>>, vector<1x16xf32>,
        %swap3A_940 = vector.shape_cast %swap3A_939 : vector<1x16xf32> to vector<16xf32>
        %swap3A_941 = vector.shape_cast %sub3A_936 : vector<16xf32> to vector<1x16xf32>
        tpu.vector_store %arg10[%swap3A_937, %swap3A_938], %swap3A_941 {strides = array<i32>} : memref<8x768xf32, #tpu.memory_space<vmem>>, vector<1x16xf32>,
        %scan3A_942 = arith.constant 42 : i32
        %mul3A_943 = arith.constant 16 : i32
        %mul3A_944 = arith.muli %scan3A_942, %mul3A_943 : i32
        %get3A_945 = arith.index_cast %scan3A_230 : i32 to index
        %get3A_946 = arith.index_cast %mul3A_944 : i32 to index
        %get3A_947 = tpu.vector_load %arg10[%get3A_945, %get3A_946] {strides = array<i32>} : memref<8x768xf32, #tpu.memory_space<vmem>>, vector<1x16xf32>,
        %get3A_948 = vector.shape_cast %get3A_947 : vector<1x16xf32> to vector<16xf32>
        %get3A_949 = arith.index_cast %scan3A_230 : i32 to index
        %get3A_950 = arith.index_cast %mul3A_944 : i32 to index
        %get3A_951 = tpu.vector_load %arg14[%get3A_949, %get3A_950] {strides = array<i32>} : memref<8x768xf32, #tpu.memory_space<vmem>>, vector<1x16xf32>,
        %get3A_952 = vector.shape_cast %get3A_951 : vector<1x16xf32> to vector<16xf32>
        %sub3A_953 = arith.subf %get3A_948, %get3A_952 : vector<16xf32>
        %swap3A_954 = arith.index_cast %scan3A_230 : i32 to index
        %swap3A_955 = arith.index_cast %mul3A_944 : i32 to index
        %swap3A_956 = tpu.vector_load %arg10[%swap3A_954, %swap3A_955] {strides = array<i32>} : memref<8x768xf32, #tpu.memory_space<vmem>>, vector<1x16xf32>,
        %swap3A_957 = vector.shape_cast %swap3A_956 : vector<1x16xf32> to vector<16xf32>
        %swap3A_958 = vector.shape_cast %sub3A_953 : vector<16xf32> to vector<1x16xf32>
        tpu.vector_store %arg10[%swap3A_954, %swap3A_955], %swap3A_958 {strides = array<i32>} : memref<8x768xf32, #tpu.memory_space<vmem>>, vector<1x16xf32>,
        %scan3A_959 = arith.constant 43 : i32
        %mul3A_960 = arith.constant 16 : i32
        %mul3A_961 = arith.muli %scan3A_959, %mul3A_960 : i32
        %get3A_962 = arith.index_cast %scan3A_230 : i32 to index
        %get3A_963 = arith.index_cast %mul3A_961 : i32 to index
        %get3A_964 = tpu.vector_load %arg10[%get3A_962, %get3A_963] {strides = array<i32>} : memref<8x768xf32, #tpu.memory_space<vmem>>, vector<1x16xf32>,
        %get3A_965 = vector.shape_cast %get3A_964 : vector<1x16xf32> to vector<16xf32>
        %get3A_966 = arith.index_cast %scan3A_230 : i32 to index
        %get3A_967 = arith.index_cast %mul3A_961 : i32 to index
        %get3A_968 = tpu.vector_load %arg14[%get3A_966, %get3A_967] {strides = array<i32>} : memref<8x768xf32, #tpu.memory_space<vmem>>, vector<1x16xf32>,
        %get3A_969 = vector.shape_cast %get3A_968 : vector<1x16xf32> to vector<16xf32>
        %sub3A_970 = arith.subf %get3A_965, %get3A_969 : vector<16xf32>
        %swap3A_971 = arith.index_cast %scan3A_230 : i32 to index
        %swap3A_972 = arith.index_cast %mul3A_961 : i32 to index
        %swap3A_973 = tpu.vector_load %arg10[%swap3A_971, %swap3A_972] {strides = array<i32>} : memref<8x768xf32, #tpu.memory_space<vmem>>, vector<1x16xf32>,
        %swap3A_974 = vector.shape_cast %swap3A_973 : vector<1x16xf32> to vector<16xf32>
        %swap3A_975 = vector.shape_cast %sub3A_970 : vector<16xf32> to vector<1x16xf32>
        tpu.vector_store %arg10[%swap3A_971, %swap3A_972], %swap3A_975 {strides = array<i32>} : memref<8x768xf32, #tpu.memory_space<vmem>>, vector<1x16xf32>,
        %scan3A_976 = arith.constant 44 : i32
        %mul3A_977 = arith.constant 16 : i32
        %mul3A_978 = arith.muli %scan3A_976, %mul3A_977 : i32
        %get3A_979 = arith.index_cast %scan3A_230 : i32 to index
        %get3A_980 = arith.index_cast %mul3A_978 : i32 to index
        %get3A_981 = tpu.vector_load %arg10[%get3A_979, %get3A_980] {strides = array<i32>} : memref<8x768xf32, #tpu.memory_space<vmem>>, vector<1x16xf32>,
        %get3A_982 = vector.shape_cast %get3A_981 : vector<1x16xf32> to vector<16xf32>
        %get3A_983 = arith.index_cast %scan3A_230 : i32 to index
        %get3A_984 = arith.index_cast %mul3A_978 : i32 to index
        %get3A_985 = tpu.vector_load %arg14[%get3A_983, %get3A_984] {strides = array<i32>} : memref<8x768xf32, #tpu.memory_space<vmem>>, vector<1x16xf32>,
        %get3A_986 = vector.shape_cast %get3A_985 : vector<1x16xf32> to vector<16xf32>
        %sub3A_987 = arith.subf %get3A_982, %get3A_986 : vector<16xf32>
        %swap3A_988 = arith.index_cast %scan3A_230 : i32 to index
        %swap3A_989 = arith.index_cast %mul3A_978 : i32 to index
        %swap3A_990 = tpu.vector_load %arg10[%swap3A_988, %swap3A_989] {strides = array<i32>} : memref<8x768xf32, #tpu.memory_space<vmem>>, vector<1x16xf32>,
        %swap3A_991 = vector.shape_cast %swap3A_990 : vector<1x16xf32> to vector<16xf32>
        %swap3A_992 = vector.shape_cast %sub3A_987 : vector<16xf32> to vector<1x16xf32>
        tpu.vector_store %arg10[%swap3A_988, %swap3A_989], %swap3A_992 {strides = array<i32>} : memref<8x768xf32, #tpu.memory_space<vmem>>, vector<1x16xf32>,
        %scan3A_993 = arith.constant 45 : i32
        %mul3A_994 = arith.constant 16 : i32
        %mul3A_995 = arith.muli %scan3A_993, %mul3A_994 : i32
        %get3A_996 = arith.index_cast %scan3A_230 : i32 to index
        %get3A_997 = arith.index_cast %mul3A_995 : i32 to index
        %get3A_998 = tpu.vector_load %arg10[%get3A_996, %get3A_997] {strides = array<i32>} : memref<8x768xf32, #tpu.memory_space<vmem>>, vector<1x16xf32>,
        %get3A_999 = vector.shape_cast %get3A_998 : vector<1x16xf32> to vector<16xf32>
        %get3A_1000 = arith.index_cast %scan3A_230 : i32 to index
        %get3A_1001 = arith.index_cast %mul3A_995 : i32 to index
        %get3A_1002 = tpu.vector_load %arg14[%get3A_1000, %get3A_1001] {strides = array<i32>} : memref<8x768xf32, #tpu.memory_space<vmem>>, vector<1x16xf32>,
        %get3A_1003 = vector.shape_cast %get3A_1002 : vector<1x16xf32> to vector<16xf32>
        %sub3A_1004 = arith.subf %get3A_999, %get3A_1003 : vector<16xf32>
        %swap3A_1005 = arith.index_cast %scan3A_230 : i32 to index
        %swap3A_1006 = arith.index_cast %mul3A_995 : i32 to index
        %swap3A_1007 = tpu.vector_load %arg10[%swap3A_1005, %swap3A_1006] {strides = array<i32>} : memref<8x768xf32, #tpu.memory_space<vmem>>, vector<1x16xf32>,
        %swap3A_1008 = vector.shape_cast %swap3A_1007 : vector<1x16xf32> to vector<16xf32>
        %swap3A_1009 = vector.shape_cast %sub3A_1004 : vector<16xf32> to vector<1x16xf32>
        tpu.vector_store %arg10[%swap3A_1005, %swap3A_1006], %swap3A_1009 {strides = array<i32>} : memref<8x768xf32, #tpu.memory_space<vmem>>, vector<1x16xf32>,
        %scan3A_1010 = arith.constant 46 : i32
        %mul3A_1011 = arith.constant 16 : i32
        %mul3A_1012 = arith.muli %scan3A_1010, %mul3A_1011 : i32
        %get3A_1013 = arith.index_cast %scan3A_230 : i32 to index
        %get3A_1014 = arith.index_cast %mul3A_1012 : i32 to index
        %get3A_1015 = tpu.vector_load %arg10[%get3A_1013, %get3A_1014] {strides = array<i32>} : memref<8x768xf32, #tpu.memory_space<vmem>>, vector<1x16xf32>,
        %get3A_1016 = vector.shape_cast %get3A_1015 : vector<1x16xf32> to vector<16xf32>
        %get3A_1017 = arith.index_cast %scan3A_230 : i32 to index
        %get3A_1018 = arith.index_cast %mul3A_1012 : i32 to index
        %get3A_1019 = tpu.vector_load %arg14[%get3A_1017, %get3A_1018] {strides = array<i32>} : memref<8x768xf32, #tpu.memory_space<vmem>>, vector<1x16xf32>,
        %get3A_1020 = vector.shape_cast %get3A_1019 : vector<1x16xf32> to vector<16xf32>
        %sub3A_1021 = arith.subf %get3A_1016, %get3A_1020 : vector<16xf32>
        %swap3A_1022 = arith.index_cast %scan3A_230 : i32 to index
        %swap3A_1023 = arith.index_cast %mul3A_1012 : i32 to index
        %swap3A_1024 = tpu.vector_load %arg10[%swap3A_1022, %swap3A_1023] {strides = array<i32>} : memref<8x768xf32, #tpu.memory_space<vmem>>, vector<1x16xf32>,
        %swap3A_1025 = vector.shape_cast %swap3A_1024 : vector<1x16xf32> to vector<16xf32>
        %swap3A_1026 = vector.shape_cast %sub3A_1021 : vector<16xf32> to vector<1x16xf32>
        tpu.vector_store %arg10[%swap3A_1022, %swap3A_1023], %swap3A_1026 {strides = array<i32>} : memref<8x768xf32, #tpu.memory_space<vmem>>, vector<1x16xf32>,
        %scan3A_1027 = arith.constant 47 : i32
        %mul3A_1028 = arith.constant 16 : i32
        %mul3A_1029 = arith.muli %scan3A_1027, %mul3A_1028 : i32
        %get3A_1030 = arith.index_cast %scan3A_230 : i32 to index
        %get3A_1031 = arith.index_cast %mul3A_1029 : i32 to index
        %get3A_1032 = tpu.vector_load %arg10[%get3A_1030, %get3A_1031] {strides = array<i32>} : memref<8x768xf32, #tpu.memory_space<vmem>>, vector<1x16xf32>,
        %get3A_1033 = vector.shape_cast %get3A_1032 : vector<1x16xf32> to vector<16xf32>
        %get3A_1034 = arith.index_cast %scan3A_230 : i32 to index
        %get3A_1035 = arith.index_cast %mul3A_1029 : i32 to index
        %get3A_1036 = tpu.vector_load %arg14[%get3A_1034, %get3A_1035] {strides = array<i32>} : memref<8x768xf32, #tpu.memory_space<vmem>>, vector<1x16xf32>,
        %get3A_1037 = vector.shape_cast %get3A_1036 : vector<1x16xf32> to vector<16xf32>
        %sub3A_1038 = arith.subf %get3A_1033, %get3A_1037 : vector<16xf32>
        %swap3A_1039 = arith.index_cast %scan3A_230 : i32 to index
        %swap3A_1040 = arith.index_cast %mul3A_1029 : i32 to index
        %swap3A_1041 = tpu.vector_load %arg10[%swap3A_1039, %swap3A_1040] {strides = array<i32>} : memref<8x768xf32, #tpu.memory_space<vmem>>, vector<1x16xf32>,
        %swap3A_1042 = vector.shape_cast %swap3A_1041 : vector<1x16xf32> to vector<16xf32>
        %swap3A_1043 = vector.shape_cast %sub3A_1038 : vector<16xf32> to vector<1x16xf32>
        tpu.vector_store %arg10[%swap3A_1039, %swap3A_1040], %swap3A_1043 {strides = array<i32>} : memref<8x768xf32, #tpu.memory_space<vmem>>, vector<1x16xf32>,
        %scan3A_1044 = arith.constant 48 : i32
      }
      %scan3A_179 = arith.constant 8 : i32
      %mul3A_180 = arith.constant 8 : i32
      %mul3A_181 = arith.muli %add3A_155, %mul3A_180 : i32
      %add3A_182 = arith.addi %mul3A_2, %mul3A_181 : i32
      %dma_start3A_183 = arith.constant 0 : i32
      %dma_start3A_184 = tpu.memref_slice %arg5[%add3A_182, %dma_start3A_183] : memref<32768x768xf32, #tpu.memory_space<hbm>> -> memref<8x768xf32, #tpu.memory_space<hbm>>
      %dma_start3A_185 = arith.constant 0 : i32
      %dma_start3A_186 = tpu.memref_slice %arg5[%add3A_182, %dma_start3A_185] : memref<32768x768xf32, #tpu.memory_space<hbm>> -> memref<8x768xf32, #tpu.memory_space<hbm>>
      tpu.enqueue_dma source(%arg14 : memref<8x768xf32, #tpu.memory_space<vmem>>) target(%dma_start3A_186 : memref<8x768xf32, #tpu.memory_space<hbm>>) target_semaphore(%arg26 : memref<!tpu.dma_semaphore, #tpu.memory_space<semaphore_mem>>)
      %dma_start3A_187 = arith.constant 0 : i32
      %dma_start3A_188 = tpu.memref_slice %arg6[%add3A_182, %dma_start3A_187] : memref<32768x768xf32, #tpu.memory_space<hbm>> -> memref<8x768xf32, #tpu.memory_space<hbm>>
      %dma_start3A_189 = arith.constant 0 : i32
      %dma_start3A_190 = tpu.memref_slice %arg6[%add3A_182, %dma_start3A_189] : memref<32768x768xf32, #tpu.memory_space<hbm>> -> memref<8x768xf32, #tpu.memory_space<hbm>>
      tpu.enqueue_dma source(%arg10 : memref<8x768xf32, #tpu.memory_space<vmem>>) target(%dma_start3A_190 : memref<8x768xf32, #tpu.memory_space<hbm>>) target_semaphore(%arg30 : memref<!tpu.dma_semaphore, #tpu.memory_space<semaphore_mem>>)
      %mul3A_191 = arith.constant 4 : i32
      %mul3A_192 = arith.muli %scan3A_76, %mul3A_191 : i32
      %add3A_193 = arith.constant 3 : i32
      %add3A_194 = arith.addi %mul3A_192, %add3A_193 : i32
      %add3A_195 = arith.constant 2 : i32
      %add3A_196 = arith.addi %add3A_194, %add3A_195 : i32
      %dma_wait3A_197 = arith.constant 0 : i32
      %dma_wait3A_198 = arith.constant 0 : i32
      %dma_wait3A_199 = tpu.memref_slice %arg2[%dma_wait3A_197, %dma_wait3A_198] : memref<32768x768xf32, #tpu.memory_space<hbm>> -> memref<8x768xf32, #tpu.memory_space<hbm>>
      %dma_wait3A_200 = arith.constant 0 : i32
      %dma_wait3A_201 = arith.constant 0 : i32
      %dma_wait3A_202 = tpu.memref_slice %arg2[%dma_wait3A_200, %dma_wait3A_201] : memref<32768x768xf32, #tpu.memory_space<hbm>> -> memref<8x768xf32, #tpu.memory_space<hbm>>
      tpu.wait_dma2 semaphore(%arg19 : memref<!tpu.dma_semaphore, #tpu.memory_space<semaphore_mem>>) src(%dma_wait3A_202 : memref<8x768xf32, #tpu.memory_space<hbm>>) dst(%arg11 : memref<8x768xf32, #tpu.memory_space<vmem>>)
      %dma_wait3A_203 = arith.constant 0 : i32
      %dma_wait3A_204 = tpu.memref_slice %arg7[%dma_wait3A_203] : memref<1024xi32, #tpu.memory_space<vmem>> -> memref<8xi32, #tpu.memory_space<vmem>>
      %dma_wait3A_205 = arith.constant 0 : i32
      %dma_wait3A_206 = arith.constant 0 : i32
      %dma_wait3A_207 = tpu.memref_slice %arg4[%dma_wait3A_205, %dma_wait3A_206] : memref<168x768xf32, #tpu.memory_space<hbm>> -> memref<168x768xf32, #tpu.memory_space<hbm>>
      tpu.wait_indirect_dma semaphore(%arg23 : memref<!tpu.dma_semaphore, #tpu.memory_space<semaphore_mem>>) src(%dma_wait3A_207 : memref<168x768xf32, #tpu.memory_space<hbm>>) dst(%arg15 : memref<8x768xf32, #tpu.memory_space<vmem>>)
      %lt3A_208 = arith.constant 128 : i32
      %lt3A_209 = arith.cmpi slt, %add3A_196, %lt3A_208 : i32
      %convert_element_type3A_210 = arith.extui %lt3A_209 : i1 to i32
      %cond3A_211 = arith.constant 0 : i32
      %cond3A_212 = arith.cmpi ne, %convert_element_type3A_210, %cond3A_211 : i32
      scf.if %cond3A_212 {
        %ge3A = arith.constant 4 : i32
        %ge3A_230 = arith.cmpi sge, %add3A_196, %ge3A : i32
        %convert_element_type3A_231 = arith.extui %ge3A_230 : i1 to i32
        %cond3A_232 = arith.constant 0 : i32
        %cond3A_233 = arith.cmpi ne, %convert_element_type3A_231, %cond3A_232 : i32
        scf.if %cond3A_233 {
          %dma_wait3A_247 = arith.constant 0 : i32
          %dma_wait3A_248 = arith.constant 0 : i32
          %dma_wait3A_249 = tpu.memref_slice %arg5[%dma_wait3A_247, %dma_wait3A_248] : memref<32768x768xf32, #tpu.memory_space<hbm>> -> memref<8x768xf32, #tpu.memory_space<hbm>>
          %dma_wait3A_250 = arith.constant 0 : i32
          %dma_wait3A_251 = arith.constant 0 : i32
          %dma_wait3A_252 = tpu.memref_slice %arg5[%dma_wait3A_250, %dma_wait3A_251] : memref<32768x768xf32, #tpu.memory_space<hbm>> -> memref<8x768xf32, #tpu.memory_space<hbm>>
          tpu.wait_dma2 semaphore(%arg25 : memref<!tpu.dma_semaphore, #tpu.memory_space<semaphore_mem>>) src(%arg13 : memref<8x768xf32, #tpu.memory_space<vmem>>) dst(%dma_wait3A_252 : memref<8x768xf32, #tpu.memory_space<hbm>>)
          %dma_wait3A_253 = arith.constant 0 : i32
          %dma_wait3A_254 = arith.constant 0 : i32
          %dma_wait3A_255 = tpu.memref_slice %arg6[%dma_wait3A_253, %dma_wait3A_254] : memref<32768x768xf32, #tpu.memory_space<hbm>> -> memref<8x768xf32, #tpu.memory_space<hbm>>
          %dma_wait3A_256 = arith.constant 0 : i32
          %dma_wait3A_257 = arith.constant 0 : i32
          %dma_wait3A_258 = tpu.memref_slice %arg6[%dma_wait3A_256, %dma_wait3A_257] : memref<32768x768xf32, #tpu.memory_space<hbm>> -> memref<8x768xf32, #tpu.memory_space<hbm>>
          tpu.wait_dma2 semaphore(%arg29 : memref<!tpu.dma_semaphore, #tpu.memory_space<semaphore_mem>>) src(%arg9 : memref<8x768xf32, #tpu.memory_space<vmem>>) dst(%dma_wait3A_258 : memref<8x768xf32, #tpu.memory_space<hbm>>)
        } else {
        }
        %mul3A_234 = arith.constant 8 : i32
        %mul3A_235 = arith.muli %add3A_196, %mul3A_234 : i32
        %add3A_236 = arith.addi %mul3A_2, %mul3A_235 : i32
        %mul3A_237 = arith.constant 8 : i32
        %mul3A_238 = arith.muli %add3A_196, %mul3A_237 : i32
        %dma_start3A_239 = tpu.memref_slice %arg7[%mul3A_238] : memref<1024xi32, #tpu.memory_space<vmem>> -> memref<8xi32, #tpu.memory_space<vmem>>
        %dma_start3A_240 = arith.constant 0 : i32
        %dma_start3A_241 = arith.constant 0 : i32
        %dma_start3A_242 = tpu.memref_slice %arg4[%dma_start3A_240, %dma_start3A_241] : memref<168x768xf32, #tpu.memory_space<hbm>> -> memref<168x768xf32, #tpu.memory_space<hbm>>
        tpu.enqueue_indirect_dma source(%dma_start3A_242 : memref<168x768xf32, #tpu.memory_space<hbm>>) target(%arg13 : memref<8x768xf32, #tpu.memory_space<vmem>>) offsets(%dma_start3A_239 : memref<8xi32, #tpu.memory_space<vmem>>) semaphore(%arg21 : memref<!tpu.dma_semaphore, #tpu.memory_space<semaphore_mem>>)
        %dma_start3A_243 = arith.constant 0 : i32
        %dma_start3A_244 = tpu.memref_slice %arg2[%add3A_236, %dma_start3A_243] : memref<32768x768xf32, #tpu.memory_space<hbm>> -> memref<8x768xf32, #tpu.memory_space<hbm>>
        %dma_start3A_245 = arith.constant 0 : i32
        %dma_start3A_246 = tpu.memref_slice %arg2[%add3A_236, %dma_start3A_245] : memref<32768x768xf32, #tpu.memory_space<hbm>> -> memref<8x768xf32, #tpu.memory_space<hbm>>
        tpu.enqueue_dma source(%dma_start3A_246 : memref<8x768xf32, #tpu.memory_space<hbm>>) target(%arg9 : memref<8x768xf32, #tpu.memory_space<vmem>>) target_semaphore(%arg17 : memref<!tpu.dma_semaphore, #tpu.memory_space<semaphore_mem>>)
      } else {
      }
      %scan3A_213 = arith.constant 0 : i32
      %scan3A_214 = arith.constant 0 : i32
      %scan3A_215 = arith.constant 8 : i32
      %scan3A_216 = arith.addi %scan3A_214, %scan3A_215 : i32
      %scan3A_217 = arith.constant 1 : i32
      scf.for %scan3A_230 = %scan3A_214 to %scan3A_216 step %scan3A_217  : i32 {
        %scan3A_231 = arith.constant 0 : i32
        %mul3A_232 = arith.constant 16 : i32
        %mul3A_233 = arith.muli %scan3A_231, %mul3A_232 : i32
        %get3A = arith.index_cast %scan3A_230 : i32 to index
        %get3A_234 = arith.index_cast %mul3A_233 : i32 to index
        %get3A_235 = tpu.vector_load %arg11[%get3A, %get3A_234] {strides = array<i32>} : memref<8x768xf32, #tpu.memory_space<vmem>>, vector<1x16xf32>,
        %get3A_236 = vector.shape_cast %get3A_235 : vector<1x16xf32> to vector<16xf32>
        %get3A_237 = arith.index_cast %scan3A_230 : i32 to index
        %get3A_238 = arith.index_cast %mul3A_233 : i32 to index
        %get3A_239 = tpu.vector_load %arg15[%get3A_237, %get3A_238] {strides = array<i32>} : memref<8x768xf32, #tpu.memory_space<vmem>>, vector<1x16xf32>,
        %get3A_240 = vector.shape_cast %get3A_239 : vector<1x16xf32> to vector<16xf32>
        %sub3A = arith.subf %get3A_236, %get3A_240 : vector<16xf32>
        %swap3A = arith.index_cast %scan3A_230 : i32 to index
        %swap3A_241 = arith.index_cast %mul3A_233 : i32 to index
        %swap3A_242 = tpu.vector_load %arg11[%swap3A, %swap3A_241] {strides = array<i32>} : memref<8x768xf32, #tpu.memory_space<vmem>>, vector<1x16xf32>,
        %swap3A_243 = vector.shape_cast %swap3A_242 : vector<1x16xf32> to vector<16xf32>
        %swap3A_244 = vector.shape_cast %sub3A : vector<16xf32> to vector<1x16xf32>
        tpu.vector_store %arg11[%swap3A, %swap3A_241], %swap3A_244 {strides = array<i32>} : memref<8x768xf32, #tpu.memory_space<vmem>>, vector<1x16xf32>,
        %scan3A_245 = arith.constant 1 : i32
        %mul3A_246 = arith.constant 16 : i32
        %mul3A_247 = arith.muli %scan3A_245, %mul3A_246 : i32
        %get3A_248 = arith.index_cast %scan3A_230 : i32 to index
        %get3A_249 = arith.index_cast %mul3A_247 : i32 to index
        %get3A_250 = tpu.vector_load %arg11[%get3A_248, %get3A_249] {strides = array<i32>} : memref<8x768xf32, #tpu.memory_space<vmem>>, vector<1x16xf32>,
        %get3A_251 = vector.shape_cast %get3A_250 : vector<1x16xf32> to vector<16xf32>
        %get3A_252 = arith.index_cast %scan3A_230 : i32 to index
        %get3A_253 = arith.index_cast %mul3A_247 : i32 to index
        %get3A_254 = tpu.vector_load %arg15[%get3A_252, %get3A_253] {strides = array<i32>} : memref<8x768xf32, #tpu.memory_space<vmem>>, vector<1x16xf32>,
        %get3A_255 = vector.shape_cast %get3A_254 : vector<1x16xf32> to vector<16xf32>
        %sub3A_256 = arith.subf %get3A_251, %get3A_255 : vector<16xf32>
        %swap3A_257 = arith.index_cast %scan3A_230 : i32 to index
        %swap3A_258 = arith.index_cast %mul3A_247 : i32 to index
        %swap3A_259 = tpu.vector_load %arg11[%swap3A_257, %swap3A_258] {strides = array<i32>} : memref<8x768xf32, #tpu.memory_space<vmem>>, vector<1x16xf32>,
        %swap3A_260 = vector.shape_cast %swap3A_259 : vector<1x16xf32> to vector<16xf32>
        %swap3A_261 = vector.shape_cast %sub3A_256 : vector<16xf32> to vector<1x16xf32>
        tpu.vector_store %arg11[%swap3A_257, %swap3A_258], %swap3A_261 {strides = array<i32>} : memref<8x768xf32, #tpu.memory_space<vmem>>, vector<1x16xf32>,
        %scan3A_262 = arith.constant 2 : i32
        %mul3A_263 = arith.constant 16 : i32
        %mul3A_264 = arith.muli %scan3A_262, %mul3A_263 : i32
        %get3A_265 = arith.index_cast %scan3A_230 : i32 to index
        %get3A_266 = arith.index_cast %mul3A_264 : i32 to index
        %get3A_267 = tpu.vector_load %arg11[%get3A_265, %get3A_266] {strides = array<i32>} : memref<8x768xf32, #tpu.memory_space<vmem>>, vector<1x16xf32>,
        %get3A_268 = vector.shape_cast %get3A_267 : vector<1x16xf32> to vector<16xf32>
        %get3A_269 = arith.index_cast %scan3A_230 : i32 to index
        %get3A_270 = arith.index_cast %mul3A_264 : i32 to index
        %get3A_271 = tpu.vector_load %arg15[%get3A_269, %get3A_270] {strides = array<i32>} : memref<8x768xf32, #tpu.memory_space<vmem>>, vector<1x16xf32>,
        %get3A_272 = vector.shape_cast %get3A_271 : vector<1x16xf32> to vector<16xf32>
        %sub3A_273 = arith.subf %get3A_268, %get3A_272 : vector<16xf32>
        %swap3A_274 = arith.index_cast %scan3A_230 : i32 to index
        %swap3A_275 = arith.index_cast %mul3A_264 : i32 to index
        %swap3A_276 = tpu.vector_load %arg11[%swap3A_274, %swap3A_275] {strides = array<i32>} : memref<8x768xf32, #tpu.memory_space<vmem>>, vector<1x16xf32>,
        %swap3A_277 = vector.shape_cast %swap3A_276 : vector<1x16xf32> to vector<16xf32>
        %swap3A_278 = vector.shape_cast %sub3A_273 : vector<16xf32> to vector<1x16xf32>
        tpu.vector_store %arg11[%swap3A_274, %swap3A_275], %swap3A_278 {strides = array<i32>} : memref<8x768xf32, #tpu.memory_space<vmem>>, vector<1x16xf32>,
        %scan3A_279 = arith.constant 3 : i32
        %mul3A_280 = arith.constant 16 : i32
        %mul3A_281 = arith.muli %scan3A_279, %mul3A_280 : i32
        %get3A_282 = arith.index_cast %scan3A_230 : i32 to index
        %get3A_283 = arith.index_cast %mul3A_281 : i32 to index
        %get3A_284 = tpu.vector_load %arg11[%get3A_282, %get3A_283] {strides = array<i32>} : memref<8x768xf32, #tpu.memory_space<vmem>>, vector<1x16xf32>,
        %get3A_285 = vector.shape_cast %get3A_284 : vector<1x16xf32> to vector<16xf32>
        %get3A_286 = arith.index_cast %scan3A_230 : i32 to index
        %get3A_287 = arith.index_cast %mul3A_281 : i32 to index
        %get3A_288 = tpu.vector_load %arg15[%get3A_286, %get3A_287] {strides = array<i32>} : memref<8x768xf32, #tpu.memory_space<vmem>>, vector<1x16xf32>,
        %get3A_289 = vector.shape_cast %get3A_288 : vector<1x16xf32> to vector<16xf32>
        %sub3A_290 = arith.subf %get3A_285, %get3A_289 : vector<16xf32>
        %swap3A_291 = arith.index_cast %scan3A_230 : i32 to index
        %swap3A_292 = arith.index_cast %mul3A_281 : i32 to index
        %swap3A_293 = tpu.vector_load %arg11[%swap3A_291, %swap3A_292] {strides = array<i32>} : memref<8x768xf32, #tpu.memory_space<vmem>>, vector<1x16xf32>,
        %swap3A_294 = vector.shape_cast %swap3A_293 : vector<1x16xf32> to vector<16xf32>
        %swap3A_295 = vector.shape_cast %sub3A_290 : vector<16xf32> to vector<1x16xf32>
        tpu.vector_store %arg11[%swap3A_291, %swap3A_292], %swap3A_295 {strides = array<i32>} : memref<8x768xf32, #tpu.memory_space<vmem>>, vector<1x16xf32>,
        %scan3A_296 = arith.constant 4 : i32
        %mul3A_297 = arith.constant 16 : i32
        %mul3A_298 = arith.muli %scan3A_296, %mul3A_297 : i32
        %get3A_299 = arith.index_cast %scan3A_230 : i32 to index
        %get3A_300 = arith.index_cast %mul3A_298 : i32 to index
        %get3A_301 = tpu.vector_load %arg11[%get3A_299, %get3A_300] {strides = array<i32>} : memref<8x768xf32, #tpu.memory_space<vmem>>, vector<1x16xf32>,
        %get3A_302 = vector.shape_cast %get3A_301 : vector<1x16xf32> to vector<16xf32>
        %get3A_303 = arith.index_cast %scan3A_230 : i32 to index
        %get3A_304 = arith.index_cast %mul3A_298 : i32 to index
        %get3A_305 = tpu.vector_load %arg15[%get3A_303, %get3A_304] {strides = array<i32>} : memref<8x768xf32, #tpu.memory_space<vmem>>, vector<1x16xf32>,
        %get3A_306 = vector.shape_cast %get3A_305 : vector<1x16xf32> to vector<16xf32>
        %sub3A_307 = arith.subf %get3A_302, %get3A_306 : vector<16xf32>
        %swap3A_308 = arith.index_cast %scan3A_230 : i32 to index
        %swap3A_309 = arith.index_cast %mul3A_298 : i32 to index
        %swap3A_310 = tpu.vector_load %arg11[%swap3A_308, %swap3A_309] {strides = array<i32>} : memref<8x768xf32, #tpu.memory_space<vmem>>, vector<1x16xf32>,
        %swap3A_311 = vector.shape_cast %swap3A_310 : vector<1x16xf32> to vector<16xf32>
        %swap3A_312 = vector.shape_cast %sub3A_307 : vector<16xf32> to vector<1x16xf32>
        tpu.vector_store %arg11[%swap3A_308, %swap3A_309], %swap3A_312 {strides = array<i32>} : memref<8x768xf32, #tpu.memory_space<vmem>>, vector<1x16xf32>,
        %scan3A_313 = arith.constant 5 : i32
        %mul3A_314 = arith.constant 16 : i32
        %mul3A_315 = arith.muli %scan3A_313, %mul3A_314 : i32
        %get3A_316 = arith.index_cast %scan3A_230 : i32 to index
        %get3A_317 = arith.index_cast %mul3A_315 : i32 to index
        %get3A_318 = tpu.vector_load %arg11[%get3A_316, %get3A_317] {strides = array<i32>} : memref<8x768xf32, #tpu.memory_space<vmem>>, vector<1x16xf32>,
        %get3A_319 = vector.shape_cast %get3A_318 : vector<1x16xf32> to vector<16xf32>
        %get3A_320 = arith.index_cast %scan3A_230 : i32 to index
        %get3A_321 = arith.index_cast %mul3A_315 : i32 to index
        %get3A_322 = tpu.vector_load %arg15[%get3A_320, %get3A_321] {strides = array<i32>} : memref<8x768xf32, #tpu.memory_space<vmem>>, vector<1x16xf32>,
        %get3A_323 = vector.shape_cast %get3A_322 : vector<1x16xf32> to vector<16xf32>
        %sub3A_324 = arith.subf %get3A_319, %get3A_323 : vector<16xf32>
        %swap3A_325 = arith.index_cast %scan3A_230 : i32 to index
        %swap3A_326 = arith.index_cast %mul3A_315 : i32 to index
        %swap3A_327 = tpu.vector_load %arg11[%swap3A_325, %swap3A_326] {strides = array<i32>} : memref<8x768xf32, #tpu.memory_space<vmem>>, vector<1x16xf32>,
        %swap3A_328 = vector.shape_cast %swap3A_327 : vector<1x16xf32> to vector<16xf32>
        %swap3A_329 = vector.shape_cast %sub3A_324 : vector<16xf32> to vector<1x16xf32>
        tpu.vector_store %arg11[%swap3A_325, %swap3A_326], %swap3A_329 {strides = array<i32>} : memref<8x768xf32, #tpu.memory_space<vmem>>, vector<1x16xf32>,
        %scan3A_330 = arith.constant 6 : i32
        %mul3A_331 = arith.constant 16 : i32
        %mul3A_332 = arith.muli %scan3A_330, %mul3A_331 : i32
        %get3A_333 = arith.index_cast %scan3A_230 : i32 to index
        %get3A_334 = arith.index_cast %mul3A_332 : i32 to index
        %get3A_335 = tpu.vector_load %arg11[%get3A_333, %get3A_334] {strides = array<i32>} : memref<8x768xf32, #tpu.memory_space<vmem>>, vector<1x16xf32>,
        %get3A_336 = vector.shape_cast %get3A_335 : vector<1x16xf32> to vector<16xf32>
        %get3A_337 = arith.index_cast %scan3A_230 : i32 to index
        %get3A_338 = arith.index_cast %mul3A_332 : i32 to index
        %get3A_339 = tpu.vector_load %arg15[%get3A_337, %get3A_338] {strides = array<i32>} : memref<8x768xf32, #tpu.memory_space<vmem>>, vector<1x16xf32>,
        %get3A_340 = vector.shape_cast %get3A_339 : vector<1x16xf32> to vector<16xf32>
        %sub3A_341 = arith.subf %get3A_336, %get3A_340 : vector<16xf32>
        %swap3A_342 = arith.index_cast %scan3A_230 : i32 to index
        %swap3A_343 = arith.index_cast %mul3A_332 : i32 to index
        %swap3A_344 = tpu.vector_load %arg11[%swap3A_342, %swap3A_343] {strides = array<i32>} : memref<8x768xf32, #tpu.memory_space<vmem>>, vector<1x16xf32>,
        %swap3A_345 = vector.shape_cast %swap3A_344 : vector<1x16xf32> to vector<16xf32>
        %swap3A_346 = vector.shape_cast %sub3A_341 : vector<16xf32> to vector<1x16xf32>
        tpu.vector_store %arg11[%swap3A_342, %swap3A_343], %swap3A_346 {strides = array<i32>} : memref<8x768xf32, #tpu.memory_space<vmem>>, vector<1x16xf32>,
        %scan3A_347 = arith.constant 7 : i32
        %mul3A_348 = arith.constant 16 : i32
        %mul3A_349 = arith.muli %scan3A_347, %mul3A_348 : i32
        %get3A_350 = arith.index_cast %scan3A_230 : i32 to index
        %get3A_351 = arith.index_cast %mul3A_349 : i32 to index
        %get3A_352 = tpu.vector_load %arg11[%get3A_350, %get3A_351] {strides = array<i32>} : memref<8x768xf32, #tpu.memory_space<vmem>>, vector<1x16xf32>,
        %get3A_353 = vector.shape_cast %get3A_352 : vector<1x16xf32> to vector<16xf32>
        %get3A_354 = arith.index_cast %scan3A_230 : i32 to index
        %get3A_355 = arith.index_cast %mul3A_349 : i32 to index
        %get3A_356 = tpu.vector_load %arg15[%get3A_354, %get3A_355] {strides = array<i32>} : memref<8x768xf32, #tpu.memory_space<vmem>>, vector<1x16xf32>,
        %get3A_357 = vector.shape_cast %get3A_356 : vector<1x16xf32> to vector<16xf32>
        %sub3A_358 = arith.subf %get3A_353, %get3A_357 : vector<16xf32>
        %swap3A_359 = arith.index_cast %scan3A_230 : i32 to index
        %swap3A_360 = arith.index_cast %mul3A_349 : i32 to index
        %swap3A_361 = tpu.vector_load %arg11[%swap3A_359, %swap3A_360] {strides = array<i32>} : memref<8x768xf32, #tpu.memory_space<vmem>>, vector<1x16xf32>,
        %swap3A_362 = vector.shape_cast %swap3A_361 : vector<1x16xf32> to vector<16xf32>
        %swap3A_363 = vector.shape_cast %sub3A_358 : vector<16xf32> to vector<1x16xf32>
        tpu.vector_store %arg11[%swap3A_359, %swap3A_360], %swap3A_363 {strides = array<i32>} : memref<8x768xf32, #tpu.memory_space<vmem>>, vector<1x16xf32>,
        %scan3A_364 = arith.constant 8 : i32
        %mul3A_365 = arith.constant 16 : i32
        %mul3A_366 = arith.muli %scan3A_364, %mul3A_365 : i32
        %get3A_367 = arith.index_cast %scan3A_230 : i32 to index
        %get3A_368 = arith.index_cast %mul3A_366 : i32 to index
        %get3A_369 = tpu.vector_load %arg11[%get3A_367, %get3A_368] {strides = array<i32>} : memref<8x768xf32, #tpu.memory_space<vmem>>, vector<1x16xf32>,
        %get3A_370 = vector.shape_cast %get3A_369 : vector<1x16xf32> to vector<16xf32>
        %get3A_371 = arith.index_cast %scan3A_230 : i32 to index
        %get3A_372 = arith.index_cast %mul3A_366 : i32 to index
        %get3A_373 = tpu.vector_load %arg15[%get3A_371, %get3A_372] {strides = array<i32>} : memref<8x768xf32, #tpu.memory_space<vmem>>, vector<1x16xf32>,
        %get3A_374 = vector.shape_cast %get3A_373 : vector<1x16xf32> to vector<16xf32>
        %sub3A_375 = arith.subf %get3A_370, %get3A_374 : vector<16xf32>
        %swap3A_376 = arith.index_cast %scan3A_230 : i32 to index
        %swap3A_377 = arith.index_cast %mul3A_366 : i32 to index
        %swap3A_378 = tpu.vector_load %arg11[%swap3A_376, %swap3A_377] {strides = array<i32>} : memref<8x768xf32, #tpu.memory_space<vmem>>, vector<1x16xf32>,
        %swap3A_379 = vector.shape_cast %swap3A_378 : vector<1x16xf32> to vector<16xf32>
        %swap3A_380 = vector.shape_cast %sub3A_375 : vector<16xf32> to vector<1x16xf32>
        tpu.vector_store %arg11[%swap3A_376, %swap3A_377], %swap3A_380 {strides = array<i32>} : memref<8x768xf32, #tpu.memory_space<vmem>>, vector<1x16xf32>,
        %scan3A_381 = arith.constant 9 : i32
        %mul3A_382 = arith.constant 16 : i32
        %mul3A_383 = arith.muli %scan3A_381, %mul3A_382 : i32
        %get3A_384 = arith.index_cast %scan3A_230 : i32 to index
        %get3A_385 = arith.index_cast %mul3A_383 : i32 to index
        %get3A_386 = tpu.vector_load %arg11[%get3A_384, %get3A_385] {strides = array<i32>} : memref<8x768xf32, #tpu.memory_space<vmem>>, vector<1x16xf32>,
        %get3A_387 = vector.shape_cast %get3A_386 : vector<1x16xf32> to vector<16xf32>
        %get3A_388 = arith.index_cast %scan3A_230 : i32 to index
        %get3A_389 = arith.index_cast %mul3A_383 : i32 to index
        %get3A_390 = tpu.vector_load %arg15[%get3A_388, %get3A_389] {strides = array<i32>} : memref<8x768xf32, #tpu.memory_space<vmem>>, vector<1x16xf32>,
        %get3A_391 = vector.shape_cast %get3A_390 : vector<1x16xf32> to vector<16xf32>
        %sub3A_392 = arith.subf %get3A_387, %get3A_391 : vector<16xf32>
        %swap3A_393 = arith.index_cast %scan3A_230 : i32 to index
        %swap3A_394 = arith.index_cast %mul3A_383 : i32 to index
        %swap3A_395 = tpu.vector_load %arg11[%swap3A_393, %swap3A_394] {strides = array<i32>} : memref<8x768xf32, #tpu.memory_space<vmem>>, vector<1x16xf32>,
        %swap3A_396 = vector.shape_cast %swap3A_395 : vector<1x16xf32> to vector<16xf32>
        %swap3A_397 = vector.shape_cast %sub3A_392 : vector<16xf32> to vector<1x16xf32>
        tpu.vector_store %arg11[%swap3A_393, %swap3A_394], %swap3A_397 {strides = array<i32>} : memref<8x768xf32, #tpu.memory_space<vmem>>, vector<1x16xf32>,
        %scan3A_398 = arith.constant 10 : i32
        %mul3A_399 = arith.constant 16 : i32
        %mul3A_400 = arith.muli %scan3A_398, %mul3A_399 : i32
        %get3A_401 = arith.index_cast %scan3A_230 : i32 to index
        %get3A_402 = arith.index_cast %mul3A_400 : i32 to index
        %get3A_403 = tpu.vector_load %arg11[%get3A_401, %get3A_402] {strides = array<i32>} : memref<8x768xf32, #tpu.memory_space<vmem>>, vector<1x16xf32>,
        %get3A_404 = vector.shape_cast %get3A_403 : vector<1x16xf32> to vector<16xf32>
        %get3A_405 = arith.index_cast %scan3A_230 : i32 to index
        %get3A_406 = arith.index_cast %mul3A_400 : i32 to index
        %get3A_407 = tpu.vector_load %arg15[%get3A_405, %get3A_406] {strides = array<i32>} : memref<8x768xf32, #tpu.memory_space<vmem>>, vector<1x16xf32>,
        %get3A_408 = vector.shape_cast %get3A_407 : vector<1x16xf32> to vector<16xf32>
        %sub3A_409 = arith.subf %get3A_404, %get3A_408 : vector<16xf32>
        %swap3A_410 = arith.index_cast %scan3A_230 : i32 to index
        %swap3A_411 = arith.index_cast %mul3A_400 : i32 to index
        %swap3A_412 = tpu.vector_load %arg11[%swap3A_410, %swap3A_411] {strides = array<i32>} : memref<8x768xf32, #tpu.memory_space<vmem>>, vector<1x16xf32>,
        %swap3A_413 = vector.shape_cast %swap3A_412 : vector<1x16xf32> to vector<16xf32>
        %swap3A_414 = vector.shape_cast %sub3A_409 : vector<16xf32> to vector<1x16xf32>
        tpu.vector_store %arg11[%swap3A_410, %swap3A_411], %swap3A_414 {strides = array<i32>} : memref<8x768xf32, #tpu.memory_space<vmem>>, vector<1x16xf32>,
        %scan3A_415 = arith.constant 11 : i32
        %mul3A_416 = arith.constant 16 : i32
        %mul3A_417 = arith.muli %scan3A_415, %mul3A_416 : i32
        %get3A_418 = arith.index_cast %scan3A_230 : i32 to index
        %get3A_419 = arith.index_cast %mul3A_417 : i32 to index
        %get3A_420 = tpu.vector_load %arg11[%get3A_418, %get3A_419] {strides = array<i32>} : memref<8x768xf32, #tpu.memory_space<vmem>>, vector<1x16xf32>,
        %get3A_421 = vector.shape_cast %get3A_420 : vector<1x16xf32> to vector<16xf32>
        %get3A_422 = arith.index_cast %scan3A_230 : i32 to index
        %get3A_423 = arith.index_cast %mul3A_417 : i32 to index
        %get3A_424 = tpu.vector_load %arg15[%get3A_422, %get3A_423] {strides = array<i32>} : memref<8x768xf32, #tpu.memory_space<vmem>>, vector<1x16xf32>,
        %get3A_425 = vector.shape_cast %get3A_424 : vector<1x16xf32> to vector<16xf32>
        %sub3A_426 = arith.subf %get3A_421, %get3A_425 : vector<16xf32>
        %swap3A_427 = arith.index_cast %scan3A_230 : i32 to index
        %swap3A_428 = arith.index_cast %mul3A_417 : i32 to index
        %swap3A_429 = tpu.vector_load %arg11[%swap3A_427, %swap3A_428] {strides = array<i32>} : memref<8x768xf32, #tpu.memory_space<vmem>>, vector<1x16xf32>,
        %swap3A_430 = vector.shape_cast %swap3A_429 : vector<1x16xf32> to vector<16xf32>
        %swap3A_431 = vector.shape_cast %sub3A_426 : vector<16xf32> to vector<1x16xf32>
        tpu.vector_store %arg11[%swap3A_427, %swap3A_428], %swap3A_431 {strides = array<i32>} : memref<8x768xf32, #tpu.memory_space<vmem>>, vector<1x16xf32>,
        %scan3A_432 = arith.constant 12 : i32
        %mul3A_433 = arith.constant 16 : i32
        %mul3A_434 = arith.muli %scan3A_432, %mul3A_433 : i32
        %get3A_435 = arith.index_cast %scan3A_230 : i32 to index
        %get3A_436 = arith.index_cast %mul3A_434 : i32 to index
        %get3A_437 = tpu.vector_load %arg11[%get3A_435, %get3A_436] {strides = array<i32>} : memref<8x768xf32, #tpu.memory_space<vmem>>, vector<1x16xf32>,
        %get3A_438 = vector.shape_cast %get3A_437 : vector<1x16xf32> to vector<16xf32>
        %get3A_439 = arith.index_cast %scan3A_230 : i32 to index
        %get3A_440 = arith.index_cast %mul3A_434 : i32 to index
        %get3A_441 = tpu.vector_load %arg15[%get3A_439, %get3A_440] {strides = array<i32>} : memref<8x768xf32, #tpu.memory_space<vmem>>, vector<1x16xf32>,
        %get3A_442 = vector.shape_cast %get3A_441 : vector<1x16xf32> to vector<16xf32>
        %sub3A_443 = arith.subf %get3A_438, %get3A_442 : vector<16xf32>
        %swap3A_444 = arith.index_cast %scan3A_230 : i32 to index
        %swap3A_445 = arith.index_cast %mul3A_434 : i32 to index
        %swap3A_446 = tpu.vector_load %arg11[%swap3A_444, %swap3A_445] {strides = array<i32>} : memref<8x768xf32, #tpu.memory_space<vmem>>, vector<1x16xf32>,
        %swap3A_447 = vector.shape_cast %swap3A_446 : vector<1x16xf32> to vector<16xf32>
        %swap3A_448 = vector.shape_cast %sub3A_443 : vector<16xf32> to vector<1x16xf32>
        tpu.vector_store %arg11[%swap3A_444, %swap3A_445], %swap3A_448 {strides = array<i32>} : memref<8x768xf32, #tpu.memory_space<vmem>>, vector<1x16xf32>,
        %scan3A_449 = arith.constant 13 : i32
        %mul3A_450 = arith.constant 16 : i32
        %mul3A_451 = arith.muli %scan3A_449, %mul3A_450 : i32
        %get3A_452 = arith.index_cast %scan3A_230 : i32 to index
        %get3A_453 = arith.index_cast %mul3A_451 : i32 to index
        %get3A_454 = tpu.vector_load %arg11[%get3A_452, %get3A_453] {strides = array<i32>} : memref<8x768xf32, #tpu.memory_space<vmem>>, vector<1x16xf32>,
        %get3A_455 = vector.shape_cast %get3A_454 : vector<1x16xf32> to vector<16xf32>
        %get3A_456 = arith.index_cast %scan3A_230 : i32 to index
        %get3A_457 = arith.index_cast %mul3A_451 : i32 to index
        %get3A_458 = tpu.vector_load %arg15[%get3A_456, %get3A_457] {strides = array<i32>} : memref<8x768xf32, #tpu.memory_space<vmem>>, vector<1x16xf32>,
        %get3A_459 = vector.shape_cast %get3A_458 : vector<1x16xf32> to vector<16xf32>
        %sub3A_460 = arith.subf %get3A_455, %get3A_459 : vector<16xf32>
        %swap3A_461 = arith.index_cast %scan3A_230 : i32 to index
        %swap3A_462 = arith.index_cast %mul3A_451 : i32 to index
        %swap3A_463 = tpu.vector_load %arg11[%swap3A_461, %swap3A_462] {strides = array<i32>} : memref<8x768xf32, #tpu.memory_space<vmem>>, vector<1x16xf32>,
        %swap3A_464 = vector.shape_cast %swap3A_463 : vector<1x16xf32> to vector<16xf32>
        %swap3A_465 = vector.shape_cast %sub3A_460 : vector<16xf32> to vector<1x16xf32>
        tpu.vector_store %arg11[%swap3A_461, %swap3A_462], %swap3A_465 {strides = array<i32>} : memref<8x768xf32, #tpu.memory_space<vmem>>, vector<1x16xf32>,
        %scan3A_466 = arith.constant 14 : i32
        %mul3A_467 = arith.constant 16 : i32
        %mul3A_468 = arith.muli %scan3A_466, %mul3A_467 : i32
        %get3A_469 = arith.index_cast %scan3A_230 : i32 to index
        %get3A_470 = arith.index_cast %mul3A_468 : i32 to index
        %get3A_471 = tpu.vector_load %arg11[%get3A_469, %get3A_470] {strides = array<i32>} : memref<8x768xf32, #tpu.memory_space<vmem>>, vector<1x16xf32>,
        %get3A_472 = vector.shape_cast %get3A_471 : vector<1x16xf32> to vector<16xf32>
        %get3A_473 = arith.index_cast %scan3A_230 : i32 to index
        %get3A_474 = arith.index_cast %mul3A_468 : i32 to index
        %get3A_475 = tpu.vector_load %arg15[%get3A_473, %get3A_474] {strides = array<i32>} : memref<8x768xf32, #tpu.memory_space<vmem>>, vector<1x16xf32>,
        %get3A_476 = vector.shape_cast %get3A_475 : vector<1x16xf32> to vector<16xf32>
        %sub3A_477 = arith.subf %get3A_472, %get3A_476 : vector<16xf32>
        %swap3A_478 = arith.index_cast %scan3A_230 : i32 to index
        %swap3A_479 = arith.index_cast %mul3A_468 : i32 to index
        %swap3A_480 = tpu.vector_load %arg11[%swap3A_478, %swap3A_479] {strides = array<i32>} : memref<8x768xf32, #tpu.memory_space<vmem>>, vector<1x16xf32>,
        %swap3A_481 = vector.shape_cast %swap3A_480 : vector<1x16xf32> to vector<16xf32>
        %swap3A_482 = vector.shape_cast %sub3A_477 : vector<16xf32> to vector<1x16xf32>
        tpu.vector_store %arg11[%swap3A_478, %swap3A_479], %swap3A_482 {strides = array<i32>} : memref<8x768xf32, #tpu.memory_space<vmem>>, vector<1x16xf32>,
        %scan3A_483 = arith.constant 15 : i32
        %mul3A_484 = arith.constant 16 : i32
        %mul3A_485 = arith.muli %scan3A_483, %mul3A_484 : i32
        %get3A_486 = arith.index_cast %scan3A_230 : i32 to index
        %get3A_487 = arith.index_cast %mul3A_485 : i32 to index
        %get3A_488 = tpu.vector_load %arg11[%get3A_486, %get3A_487] {strides = array<i32>} : memref<8x768xf32, #tpu.memory_space<vmem>>, vector<1x16xf32>,
        %get3A_489 = vector.shape_cast %get3A_488 : vector<1x16xf32> to vector<16xf32>
        %get3A_490 = arith.index_cast %scan3A_230 : i32 to index
        %get3A_491 = arith.index_cast %mul3A_485 : i32 to index
        %get3A_492 = tpu.vector_load %arg15[%get3A_490, %get3A_491] {strides = array<i32>} : memref<8x768xf32, #tpu.memory_space<vmem>>, vector<1x16xf32>,
        %get3A_493 = vector.shape_cast %get3A_492 : vector<1x16xf32> to vector<16xf32>
        %sub3A_494 = arith.subf %get3A_489, %get3A_493 : vector<16xf32>
        %swap3A_495 = arith.index_cast %scan3A_230 : i32 to index
        %swap3A_496 = arith.index_cast %mul3A_485 : i32 to index
        %swap3A_497 = tpu.vector_load %arg11[%swap3A_495, %swap3A_496] {strides = array<i32>} : memref<8x768xf32, #tpu.memory_space<vmem>>, vector<1x16xf32>,
        %swap3A_498 = vector.shape_cast %swap3A_497 : vector<1x16xf32> to vector<16xf32>
        %swap3A_499 = vector.shape_cast %sub3A_494 : vector<16xf32> to vector<1x16xf32>
        tpu.vector_store %arg11[%swap3A_495, %swap3A_496], %swap3A_499 {strides = array<i32>} : memref<8x768xf32, #tpu.memory_space<vmem>>, vector<1x16xf32>,
        %scan3A_500 = arith.constant 16 : i32
        %mul3A_501 = arith.constant 16 : i32
        %mul3A_502 = arith.muli %scan3A_500, %mul3A_501 : i32
        %get3A_503 = arith.index_cast %scan3A_230 : i32 to index
        %get3A_504 = arith.index_cast %mul3A_502 : i32 to index
        %get3A_505 = tpu.vector_load %arg11[%get3A_503, %get3A_504] {strides = array<i32>} : memref<8x768xf32, #tpu.memory_space<vmem>>, vector<1x16xf32>,
        %get3A_506 = vector.shape_cast %get3A_505 : vector<1x16xf32> to vector<16xf32>
        %get3A_507 = arith.index_cast %scan3A_230 : i32 to index
        %get3A_508 = arith.index_cast %mul3A_502 : i32 to index
        %get3A_509 = tpu.vector_load %arg15[%get3A_507, %get3A_508] {strides = array<i32>} : memref<8x768xf32, #tpu.memory_space<vmem>>, vector<1x16xf32>,
        %get3A_510 = vector.shape_cast %get3A_509 : vector<1x16xf32> to vector<16xf32>
        %sub3A_511 = arith.subf %get3A_506, %get3A_510 : vector<16xf32>
        %swap3A_512 = arith.index_cast %scan3A_230 : i32 to index
        %swap3A_513 = arith.index_cast %mul3A_502 : i32 to index
        %swap3A_514 = tpu.vector_load %arg11[%swap3A_512, %swap3A_513] {strides = array<i32>} : memref<8x768xf32, #tpu.memory_space<vmem>>, vector<1x16xf32>,
        %swap3A_515 = vector.shape_cast %swap3A_514 : vector<1x16xf32> to vector<16xf32>
        %swap3A_516 = vector.shape_cast %sub3A_511 : vector<16xf32> to vector<1x16xf32>
        tpu.vector_store %arg11[%swap3A_512, %swap3A_513], %swap3A_516 {strides = array<i32>} : memref<8x768xf32, #tpu.memory_space<vmem>>, vector<1x16xf32>,
        %scan3A_517 = arith.constant 17 : i32
        %mul3A_518 = arith.constant 16 : i32
        %mul3A_519 = arith.muli %scan3A_517, %mul3A_518 : i32
        %get3A_520 = arith.index_cast %scan3A_230 : i32 to index
        %get3A_521 = arith.index_cast %mul3A_519 : i32 to index
        %get3A_522 = tpu.vector_load %arg11[%get3A_520, %get3A_521] {strides = array<i32>} : memref<8x768xf32, #tpu.memory_space<vmem>>, vector<1x16xf32>,
        %get3A_523 = vector.shape_cast %get3A_522 : vector<1x16xf32> to vector<16xf32>
        %get3A_524 = arith.index_cast %scan3A_230 : i32 to index
        %get3A_525 = arith.index_cast %mul3A_519 : i32 to index
        %get3A_526 = tpu.vector_load %arg15[%get3A_524, %get3A_525] {strides = array<i32>} : memref<8x768xf32, #tpu.memory_space<vmem>>, vector<1x16xf32>,
        %get3A_527 = vector.shape_cast %get3A_526 : vector<1x16xf32> to vector<16xf32>
        %sub3A_528 = arith.subf %get3A_523, %get3A_527 : vector<16xf32>
        %swap3A_529 = arith.index_cast %scan3A_230 : i32 to index
        %swap3A_530 = arith.index_cast %mul3A_519 : i32 to index
        %swap3A_531 = tpu.vector_load %arg11[%swap3A_529, %swap3A_530] {strides = array<i32>} : memref<8x768xf32, #tpu.memory_space<vmem>>, vector<1x16xf32>,
        %swap3A_532 = vector.shape_cast %swap3A_531 : vector<1x16xf32> to vector<16xf32>
        %swap3A_533 = vector.shape_cast %sub3A_528 : vector<16xf32> to vector<1x16xf32>
        tpu.vector_store %arg11[%swap3A_529, %swap3A_530], %swap3A_533 {strides = array<i32>} : memref<8x768xf32, #tpu.memory_space<vmem>>, vector<1x16xf32>,
        %scan3A_534 = arith.constant 18 : i32
        %mul3A_535 = arith.constant 16 : i32
        %mul3A_536 = arith.muli %scan3A_534, %mul3A_535 : i32
        %get3A_537 = arith.index_cast %scan3A_230 : i32 to index
        %get3A_538 = arith.index_cast %mul3A_536 : i32 to index
        %get3A_539 = tpu.vector_load %arg11[%get3A_537, %get3A_538] {strides = array<i32>} : memref<8x768xf32, #tpu.memory_space<vmem>>, vector<1x16xf32>,
        %get3A_540 = vector.shape_cast %get3A_539 : vector<1x16xf32> to vector<16xf32>
        %get3A_541 = arith.index_cast %scan3A_230 : i32 to index
        %get3A_542 = arith.index_cast %mul3A_536 : i32 to index
        %get3A_543 = tpu.vector_load %arg15[%get3A_541, %get3A_542] {strides = array<i32>} : memref<8x768xf32, #tpu.memory_space<vmem>>, vector<1x16xf32>,
        %get3A_544 = vector.shape_cast %get3A_543 : vector<1x16xf32> to vector<16xf32>
        %sub3A_545 = arith.subf %get3A_540, %get3A_544 : vector<16xf32>
        %swap3A_546 = arith.index_cast %scan3A_230 : i32 to index
        %swap3A_547 = arith.index_cast %mul3A_536 : i32 to index
        %swap3A_548 = tpu.vector_load %arg11[%swap3A_546, %swap3A_547] {strides = array<i32>} : memref<8x768xf32, #tpu.memory_space<vmem>>, vector<1x16xf32>,
        %swap3A_549 = vector.shape_cast %swap3A_548 : vector<1x16xf32> to vector<16xf32>
        %swap3A_550 = vector.shape_cast %sub3A_545 : vector<16xf32> to vector<1x16xf32>
        tpu.vector_store %arg11[%swap3A_546, %swap3A_547], %swap3A_550 {strides = array<i32>} : memref<8x768xf32, #tpu.memory_space<vmem>>, vector<1x16xf32>,
        %scan3A_551 = arith.constant 19 : i32
        %mul3A_552 = arith.constant 16 : i32
        %mul3A_553 = arith.muli %scan3A_551, %mul3A_552 : i32
        %get3A_554 = arith.index_cast %scan3A_230 : i32 to index
        %get3A_555 = arith.index_cast %mul3A_553 : i32 to index
        %get3A_556 = tpu.vector_load %arg11[%get3A_554, %get3A_555] {strides = array<i32>} : memref<8x768xf32, #tpu.memory_space<vmem>>, vector<1x16xf32>,
        %get3A_557 = vector.shape_cast %get3A_556 : vector<1x16xf32> to vector<16xf32>
        %get3A_558 = arith.index_cast %scan3A_230 : i32 to index
        %get3A_559 = arith.index_cast %mul3A_553 : i32 to index
        %get3A_560 = tpu.vector_load %arg15[%get3A_558, %get3A_559] {strides = array<i32>} : memref<8x768xf32, #tpu.memory_space<vmem>>, vector<1x16xf32>,
        %get3A_561 = vector.shape_cast %get3A_560 : vector<1x16xf32> to vector<16xf32>
        %sub3A_562 = arith.subf %get3A_557, %get3A_561 : vector<16xf32>
        %swap3A_563 = arith.index_cast %scan3A_230 : i32 to index
        %swap3A_564 = arith.index_cast %mul3A_553 : i32 to index
        %swap3A_565 = tpu.vector_load %arg11[%swap3A_563, %swap3A_564] {strides = array<i32>} : memref<8x768xf32, #tpu.memory_space<vmem>>, vector<1x16xf32>,
        %swap3A_566 = vector.shape_cast %swap3A_565 : vector<1x16xf32> to vector<16xf32>
        %swap3A_567 = vector.shape_cast %sub3A_562 : vector<16xf32> to vector<1x16xf32>
        tpu.vector_store %arg11[%swap3A_563, %swap3A_564], %swap3A_567 {strides = array<i32>} : memref<8x768xf32, #tpu.memory_space<vmem>>, vector<1x16xf32>,
        %scan3A_568 = arith.constant 20 : i32
        %mul3A_569 = arith.constant 16 : i32
        %mul3A_570 = arith.muli %scan3A_568, %mul3A_569 : i32
        %get3A_571 = arith.index_cast %scan3A_230 : i32 to index
        %get3A_572 = arith.index_cast %mul3A_570 : i32 to index
        %get3A_573 = tpu.vector_load %arg11[%get3A_571, %get3A_572] {strides = array<i32>} : memref<8x768xf32, #tpu.memory_space<vmem>>, vector<1x16xf32>,
        %get3A_574 = vector.shape_cast %get3A_573 : vector<1x16xf32> to vector<16xf32>
        %get3A_575 = arith.index_cast %scan3A_230 : i32 to index
        %get3A_576 = arith.index_cast %mul3A_570 : i32 to index
        %get3A_577 = tpu.vector_load %arg15[%get3A_575, %get3A_576] {strides = array<i32>} : memref<8x768xf32, #tpu.memory_space<vmem>>, vector<1x16xf32>,
        %get3A_578 = vector.shape_cast %get3A_577 : vector<1x16xf32> to vector<16xf32>
        %sub3A_579 = arith.subf %get3A_574, %get3A_578 : vector<16xf32>
        %swap3A_580 = arith.index_cast %scan3A_230 : i32 to index
        %swap3A_581 = arith.index_cast %mul3A_570 : i32 to index
        %swap3A_582 = tpu.vector_load %arg11[%swap3A_580, %swap3A_581] {strides = array<i32>} : memref<8x768xf32, #tpu.memory_space<vmem>>, vector<1x16xf32>,
        %swap3A_583 = vector.shape_cast %swap3A_582 : vector<1x16xf32> to vector<16xf32>
        %swap3A_584 = vector.shape_cast %sub3A_579 : vector<16xf32> to vector<1x16xf32>
        tpu.vector_store %arg11[%swap3A_580, %swap3A_581], %swap3A_584 {strides = array<i32>} : memref<8x768xf32, #tpu.memory_space<vmem>>, vector<1x16xf32>,
        %scan3A_585 = arith.constant 21 : i32
        %mul3A_586 = arith.constant 16 : i32
        %mul3A_587 = arith.muli %scan3A_585, %mul3A_586 : i32
        %get3A_588 = arith.index_cast %scan3A_230 : i32 to index
        %get3A_589 = arith.index_cast %mul3A_587 : i32 to index
        %get3A_590 = tpu.vector_load %arg11[%get3A_588, %get3A_589] {strides = array<i32>} : memref<8x768xf32, #tpu.memory_space<vmem>>, vector<1x16xf32>,
        %get3A_591 = vector.shape_cast %get3A_590 : vector<1x16xf32> to vector<16xf32>
        %get3A_592 = arith.index_cast %scan3A_230 : i32 to index
        %get3A_593 = arith.index_cast %mul3A_587 : i32 to index
        %get3A_594 = tpu.vector_load %arg15[%get3A_592, %get3A_593] {strides = array<i32>} : memref<8x768xf32, #tpu.memory_space<vmem>>, vector<1x16xf32>,
        %get3A_595 = vector.shape_cast %get3A_594 : vector<1x16xf32> to vector<16xf32>
        %sub3A_596 = arith.subf %get3A_591, %get3A_595 : vector<16xf32>
        %swap3A_597 = arith.index_cast %scan3A_230 : i32 to index
        %swap3A_598 = arith.index_cast %mul3A_587 : i32 to index
        %swap3A_599 = tpu.vector_load %arg11[%swap3A_597, %swap3A_598] {strides = array<i32>} : memref<8x768xf32, #tpu.memory_space<vmem>>, vector<1x16xf32>,
        %swap3A_600 = vector.shape_cast %swap3A_599 : vector<1x16xf32> to vector<16xf32>
        %swap3A_601 = vector.shape_cast %sub3A_596 : vector<16xf32> to vector<1x16xf32>
        tpu.vector_store %arg11[%swap3A_597, %swap3A_598], %swap3A_601 {strides = array<i32>} : memref<8x768xf32, #tpu.memory_space<vmem>>, vector<1x16xf32>,
        %scan3A_602 = arith.constant 22 : i32
        %mul3A_603 = arith.constant 16 : i32
        %mul3A_604 = arith.muli %scan3A_602, %mul3A_603 : i32
        %get3A_605 = arith.index_cast %scan3A_230 : i32 to index
        %get3A_606 = arith.index_cast %mul3A_604 : i32 to index
        %get3A_607 = tpu.vector_load %arg11[%get3A_605, %get3A_606] {strides = array<i32>} : memref<8x768xf32, #tpu.memory_space<vmem>>, vector<1x16xf32>,
        %get3A_608 = vector.shape_cast %get3A_607 : vector<1x16xf32> to vector<16xf32>
        %get3A_609 = arith.index_cast %scan3A_230 : i32 to index
        %get3A_610 = arith.index_cast %mul3A_604 : i32 to index
        %get3A_611 = tpu.vector_load %arg15[%get3A_609, %get3A_610] {strides = array<i32>} : memref<8x768xf32, #tpu.memory_space<vmem>>, vector<1x16xf32>,
        %get3A_612 = vector.shape_cast %get3A_611 : vector<1x16xf32> to vector<16xf32>
        %sub3A_613 = arith.subf %get3A_608, %get3A_612 : vector<16xf32>
        %swap3A_614 = arith.index_cast %scan3A_230 : i32 to index
        %swap3A_615 = arith.index_cast %mul3A_604 : i32 to index
        %swap3A_616 = tpu.vector_load %arg11[%swap3A_614, %swap3A_615] {strides = array<i32>} : memref<8x768xf32, #tpu.memory_space<vmem>>, vector<1x16xf32>,
        %swap3A_617 = vector.shape_cast %swap3A_616 : vector<1x16xf32> to vector<16xf32>
        %swap3A_618 = vector.shape_cast %sub3A_613 : vector<16xf32> to vector<1x16xf32>
        tpu.vector_store %arg11[%swap3A_614, %swap3A_615], %swap3A_618 {strides = array<i32>} : memref<8x768xf32, #tpu.memory_space<vmem>>, vector<1x16xf32>,
        %scan3A_619 = arith.constant 23 : i32
        %mul3A_620 = arith.constant 16 : i32
        %mul3A_621 = arith.muli %scan3A_619, %mul3A_620 : i32
        %get3A_622 = arith.index_cast %scan3A_230 : i32 to index
        %get3A_623 = arith.index_cast %mul3A_621 : i32 to index
        %get3A_624 = tpu.vector_load %arg11[%get3A_622, %get3A_623] {strides = array<i32>} : memref<8x768xf32, #tpu.memory_space<vmem>>, vector<1x16xf32>,
        %get3A_625 = vector.shape_cast %get3A_624 : vector<1x16xf32> to vector<16xf32>
        %get3A_626 = arith.index_cast %scan3A_230 : i32 to index
        %get3A_627 = arith.index_cast %mul3A_621 : i32 to index
        %get3A_628 = tpu.vector_load %arg15[%get3A_626, %get3A_627] {strides = array<i32>} : memref<8x768xf32, #tpu.memory_space<vmem>>, vector<1x16xf32>,
        %get3A_629 = vector.shape_cast %get3A_628 : vector<1x16xf32> to vector<16xf32>
        %sub3A_630 = arith.subf %get3A_625, %get3A_629 : vector<16xf32>
        %swap3A_631 = arith.index_cast %scan3A_230 : i32 to index
        %swap3A_632 = arith.index_cast %mul3A_621 : i32 to index
        %swap3A_633 = tpu.vector_load %arg11[%swap3A_631, %swap3A_632] {strides = array<i32>} : memref<8x768xf32, #tpu.memory_space<vmem>>, vector<1x16xf32>,
        %swap3A_634 = vector.shape_cast %swap3A_633 : vector<1x16xf32> to vector<16xf32>
        %swap3A_635 = vector.shape_cast %sub3A_630 : vector<16xf32> to vector<1x16xf32>
        tpu.vector_store %arg11[%swap3A_631, %swap3A_632], %swap3A_635 {strides = array<i32>} : memref<8x768xf32, #tpu.memory_space<vmem>>, vector<1x16xf32>,
        %scan3A_636 = arith.constant 24 : i32
        %mul3A_637 = arith.constant 16 : i32
        %mul3A_638 = arith.muli %scan3A_636, %mul3A_637 : i32
        %get3A_639 = arith.index_cast %scan3A_230 : i32 to index
        %get3A_640 = arith.index_cast %mul3A_638 : i32 to index
        %get3A_641 = tpu.vector_load %arg11[%get3A_639, %get3A_640] {strides = array<i32>} : memref<8x768xf32, #tpu.memory_space<vmem>>, vector<1x16xf32>,
        %get3A_642 = vector.shape_cast %get3A_641 : vector<1x16xf32> to vector<16xf32>
        %get3A_643 = arith.index_cast %scan3A_230 : i32 to index
        %get3A_644 = arith.index_cast %mul3A_638 : i32 to index
        %get3A_645 = tpu.vector_load %arg15[%get3A_643, %get3A_644] {strides = array<i32>} : memref<8x768xf32, #tpu.memory_space<vmem>>, vector<1x16xf32>,
        %get3A_646 = vector.shape_cast %get3A_645 : vector<1x16xf32> to vector<16xf32>
        %sub3A_647 = arith.subf %get3A_642, %get3A_646 : vector<16xf32>
        %swap3A_648 = arith.index_cast %scan3A_230 : i32 to index
        %swap3A_649 = arith.index_cast %mul3A_638 : i32 to index
        %swap3A_650 = tpu.vector_load %arg11[%swap3A_648, %swap3A_649] {strides = array<i32>} : memref<8x768xf32, #tpu.memory_space<vmem>>, vector<1x16xf32>,
        %swap3A_651 = vector.shape_cast %swap3A_650 : vector<1x16xf32> to vector<16xf32>
        %swap3A_652 = vector.shape_cast %sub3A_647 : vector<16xf32> to vector<1x16xf32>
        tpu.vector_store %arg11[%swap3A_648, %swap3A_649], %swap3A_652 {strides = array<i32>} : memref<8x768xf32, #tpu.memory_space<vmem>>, vector<1x16xf32>,
        %scan3A_653 = arith.constant 25 : i32
        %mul3A_654 = arith.constant 16 : i32
        %mul3A_655 = arith.muli %scan3A_653, %mul3A_654 : i32
        %get3A_656 = arith.index_cast %scan3A_230 : i32 to index
        %get3A_657 = arith.index_cast %mul3A_655 : i32 to index
        %get3A_658 = tpu.vector_load %arg11[%get3A_656, %get3A_657] {strides = array<i32>} : memref<8x768xf32, #tpu.memory_space<vmem>>, vector<1x16xf32>,
        %get3A_659 = vector.shape_cast %get3A_658 : vector<1x16xf32> to vector<16xf32>
        %get3A_660 = arith.index_cast %scan3A_230 : i32 to index
        %get3A_661 = arith.index_cast %mul3A_655 : i32 to index
        %get3A_662 = tpu.vector_load %arg15[%get3A_660, %get3A_661] {strides = array<i32>} : memref<8x768xf32, #tpu.memory_space<vmem>>, vector<1x16xf32>,
        %get3A_663 = vector.shape_cast %get3A_662 : vector<1x16xf32> to vector<16xf32>
        %sub3A_664 = arith.subf %get3A_659, %get3A_663 : vector<16xf32>
        %swap3A_665 = arith.index_cast %scan3A_230 : i32 to index
        %swap3A_666 = arith.index_cast %mul3A_655 : i32 to index
        %swap3A_667 = tpu.vector_load %arg11[%swap3A_665, %swap3A_666] {strides = array<i32>} : memref<8x768xf32, #tpu.memory_space<vmem>>, vector<1x16xf32>,
        %swap3A_668 = vector.shape_cast %swap3A_667 : vector<1x16xf32> to vector<16xf32>
        %swap3A_669 = vector.shape_cast %sub3A_664 : vector<16xf32> to vector<1x16xf32>
        tpu.vector_store %arg11[%swap3A_665, %swap3A_666], %swap3A_669 {strides = array<i32>} : memref<8x768xf32, #tpu.memory_space<vmem>>, vector<1x16xf32>,
        %scan3A_670 = arith.constant 26 : i32
        %mul3A_671 = arith.constant 16 : i32
        %mul3A_672 = arith.muli %scan3A_670, %mul3A_671 : i32
        %get3A_673 = arith.index_cast %scan3A_230 : i32 to index
        %get3A_674 = arith.index_cast %mul3A_672 : i32 to index
        %get3A_675 = tpu.vector_load %arg11[%get3A_673, %get3A_674] {strides = array<i32>} : memref<8x768xf32, #tpu.memory_space<vmem>>, vector<1x16xf32>,
        %get3A_676 = vector.shape_cast %get3A_675 : vector<1x16xf32> to vector<16xf32>
        %get3A_677 = arith.index_cast %scan3A_230 : i32 to index
        %get3A_678 = arith.index_cast %mul3A_672 : i32 to index
        %get3A_679 = tpu.vector_load %arg15[%get3A_677, %get3A_678] {strides = array<i32>} : memref<8x768xf32, #tpu.memory_space<vmem>>, vector<1x16xf32>,
        %get3A_680 = vector.shape_cast %get3A_679 : vector<1x16xf32> to vector<16xf32>
        %sub3A_681 = arith.subf %get3A_676, %get3A_680 : vector<16xf32>
        %swap3A_682 = arith.index_cast %scan3A_230 : i32 to index
        %swap3A_683 = arith.index_cast %mul3A_672 : i32 to index
        %swap3A_684 = tpu.vector_load %arg11[%swap3A_682, %swap3A_683] {strides = array<i32>} : memref<8x768xf32, #tpu.memory_space<vmem>>, vector<1x16xf32>,
        %swap3A_685 = vector.shape_cast %swap3A_684 : vector<1x16xf32> to vector<16xf32>
        %swap3A_686 = vector.shape_cast %sub3A_681 : vector<16xf32> to vector<1x16xf32>
        tpu.vector_store %arg11[%swap3A_682, %swap3A_683], %swap3A_686 {strides = array<i32>} : memref<8x768xf32, #tpu.memory_space<vmem>>, vector<1x16xf32>,
        %scan3A_687 = arith.constant 27 : i32
        %mul3A_688 = arith.constant 16 : i32
        %mul3A_689 = arith.muli %scan3A_687, %mul3A_688 : i32
        %get3A_690 = arith.index_cast %scan3A_230 : i32 to index
        %get3A_691 = arith.index_cast %mul3A_689 : i32 to index
        %get3A_692 = tpu.vector_load %arg11[%get3A_690, %get3A_691] {strides = array<i32>} : memref<8x768xf32, #tpu.memory_space<vmem>>, vector<1x16xf32>,
        %get3A_693 = vector.shape_cast %get3A_692 : vector<1x16xf32> to vector<16xf32>
        %get3A_694 = arith.index_cast %scan3A_230 : i32 to index
        %get3A_695 = arith.index_cast %mul3A_689 : i32 to index
        %get3A_696 = tpu.vector_load %arg15[%get3A_694, %get3A_695] {strides = array<i32>} : memref<8x768xf32, #tpu.memory_space<vmem>>, vector<1x16xf32>,
        %get3A_697 = vector.shape_cast %get3A_696 : vector<1x16xf32> to vector<16xf32>
        %sub3A_698 = arith.subf %get3A_693, %get3A_697 : vector<16xf32>
        %swap3A_699 = arith.index_cast %scan3A_230 : i32 to index
        %swap3A_700 = arith.index_cast %mul3A_689 : i32 to index
        %swap3A_701 = tpu.vector_load %arg11[%swap3A_699, %swap3A_700] {strides = array<i32>} : memref<8x768xf32, #tpu.memory_space<vmem>>, vector<1x16xf32>,
        %swap3A_702 = vector.shape_cast %swap3A_701 : vector<1x16xf32> to vector<16xf32>
        %swap3A_703 = vector.shape_cast %sub3A_698 : vector<16xf32> to vector<1x16xf32>
        tpu.vector_store %arg11[%swap3A_699, %swap3A_700], %swap3A_703 {strides = array<i32>} : memref<8x768xf32, #tpu.memory_space<vmem>>, vector<1x16xf32>,
        %scan3A_704 = arith.constant 28 : i32
        %mul3A_705 = arith.constant 16 : i32
        %mul3A_706 = arith.muli %scan3A_704, %mul3A_705 : i32
        %get3A_707 = arith.index_cast %scan3A_230 : i32 to index
        %get3A_708 = arith.index_cast %mul3A_706 : i32 to index
        %get3A_709 = tpu.vector_load %arg11[%get3A_707, %get3A_708] {strides = array<i32>} : memref<8x768xf32, #tpu.memory_space<vmem>>, vector<1x16xf32>,
        %get3A_710 = vector.shape_cast %get3A_709 : vector<1x16xf32> to vector<16xf32>
        %get3A_711 = arith.index_cast %scan3A_230 : i32 to index
        %get3A_712 = arith.index_cast %mul3A_706 : i32 to index
        %get3A_713 = tpu.vector_load %arg15[%get3A_711, %get3A_712] {strides = array<i32>} : memref<8x768xf32, #tpu.memory_space<vmem>>, vector<1x16xf32>,
        %get3A_714 = vector.shape_cast %get3A_713 : vector<1x16xf32> to vector<16xf32>
        %sub3A_715 = arith.subf %get3A_710, %get3A_714 : vector<16xf32>
        %swap3A_716 = arith.index_cast %scan3A_230 : i32 to index
        %swap3A_717 = arith.index_cast %mul3A_706 : i32 to index
        %swap3A_718 = tpu.vector_load %arg11[%swap3A_716, %swap3A_717] {strides = array<i32>} : memref<8x768xf32, #tpu.memory_space<vmem>>, vector<1x16xf32>,
        %swap3A_719 = vector.shape_cast %swap3A_718 : vector<1x16xf32> to vector<16xf32>
        %swap3A_720 = vector.shape_cast %sub3A_715 : vector<16xf32> to vector<1x16xf32>
        tpu.vector_store %arg11[%swap3A_716, %swap3A_717], %swap3A_720 {strides = array<i32>} : memref<8x768xf32, #tpu.memory_space<vmem>>, vector<1x16xf32>,
        %scan3A_721 = arith.constant 29 : i32
        %mul3A_722 = arith.constant 16 : i32
        %mul3A_723 = arith.muli %scan3A_721, %mul3A_722 : i32
        %get3A_724 = arith.index_cast %scan3A_230 : i32 to index
        %get3A_725 = arith.index_cast %mul3A_723 : i32 to index
        %get3A_726 = tpu.vector_load %arg11[%get3A_724, %get3A_725] {strides = array<i32>} : memref<8x768xf32, #tpu.memory_space<vmem>>, vector<1x16xf32>,
        %get3A_727 = vector.shape_cast %get3A_726 : vector<1x16xf32> to vector<16xf32>
        %get3A_728 = arith.index_cast %scan3A_230 : i32 to index
        %get3A_729 = arith.index_cast %mul3A_723 : i32 to index
        %get3A_730 = tpu.vector_load %arg15[%get3A_728, %get3A_729] {strides = array<i32>} : memref<8x768xf32, #tpu.memory_space<vmem>>, vector<1x16xf32>,
        %get3A_731 = vector.shape_cast %get3A_730 : vector<1x16xf32> to vector<16xf32>
        %sub3A_732 = arith.subf %get3A_727, %get3A_731 : vector<16xf32>
        %swap3A_733 = arith.index_cast %scan3A_230 : i32 to index
        %swap3A_734 = arith.index_cast %mul3A_723 : i32 to index
        %swap3A_735 = tpu.vector_load %arg11[%swap3A_733, %swap3A_734] {strides = array<i32>} : memref<8x768xf32, #tpu.memory_space<vmem>>, vector<1x16xf32>,
        %swap3A_736 = vector.shape_cast %swap3A_735 : vector<1x16xf32> to vector<16xf32>
        %swap3A_737 = vector.shape_cast %sub3A_732 : vector<16xf32> to vector<1x16xf32>
        tpu.vector_store %arg11[%swap3A_733, %swap3A_734], %swap3A_737 {strides = array<i32>} : memref<8x768xf32, #tpu.memory_space<vmem>>, vector<1x16xf32>,
        %scan3A_738 = arith.constant 30 : i32
        %mul3A_739 = arith.constant 16 : i32
        %mul3A_740 = arith.muli %scan3A_738, %mul3A_739 : i32
        %get3A_741 = arith.index_cast %scan3A_230 : i32 to index
        %get3A_742 = arith.index_cast %mul3A_740 : i32 to index
        %get3A_743 = tpu.vector_load %arg11[%get3A_741, %get3A_742] {strides = array<i32>} : memref<8x768xf32, #tpu.memory_space<vmem>>, vector<1x16xf32>,
        %get3A_744 = vector.shape_cast %get3A_743 : vector<1x16xf32> to vector<16xf32>
        %get3A_745 = arith.index_cast %scan3A_230 : i32 to index
        %get3A_746 = arith.index_cast %mul3A_740 : i32 to index
        %get3A_747 = tpu.vector_load %arg15[%get3A_745, %get3A_746] {strides = array<i32>} : memref<8x768xf32, #tpu.memory_space<vmem>>, vector<1x16xf32>,
        %get3A_748 = vector.shape_cast %get3A_747 : vector<1x16xf32> to vector<16xf32>
        %sub3A_749 = arith.subf %get3A_744, %get3A_748 : vector<16xf32>
        %swap3A_750 = arith.index_cast %scan3A_230 : i32 to index
        %swap3A_751 = arith.index_cast %mul3A_740 : i32 to index
        %swap3A_752 = tpu.vector_load %arg11[%swap3A_750, %swap3A_751] {strides = array<i32>} : memref<8x768xf32, #tpu.memory_space<vmem>>, vector<1x16xf32>,
        %swap3A_753 = vector.shape_cast %swap3A_752 : vector<1x16xf32> to vector<16xf32>
        %swap3A_754 = vector.shape_cast %sub3A_749 : vector<16xf32> to vector<1x16xf32>
        tpu.vector_store %arg11[%swap3A_750, %swap3A_751], %swap3A_754 {strides = array<i32>} : memref<8x768xf32, #tpu.memory_space<vmem>>, vector<1x16xf32>,
        %scan3A_755 = arith.constant 31 : i32
        %mul3A_756 = arith.constant 16 : i32
        %mul3A_757 = arith.muli %scan3A_755, %mul3A_756 : i32
        %get3A_758 = arith.index_cast %scan3A_230 : i32 to index
        %get3A_759 = arith.index_cast %mul3A_757 : i32 to index
        %get3A_760 = tpu.vector_load %arg11[%get3A_758, %get3A_759] {strides = array<i32>} : memref<8x768xf32, #tpu.memory_space<vmem>>, vector<1x16xf32>,
        %get3A_761 = vector.shape_cast %get3A_760 : vector<1x16xf32> to vector<16xf32>
        %get3A_762 = arith.index_cast %scan3A_230 : i32 to index
        %get3A_763 = arith.index_cast %mul3A_757 : i32 to index
        %get3A_764 = tpu.vector_load %arg15[%get3A_762, %get3A_763] {strides = array<i32>} : memref<8x768xf32, #tpu.memory_space<vmem>>, vector<1x16xf32>,
        %get3A_765 = vector.shape_cast %get3A_764 : vector<1x16xf32> to vector<16xf32>
        %sub3A_766 = arith.subf %get3A_761, %get3A_765 : vector<16xf32>
        %swap3A_767 = arith.index_cast %scan3A_230 : i32 to index
        %swap3A_768 = arith.index_cast %mul3A_757 : i32 to index
        %swap3A_769 = tpu.vector_load %arg11[%swap3A_767, %swap3A_768] {strides = array<i32>} : memref<8x768xf32, #tpu.memory_space<vmem>>, vector<1x16xf32>,
        %swap3A_770 = vector.shape_cast %swap3A_769 : vector<1x16xf32> to vector<16xf32>
        %swap3A_771 = vector.shape_cast %sub3A_766 : vector<16xf32> to vector<1x16xf32>
        tpu.vector_store %arg11[%swap3A_767, %swap3A_768], %swap3A_771 {strides = array<i32>} : memref<8x768xf32, #tpu.memory_space<vmem>>, vector<1x16xf32>,
        %scan3A_772 = arith.constant 32 : i32
        %mul3A_773 = arith.constant 16 : i32
        %mul3A_774 = arith.muli %scan3A_772, %mul3A_773 : i32
        %get3A_775 = arith.index_cast %scan3A_230 : i32 to index
        %get3A_776 = arith.index_cast %mul3A_774 : i32 to index
        %get3A_777 = tpu.vector_load %arg11[%get3A_775, %get3A_776] {strides = array<i32>} : memref<8x768xf32, #tpu.memory_space<vmem>>, vector<1x16xf32>,
        %get3A_778 = vector.shape_cast %get3A_777 : vector<1x16xf32> to vector<16xf32>
        %get3A_779 = arith.index_cast %scan3A_230 : i32 to index
        %get3A_780 = arith.index_cast %mul3A_774 : i32 to index
        %get3A_781 = tpu.vector_load %arg15[%get3A_779, %get3A_780] {strides = array<i32>} : memref<8x768xf32, #tpu.memory_space<vmem>>, vector<1x16xf32>,
        %get3A_782 = vector.shape_cast %get3A_781 : vector<1x16xf32> to vector<16xf32>
        %sub3A_783 = arith.subf %get3A_778, %get3A_782 : vector<16xf32>
        %swap3A_784 = arith.index_cast %scan3A_230 : i32 to index
        %swap3A_785 = arith.index_cast %mul3A_774 : i32 to index
        %swap3A_786 = tpu.vector_load %arg11[%swap3A_784, %swap3A_785] {strides = array<i32>} : memref<8x768xf32, #tpu.memory_space<vmem>>, vector<1x16xf32>,
        %swap3A_787 = vector.shape_cast %swap3A_786 : vector<1x16xf32> to vector<16xf32>
        %swap3A_788 = vector.shape_cast %sub3A_783 : vector<16xf32> to vector<1x16xf32>
        tpu.vector_store %arg11[%swap3A_784, %swap3A_785], %swap3A_788 {strides = array<i32>} : memref<8x768xf32, #tpu.memory_space<vmem>>, vector<1x16xf32>,
        %scan3A_789 = arith.constant 33 : i32
        %mul3A_790 = arith.constant 16 : i32
        %mul3A_791 = arith.muli %scan3A_789, %mul3A_790 : i32
        %get3A_792 = arith.index_cast %scan3A_230 : i32 to index
        %get3A_793 = arith.index_cast %mul3A_791 : i32 to index
        %get3A_794 = tpu.vector_load %arg11[%get3A_792, %get3A_793] {strides = array<i32>} : memref<8x768xf32, #tpu.memory_space<vmem>>, vector<1x16xf32>,
        %get3A_795 = vector.shape_cast %get3A_794 : vector<1x16xf32> to vector<16xf32>
        %get3A_796 = arith.index_cast %scan3A_230 : i32 to index
        %get3A_797 = arith.index_cast %mul3A_791 : i32 to index
        %get3A_798 = tpu.vector_load %arg15[%get3A_796, %get3A_797] {strides = array<i32>} : memref<8x768xf32, #tpu.memory_space<vmem>>, vector<1x16xf32>,
        %get3A_799 = vector.shape_cast %get3A_798 : vector<1x16xf32> to vector<16xf32>
        %sub3A_800 = arith.subf %get3A_795, %get3A_799 : vector<16xf32>
        %swap3A_801 = arith.index_cast %scan3A_230 : i32 to index
        %swap3A_802 = arith.index_cast %mul3A_791 : i32 to index
        %swap3A_803 = tpu.vector_load %arg11[%swap3A_801, %swap3A_802] {strides = array<i32>} : memref<8x768xf32, #tpu.memory_space<vmem>>, vector<1x16xf32>,
        %swap3A_804 = vector.shape_cast %swap3A_803 : vector<1x16xf32> to vector<16xf32>
        %swap3A_805 = vector.shape_cast %sub3A_800 : vector<16xf32> to vector<1x16xf32>
        tpu.vector_store %arg11[%swap3A_801, %swap3A_802], %swap3A_805 {strides = array<i32>} : memref<8x768xf32, #tpu.memory_space<vmem>>, vector<1x16xf32>,
        %scan3A_806 = arith.constant 34 : i32
        %mul3A_807 = arith.constant 16 : i32
        %mul3A_808 = arith.muli %scan3A_806, %mul3A_807 : i32
        %get3A_809 = arith.index_cast %scan3A_230 : i32 to index
        %get3A_810 = arith.index_cast %mul3A_808 : i32 to index
        %get3A_811 = tpu.vector_load %arg11[%get3A_809, %get3A_810] {strides = array<i32>} : memref<8x768xf32, #tpu.memory_space<vmem>>, vector<1x16xf32>,
        %get3A_812 = vector.shape_cast %get3A_811 : vector<1x16xf32> to vector<16xf32>
        %get3A_813 = arith.index_cast %scan3A_230 : i32 to index
        %get3A_814 = arith.index_cast %mul3A_808 : i32 to index
        %get3A_815 = tpu.vector_load %arg15[%get3A_813, %get3A_814] {strides = array<i32>} : memref<8x768xf32, #tpu.memory_space<vmem>>, vector<1x16xf32>,
        %get3A_816 = vector.shape_cast %get3A_815 : vector<1x16xf32> to vector<16xf32>
        %sub3A_817 = arith.subf %get3A_812, %get3A_816 : vector<16xf32>
        %swap3A_818 = arith.index_cast %scan3A_230 : i32 to index
        %swap3A_819 = arith.index_cast %mul3A_808 : i32 to index
        %swap3A_820 = tpu.vector_load %arg11[%swap3A_818, %swap3A_819] {strides = array<i32>} : memref<8x768xf32, #tpu.memory_space<vmem>>, vector<1x16xf32>,
        %swap3A_821 = vector.shape_cast %swap3A_820 : vector<1x16xf32> to vector<16xf32>
        %swap3A_822 = vector.shape_cast %sub3A_817 : vector<16xf32> to vector<1x16xf32>
        tpu.vector_store %arg11[%swap3A_818, %swap3A_819], %swap3A_822 {strides = array<i32>} : memref<8x768xf32, #tpu.memory_space<vmem>>, vector<1x16xf32>,
        %scan3A_823 = arith.constant 35 : i32
        %mul3A_824 = arith.constant 16 : i32
        %mul3A_825 = arith.muli %scan3A_823, %mul3A_824 : i32
        %get3A_826 = arith.index_cast %scan3A_230 : i32 to index
        %get3A_827 = arith.index_cast %mul3A_825 : i32 to index
        %get3A_828 = tpu.vector_load %arg11[%get3A_826, %get3A_827] {strides = array<i32>} : memref<8x768xf32, #tpu.memory_space<vmem>>, vector<1x16xf32>,
        %get3A_829 = vector.shape_cast %get3A_828 : vector<1x16xf32> to vector<16xf32>
        %get3A_830 = arith.index_cast %scan3A_230 : i32 to index
        %get3A_831 = arith.index_cast %mul3A_825 : i32 to index
        %get3A_832 = tpu.vector_load %arg15[%get3A_830, %get3A_831] {strides = array<i32>} : memref<8x768xf32, #tpu.memory_space<vmem>>, vector<1x16xf32>,
        %get3A_833 = vector.shape_cast %get3A_832 : vector<1x16xf32> to vector<16xf32>
        %sub3A_834 = arith.subf %get3A_829, %get3A_833 : vector<16xf32>
        %swap3A_835 = arith.index_cast %scan3A_230 : i32 to index
        %swap3A_836 = arith.index_cast %mul3A_825 : i32 to index
        %swap3A_837 = tpu.vector_load %arg11[%swap3A_835, %swap3A_836] {strides = array<i32>} : memref<8x768xf32, #tpu.memory_space<vmem>>, vector<1x16xf32>,
        %swap3A_838 = vector.shape_cast %swap3A_837 : vector<1x16xf32> to vector<16xf32>
        %swap3A_839 = vector.shape_cast %sub3A_834 : vector<16xf32> to vector<1x16xf32>
        tpu.vector_store %arg11[%swap3A_835, %swap3A_836], %swap3A_839 {strides = array<i32>} : memref<8x768xf32, #tpu.memory_space<vmem>>, vector<1x16xf32>,
        %scan3A_840 = arith.constant 36 : i32
        %mul3A_841 = arith.constant 16 : i32
        %mul3A_842 = arith.muli %scan3A_840, %mul3A_841 : i32
        %get3A_843 = arith.index_cast %scan3A_230 : i32 to index
        %get3A_844 = arith.index_cast %mul3A_842 : i32 to index
        %get3A_845 = tpu.vector_load %arg11[%get3A_843, %get3A_844] {strides = array<i32>} : memref<8x768xf32, #tpu.memory_space<vmem>>, vector<1x16xf32>,
        %get3A_846 = vector.shape_cast %get3A_845 : vector<1x16xf32> to vector<16xf32>
        %get3A_847 = arith.index_cast %scan3A_230 : i32 to index
        %get3A_848 = arith.index_cast %mul3A_842 : i32 to index
        %get3A_849 = tpu.vector_load %arg15[%get3A_847, %get3A_848] {strides = array<i32>} : memref<8x768xf32, #tpu.memory_space<vmem>>, vector<1x16xf32>,
        %get3A_850 = vector.shape_cast %get3A_849 : vector<1x16xf32> to vector<16xf32>
        %sub3A_851 = arith.subf %get3A_846, %get3A_850 : vector<16xf32>
        %swap3A_852 = arith.index_cast %scan3A_230 : i32 to index
        %swap3A_853 = arith.index_cast %mul3A_842 : i32 to index
        %swap3A_854 = tpu.vector_load %arg11[%swap3A_852, %swap3A_853] {strides = array<i32>} : memref<8x768xf32, #tpu.memory_space<vmem>>, vector<1x16xf32>,
        %swap3A_855 = vector.shape_cast %swap3A_854 : vector<1x16xf32> to vector<16xf32>
        %swap3A_856 = vector.shape_cast %sub3A_851 : vector<16xf32> to vector<1x16xf32>
        tpu.vector_store %arg11[%swap3A_852, %swap3A_853], %swap3A_856 {strides = array<i32>} : memref<8x768xf32, #tpu.memory_space<vmem>>, vector<1x16xf32>,
        %scan3A_857 = arith.constant 37 : i32
        %mul3A_858 = arith.constant 16 : i32
        %mul3A_859 = arith.muli %scan3A_857, %mul3A_858 : i32
        %get3A_860 = arith.index_cast %scan3A_230 : i32 to index
        %get3A_861 = arith.index_cast %mul3A_859 : i32 to index
        %get3A_862 = tpu.vector_load %arg11[%get3A_860, %get3A_861] {strides = array<i32>} : memref<8x768xf32, #tpu.memory_space<vmem>>, vector<1x16xf32>,
        %get3A_863 = vector.shape_cast %get3A_862 : vector<1x16xf32> to vector<16xf32>
        %get3A_864 = arith.index_cast %scan3A_230 : i32 to index
        %get3A_865 = arith.index_cast %mul3A_859 : i32 to index
        %get3A_866 = tpu.vector_load %arg15[%get3A_864, %get3A_865] {strides = array<i32>} : memref<8x768xf32, #tpu.memory_space<vmem>>, vector<1x16xf32>,
        %get3A_867 = vector.shape_cast %get3A_866 : vector<1x16xf32> to vector<16xf32>
        %sub3A_868 = arith.subf %get3A_863, %get3A_867 : vector<16xf32>
        %swap3A_869 = arith.index_cast %scan3A_230 : i32 to index
        %swap3A_870 = arith.index_cast %mul3A_859 : i32 to index
        %swap3A_871 = tpu.vector_load %arg11[%swap3A_869, %swap3A_870] {strides = array<i32>} : memref<8x768xf32, #tpu.memory_space<vmem>>, vector<1x16xf32>,
        %swap3A_872 = vector.shape_cast %swap3A_871 : vector<1x16xf32> to vector<16xf32>
        %swap3A_873 = vector.shape_cast %sub3A_868 : vector<16xf32> to vector<1x16xf32>
        tpu.vector_store %arg11[%swap3A_869, %swap3A_870], %swap3A_873 {strides = array<i32>} : memref<8x768xf32, #tpu.memory_space<vmem>>, vector<1x16xf32>,
        %scan3A_874 = arith.constant 38 : i32
        %mul3A_875 = arith.constant 16 : i32
        %mul3A_876 = arith.muli %scan3A_874, %mul3A_875 : i32
        %get3A_877 = arith.index_cast %scan3A_230 : i32 to index
        %get3A_878 = arith.index_cast %mul3A_876 : i32 to index
        %get3A_879 = tpu.vector_load %arg11[%get3A_877, %get3A_878] {strides = array<i32>} : memref<8x768xf32, #tpu.memory_space<vmem>>, vector<1x16xf32>,
        %get3A_880 = vector.shape_cast %get3A_879 : vector<1x16xf32> to vector<16xf32>
        %get3A_881 = arith.index_cast %scan3A_230 : i32 to index
        %get3A_882 = arith.index_cast %mul3A_876 : i32 to index
        %get3A_883 = tpu.vector_load %arg15[%get3A_881, %get3A_882] {strides = array<i32>} : memref<8x768xf32, #tpu.memory_space<vmem>>, vector<1x16xf32>,
        %get3A_884 = vector.shape_cast %get3A_883 : vector<1x16xf32> to vector<16xf32>
        %sub3A_885 = arith.subf %get3A_880, %get3A_884 : vector<16xf32>
        %swap3A_886 = arith.index_cast %scan3A_230 : i32 to index
        %swap3A_887 = arith.index_cast %mul3A_876 : i32 to index
        %swap3A_888 = tpu.vector_load %arg11[%swap3A_886, %swap3A_887] {strides = array<i32>} : memref<8x768xf32, #tpu.memory_space<vmem>>, vector<1x16xf32>,
        %swap3A_889 = vector.shape_cast %swap3A_888 : vector<1x16xf32> to vector<16xf32>
        %swap3A_890 = vector.shape_cast %sub3A_885 : vector<16xf32> to vector<1x16xf32>
        tpu.vector_store %arg11[%swap3A_886, %swap3A_887], %swap3A_890 {strides = array<i32>} : memref<8x768xf32, #tpu.memory_space<vmem>>, vector<1x16xf32>,
        %scan3A_891 = arith.constant 39 : i32
        %mul3A_892 = arith.constant 16 : i32
        %mul3A_893 = arith.muli %scan3A_891, %mul3A_892 : i32
        %get3A_894 = arith.index_cast %scan3A_230 : i32 to index
        %get3A_895 = arith.index_cast %mul3A_893 : i32 to index
        %get3A_896 = tpu.vector_load %arg11[%get3A_894, %get3A_895] {strides = array<i32>} : memref<8x768xf32, #tpu.memory_space<vmem>>, vector<1x16xf32>,
        %get3A_897 = vector.shape_cast %get3A_896 : vector<1x16xf32> to vector<16xf32>
        %get3A_898 = arith.index_cast %scan3A_230 : i32 to index
        %get3A_899 = arith.index_cast %mul3A_893 : i32 to index
        %get3A_900 = tpu.vector_load %arg15[%get3A_898, %get3A_899] {strides = array<i32>} : memref<8x768xf32, #tpu.memory_space<vmem>>, vector<1x16xf32>,
        %get3A_901 = vector.shape_cast %get3A_900 : vector<1x16xf32> to vector<16xf32>
        %sub3A_902 = arith.subf %get3A_897, %get3A_901 : vector<16xf32>
        %swap3A_903 = arith.index_cast %scan3A_230 : i32 to index
        %swap3A_904 = arith.index_cast %mul3A_893 : i32 to index
        %swap3A_905 = tpu.vector_load %arg11[%swap3A_903, %swap3A_904] {strides = array<i32>} : memref<8x768xf32, #tpu.memory_space<vmem>>, vector<1x16xf32>,
        %swap3A_906 = vector.shape_cast %swap3A_905 : vector<1x16xf32> to vector<16xf32>
        %swap3A_907 = vector.shape_cast %sub3A_902 : vector<16xf32> to vector<1x16xf32>
        tpu.vector_store %arg11[%swap3A_903, %swap3A_904], %swap3A_907 {strides = array<i32>} : memref<8x768xf32, #tpu.memory_space<vmem>>, vector<1x16xf32>,
        %scan3A_908 = arith.constant 40 : i32
        %mul3A_909 = arith.constant 16 : i32
        %mul3A_910 = arith.muli %scan3A_908, %mul3A_909 : i32
        %get3A_911 = arith.index_cast %scan3A_230 : i32 to index
        %get3A_912 = arith.index_cast %mul3A_910 : i32 to index
        %get3A_913 = tpu.vector_load %arg11[%get3A_911, %get3A_912] {strides = array<i32>} : memref<8x768xf32, #tpu.memory_space<vmem>>, vector<1x16xf32>,
        %get3A_914 = vector.shape_cast %get3A_913 : vector<1x16xf32> to vector<16xf32>
        %get3A_915 = arith.index_cast %scan3A_230 : i32 to index
        %get3A_916 = arith.index_cast %mul3A_910 : i32 to index
        %get3A_917 = tpu.vector_load %arg15[%get3A_915, %get3A_916] {strides = array<i32>} : memref<8x768xf32, #tpu.memory_space<vmem>>, vector<1x16xf32>,
        %get3A_918 = vector.shape_cast %get3A_917 : vector<1x16xf32> to vector<16xf32>
        %sub3A_919 = arith.subf %get3A_914, %get3A_918 : vector<16xf32>
        %swap3A_920 = arith.index_cast %scan3A_230 : i32 to index
        %swap3A_921 = arith.index_cast %mul3A_910 : i32 to index
        %swap3A_922 = tpu.vector_load %arg11[%swap3A_920, %swap3A_921] {strides = array<i32>} : memref<8x768xf32, #tpu.memory_space<vmem>>, vector<1x16xf32>,
        %swap3A_923 = vector.shape_cast %swap3A_922 : vector<1x16xf32> to vector<16xf32>
        %swap3A_924 = vector.shape_cast %sub3A_919 : vector<16xf32> to vector<1x16xf32>
        tpu.vector_store %arg11[%swap3A_920, %swap3A_921], %swap3A_924 {strides = array<i32>} : memref<8x768xf32, #tpu.memory_space<vmem>>, vector<1x16xf32>,
        %scan3A_925 = arith.constant 41 : i32
        %mul3A_926 = arith.constant 16 : i32
        %mul3A_927 = arith.muli %scan3A_925, %mul3A_926 : i32
        %get3A_928 = arith.index_cast %scan3A_230 : i32 to index
        %get3A_929 = arith.index_cast %mul3A_927 : i32 to index
        %get3A_930 = tpu.vector_load %arg11[%get3A_928, %get3A_929] {strides = array<i32>} : memref<8x768xf32, #tpu.memory_space<vmem>>, vector<1x16xf32>,
        %get3A_931 = vector.shape_cast %get3A_930 : vector<1x16xf32> to vector<16xf32>
        %get3A_932 = arith.index_cast %scan3A_230 : i32 to index
        %get3A_933 = arith.index_cast %mul3A_927 : i32 to index
        %get3A_934 = tpu.vector_load %arg15[%get3A_932, %get3A_933] {strides = array<i32>} : memref<8x768xf32, #tpu.memory_space<vmem>>, vector<1x16xf32>,
        %get3A_935 = vector.shape_cast %get3A_934 : vector<1x16xf32> to vector<16xf32>
        %sub3A_936 = arith.subf %get3A_931, %get3A_935 : vector<16xf32>
        %swap3A_937 = arith.index_cast %scan3A_230 : i32 to index
        %swap3A_938 = arith.index_cast %mul3A_927 : i32 to index
        %swap3A_939 = tpu.vector_load %arg11[%swap3A_937, %swap3A_938] {strides = array<i32>} : memref<8x768xf32, #tpu.memory_space<vmem>>, vector<1x16xf32>,
        %swap3A_940 = vector.shape_cast %swap3A_939 : vector<1x16xf32> to vector<16xf32>
        %swap3A_941 = vector.shape_cast %sub3A_936 : vector<16xf32> to vector<1x16xf32>
        tpu.vector_store %arg11[%swap3A_937, %swap3A_938], %swap3A_941 {strides = array<i32>} : memref<8x768xf32, #tpu.memory_space<vmem>>, vector<1x16xf32>,
        %scan3A_942 = arith.constant 42 : i32
        %mul3A_943 = arith.constant 16 : i32
        %mul3A_944 = arith.muli %scan3A_942, %mul3A_943 : i32
        %get3A_945 = arith.index_cast %scan3A_230 : i32 to index
        %get3A_946 = arith.index_cast %mul3A_944 : i32 to index
        %get3A_947 = tpu.vector_load %arg11[%get3A_945, %get3A_946] {strides = array<i32>} : memref<8x768xf32, #tpu.memory_space<vmem>>, vector<1x16xf32>,
        %get3A_948 = vector.shape_cast %get3A_947 : vector<1x16xf32> to vector<16xf32>
        %get3A_949 = arith.index_cast %scan3A_230 : i32 to index
        %get3A_950 = arith.index_cast %mul3A_944 : i32 to index
        %get3A_951 = tpu.vector_load %arg15[%get3A_949, %get3A_950] {strides = array<i32>} : memref<8x768xf32, #tpu.memory_space<vmem>>, vector<1x16xf32>,
        %get3A_952 = vector.shape_cast %get3A_951 : vector<1x16xf32> to vector<16xf32>
        %sub3A_953 = arith.subf %get3A_948, %get3A_952 : vector<16xf32>
        %swap3A_954 = arith.index_cast %scan3A_230 : i32 to index
        %swap3A_955 = arith.index_cast %mul3A_944 : i32 to index
        %swap3A_956 = tpu.vector_load %arg11[%swap3A_954, %swap3A_955] {strides = array<i32>} : memref<8x768xf32, #tpu.memory_space<vmem>>, vector<1x16xf32>,
        %swap3A_957 = vector.shape_cast %swap3A_956 : vector<1x16xf32> to vector<16xf32>
        %swap3A_958 = vector.shape_cast %sub3A_953 : vector<16xf32> to vector<1x16xf32>
        tpu.vector_store %arg11[%swap3A_954, %swap3A_955], %swap3A_958 {strides = array<i32>} : memref<8x768xf32, #tpu.memory_space<vmem>>, vector<1x16xf32>,
        %scan3A_959 = arith.constant 43 : i32
        %mul3A_960 = arith.constant 16 : i32
        %mul3A_961 = arith.muli %scan3A_959, %mul3A_960 : i32
        %get3A_962 = arith.index_cast %scan3A_230 : i32 to index
        %get3A_963 = arith.index_cast %mul3A_961 : i32 to index
        %get3A_964 = tpu.vector_load %arg11[%get3A_962, %get3A_963] {strides = array<i32>} : memref<8x768xf32, #tpu.memory_space<vmem>>, vector<1x16xf32>,
        %get3A_965 = vector.shape_cast %get3A_964 : vector<1x16xf32> to vector<16xf32>
        %get3A_966 = arith.index_cast %scan3A_230 : i32 to index
        %get3A_967 = arith.index_cast %mul3A_961 : i32 to index
        %get3A_968 = tpu.vector_load %arg15[%get3A_966, %get3A_967] {strides = array<i32>} : memref<8x768xf32, #tpu.memory_space<vmem>>, vector<1x16xf32>,
        %get3A_969 = vector.shape_cast %get3A_968 : vector<1x16xf32> to vector<16xf32>
        %sub3A_970 = arith.subf %get3A_965, %get3A_969 : vector<16xf32>
        %swap3A_971 = arith.index_cast %scan3A_230 : i32 to index
        %swap3A_972 = arith.index_cast %mul3A_961 : i32 to index
        %swap3A_973 = tpu.vector_load %arg11[%swap3A_971, %swap3A_972] {strides = array<i32>} : memref<8x768xf32, #tpu.memory_space<vmem>>, vector<1x16xf32>,
        %swap3A_974 = vector.shape_cast %swap3A_973 : vector<1x16xf32> to vector<16xf32>
        %swap3A_975 = vector.shape_cast %sub3A_970 : vector<16xf32> to vector<1x16xf32>
        tpu.vector_store %arg11[%swap3A_971, %swap3A_972], %swap3A_975 {strides = array<i32>} : memref<8x768xf32, #tpu.memory_space<vmem>>, vector<1x16xf32>,
        %scan3A_976 = arith.constant 44 : i32
        %mul3A_977 = arith.constant 16 : i32
        %mul3A_978 = arith.muli %scan3A_976, %mul3A_977 : i32
        %get3A_979 = arith.index_cast %scan3A_230 : i32 to index
        %get3A_980 = arith.index_cast %mul3A_978 : i32 to index
        %get3A_981 = tpu.vector_load %arg11[%get3A_979, %get3A_980] {strides = array<i32>} : memref<8x768xf32, #tpu.memory_space<vmem>>, vector<1x16xf32>,
        %get3A_982 = vector.shape_cast %get3A_981 : vector<1x16xf32> to vector<16xf32>
        %get3A_983 = arith.index_cast %scan3A_230 : i32 to index
        %get3A_984 = arith.index_cast %mul3A_978 : i32 to index
        %get3A_985 = tpu.vector_load %arg15[%get3A_983, %get3A_984] {strides = array<i32>} : memref<8x768xf32, #tpu.memory_space<vmem>>, vector<1x16xf32>,
        %get3A_986 = vector.shape_cast %get3A_985 : vector<1x16xf32> to vector<16xf32>
        %sub3A_987 = arith.subf %get3A_982, %get3A_986 : vector<16xf32>
        %swap3A_988 = arith.index_cast %scan3A_230 : i32 to index
        %swap3A_989 = arith.index_cast %mul3A_978 : i32 to index
        %swap3A_990 = tpu.vector_load %arg11[%swap3A_988, %swap3A_989] {strides = array<i32>} : memref<8x768xf32, #tpu.memory_space<vmem>>, vector<1x16xf32>,
        %swap3A_991 = vector.shape_cast %swap3A_990 : vector<1x16xf32> to vector<16xf32>
        %swap3A_992 = vector.shape_cast %sub3A_987 : vector<16xf32> to vector<1x16xf32>
        tpu.vector_store %arg11[%swap3A_988, %swap3A_989], %swap3A_992 {strides = array<i32>} : memref<8x768xf32, #tpu.memory_space<vmem>>, vector<1x16xf32>,
        %scan3A_993 = arith.constant 45 : i32
        %mul3A_994 = arith.constant 16 : i32
        %mul3A_995 = arith.muli %scan3A_993, %mul3A_994 : i32
        %get3A_996 = arith.index_cast %scan3A_230 : i32 to index
        %get3A_997 = arith.index_cast %mul3A_995 : i32 to index
        %get3A_998 = tpu.vector_load %arg11[%get3A_996, %get3A_997] {strides = array<i32>} : memref<8x768xf32, #tpu.memory_space<vmem>>, vector<1x16xf32>,
        %get3A_999 = vector.shape_cast %get3A_998 : vector<1x16xf32> to vector<16xf32>
        %get3A_1000 = arith.index_cast %scan3A_230 : i32 to index
        %get3A_1001 = arith.index_cast %mul3A_995 : i32 to index
        %get3A_1002 = tpu.vector_load %arg15[%get3A_1000, %get3A_1001] {strides = array<i32>} : memref<8x768xf32, #tpu.memory_space<vmem>>, vector<1x16xf32>,
        %get3A_1003 = vector.shape_cast %get3A_1002 : vector<1x16xf32> to vector<16xf32>
        %sub3A_1004 = arith.subf %get3A_999, %get3A_1003 : vector<16xf32>
        %swap3A_1005 = arith.index_cast %scan3A_230 : i32 to index
        %swap3A_1006 = arith.index_cast %mul3A_995 : i32 to index
        %swap3A_1007 = tpu.vector_load %arg11[%swap3A_1005, %swap3A_1006] {strides = array<i32>} : memref<8x768xf32, #tpu.memory_space<vmem>>, vector<1x16xf32>,
        %swap3A_1008 = vector.shape_cast %swap3A_1007 : vector<1x16xf32> to vector<16xf32>
        %swap3A_1009 = vector.shape_cast %sub3A_1004 : vector<16xf32> to vector<1x16xf32>
        tpu.vector_store %arg11[%swap3A_1005, %swap3A_1006], %swap3A_1009 {strides = array<i32>} : memref<8x768xf32, #tpu.memory_space<vmem>>, vector<1x16xf32>,
        %scan3A_1010 = arith.constant 46 : i32
        %mul3A_1011 = arith.constant 16 : i32
        %mul3A_1012 = arith.muli %scan3A_1010, %mul3A_1011 : i32
        %get3A_1013 = arith.index_cast %scan3A_230 : i32 to index
        %get3A_1014 = arith.index_cast %mul3A_1012 : i32 to index
        %get3A_1015 = tpu.vector_load %arg11[%get3A_1013, %get3A_1014] {strides = array<i32>} : memref<8x768xf32, #tpu.memory_space<vmem>>, vector<1x16xf32>,
        %get3A_1016 = vector.shape_cast %get3A_1015 : vector<1x16xf32> to vector<16xf32>
        %get3A_1017 = arith.index_cast %scan3A_230 : i32 to index
        %get3A_1018 = arith.index_cast %mul3A_1012 : i32 to index
        %get3A_1019 = tpu.vector_load %arg15[%get3A_1017, %get3A_1018] {strides = array<i32>} : memref<8x768xf32, #tpu.memory_space<vmem>>, vector<1x16xf32>,
        %get3A_1020 = vector.shape_cast %get3A_1019 : vector<1x16xf32> to vector<16xf32>
        %sub3A_1021 = arith.subf %get3A_1016, %get3A_1020 : vector<16xf32>
        %swap3A_1022 = arith.index_cast %scan3A_230 : i32 to index
        %swap3A_1023 = arith.index_cast %mul3A_1012 : i32 to index
        %swap3A_1024 = tpu.vector_load %arg11[%swap3A_1022, %swap3A_1023] {strides = array<i32>} : memref<8x768xf32, #tpu.memory_space<vmem>>, vector<1x16xf32>,
        %swap3A_1025 = vector.shape_cast %swap3A_1024 : vector<1x16xf32> to vector<16xf32>
        %swap3A_1026 = vector.shape_cast %sub3A_1021 : vector<16xf32> to vector<1x16xf32>
        tpu.vector_store %arg11[%swap3A_1022, %swap3A_1023], %swap3A_1026 {strides = array<i32>} : memref<8x768xf32, #tpu.memory_space<vmem>>, vector<1x16xf32>,
        %scan3A_1027 = arith.constant 47 : i32
        %mul3A_1028 = arith.constant 16 : i32
        %mul3A_1029 = arith.muli %scan3A_1027, %mul3A_1028 : i32
        %get3A_1030 = arith.index_cast %scan3A_230 : i32 to index
        %get3A_1031 = arith.index_cast %mul3A_1029 : i32 to index
        %get3A_1032 = tpu.vector_load %arg11[%get3A_1030, %get3A_1031] {strides = array<i32>} : memref<8x768xf32, #tpu.memory_space<vmem>>, vector<1x16xf32>,
        %get3A_1033 = vector.shape_cast %get3A_1032 : vector<1x16xf32> to vector<16xf32>
        %get3A_1034 = arith.index_cast %scan3A_230 : i32 to index
        %get3A_1035 = arith.index_cast %mul3A_1029 : i32 to index
        %get3A_1036 = tpu.vector_load %arg15[%get3A_1034, %get3A_1035] {strides = array<i32>} : memref<8x768xf32, #tpu.memory_space<vmem>>, vector<1x16xf32>,
        %get3A_1037 = vector.shape_cast %get3A_1036 : vector<1x16xf32> to vector<16xf32>
        %sub3A_1038 = arith.subf %get3A_1033, %get3A_1037 : vector<16xf32>
        %swap3A_1039 = arith.index_cast %scan3A_230 : i32 to index
        %swap3A_1040 = arith.index_cast %mul3A_1029 : i32 to index
        %swap3A_1041 = tpu.vector_load %arg11[%swap3A_1039, %swap3A_1040] {strides = array<i32>} : memref<8x768xf32, #tpu.memory_space<vmem>>, vector<1x16xf32>,
        %swap3A_1042 = vector.shape_cast %swap3A_1041 : vector<1x16xf32> to vector<16xf32>
        %swap3A_1043 = vector.shape_cast %sub3A_1038 : vector<16xf32> to vector<1x16xf32>
        tpu.vector_store %arg11[%swap3A_1039, %swap3A_1040], %swap3A_1043 {strides = array<i32>} : memref<8x768xf32, #tpu.memory_space<vmem>>, vector<1x16xf32>,
        %scan3A_1044 = arith.constant 48 : i32
      }
      %scan3A_218 = arith.constant 8 : i32
      %mul3A_219 = arith.constant 8 : i32
      %mul3A_220 = arith.muli %add3A_194, %mul3A_219 : i32
      %add3A_221 = arith.addi %mul3A_2, %mul3A_220 : i32
      %dma_start3A_222 = arith.constant 0 : i32
      %dma_start3A_223 = tpu.memref_slice %arg5[%add3A_221, %dma_start3A_222] : memref<32768x768xf32, #tpu.memory_space<hbm>> -> memref<8x768xf32, #tpu.memory_space<hbm>>
      %dma_start3A_224 = arith.constant 0 : i32
      %dma_start3A_225 = tpu.memref_slice %arg5[%add3A_221, %dma_start3A_224] : memref<32768x768xf32, #tpu.memory_space<hbm>> -> memref<8x768xf32, #tpu.memory_space<hbm>>
      tpu.enqueue_dma source(%arg15 : memref<8x768xf32, #tpu.memory_space<vmem>>) target(%dma_start3A_225 : memref<8x768xf32, #tpu.memory_space<hbm>>) target_semaphore(%arg27 : memref<!tpu.dma_semaphore, #tpu.memory_space<semaphore_mem>>)
      %dma_start3A_226 = arith.constant 0 : i32
      %dma_start3A_227 = tpu.memref_slice %arg6[%add3A_221, %dma_start3A_226] : memref<32768x768xf32, #tpu.memory_space<hbm>> -> memref<8x768xf32, #tpu.memory_space<hbm>>
      %dma_start3A_228 = arith.constant 0 : i32
      %dma_start3A_229 = tpu.memref_slice %arg6[%add3A_221, %dma_start3A_228] : memref<32768x768xf32, #tpu.memory_space<hbm>> -> memref<8x768xf32, #tpu.memory_space<hbm>>
      tpu.enqueue_dma source(%arg11 : memref<8x768xf32, #tpu.memory_space<vmem>>) target(%dma_start3A_229 : memref<8x768xf32, #tpu.memory_space<hbm>>) target_semaphore(%arg31 : memref<!tpu.dma_semaphore, #tpu.memory_space<semaphore_mem>>)
    }
    %scan3A_28 = arith.constant 32 : i32
    %dma_wait3A = arith.constant 0 : i32
    %dma_wait3A_29 = arith.constant 0 : i32
    %dma_wait3A_30 = tpu.memref_slice %arg5[%dma_wait3A, %dma_wait3A_29] : memref<32768x768xf32, #tpu.memory_space<hbm>> -> memref<8x768xf32, #tpu.memory_space<hbm>>
    %dma_wait3A_31 = arith.constant 0 : i32
    %dma_wait3A_32 = arith.constant 0 : i32
    %dma_wait3A_33 = tpu.memref_slice %arg5[%dma_wait3A_31, %dma_wait3A_32] : memref<32768x768xf32, #tpu.memory_space<hbm>> -> memref<8x768xf32, #tpu.memory_space<hbm>>
    tpu.wait_dma2 semaphore(%arg24 : memref<!tpu.dma_semaphore, #tpu.memory_space<semaphore_mem>>) src(%arg12 : memref<8x768xf32, #tpu.memory_space<vmem>>) dst(%dma_wait3A_33 : memref<8x768xf32, #tpu.memory_space<hbm>>)
    %dma_wait3A_34 = arith.constant 0 : i32
    %dma_wait3A_35 = arith.constant 0 : i32
    %dma_wait3A_36 = tpu.memref_slice %arg6[%dma_wait3A_34, %dma_wait3A_35] : memref<32768x768xf32, #tpu.memory_space<hbm>> -> memref<8x768xf32, #tpu.memory_space<hbm>>
    %dma_wait3A_37 = arith.constant 0 : i32
    %dma_wait3A_38 = arith.constant 0 : i32
    %dma_wait3A_39 = tpu.memref_slice %arg6[%dma_wait3A_37, %dma_wait3A_38] : memref<32768x768xf32, #tpu.memory_space<hbm>> -> memref<8x768xf32, #tpu.memory_space<hbm>>
    tpu.wait_dma2 semaphore(%arg28 : memref<!tpu.dma_semaphore, #tpu.memory_space<semaphore_mem>>) src(%arg8 : memref<8x768xf32, #tpu.memory_space<vmem>>) dst(%dma_wait3A_39 : memref<8x768xf32, #tpu.memory_space<hbm>>)
    %dma_wait3A_40 = arith.constant 0 : i32
    %dma_wait3A_41 = arith.constant 0 : i32
    %dma_wait3A_42 = tpu.memref_slice %arg5[%dma_wait3A_40, %dma_wait3A_41] : memref<32768x768xf32, #tpu.memory_space<hbm>> -> memref<8x768xf32, #tpu.memory_space<hbm>>
    %dma_wait3A_43 = arith.constant 0 : i32
    %dma_wait3A_44 = arith.constant 0 : i32
    %dma_wait3A_45 = tpu.memref_slice %arg5[%dma_wait3A_43, %dma_wait3A_44] : memref<32768x768xf32, #tpu.memory_space<hbm>> -> memref<8x768xf32, #tpu.memory_space<hbm>>
    tpu.wait_dma2 semaphore(%arg25 : memref<!tpu.dma_semaphore, #tpu.memory_space<semaphore_mem>>) src(%arg13 : memref<8x768xf32, #tpu.memory_space<vmem>>) dst(%dma_wait3A_45 : memref<8x768xf32, #tpu.memory_space<hbm>>)
    %dma_wait3A_46 = arith.constant 0 : i32
    %dma_wait3A_47 = arith.constant 0 : i32
    %dma_wait3A_48 = tpu.memref_slice %arg6[%dma_wait3A_46, %dma_wait3A_47] : memref<32768x768xf32, #tpu.memory_space<hbm>> -> memref<8x768xf32, #tpu.memory_space<hbm>>
    %dma_wait3A_49 = arith.constant 0 : i32
    %dma_wait3A_50 = arith.constant 0 : i32
    %dma_wait3A_51 = tpu.memref_slice %arg6[%dma_wait3A_49, %dma_wait3A_50] : memref<32768x768xf32, #tpu.memory_space<hbm>> -> memref<8x768xf32, #tpu.memory_space<hbm>>
    tpu.wait_dma2 semaphore(%arg29 : memref<!tpu.dma_semaphore, #tpu.memory_space<semaphore_mem>>) src(%arg9 : memref<8x768xf32, #tpu.memory_space<vmem>>) dst(%dma_wait3A_51 : memref<8x768xf32, #tpu.memory_space<hbm>>)
    %dma_wait3A_52 = arith.constant 0 : i32
    %dma_wait3A_53 = arith.constant 0 : i32
    %dma_wait3A_54 = tpu.memref_slice %arg5[%dma_wait3A_52, %dma_wait3A_53] : memref<32768x768xf32, #tpu.memory_space<hbm>> -> memref<8x768xf32, #tpu.memory_space<hbm>>
    %dma_wait3A_55 = arith.constant 0 : i32
    %dma_wait3A_56 = arith.constant 0 : i32
    %dma_wait3A_57 = tpu.memref_slice %arg5[%dma_wait3A_55, %dma_wait3A_56] : memref<32768x768xf32, #tpu.memory_space<hbm>> -> memref<8x768xf32, #tpu.memory_space<hbm>>
    tpu.wait_dma2 semaphore(%arg26 : memref<!tpu.dma_semaphore, #tpu.memory_space<semaphore_mem>>) src(%arg14 : memref<8x768xf32, #tpu.memory_space<vmem>>) dst(%dma_wait3A_57 : memref<8x768xf32, #tpu.memory_space<hbm>>)
    %dma_wait3A_58 = arith.constant 0 : i32
    %dma_wait3A_59 = arith.constant 0 : i32
    %dma_wait3A_60 = tpu.memref_slice %arg6[%dma_wait3A_58, %dma_wait3A_59] : memref<32768x768xf32, #tpu.memory_space<hbm>> -> memref<8x768xf32, #tpu.memory_space<hbm>>
    %dma_wait3A_61 = arith.constant 0 : i32
    %dma_wait3A_62 = arith.constant 0 : i32
    %dma_wait3A_63 = tpu.memref_slice %arg6[%dma_wait3A_61, %dma_wait3A_62] : memref<32768x768xf32, #tpu.memory_space<hbm>> -> memref<8x768xf32, #tpu.memory_space<hbm>>
    tpu.wait_dma2 semaphore(%arg30 : memref<!tpu.dma_semaphore, #tpu.memory_space<semaphore_mem>>) src(%arg10 : memref<8x768xf32, #tpu.memory_space<vmem>>) dst(%dma_wait3A_63 : memref<8x768xf32, #tpu.memory_space<hbm>>)
    %dma_wait3A_64 = arith.constant 0 : i32
    %dma_wait3A_65 = arith.constant 0 : i32
    %dma_wait3A_66 = tpu.memref_slice %arg5[%dma_wait3A_64, %dma_wait3A_65] : memref<32768x768xf32, #tpu.memory_space<hbm>> -> memref<8x768xf32, #tpu.memory_space<hbm>>
    %dma_wait3A_67 = arith.constant 0 : i32
    %dma_wait3A_68 = arith.constant 0 : i32
    %dma_wait3A_69 = tpu.memref_slice %arg5[%dma_wait3A_67, %dma_wait3A_68] : memref<32768x768xf32, #tpu.memory_space<hbm>> -> memref<8x768xf32, #tpu.memory_space<hbm>>
    tpu.wait_dma2 semaphore(%arg27 : memref<!tpu.dma_semaphore, #tpu.memory_space<semaphore_mem>>) src(%arg15 : memref<8x768xf32, #tpu.memory_space<vmem>>) dst(%dma_wait3A_69 : memref<8x768xf32, #tpu.memory_space<hbm>>)
    %dma_wait3A_70 = arith.constant 0 : i32
    %dma_wait3A_71 = arith.constant 0 : i32
    %dma_wait3A_72 = tpu.memref_slice %arg6[%dma_wait3A_70, %dma_wait3A_71] : memref<32768x768xf32, #tpu.memory_space<hbm>> -> memref<8x768xf32, #tpu.memory_space<hbm>>
    %dma_wait3A_73 = arith.constant 0 : i32
    %dma_wait3A_74 = arith.constant 0 : i32
    %dma_wait3A_75 = tpu.memref_slice %arg6[%dma_wait3A_73, %dma_wait3A_74] : memref<32768x768xf32, #tpu.memory_space<hbm>> -> memref<8x768xf32, #tpu.memory_space<hbm>>
    tpu.wait_dma2 semaphore(%arg31 : memref<!tpu.dma_semaphore, #tpu.memory_space<semaphore_mem>>) src(%arg11 : memref<8x768xf32, #tpu.memory_space<vmem>>) dst(%dma_wait3A_75 : memref<8x768xf32, #tpu.memory_space<hbm>>)
    return
  }
}

</mosaic_0001>

<sc_bundles>
// kernel: kernel.3.cloned.1.call-start
scs
__scs_entry_jumppad:
0x0: {  	(pc) =	sbr.rel $0x88, $3  }
0x1: {  	(tag) =	ssettag $0x0;
	lr =	simm.s32 $0x1  }
0x2: {  	[smem:$0x3F9E] =	sst lr;
	_ =	strace $0xD0000000  }
0x3: {  	_ = 	snop  }
0x4: {  	_ = 	snop  }
0x5: {  	_ = 	snop  }
0x6: {  	_ = 	snop  }
0x7: {  	_ = 	snop  }
__scs_overlays_trampoline_lowered:
0x8: {  	[smem:$0x3FAD] =	sst s0  }
0x9: {  	[smem:$0x3FAE] =	sst s1  }
0xa: {  	[smem:$0x3FAF] =	sst s2  }
0xb: {  	[smem:$0x3FB0] =	sst s3  }
0xc: {  	[smem:$0x3FB1] =	sst s4  }
0xd: {  	[smem:$0x3FB2] =	sst s5  }
0xe: {  	[smem:$0x3FB3] =	sst s6  }
0xf: {  	[smem:$0x3FB4] =	sst s7  }
0x10: {  	[smem:$0x3FB5] =	sst s8  }
0x11: {  	[smem:$0x3FB6] =	sst s9;
	s0 =	simm.s32 @!p0 $0x0  }
0x12: {  	s1 =	sld [smem:$0x3F9C];
	s0 =	simm.s32 @p0 $0x1  }
0x13: {  	[smem:$0x3FB7] =	sst s0;
	s0 =	simm.s32 @!p1 $0x0  }
0x14: {  	s2 =	sld [smem:$0x3F9B];
	s0 =	simm.s32 @p1 $0x1  }
0x15: {  	[smem:$0x3FB8] =	sst s0;
	s0 =	simm.s32 @!p2 $0x0  }
0x16: {  	s3 =	sld [smem:$0x3FDB];
	s0 =	simm.s32 @p2 $0x1  }
0x17: {  	s4 =	simm.s32 $0x1BF5;
	[smem:$0x3FBA] =	sst s0  }
0x18: {  	s0 =	sld [smem:$0x3F9D];
	_ =	swait.ge [sflag:s4], $0x0  }
0x19: {  	s7 =	sld [smem:$0x3F9E]  }
0x1a: {  	s8 =	sadd.s32 $0xFFFFE003, lr  }
0x1b: {  	s9 =	sadd.s32 $0xFFFFFEF7, lr;
	s5 =	simm.s32 $0xFFFFFFFF;
	p2 =	slt.u32 s8, $0xFFFFF086  }
0x1c: {  	p1 =	slt.u32 s9, $0xF7A;
	s5 =	simm.s32 @!p2 $0x0  }
0x1d: {  	s5 =	simm.s32 @p1 $0x1;
	p0 =	seq.s32 s7, s2  }
0x1e: {  	s7 =	smul.u32 @!p0 $0xF7A, s2;
	p2 =	seq.s32 @!p0 s5, $0x0  }
0x1f: {  	s9 =	smul.u32 $0xF7A, s1;
	s8 =	simm.s32 @!p0 $0x1BF5;
	p2 =	por !p2, p0  }
0x20: {  	[sflag:s8] =	ssyncset.s32 @!p0 $0xFFFFF086;
	s6 =	sadd.s32 @!p0 s3, s7;
	s7 =	simm.s32 @!p0 $0x108  }
0x21: {  	s3 =	sadd.s32 s3, s9;
	s6 =	sadd.s32 @!p0 $0x88, s6;
	s7 =	simm.s32 @p2 $0x1082  }
0x22: {  	[simem:s7], [sflag:s8] =	dma.local @!p0 [hbm:s6], $0xF7A  }
0x23: {  	s9 =	sor.u32 $0xD0000000, s2;
	s6 =	simm.s32 $0x108;
	_ =	swait.ge @!p0 [sflag:s8], $0x0  }
0x24: {  	s3 =	sadd.s32 $0x88, s3;
	s6 =	simm.s32 @!p1 $0x1082;
	[sflag:s4] =	ssyncset.s32 $0xFFFFF086  }
0x25: {  	[simem:s6], [sflag:s4] =	dma.local [hbm:s3], $0xF7A  }
0x26: {  	[smem:$0x3F9E] =	sst s1;
	(tag) =	ssettag s2;
	_ =	strace s9  }
0x27: {  	s1 =	sld [smem:$0x3FAE]  }
0x28: {  	s2 =	sld [smem:$0x3FAF]  }
0x29: {  	s4 =	sld [smem:$0x3FB1]  }
0x2a: {  	p0 =	seq.s32 s5, $0x0;
	s5 =	sld [smem:$0x3FB2]  }
0x2b: {  	s6 =	sld [smem:$0x3FB3]  }
0x2c: {  	s7 =	sld [smem:$0x3FB4]  }
0x2d: {  	s3 =	simm.s32 $0x108;
	s8 =	sld [smem:$0x3FB5]  }
0x2e: {  	s3 =	simm.s32 @!p0 $0x1082;
	s9 =	sld [smem:$0x3FB6]  }
0x2f: {  	lr =	sadd.s32 s0, s3;
	s0 =	sld [smem:$0x3FAD]  }
0x30: {  	s3 =	sld [smem:$0x3FB0]  }
0x31: {  	[smem:$0x3FB9] =	sst s10  }
0x32: {  	s10 =	sld [smem:$0x3FB7];
	_ =	sdelay $0x3  }
0x33: {  	p0 =	seq.s32 s10, $0x1;
	s10 =	sld [smem:$0x3FB9];
	_ =	sdelay $0x3  }
0x34: {  	[smem:$0x3FB9] =	sst s10  }
0x35: {  	s10 =	sld [smem:$0x3FB8];
	_ =	sdelay $0x3  }
0x36: {  	p1 =	seq.s32 s10, $0x1;
	s10 =	sld [smem:$0x3FB9];
	_ =	sdelay $0x3  }
0x37: {  	[smem:$0x3FB9] =	sst s10  }
0x38: {  	s10 =	sld [smem:$0x3FBA]  }
0x39: {  	_ = 	snop;
	(pc) =	sbr.ind lr, $3  }
0x3a: {  	_ = 	snop  }
0x3b: {  	_ = 	snop  }
0x3c: {  	p2 =	seq.s32 s10, $0x1;
	s10 =	sld [smem:$0x3FB9]  }
0x3d: {  	_ =	shalt  }
0x3e: {  	_ =	shalt  }
0x3f: {  	_ =	shalt  }
0x40: {  	_ =	shalt  }
0x41: {  	_ =	shalt  }
0x42: {  	_ =	shalt  }
0x43: {  	_ =	shalt  }
0x44: {  	_ =	shalt  }
0x45: {  	_ =	shalt  }
0x46: {  	_ =	shalt  }
0x47: {  	_ =	shalt  }
0x48: {  	_ =	shalt  }
0x49: {  	_ =	shalt  }
0x4a: {  	_ =	shalt  }
0x4b: {  	_ =	shalt  }
0x4c: {  	_ =	shalt  }
0x4d: {  	_ =	shalt  }
0x4e: {  	_ =	shalt  }
0x4f: {  	_ =	shalt  }
0x50: {  	_ =	shalt  }
0x51: {  	_ =	shalt  }
0x52: {  	_ =	shalt  }
0x53: {  	_ =	shalt  }
0x54: {  	_ =	shalt  }
0x55: {  	_ =	shalt  }
0x56: {  	_ =	shalt  }
0x57: {  	_ =	shalt  }
0x58: {  	_ =	shalt  }
0x59: {  	_ =	shalt  }
0x5a: {  	_ =	shalt  }
0x5b: {  	_ =	shalt  }
0x5c: {  	_ =	shalt  }
0x5d: {  	_ =	shalt  }
0x5e: {  	_ =	shalt  }
0x5f: {  	_ =	shalt  }
0x60: {  	_ =	shalt  }
0x61: {  	_ =	shalt  }
0x62: {  	_ =	shalt  }
0x63: {  	_ =	shalt  }
0x64: {  	_ =	shalt  }
0x65: {  	_ =	shalt  }
0x66: {  	_ =	shalt  }
0x67: {  	_ =	shalt  }
0x68: {  	_ =	shalt  }
0x69: {  	_ =	shalt  }
0x6a: {  	_ =	shalt  }
0x6b: {  	_ =	shalt  }
0x6c: {  	_ =	shalt  }
0x6d: {  	_ =	shalt  }
0x6e: {  	_ =	shalt  }
0x6f: {  	_ =	shalt  }
0x70: {  	_ =	shalt  }
0x71: {  	_ =	shalt  }
0x72: {  	_ =	shalt  }
0x73: {  	_ =	shalt  }
0x74: {  	_ =	shalt  }
0x75: {  	_ =	shalt  }
0x76: {  	_ =	shalt  }
0x77: {  	_ =	shalt  }
0x78: {  	_ =	shalt  }
0x79: {  	_ =	shalt  }
0x7a: {  	_ =	shalt  }
0x7b: {  	_ =	shalt  }
0x7c: {  	_ =	shalt  }
0x7d: {  	_ =	shalt  }
0x7e: {  	_ =	shalt  }
0x7f: {  	_ =	shalt  }
0x80: {  	_ =	shalt  }
0x81: {  	_ =	shalt  }
0x82: {  	_ =	shalt  }
0x83: {  	_ =	shalt  }
0x84: {  	_ =	shalt  }
0x85: {  	_ =	shalt  }
0x86: {  	_ =	shalt  }
0x87: {  	_ =	shalt  }
.Lfunc_end0:
.L_simem_size_0:
called_computation_lowered:
.L_overlay_start_0:
0x88: {  	s2 =	sld [smem:$0x3FD9]  }
0x89: {  	s3 =	sld [smem:$0x3FFE];
	_ =	sdelay $0x1  }
0x8a: {  	s1 =	srdreg.scid  }
0x8b: {  	s0 =	sand.u32 $0x1, s1  }
0x8c: {  	s14 =	sshll.u32 s0, $0xA;
	s2 =	sadd.s32 s3, s2  }
0x8d: {  	s2 =	sadd.s32 s2, s14  }
0x8e: {  	[smem:$0x3FC5] =	sst s2  }
0x8f: {  	_ = 	snop  }
0x90: {  	s2 =	sld [smem:$0x3FD0];
	_ =	sdelay $0x1  }
0x91: {  	s15 =	sld [smem:$0x3FC9]  }
0x92: {  	s5 =	simm.s32 $0xA;
	s6 =	simm.s32 $0x10;
	s4 =	sld [smem:$0x3FC7]  }
0x93: {  	[smem:s6], [sflag:s5] =	dma.local [hbm:s2], $0x1  }
0x94: {  	_ =	swait.eq [sflag:s5], $0x1  }
0x95: {  	[sflag:s5] =	ssyncset.done $0x0  }
0x96: {  	s16 =	sld [smem:$0x10];
	[sflag:s5] =	ssyncadd.s32 $0xFFFFFFFF  }
0x97: {  	s17 =	sld [smem:$0x11];
	(tm) =	ssettm $0x1  }
0x98: {  	s18 =	sld [smem:$0x3FFB];
	_ =	sdelay $0x3  }
0x99: {  	_ =	strace s18  }
0x9a: {  	s6 =	sld [smem:$0x3FFC];
	_ =	sdelay $0x3  }
0x9b: {  	_ =	strace s6  }
0x9c: {  	s6 =	sld [smem:$0x3FFD];
	_ =	sdelay $0x3  }
0x9d: {  	_ =	strace s6  }
0x9e: {  	_ =	strace $0x8FFFFFFF  }
0x9f: {  	s19 =	sld [smem:$0x3FDB];
	_ =	sdelay $0x1  }
0xa0: {  	s7 =	simm.s32 $_scs_section_size  }
0xa1: {  	s8 =	simm.s32 $_size__tile_overlayer_lowered;
	s9 =	simm.s32 $_tile_overlayer_lowered  }
0xa2: {  	s22 =	simm.s32 $0x1BFF;
	s21 =	sshll.u32 s9, $0x1;
	s6 =	sadd.s32 s7, s19  }
0xa3: {  	s10 =	simm.s32 $0x0;
	s20 =	sshll.u32 s8, $0x1;
	s8 =	sadd.s32 s21, s6  }
0xa4: {  	[timem:s10], [sflag:s22] =	dma.local [hbm:s8], s20  }
0xa5: {  	_ =	swait.ge [sflag:s22], s20  }
0xa6: {  	s7 =	ssub.s32 $0x0, s20;
	[sflag:s22] =	ssyncset.done $0x0  }
0xa7: {  	[sflag:s22] =	ssyncadd.s32 s7;
	_ =	sdelay $0x1  }
0xa8: {  	s23 =	simm.s32 $0x1B8B  }
0xa9: {  	_ =	swait.ge [sflag:s23], $0x1  }
0xaa: {  	[sflag:s23] =	ssyncset.done $0x0  }
0xab: {  	s25 =	simm.s32 $0x1B8E;
	s24 =	sld [smem:$0x3FFE];
	[sflag:s23] =	ssyncadd.s32 $0xFFFFFFFF  }
0xac: {  	s26 =	simm.s32 $execute0_lowered;
	[smem:$0x3FD2] =	sst s25  }
0xad: {  	s8 =	sshll.u32 s26, $0x1;
	_ =	strace $0x80000046;
	[dreg:$0x1] =	wrdreg $0xFFFFFFFF  }
0xae: {  	s28 =	simm.s32 $_size_execute0_lowered;
	s6 =	sadd.s32 s6, s8;
	[dreg:$0x0] =	wrdreg $0x0  }
0xaf: {  	s8 =	sshll.u32 s28, $0x1;
	[dreg:$0x2] =	wrdreg s6  }
0xb0: {  	[dreg:$0x3] =	wrdreg s8  }
0xb1: {  	[dreg:$0x4] =	wrdreg $0xC0  }
0xb2: {  	_ =	task [dreg:s10], $0x5FFFF  }
0xb3: {  	[dreg:$0x1] =	wrdreg $0xFFFFFFFF  }
0xb4: {  	[dreg:$0x0] =	wrdreg $0x60  }
0xb5: {  	[dreg:$0x2] =	wrdreg s15  }
0xb6: {  	[dreg:$0x3] =	wrdreg s24  }
0xb7: {  	[dreg:$0x4] =	wrdreg s4  }
0xb8: {  	[dreg:$0x5] =	wrdreg s16  }
0xb9: {  	[dreg:$0x6] =	wrdreg s17  }
0xba: {  	[dreg:$0x7] =	wrdreg $0x9  }
0xbb: {  	_ =	task.clear_ibuf [dreg:s10], $0x8FFFF;
	_ =	strace $0x90000046  }
0xbc: {  	s29 =	simm.s32 $0x9;
	_ =	strace $0x80000048  }
0xbd: {  	_ =	swait.ge [sflag:s29], $0x1  }
0xbe: {  	[sflag:s29] =	ssyncadd.s32 $0xFFFFFFFF  }
0xbf: {  	_ =	strace $0x90000048  }
0xc0: {  	_ =	sfence  }
0xc1: {  	s30 =	sld [smem:$0x0];
	_ =	sdelay $0x2  }
0xc2: {  	s31 =	sshll.u32 s1, $0xD;
	s1 =	sshrl.u32 s1, $0x2  }
0xc3: {  	s3 =	sand.u32 $0x4000, s31;
	s1 =	sadd.s32 s1, s30  }
0xc4: {  	s0 =	sor.u32 s3, s0;
	s1 =	sshll.u32 s1, $0x11  }
0xc5: {  	s0 =	sor.u32 s1, s0  }
0xc6: {  	s0 =	sadd.s32 $0x8F2B, s0  }
0xc7: {  	[sflag:s0] =	ssyncadd.remote.s32 $0x1  }
0xc8: {  	_ =	sfence.sel $0xFFFF  }
0xc9: {  	[dreg:$0x0] =	wrdreg $0xFFFFFFFF;
	(pc) =	sbr.abs _section_cstart, $3  }
0xca: {  	[dreg:$0x1] =	wrdreg $0xFFFFFFFF  }
0xcb: {  	_ =	task.clear_ibuf [dreg:s10], $0x2FFFF;
	_ =	strace $0x9FFFFFFF  }
0xcc: {  	(tm) =	ssettm $0x7FFFFFFF  }
0xcd: {  	_ =	shalt  }
tec
execute0_lowered:
.L_overlay_start_1:
0x0: {  	(tag) =	ssettag $0x1  }
0x1: {  	s0 =	rddreg [dreg:$0x0]  }
0x2: {  	s1 =	rddreg [dreg:$0x1]  }
0x3: {  	s2 =	rddreg [dreg:$0x2];
	s3 =	srdreg.scid  }
0x4: {  	s4 =	rddreg [dreg:$0x3];
	s6 =	stileid.u32  }
0x5: {  	s5 =	rddreg [dreg:$0x4];
	s20 =	simm.s32 $0x7C00;
	s23 =	simm.s32 $0x1C00  }
0x6: {  	s24 =	simm.s32 $0x1;
	s25 =	simm.s32 $0x5;
	s26 =	simm.s32 $0x9400  }
0x7: {  	s30 =	simm.s32 $0x3400;
	s31 =	simm.s32 $0x2;
	s21 =	simm.s32 $0x4C00  }
0x8: {  	s22 =	simm.s32 $0x3;
	s13 =	simm.s32 $0x4;
	s14 =	simm.s32 $0x8  }
0x9: {  	s16 =	simm.s32 $0x0;
	s3 =	sand.u32 $0x1, s3;
	s7 =	sshll.u32 s6, $0xB  }
0xa: {  	s6 =	simm.s32 $0x0;
	s8 =	sshll.u32 s3, $0xA;
	s3 =	ssub.s32 $0x2, s3  }
0xb: {  	s10 =	sadd.s32 $0x100, s2;
	s7 =	sor.u32 s8, s7;
	s9 =	sshrl.u32 s3, $0x1  }
0xc: {  	[smem:$0x7FF] =	sst s6;
	s8 =	sshrl.u32 s7, $0x3;
	s3 =	ssub.s32 s3, s9  }
0xd: {  	s1 =	sadd.s32 s8, s1;
	s12 =	smul.u32 $0x300, s8;
	s29 =	smax.u32 s3, $0x1  }
0xe: {  	_ =	strace $0x80000047;
	s1 =	sadd.s32 $0x800, s1;
	[dreg:$0x9] =	wrdreg s29  }
0xf: {  	v0 =	vlaneseq.u32;
	s11 =	sadd.s32 $0x200, s2;
	[dreg:$0x6] =	wrdreg s1;
	s28 =	sadd.s32 s0, s12  }
0x10: {  	v1 =	vshrl.u32 v0, $0x3;
	s9 =	simm.s32 $0x7;
	[dreg:$0x7] =	wrdreg s28;
	s1 =	sadd.s32 $0x300, s28  }
0x11: {  	vm0 =	vmmov $0xffff;
	v0 =	vand.u32 $0x7, v0;
	v1 =	vmul.u32 $0x8, v1;
	s3 =	simm.s32 $0x6;
	[dreg:$0x8] =	wrdreg s1;
	s1 =	simm.s32 $0xAC00  }
.LBB2_1:
0x12: {  	[dreg:$0xa] =	wrdreg s16  }
0x13: {  	s12 =	rddreg [dreg:$0x6];
	s29 =	simm.s32 $0x11  }
0x14: {  	[tilespmem:s6], [sflag:$0x11] =	stream.linear.gather [hbm4b:s12+s6], $0x400, $0x38;
	[tilespmem:$0xC400] =	vst v63  }
0x15: {  	_ =	swait.ge [sflag:s29], $0x400  }
0x16: {  	[sflag:s29] =	ssyncset.done $0x0  }
0x17: {  	[sflag:s29] =	ssyncadd.s32 $0xFFFFFC00  }
0x18: {  	v2 =	vld.msk [tilespmem:$0x0], $0xff;
	_ =	sdelay $0x4  }
0x19: {  	v3 =	vshrl.u32 v2, $0x3  }
0x1a: {  	v3 =	vmul.u32 $0x30, v3  }
0x1b: {  	v2 =	vand.u32 $0x7, v2  }
0x1c: {  	v2 =	vor.u32 v2, v3  }
0x1d: {  	v2 =	vperm.xlane v2, v0;
	_ =	sdelay $0x1  }
0x1e: {  	v2 =	vadd.s32 v1, v2;
	_ =	sdelay $0x3  }
0x1f: {  	s15 =	simm.s32 $0x6400  }
0x20: {  	[tilespmem:s15], [sflag:$0x5] =	stream.indirect_vreg.gather [hbm4b:s2+s6], $0x80, v2, vm0, $0xb8;
	[tilespmem:$0xC400] =	vst v63  }
0x21: {  	s16 =	simm.s32 $0x6C00  }
0x22: {  	[tilespmem:s16], [sflag:$0x5] =	stream.indirect_vreg.gather [hbm4b:s10+s6], $0x80, v2, vm0, $0xb8;
	[tilespmem:$0xC400] =	vst v63  }
0x23: {  	s17 =	simm.s32 $0x7400  }
0x24: {  	[tilespmem:s17], [sflag:$0x5] =	stream.indirect_vreg.gather [hbm4b:s11+s6], $0x80, v2, vm0, $0xb8;
	[tilespmem:$0xC400] =	vst v63  }
0x25: {  	s18 =	rddreg [dreg:$0x7];
	s15 =	simm.s32 $0x400  }
0x26: {  	[tilespmem:s15], [sflag:$0x1] =	stream.linear.gather [hbm4b:s18+s6], $0x1800, $0x38;
	[tilespmem:$0xC400] =	vst v63  }
0x27: {  	v2 =	vld.msk [tilespmem:$0x8], $0xff;
	_ =	sdelay $0x4  }
0x28: {  	v3 =	vshrl.u32 v2, $0x3  }
0x29: {  	v3 =	vmul.u32 $0x30, v3  }
0x2a: {  	v2 =	vand.u32 $0x7, v2  }
0x2b: {  	v2 =	vor.u32 v2, v3  }
0x2c: {  	v2 =	vperm.xlane v2, v0;
	_ =	sdelay $0x1  }
0x2d: {  	v2 =	vadd.s32 v1, v2;
	_ =	sdelay $0x4  }
0x2e: {  	[tilespmem:s20], [sflag:$0x6] =	stream.indirect_vreg.gather [hbm4b:s2+s6], $0x80, v2, vm0, $0xb8;
	[tilespmem:$0xC400] =	vst v63  }
0x2f: {  	s19 =	simm.s32 $0x8400  }
0x30: {  	[tilespmem:s19], [sflag:$0x6] =	stream.indirect_vreg.gather [hbm4b:s10+s6], $0x80, v2, vm0, $0xb8;
	[tilespmem:$0xC400] =	vst v63  }
0x31: {  	s28 =	simm.s32 $0x8C00  }
0x32: {  	[tilespmem:s28], [sflag:$0x6] =	stream.indirect_vreg.gather [hbm4b:s11+s6], $0x80, v2, vm0, $0xb8;
	[tilespmem:$0xC400] =	vst v63  }
0x33: {  	s29 =	rddreg [dreg:$0x8];
	s15 =	simm.s32 $0x0  }
0x34: {  	[tilespmem:s23], [sflag:$0x2] =	stream.linear.gather [hbm4b:s29+s6], $0x1800, $0x38;
	[tilespmem:$0xC400] =	vst v63  }
.LBB2_2:
0x35: {  	_ =	swait.ge [sflag:s24], $0x1800  }
0x36: {  	[sflag:s24] =	ssyncset.done $0x0  }
0x37: {  	[sflag:s24] =	ssyncadd.s32 $0xFFFFE800  }
0x38: {  	_ =	swait.ge [sflag:s25], $0x1800  }
0x39: {  	p0 =	seq.s32 s15, $0x0;
	[sflag:s25] =	ssyncset.done $0x0  }
0x3a: {  	s16 =	simm.s32 @!p0 $0xB;
	[sflag:s25] =	ssyncadd.s32 $0xFFFFE800  }
0x3b: {  	_ =	swait.ge @!p0 [sflag:s16], $0x1800  }
0x3c: {  	[sflag:s16] =	ssyncset.done @!p0 $0x0  }
0x3d: {  	s12 =	sshll.u32 s15, $0x2;
	[sflag:s16] =	ssyncadd.s32 @!p0 $0xFFFFE800;
	s16 =	simm.s32 @!p0 $0xF  }
0x3e: {  	s17 =	sor.u32 $0x2, s12;
	_ =	swait.ge @!p0 [sflag:s16], $0x1800  }
0x3f: {  	s18 =	sshll.u32 s17, $0x3;
	[sflag:s16] =	ssyncset.done @!p0 $0x0  }
0x40: {  	s19 =	sand.u32 $0x3FFFFFF8, s18;
	[sflag:s16] =	ssyncadd.s32 @!p0 $0xFFFFE800  }
0x41: {  	v2 =	vld.msk [tilespmem:s19+$0x0], $0xff;
	_ =	sdelay $0x4  }
0x42: {  	v3 =	vshrl.u32 v2, $0x3  }
0x43: {  	v3 =	vmul.u32 $0x30, v3  }
0x44: {  	v2 =	vand.u32 $0x7, v2  }
0x45: {  	v2 =	vor.u32 v2, v3  }
0x46: {  	v2 =	vperm.xlane v2, v0;
	_ =	sdelay $0x1  }
0x47: {  	v2 =	vadd.s32 v1, v2;
	_ =	sdelay $0x3  }
0x48: {  	s16 =	simm.s32 $0x0  }
0x49: {  	[tilespmem:s26], [sflag:$0x7] =	stream.indirect_vreg.gather [hbm4b:s2+s16], $0x80, v2, vm0, $0xb8;
	[tilespmem:$0xC400] =	vst v63  }
0x4a: {  	s29 =	simm.s32 $0x9C00;
	s17 =	sor.u32 s8, s17  }
0x4b: {  	[tilespmem:s29], [sflag:$0x7] =	stream.indirect_vreg.gather [hbm4b:s10+s16], $0x80, v2, vm0, $0xb8;
	[tilespmem:$0xC400] =	vst v63  }
0x4c: {  	s28 =	smul.u32 $0x300, s17;
	s19 =	simm.s32 $0xA400  }
0x4d: {  	[tilespmem:s19], [sflag:$0x7] =	stream.indirect_vreg.gather [hbm4b:s11+s16], $0x80, v2, vm0, $0xb8;
	[tilespmem:$0xC400] =	vst v63  }
0x4e: {  	s18 =	simm.s32 $0x0;
	s29 =	sadd.s32 s0, s28  }
0x4f: {  	[tilespmem:s30], [sflag:$0x3] =	stream.linear.gather [hbm4b:s29+s16], $0x1800, $0x38;
	[tilespmem:$0xC400] =	vst v63  }
0x50: {  	v12 =	vld [tilespmem:s18+$0x6400]  }
0x51: {  	v13 =	vld [tilespmem:s18+$0x6410]  }
0x52: {  	v14 =	vld [tilespmem:s18+$0x6420]  }
0x53: {  	v15 =	vld [tilespmem:s18+$0x6430]  }
0x54: {  	v16 =	vld [tilespmem:s18+$0x6440]  }
0x55: {  	v17 =	vld [tilespmem:s18+$0x6450]  }
0x56: {  	v18 =	vld [tilespmem:s18+$0x6460]  }
0x57: {  	v19 =	vld [tilespmem:s18+$0x6470]  }
0x58: {  	v20 =	vld [tilespmem:s18+$0x6800]  }
0x59: {  	v21 =	vld [tilespmem:s18+$0x6810]  }
0x5a: {  	v22 =	vld [tilespmem:s18+$0x6820]  }
0x5b: {  	v23 =	vld [tilespmem:s18+$0x6830]  }
0x5c: {  	v24 =	vld [tilespmem:s18+$0x6840]  }
0x5d: {  	v25 =	vld [tilespmem:s18+$0x6850]  }
0x5e: {  	v26 =	vld [tilespmem:s18+$0x6860]  }
0x5f: {  	v27 =	vld [tilespmem:s18+$0x6870]  }
0x60: {  	v28 =	vld [tilespmem:s18+$0x6C00]  }
0x61: {  	v29 =	vld [tilespmem:s18+$0x6C10]  }
0x62: {  	v30 =	vld [tilespmem:s18+$0x6C20]  }
0x63: {  	v31 =	vld [tilespmem:s18+$0x6C30]  }
0x64: {  	v32 =	vld [tilespmem:s18+$0x6C40]  }
0x65: {  	v33 =	vld [tilespmem:s18+$0x6C50]  }
0x66: {  	v34 =	vld [tilespmem:s18+$0x6C60]  }
0x67: {  	v35 =	vld [tilespmem:s18+$0x6C70]  }
0x68: {  	v36 =	vld [tilespmem:s18+$0x7000]  }
0x69: {  	v37 =	vld [tilespmem:s18+$0x7010]  }
0x6a: {  	v38 =	vld [tilespmem:s18+$0x7020]  }
0x6b: {  	v39 =	vld [tilespmem:s18+$0x7030]  }
0x6c: {  	v40 =	vld [tilespmem:s18+$0x7040]  }
0x6d: {  	v41 =	vld [tilespmem:s18+$0x7050]  }
0x6e: {  	v42 =	vld [tilespmem:s18+$0x7060]  }
0x6f: {  	v43 =	vld [tilespmem:s18+$0x7070]  }
0x70: {  	v44 =	vld [tilespmem:s18+$0x7400]  }
0x71: {  	v45 =	vld [tilespmem:s18+$0x7410]  }
0x72: {  	v46 =	vld [tilespmem:s18+$0x7420]  }
0x73: {  	v47 =	vld [tilespmem:s18+$0x7430]  }
0x74: {  	v48 =	vld [tilespmem:s18+$0x7440]  }
0x75: {  	v49 =	vld [tilespmem:s18+$0x7450]  }
0x76: {  	v11 =	vld [tilespmem:s18+$0x7460]  }
0x77: {  	v10 =	vld [tilespmem:s18+$0x7470]  }
0x78: {  	v8 =	vld [tilespmem:s18+$0x7800]  }
0x79: {  	v9 =	vld [tilespmem:s18+$0x7810]  }
0x7a: {  	v7 =	vld [tilespmem:s18+$0x7820]  }
0x7b: {  	v6 =	vld [tilespmem:s18+$0x7830]  }
0x7c: {  	v5 =	vld [tilespmem:s18+$0x7840]  }
0x7d: {  	v4 =	vld [tilespmem:s18+$0x7850]  }
0x7e: {  	v3 =	vld [tilespmem:s18+$0x7860]  }
0x7f: {  	v2 =	vld [tilespmem:s18+$0x7870]  }
0x80: {  	v50 =	vld [tilespmem:s18+$0x400]  }
0x81: {  	v52 =	vld [tilespmem:s18+$0x420]  }
0x82: {  	v51 =	vld [tilespmem:s18+$0x410]  }
0x83: {  	v53 =	vld [tilespmem:s18+$0x430]  }
0x84: {  	v54 =	vld [tilespmem:s18+$0x440]  }
0x85: {  	v61 =	vld [tilespmem:s18+$0x450];
	v12 =	vsub.f32 v50, v12  }
0x86: {  	v55 =	vld [tilespmem:s18+$0x460];
	v14 =	vsub.f32 v52, v14  }
0x87: {  	v13 =	vsub.f32 v51, v13;
	[tilespmem:s18+$0x400] =	vst v12;
	v12 =	vld [tilespmem:s18+$0x470]  }
0x88: {  	v15 =	vsub.f32 v53, v15;
	[tilespmem:s18+$0x420] =	vst v14;
	v14 =	vld [tilespmem:s18+$0x810]  }
0x89: {  	v16 =	vsub.f32 v54, v16;
	[tilespmem:s18+$0x410] =	vst v13;
	v13 =	vld [tilespmem:s18+$0x800]  }
0x8a: {  	v62 =	vld [tilespmem:s18+$0x830];
	v17 =	vsub.f32 v61, v17;
	[tilespmem:s18+$0x430] =	vst v15  }
0x8b: {  	v18 =	vsub.f32 v55, v18;
	v15 =	vld [tilespmem:s18+$0x820];
	[tilespmem:s18+$0x440] =	vst v16  }
0x8c: {  	v63 =	vld [tilespmem:s18+$0x840];
	[tilespmem:s18+$0x450] =	vst v17;
	v12 =	vsub.f32 v12, v19  }
0x8d: {  	v50 =	vld [tilespmem:s18+$0x850];
	[tilespmem:s18+$0x460] =	vst v18;
	v14 =	vsub.f32 v14, v21  }
0x8e: {  	v13 =	vsub.f32 v13, v20;
	[tilespmem:s18+$0x470] =	vst v12;
	v12 =	vld [tilespmem:s18+$0x860]  }
0x8f: {  	v16 =	vsub.f32 v62, v23;
	[tilespmem:s18+$0x810] =	vst v14;
	v14 =	vld [tilespmem:s18+$0xC00]  }
0x90: {  	v15 =	vsub.f32 v15, v22;
	[tilespmem:s18+$0x800] =	vst v13;
	v13 =	vld [tilespmem:s18+$0x870]  }
0x91: {  	v51 =	vld [tilespmem:s18+$0xC20];
	v17 =	vsub.f32 v63, v24;
	[tilespmem:s18+$0x830] =	vst v16  }
0x92: {  	v18 =	vsub.f32 v50, v25;
	[tilespmem:s18+$0x820] =	vst v15;
	v15 =	vld [tilespmem:s18+$0xC10]  }
0x93: {  	v52 =	vld [tilespmem:s18+$0xC30];
	[tilespmem:s18+$0x840] =	vst v17;
	v12 =	vsub.f32 v12, v26  }
0x94: {  	v53 =	vld [tilespmem:s18+$0xC40];
	[tilespmem:s18+$0x850] =	vst v18;
	v14 =	vsub.f32 v14, v28  }
0x95: {  	v13 =	vsub.f32 v13, v27;
	[tilespmem:s18+$0x860] =	vst v12;
	v12 =	vld [tilespmem:s18+$0xC50]  }
0x96: {  	v16 =	vsub.f32 v51, v30;
	[tilespmem:s18+$0xC00] =	vst v14;
	v14 =	vld [tilespmem:s18+$0xC70]  }
0x97: {  	v15 =	vsub.f32 v15, v29;
	[tilespmem:s18+$0x870] =	vst v13;
	v13 =	vld [tilespmem:s18+$0xC60]  }
0x98: {  	v54 =	vld [tilespmem:s18+$0x1010];
	v17 =	vsub.f32 v52, v31;
	[tilespmem:s18+$0xC20] =	vst v16  }
0x99: {  	v18 =	vsub.f32 v53, v32;
	[tilespmem:s18+$0xC10] =	vst v15;
	v15 =	vld [tilespmem:s18+$0x1000]  }
0x9a: {  	v55 =	vld [tilespmem:s18+$0x1020];
	[tilespmem:s18+$0xC30] =	vst v17;
	v12 =	vsub.f32 v12, v33  }
0x9b: {  	v56 =	vld [tilespmem:s18+$0x1030];
	[tilespmem:s18+$0xC40] =	vst v18;
	v14 =	vsub.f32 v14, v35  }
0x9c: {  	v13 =	vsub.f32 v13, v34;
	[tilespmem:s18+$0xC50] =	vst v12;
	v12 =	vld [tilespmem:s18+$0x1040]  }
0x9d: {  	v16 =	vsub.f32 v54, v37;
	[tilespmem:s18+$0xC70] =	vst v14;
	v14 =	vld [tilespmem:s18+$0x1060]  }
0x9e: {  	v15 =	vsub.f32 v15, v36;
	[tilespmem:s18+$0xC60] =	vst v13;
	v13 =	vld [tilespmem:s18+$0x1050]  }
0x9f: {  	v57 =	vld [tilespmem:s18+$0x1400];
	v17 =	vsub.f32 v55, v38;
	[tilespmem:s18+$0x1010] =	vst v16  }
0xa0: {  	v18 =	vsub.f32 v56, v39;
	[tilespmem:s18+$0x1000] =	vst v15;
	v15 =	vld [tilespmem:s18+$0x1070]  }
0xa1: {  	v58 =	vld [tilespmem:s18+$0x1410];
	[tilespmem:s18+$0x1020] =	vst v17;
	v12 =	vsub.f32 v12, v40  }
0xa2: {  	v59 =	vld [tilespmem:s18+$0x1420];
	[tilespmem:s18+$0x1030] =	vst v18;
	v14 =	vsub.f32 v14, v42  }
0xa3: {  	v13 =	vsub.f32 v13, v41;
	[tilespmem:s18+$0x1040] =	vst v12;
	v12 =	vld [tilespmem:s18+$0x1430]  }
0xa4: {  	v16 =	vsub.f32 v57, v44;
	[tilespmem:s18+$0x1060] =	vst v14;
	v14 =	vld [tilespmem:s18+$0x1450]  }
0xa5: {  	v15 =	vsub.f32 v15, v43;
	[tilespmem:s18+$0x1050] =	vst v13;
	v13 =	vld [tilespmem:s18+$0x1440]  }
0xa6: {  	v60 =	vld [tilespmem:s18+$0x1470];
	v17 =	vsub.f32 v58, v45;
	[tilespmem:s18+$0x1400] =	vst v16  }
0xa7: {  	v18 =	vsub.f32 v59, v46;
	[tilespmem:s18+$0x1070] =	vst v15;
	v15 =	vld [tilespmem:s18+$0x1460]  }
0xa8: {  	v61 =	vld [tilespmem:s18+$0x1800];
	[tilespmem:s18+$0x1410] =	vst v17;
	v12 =	vsub.f32 v12, v47  }
0xa9: {  	v62 =	vld [tilespmem:s18+$0x1810];
	[tilespmem:s18+$0x1420] =	vst v18;
	v14 =	vsub.f32 v14, v49  }
0xaa: {  	v63 =	vsub.f32 v13, v48;
	v13 =	vld [tilespmem:s18+$0x1820];
	[tilespmem:s18+$0x1430] =	vst v12  }
0xab: {  	v12 =	vld [tilespmem:s18+$0x1830];
	[tilespmem:s18+$0x1450] =	vst v14;
	v14 =	vsub.f32 v60, v10  }
0xac: {  	v15 =	vsub.f32 v15, v11;
	v11 =	vld [tilespmem:s18+$0x1840];
	[tilespmem:s18+$0x1440] =	vst v63  }
0xad: {  	v10 =	vld [tilespmem:s18+$0x1850];
	[tilespmem:s18+$0x1470] =	vst v14;
	v14 =	vsub.f32 v61, v8  }
0xae: {  	s17 =	simm.s32 $0x200;
	v9 =	vsub.f32 v62, v9;
	[tilespmem:s18+$0x1460] =	vst v15;
	v8 =	vld [tilespmem:s18+$0x1860]  }
.LBB2_3:
0xaf: {  	s16 =	sshra.s32 s17, $0x2;
	p1 =	sne.s32 s17, $0xE00;
	[tilespmem:s18+$0x1800] =	vst v14;
	v7 =	vsub.f32 v13, v7;
	v13 =	vld [tilespmem:s18+$0x1870]  }
0xb0: {  	v38 =	vld [tilespmem:s16+$0x6400];
	[tilespmem:s18+$0x1810] =	vst v9;
	v6 =	vsub.f32 v12, v6  }
0xb1: {  	v39 =	vld [tilespmem:s16+$0x6410];
	[tilespmem:s18+$0x1820] =	vst v7;
	v5 =	vsub.f32 v11, v5  }
0xb2: {  	v40 =	vld [tilespmem:s16+$0x6420];
	[tilespmem:s18+$0x1830] =	vst v6;
	v4 =	vsub.f32 v10, v4  }
0xb3: {  	v41 =	vld [tilespmem:s16+$0x6430];
	[tilespmem:s18+$0x1840] =	vst v5;
	v3 =	vsub.f32 v8, v3  }
0xb4: {  	v42 =	vld [tilespmem:s16+$0x6440];
	[tilespmem:s18+$0x1850] =	vst v4;
	v2 =	vsub.f32 v13, v2  }
0xb5: {  	v43 =	vld [tilespmem:s16+$0x6450];
	[tilespmem:s18+$0x1860] =	vst v3  }
0xb6: {  	v44 =	vld [tilespmem:s16+$0x6460];
	[tilespmem:s18+$0x1870] =	vst v2;
	s18 =	smov.u32 s16  }
0xb7: {  	v45 =	vld [tilespmem:s18+$0x6470]  }
0xb8: {  	v46 =	vld [tilespmem:s18+$0x6800]  }
0xb9: {  	v47 =	vld [tilespmem:s18+$0x6810]  }
0xba: {  	v48 =	vld [tilespmem:s18+$0x6820]  }
0xbb: {  	v49 =	vld [tilespmem:s18+$0x6830]  }
0xbc: {  	v37 =	vld [tilespmem:s18+$0x6840]  }
0xbd: {  	v36 =	vld [tilespmem:s18+$0x6850]  }
0xbe: {  	v35 =	vld [tilespmem:s18+$0x6860]  }
0xbf: {  	v34 =	vld [tilespmem:s18+$0x6870]  }
0xc0: {  	v33 =	vld [tilespmem:s18+$0x6C00]  }
0xc1: {  	v32 =	vld [tilespmem:s18+$0x6C10]  }
0xc2: {  	v31 =	vld [tilespmem:s18+$0x6C20]  }
0xc3: {  	v30 =	vld [tilespmem:s18+$0x6C30]  }
0xc4: {  	v29 =	vld [tilespmem:s18+$0x6C40]  }
0xc5: {  	v28 =	vld [tilespmem:s18+$0x6C50]  }
0xc6: {  	v27 =	vld [tilespmem:s18+$0x6C60]  }
0xc7: {  	v26 =	vld [tilespmem:s18+$0x6C70]  }
0xc8: {  	v25 =	vld [tilespmem:s18+$0x7000]  }
0xc9: {  	v24 =	vld [tilespmem:s18+$0x7010]  }
0xca: {  	v23 =	vld [tilespmem:s18+$0x7020]  }
0xcb: {  	v22 =	vld [tilespmem:s18+$0x7030]  }
0xcc: {  	v21 =	vld [tilespmem:s18+$0x7040]  }
0xcd: {  	v20 =	vld [tilespmem:s18+$0x7050]  }
0xce: {  	v19 =	vld [tilespmem:s18+$0x7060]  }
0xcf: {  	v18 =	vld [tilespmem:s18+$0x7070]  }
0xd0: {  	v17 =	vld [tilespmem:s18+$0x7400]  }
0xd1: {  	v16 =	vld [tilespmem:s18+$0x7410]  }
0xd2: {  	v15 =	vld [tilespmem:s18+$0x7420]  }
0xd3: {  	v14 =	vld [tilespmem:s18+$0x7430]  }
0xd4: {  	v13 =	vld [tilespmem:s18+$0x7440]  }
0xd5: {  	v12 =	vld [tilespmem:s18+$0x7450]  }
0xd6: {  	v11 =	vld [tilespmem:s18+$0x7460]  }
0xd7: {  	v10 =	vld [tilespmem:s18+$0x7470]  }
0xd8: {  	v9 =	vld [tilespmem:s18+$0x7800]  }
0xd9: {  	v8 =	vld [tilespmem:s18+$0x7810]  }
0xda: {  	v7 =	vld [tilespmem:s18+$0x7820]  }
0xdb: {  	v6 =	vld [tilespmem:s18+$0x7830]  }
0xdc: {  	v5 =	vld [tilespmem:s18+$0x7840]  }
0xdd: {  	v4 =	vld [tilespmem:s18+$0x7850]  }
0xde: {  	v3 =	vld [tilespmem:s18+$0x7860]  }
0xdf: {  	v2 =	vld [tilespmem:s18+$0x7870]  }
0xe0: {  	v50 =	vld [tilespmem:s18+$0x400]  }
0xe1: {  	v51 =	vld [tilespmem:s18+$0x410]  }
0xe2: {  	v52 =	vld [tilespmem:s18+$0x420]  }
0xe3: {  	v53 =	vld [tilespmem:s18+$0x430]  }
0xe4: {  	v54 =	vld [tilespmem:s18+$0x440]  }
0xe5: {  	v38 =	vsub.f32 v50, v38;
	v50 =	vld [tilespmem:s18+$0x450]  }
0xe6: {  	v39 =	vsub.f32 v51, v39;
	v51 =	vld [tilespmem:s18+$0x460]  }
0xe7: {  	[tilespmem:s18+$0x400] =	vst v38;
	v38 =	vsub.f32 v52, v40;
	v40 =	vld [tilespmem:s18+$0x470]  }
0xe8: {  	[tilespmem:s18+$0x410] =	vst v39;
	v39 =	vsub.f32 v53, v41;
	v41 =	vld [tilespmem:s18+$0x800]  }
0xe9: {  	[tilespmem:s18+$0x420] =	vst v38;
	v38 =	vsub.f32 v54, v42;
	v42 =	vld [tilespmem:s18+$0x810]  }
0xea: {  	[tilespmem:s18+$0x430] =	vst v39;
	v39 =	vsub.f32 v50, v43;
	v43 =	vld [tilespmem:s18+$0x820]  }
0xeb: {  	[tilespmem:s18+$0x440] =	vst v38;
	v38 =	vsub.f32 v51, v44;
	v44 =	vld [tilespmem:s18+$0x830]  }
0xec: {  	[tilespmem:s18+$0x450] =	vst v39;
	v39 =	vsub.f32 v40, v45;
	v40 =	vld [tilespmem:s18+$0x840]  }
0xed: {  	[tilespmem:s18+$0x460] =	vst v38;
	v38 =	vsub.f32 v41, v46;
	v41 =	vld [tilespmem:s18+$0x850]  }
0xee: {  	[tilespmem:s18+$0x470] =	vst v39;
	v39 =	vsub.f32 v42, v47;
	v42 =	vld [tilespmem:s18+$0x860]  }
0xef: {  	[tilespmem:s18+$0x800] =	vst v38;
	v38 =	vsub.f32 v43, v48;
	v43 =	vld [tilespmem:s18+$0x870]  }
0xf0: {  	[tilespmem:s18+$0x810] =	vst v39;
	v39 =	vsub.f32 v44, v49;
	v44 =	vld [tilespmem:s18+$0xC00]  }
0xf1: {  	[tilespmem:s18+$0x820] =	vst v38;
	v37 =	vsub.f32 v40, v37;
	v38 =	vld [tilespmem:s18+$0xC10]  }
0xf2: {  	[tilespmem:s18+$0x830] =	vst v39;
	v36 =	vsub.f32 v41, v36;
	v39 =	vld [tilespmem:s18+$0xC20]  }
0xf3: {  	[tilespmem:s18+$0x840] =	vst v37;
	v35 =	vsub.f32 v42, v35;
	v37 =	vld [tilespmem:s18+$0xC30]  }
0xf4: {  	[tilespmem:s18+$0x850] =	vst v36;
	v34 =	vsub.f32 v43, v34;
	v36 =	vld [tilespmem:s18+$0xC40]  }
0xf5: {  	[tilespmem:s18+$0x860] =	vst v35;
	v33 =	vsub.f32 v44, v33;
	v35 =	vld [tilespmem:s18+$0xC50]  }
0xf6: {  	[tilespmem:s18+$0x870] =	vst v34;
	v32 =	vsub.f32 v38, v32;
	v34 =	vld [tilespmem:s18+$0xC60]  }
0xf7: {  	[tilespmem:s18+$0xC00] =	vst v33;
	v31 =	vsub.f32 v39, v31;
	v33 =	vld [tilespmem:s18+$0xC70]  }
0xf8: {  	[tilespmem:s18+$0xC10] =	vst v32;
	v30 =	vsub.f32 v37, v30;
	v32 =	vld [tilespmem:s18+$0x1000]  }
0xf9: {  	[tilespmem:s18+$0xC20] =	vst v31;
	v29 =	vsub.f32 v36, v29;
	v31 =	vld [tilespmem:s18+$0x1010]  }
0xfa: {  	[tilespmem:s18+$0xC30] =	vst v30;
	v28 =	vsub.f32 v35, v28;
	v30 =	vld [tilespmem:s18+$0x1020]  }
0xfb: {  	[tilespmem:s18+$0xC40] =	vst v29;
	v27 =	vsub.f32 v34, v27;
	v29 =	vld [tilespmem:s18+$0x1030]  }
0xfc: {  	[tilespmem:s18+$0xC50] =	vst v28;
	v26 =	vsub.f32 v33, v26;
	v28 =	vld [tilespmem:s18+$0x1040]  }
0xfd: {  	[tilespmem:s18+$0xC60] =	vst v27;
	v25 =	vsub.f32 v32, v25;
	v27 =	vld [tilespmem:s18+$0x1050]  }
0xfe: {  	[tilespmem:s18+$0xC70] =	vst v26;
	v24 =	vsub.f32 v31, v24;
	v26 =	vld [tilespmem:s18+$0x1060]  }
0xff: {  	[tilespmem:s18+$0x1000] =	vst v25;
	v23 =	vsub.f32 v30, v23;
	v25 =	vld [tilespmem:s18+$0x1070]  }
0x100: {  	[tilespmem:s18+$0x1010] =	vst v24;
	v22 =	vsub.f32 v29, v22;
	v24 =	vld [tilespmem:s18+$0x1400]  }
0x101: {  	[tilespmem:s18+$0x1020] =	vst v23;
	v21 =	vsub.f32 v28, v21;
	v23 =	vld [tilespmem:s18+$0x1410]  }
0x102: {  	[tilespmem:s18+$0x1030] =	vst v22;
	v20 =	vsub.f32 v27, v20;
	v22 =	vld [tilespmem:s18+$0x1420]  }
0x103: {  	[tilespmem:s18+$0x1040] =	vst v21;
	v19 =	vsub.f32 v26, v19;
	v21 =	vld [tilespmem:s18+$0x1430]  }
0x104: {  	[tilespmem:s18+$0x1050] =	vst v20;
	v18 =	vsub.f32 v25, v18;
	v20 =	vld [tilespmem:s18+$0x1440]  }
0x105: {  	[tilespmem:s18+$0x1060] =	vst v19;
	v17 =	vsub.f32 v24, v17;
	v19 =	vld [tilespmem:s18+$0x1450]  }
0x106: {  	[tilespmem:s18+$0x1070] =	vst v18;
	v16 =	vsub.f32 v23, v16;
	v18 =	vld [tilespmem:s18+$0x1460]  }
0x107: {  	[tilespmem:s18+$0x1400] =	vst v17;
	v15 =	vsub.f32 v22, v15;
	v17 =	vld [tilespmem:s18+$0x1470]  }
0x108: {  	[tilespmem:s18+$0x1410] =	vst v16;
	v14 =	vsub.f32 v21, v14;
	v16 =	vld [tilespmem:s18+$0x1800]  }
0x109: {  	[tilespmem:s18+$0x1420] =	vst v15;
	v15 =	vsub.f32 v20, v13;
	v20 =	vld [tilespmem:s18+$0x1810]  }
.Ltmp0:
0x10a: {  	[tilespmem:s18+$0x1430] =	vst v14;
	v14 =	vsub.f32 v19, v12;
	v13 =	vld [tilespmem:s18+$0x1820];
	(pc) =	sbr.rel @p1 .LBB2_3-.Ltmp0, $4  }
0x10b: {  	[tilespmem:s18+$0x1440] =	vst v15;
	v15 =	vsub.f32 v18, v11;
	v12 =	vld [tilespmem:s18+$0x1830]  }
0x10c: {  	[tilespmem:s18+$0x1450] =	vst v14;
	v17 =	vsub.f32 v17, v10;
	v11 =	vld [tilespmem:s18+$0x1840]  }
0x10d: {  	[tilespmem:s18+$0x1460] =	vst v15;
	v14 =	vsub.f32 v16, v9;
	v10 =	vld [tilespmem:s18+$0x1850]  }
0x10e: {  	s17 =	sadd.s32 $0x200, s17;
	[tilespmem:s18+$0x1470] =	vst v17;
	v9 =	vsub.f32 v20, v8;
	v8 =	vld [tilespmem:s18+$0x1860]  }
0x10f: {  	[tilespmem:s18+$0x1800] =	vst v14;
	v7 =	vsub.f32 v13, v7;
	v13 =	vld [tilespmem:s18+$0x1870]  }
0x110: {  	[tilespmem:s18+$0x1810] =	vst v9;
	v6 =	vsub.f32 v12, v6  }
0x111: {  	s29 =	sshll.u32 s15, $0x5;
	[tilespmem:s18+$0x1820] =	vst v7;
	v5 =	vsub.f32 v11, v5  }
0x112: {  	s16 =	sor.u32 s7, s29;
	[tilespmem:s18+$0x1830] =	vst v6;
	v4 =	vsub.f32 v10, v4  }
0x113: {  	s16 =	sshrl.u32 s16, $0x3;
	[tilespmem:s18+$0x1840] =	vst v5;
	v3 =	vsub.f32 v8, v3  }
0x114: {  	s17 =	smul.u32 $0x300, s16;
	[tilespmem:s18+$0x1850] =	vst v4;
	v2 =	vsub.f32 v13, v2  }
0x115: {  	[tilespmem:s18+$0x1860] =	vst v3  }
0x116: {  	s19 =	simm.s32 $0x6400;
	s16 =	sadd.s32 s4, s17;
	[tilespmem:s18+$0x1870] =	vst v2  }
0x117: {  	[hbm4b:s16+s6] =	stream.linear.scatter [tilespmem:s19], [sflag:$0x9], $0x1800, $0x38;
	[tilespmem:$0xC400] =	vst v63  }
0x118: {  	s18 =	sadd.s32 s5, s17;
	s19 =	simm.s32 $0x400  }
0x119: {  	[hbm4b:s18+s6] =	stream.linear.scatter [tilespmem:s19], [sflag:$0xD], $0x1800, $0x38;
	[tilespmem:$0xC400] =	vst v63  }
0x11a: {  	_ =	swait.ge [sflag:s31], $0x1800  }
0x11b: {  	[sflag:s31] =	ssyncset.done $0x0  }
0x11c: {  	[sflag:s31] =	ssyncadd.s32 $0xFFFFE800  }
0x11d: {  	_ =	swait.ge [sflag:s3], $0x1800  }
0x11e: {  	[sflag:s3] =	ssyncset.done $0x0  }
0x11f: {  	s16 =	simm.s32 @!p0 $0xC;
	[sflag:s3] =	ssyncadd.s32 $0xFFFFE800  }
0x120: {  	_ =	swait.ge @!p0 [sflag:s16], $0x1800  }
0x121: {  	[sflag:s16] =	ssyncset.done @!p0 $0x0  }
0x122: {  	[sflag:s16] =	ssyncadd.s32 @!p0 $0xFFFFE800;
	s16 =	simm.s32 @!p0 $0x10  }
0x123: {  	s12 =	sor.u32 $0x3, s12;
	_ =	swait.ge @!p0 [sflag:s16], $0x1800  }
0x124: {  	s19 =	sshll.u32 s12, $0x3;
	[sflag:s16] =	ssyncset.done @!p0 $0x0  }
0x125: {  	s18 =	sand.u32 $0x3FFFFFF8, s19;
	[sflag:s16] =	ssyncadd.s32 @!p0 $0xFFFFE800  }
0x126: {  	v2 =	vld.msk [tilespmem:s18+$0x0], $0xff;
	_ =	sdelay $0x4  }
0x127: {  	v3 =	vshrl.u32 v2, $0x3  }
0x128: {  	v3 =	vmul.u32 $0x30, v3  }
0x129: {  	v2 =	vand.u32 $0x7, v2  }
0x12a: {  	v2 =	vor.u32 v2, v3  }
0x12b: {  	v2 =	vperm.xlane v2, v0;
	_ =	sdelay $0x1  }
0x12c: {  	v2 =	vadd.s32 v1, v2;
	_ =	sdelay $0x3  }
0x12d: {  	s16 =	simm.s32 $0x0  }
0x12e: {  	[tilespmem:s1], [sflag:$0x8] =	stream.indirect_vreg.gather [hbm4b:s2+s16], $0x80, v2, vm0, $0xb8;
	[tilespmem:$0xC400] =	vst v63  }
0x12f: {  	s12 =	sor.u32 s8, s12;
	s19 =	simm.s32 $0xB400  }
0x130: {  	[tilespmem:s19], [sflag:$0x8] =	stream.indirect_vreg.gather [hbm4b:s10+s16], $0x80, v2, vm0, $0xb8;
	[tilespmem:$0xC400] =	vst v63  }
0x131: {  	s12 =	smul.u32 $0x300, s12;
	s19 =	simm.s32 $0xBC00  }
0x132: {  	[tilespmem:s19], [sflag:$0x8] =	stream.indirect_vreg.gather [hbm4b:s11+s16], $0x80, v2, vm0, $0xb8;
	[tilespmem:$0xC400] =	vst v63  }
0x133: {  	s18 =	simm.s32 $0x0;
	s19 =	sadd.s32 s0, s12  }
0x134: {  	[tilespmem:s21], [sflag:$0x4] =	stream.linear.gather [hbm4b:s19+s16], $0x1800, $0x38;
	[tilespmem:$0xC400] =	vst v63  }
0x135: {  	v12 =	vld [tilespmem:s18+$0x7C00]  }
0x136: {  	v13 =	vld [tilespmem:s18+$0x7C10]  }
0x137: {  	v14 =	vld [tilespmem:s18+$0x7C20]  }
0x138: {  	v15 =	vld [tilespmem:s18+$0x7C30]  }
0x139: {  	v16 =	vld [tilespmem:s18+$0x7C40]  }
0x13a: {  	v17 =	vld [tilespmem:s18+$0x7C50]  }
0x13b: {  	v18 =	vld [tilespmem:s18+$0x7C60]  }
0x13c: {  	v19 =	vld [tilespmem:s18+$0x7C70]  }
0x13d: {  	v20 =	vld [tilespmem:s18+$0x8000]  }
0x13e: {  	v21 =	vld [tilespmem:s18+$0x8010]  }
0x13f: {  	v22 =	vld [tilespmem:s18+$0x8020]  }
0x140: {  	v23 =	vld [tilespmem:s18+$0x8030]  }
0x141: {  	v24 =	vld [tilespmem:s18+$0x8040]  }
0x142: {  	v25 =	vld [tilespmem:s18+$0x8050]  }
0x143: {  	v26 =	vld [tilespmem:s18+$0x8060]  }
0x144: {  	v27 =	vld [tilespmem:s18+$0x8070]  }
0x145: {  	v28 =	vld [tilespmem:s18+$0x8400]  }
0x146: {  	v29 =	vld [tilespmem:s18+$0x8410]  }
0x147: {  	v30 =	vld [tilespmem:s18+$0x8420]  }
0x148: {  	v31 =	vld [tilespmem:s18+$0x8430]  }
0x149: {  	v32 =	vld [tilespmem:s18+$0x8440]  }
0x14a: {  	v33 =	vld [tilespmem:s18+$0x8450]  }
0x14b: {  	v34 =	vld [tilespmem:s18+$0x8460]  }
0x14c: {  	v35 =	vld [tilespmem:s18+$0x8470]  }
0x14d: {  	v36 =	vld [tilespmem:s18+$0x8800]  }
0x14e: {  	v37 =	vld [tilespmem:s18+$0x8810]  }
0x14f: {  	v38 =	vld [tilespmem:s18+$0x8820]  }
0x150: {  	v39 =	vld [tilespmem:s18+$0x8830]  }
0x151: {  	v40 =	vld [tilespmem:s18+$0x8840]  }
0x152: {  	v41 =	vld [tilespmem:s18+$0x8850]  }
0x153: {  	v42 =	vld [tilespmem:s18+$0x8860]  }
0x154: {  	v43 =	vld [tilespmem:s18+$0x8870]  }
0x155: {  	v44 =	vld [tilespmem:s18+$0x8C00]  }
0x156: {  	v45 =	vld [tilespmem:s18+$0x8C10]  }
0x157: {  	v46 =	vld [tilespmem:s18+$0x8C20]  }
0x158: {  	v47 =	vld [tilespmem:s18+$0x8C30]  }
0x159: {  	v48 =	vld [tilespmem:s18+$0x8C40]  }
0x15a: {  	v49 =	vld [tilespmem:s18+$0x8C50]  }
0x15b: {  	v11 =	vld [tilespmem:s18+$0x8C60]  }
0x15c: {  	v10 =	vld [tilespmem:s18+$0x8C70]  }
0x15d: {  	v8 =	vld [tilespmem:s18+$0x9000]  }
0x15e: {  	v9 =	vld [tilespmem:s18+$0x9010]  }
0x15f: {  	v7 =	vld [tilespmem:s18+$0x9020]  }
0x160: {  	v6 =	vld [tilespmem:s18+$0x9030]  }
0x161: {  	v5 =	vld [tilespmem:s18+$0x9040]  }
0x162: {  	v4 =	vld [tilespmem:s18+$0x9050]  }
0x163: {  	v3 =	vld [tilespmem:s18+$0x9060]  }
0x164: {  	v2 =	vld [tilespmem:s18+$0x9070]  }
0x165: {  	v50 =	vld [tilespmem:s18+$0x1C00]  }
0x166: {  	v52 =	vld [tilespmem:s18+$0x1C20]  }
0x167: {  	v51 =	vld [tilespmem:s18+$0x1C10]  }
0x168: {  	v53 =	vld [tilespmem:s18+$0x1C30]  }
0x169: {  	v54 =	vld [tilespmem:s18+$0x1C40]  }
0x16a: {  	v61 =	vld [tilespmem:s18+$0x1C50];
	v12 =	vsub.f32 v50, v12  }
0x16b: {  	v55 =	vld [tilespmem:s18+$0x1C60];
	v14 =	vsub.f32 v52, v14  }
0x16c: {  	v13 =	vsub.f32 v51, v13;
	[tilespmem:s18+$0x1C00] =	vst v12;
	v12 =	vld [tilespmem:s18+$0x1C70]  }
0x16d: {  	v15 =	vsub.f32 v53, v15;
	[tilespmem:s18+$0x1C20] =	vst v14;
	v14 =	vld [tilespmem:s18+$0x2010]  }
0x16e: {  	v16 =	vsub.f32 v54, v16;
	[tilespmem:s18+$0x1C10] =	vst v13;
	v13 =	vld [tilespmem:s18+$0x2000]  }
0x16f: {  	v62 =	vld [tilespmem:s18+$0x2030];
	v17 =	vsub.f32 v61, v17;
	[tilespmem:s18+$0x1C30] =	vst v15  }
0x170: {  	v18 =	vsub.f32 v55, v18;
	v15 =	vld [tilespmem:s18+$0x2020];
	[tilespmem:s18+$0x1C40] =	vst v16  }
0x171: {  	v63 =	vld [tilespmem:s18+$0x2040];
	[tilespmem:s18+$0x1C50] =	vst v17;
	v12 =	vsub.f32 v12, v19  }
0x172: {  	v50 =	vld [tilespmem:s18+$0x2050];
	[tilespmem:s18+$0x1C60] =	vst v18;
	v14 =	vsub.f32 v14, v21  }
0x173: {  	v13 =	vsub.f32 v13, v20;
	[tilespmem:s18+$0x1C70] =	vst v12;
	v12 =	vld [tilespmem:s18+$0x2060]  }
0x174: {  	v16 =	vsub.f32 v62, v23;
	[tilespmem:s18+$0x2010] =	vst v14;
	v14 =	vld [tilespmem:s18+$0x2400]  }
0x175: {  	v15 =	vsub.f32 v15, v22;
	[tilespmem:s18+$0x2000] =	vst v13;
	v13 =	vld [tilespmem:s18+$0x2070]  }
0x176: {  	v51 =	vld [tilespmem:s18+$0x2420];
	v17 =	vsub.f32 v63, v24;
	[tilespmem:s18+$0x2030] =	vst v16  }
0x177: {  	v18 =	vsub.f32 v50, v25;
	[tilespmem:s18+$0x2020] =	vst v15;
	v15 =	vld [tilespmem:s18+$0x2410]  }
0x178: {  	v52 =	vld [tilespmem:s18+$0x2430];
	[tilespmem:s18+$0x2040] =	vst v17;
	v12 =	vsub.f32 v12, v26  }
0x179: {  	v53 =	vld [tilespmem:s18+$0x2440];
	[tilespmem:s18+$0x2050] =	vst v18;
	v14 =	vsub.f32 v14, v28  }
0x17a: {  	v13 =	vsub.f32 v13, v27;
	[tilespmem:s18+$0x2060] =	vst v12;
	v12 =	vld [tilespmem:s18+$0x2450]  }
0x17b: {  	v16 =	vsub.f32 v51, v30;
	[tilespmem:s18+$0x2400] =	vst v14;
	v14 =	vld [tilespmem:s18+$0x2470]  }
0x17c: {  	v15 =	vsub.f32 v15, v29;
	[tilespmem:s18+$0x2070] =	vst v13;
	v13 =	vld [tilespmem:s18+$0x2460]  }
0x17d: {  	v54 =	vld [tilespmem:s18+$0x2810];
	v17 =	vsub.f32 v52, v31;
	[tilespmem:s18+$0x2420] =	vst v16  }
0x17e: {  	v18 =	vsub.f32 v53, v32;
	[tilespmem:s18+$0x2410] =	vst v15;
	v15 =	vld [tilespmem:s18+$0x2800]  }
0x17f: {  	v55 =	vld [tilespmem:s18+$0x2820];
	[tilespmem:s18+$0x2430] =	vst v17;
	v12 =	vsub.f32 v12, v33  }
0x180: {  	v56 =	vld [tilespmem:s18+$0x2830];
	[tilespmem:s18+$0x2440] =	vst v18;
	v14 =	vsub.f32 v14, v35  }
0x181: {  	v13 =	vsub.f32 v13, v34;
	[tilespmem:s18+$0x2450] =	vst v12;
	v12 =	vld [tilespmem:s18+$0x2840]  }
0x182: {  	v16 =	vsub.f32 v54, v37;
	[tilespmem:s18+$0x2470] =	vst v14;
	v14 =	vld [tilespmem:s18+$0x2860]  }
0x183: {  	v15 =	vsub.f32 v15, v36;
	[tilespmem:s18+$0x2460] =	vst v13;
	v13 =	vld [tilespmem:s18+$0x2850]  }
0x184: {  	v57 =	vld [tilespmem:s18+$0x2C00];
	v17 =	vsub.f32 v55, v38;
	[tilespmem:s18+$0x2810] =	vst v16  }
0x185: {  	v18 =	vsub.f32 v56, v39;
	[tilespmem:s18+$0x2800] =	vst v15;
	v15 =	vld [tilespmem:s18+$0x2870]  }
0x186: {  	v58 =	vld [tilespmem:s18+$0x2C10];
	[tilespmem:s18+$0x2820] =	vst v17;
	v12 =	vsub.f32 v12, v40  }
0x187: {  	v59 =	vld [tilespmem:s18+$0x2C20];
	[tilespmem:s18+$0x2830] =	vst v18;
	v14 =	vsub.f32 v14, v42  }
0x188: {  	v13 =	vsub.f32 v13, v41;
	[tilespmem:s18+$0x2840] =	vst v12;
	v12 =	vld [tilespmem:s18+$0x2C30]  }
0x189: {  	v16 =	vsub.f32 v57, v44;
	[tilespmem:s18+$0x2860] =	vst v14;
	v14 =	vld [tilespmem:s18+$0x2C50]  }
0x18a: {  	v15 =	vsub.f32 v15, v43;
	[tilespmem:s18+$0x2850] =	vst v13;
	v13 =	vld [tilespmem:s18+$0x2C40]  }
0x18b: {  	v60 =	vld [tilespmem:s18+$0x2C70];
	v17 =	vsub.f32 v58, v45;
	[tilespmem:s18+$0x2C00] =	vst v16  }
0x18c: {  	v18 =	vsub.f32 v59, v46;
	[tilespmem:s18+$0x2870] =	vst v15;
	v15 =	vld [tilespmem:s18+$0x2C60]  }
0x18d: {  	v61 =	vld [tilespmem:s18+$0x3000];
	[tilespmem:s18+$0x2C10] =	vst v17;
	v12 =	vsub.f32 v12, v47  }
0x18e: {  	v62 =	vld [tilespmem:s18+$0x3010];
	[tilespmem:s18+$0x2C20] =	vst v18;
	v14 =	vsub.f32 v14, v49  }
0x18f: {  	v63 =	vsub.f32 v13, v48;
	v13 =	vld [tilespmem:s18+$0x3020];
	[tilespmem:s18+$0x2C30] =	vst v12  }
0x190: {  	v12 =	vld [tilespmem:s18+$0x3030];
	[tilespmem:s18+$0x2C50] =	vst v14;
	v14 =	vsub.f32 v60, v10  }
0x191: {  	v15 =	vsub.f32 v15, v11;
	v11 =	vld [tilespmem:s18+$0x3040];
	[tilespmem:s18+$0x2C40] =	vst v63  }
0x192: {  	v10 =	vld [tilespmem:s18+$0x3050];
	[tilespmem:s18+$0x2C70] =	vst v14;
	v14 =	vsub.f32 v61, v8  }
0x193: {  	s16 =	simm.s32 $0x200;
	v9 =	vsub.f32 v62, v9;
	[tilespmem:s18+$0x2C60] =	vst v15;
	v8 =	vld [tilespmem:s18+$0x3060]  }
.LBB2_5:
0x194: {  	s19 =	sshra.s32 s16, $0x2;
	p0 =	sne.s32 s16, $0xE00;
	[tilespmem:s18+$0x3000] =	vst v14;
	v7 =	vsub.f32 v13, v7;
	v13 =	vld [tilespmem:s18+$0x3070]  }
0x195: {  	v38 =	vld [tilespmem:s19+$0x7C00];
	[tilespmem:s18+$0x3010] =	vst v9;
	v6 =	vsub.f32 v12, v6  }
0x196: {  	v39 =	vld [tilespmem:s19+$0x7C10];
	[tilespmem:s18+$0x3020] =	vst v7;
	v5 =	vsub.f32 v11, v5  }
0x197: {  	v40 =	vld [tilespmem:s19+$0x7C20];
	[tilespmem:s18+$0x3030] =	vst v6;
	v4 =	vsub.f32 v10, v4  }
0x198: {  	v41 =	vld [tilespmem:s19+$0x7C30];
	[tilespmem:s18+$0x3040] =	vst v5;
	v3 =	vsub.f32 v8, v3  }
0x199: {  	v42 =	vld [tilespmem:s19+$0x7C40];
	[tilespmem:s18+$0x3050] =	vst v4;
	v2 =	vsub.f32 v13, v2  }
0x19a: {  	v43 =	vld [tilespmem:s19+$0x7C50];
	[tilespmem:s18+$0x3060] =	vst v3  }
0x19b: {  	v44 =	vld [tilespmem:s19+$0x7C60];
	[tilespmem:s18+$0x3070] =	vst v2;
	s18 =	smov.u32 s19  }
0x19c: {  	v45 =	vld [tilespmem:s18+$0x7C70]  }
0x19d: {  	v46 =	vld [tilespmem:s18+$0x8000]  }
0x19e: {  	v47 =	vld [tilespmem:s18+$0x8010]  }
0x19f: {  	v48 =	vld [tilespmem:s18+$0x8020]  }
0x1a0: {  	v49 =	vld [tilespmem:s18+$0x8030]  }
0x1a1: {  	v37 =	vld [tilespmem:s18+$0x8040]  }
0x1a2: {  	v36 =	vld [tilespmem:s18+$0x8050]  }
0x1a3: {  	v35 =	vld [tilespmem:s18+$0x8060]  }
0x1a4: {  	v34 =	vld [tilespmem:s18+$0x8070]  }
0x1a5: {  	v33 =	vld [tilespmem:s18+$0x8400]  }
0x1a6: {  	v32 =	vld [tilespmem:s18+$0x8410]  }
0x1a7: {  	v31 =	vld [tilespmem:s18+$0x8420]  }
0x1a8: {  	v30 =	vld [tilespmem:s18+$0x8430]  }
0x1a9: {  	v29 =	vld [tilespmem:s18+$0x8440]  }
0x1aa: {  	v28 =	vld [tilespmem:s18+$0x8450]  }
0x1ab: {  	v27 =	vld [tilespmem:s18+$0x8460]  }
0x1ac: {  	v26 =	vld [tilespmem:s18+$0x8470]  }
0x1ad: {  	v25 =	vld [tilespmem:s18+$0x8800]  }
0x1ae: {  	v24 =	vld [tilespmem:s18+$0x8810]  }
0x1af: {  	v23 =	vld [tilespmem:s18+$0x8820]  }
0x1b0: {  	v22 =	vld [tilespmem:s18+$0x8830]  }
0x1b1: {  	v21 =	vld [tilespmem:s18+$0x8840]  }
0x1b2: {  	v20 =	vld [tilespmem:s18+$0x8850]  }
0x1b3: {  	v19 =	vld [tilespmem:s18+$0x8860]  }
0x1b4: {  	v18 =	vld [tilespmem:s18+$0x8870]  }
0x1b5: {  	v17 =	vld [tilespmem:s18+$0x8C00]  }
0x1b6: {  	v16 =	vld [tilespmem:s18+$0x8C10]  }
0x1b7: {  	v15 =	vld [tilespmem:s18+$0x8C20]  }
0x1b8: {  	v14 =	vld [tilespmem:s18+$0x8C30]  }
0x1b9: {  	v13 =	vld [tilespmem:s18+$0x8C40]  }
0x1ba: {  	v12 =	vld [tilespmem:s18+$0x8C50]  }
0x1bb: {  	v11 =	vld [tilespmem:s18+$0x8C60]  }
0x1bc: {  	v10 =	vld [tilespmem:s18+$0x8C70]  }
0x1bd: {  	v9 =	vld [tilespmem:s18+$0x9000]  }
0x1be: {  	v8 =	vld [tilespmem:s18+$0x9010]  }
0x1bf: {  	v7 =	vld [tilespmem:s18+$0x9020]  }
0x1c0: {  	v6 =	vld [tilespmem:s18+$0x9030]  }
0x1c1: {  	v5 =	vld [tilespmem:s18+$0x9040]  }
0x1c2: {  	v4 =	vld [tilespmem:s18+$0x9050]  }
0x1c3: {  	v3 =	vld [tilespmem:s18+$0x9060]  }
0x1c4: {  	v2 =	vld [tilespmem:s18+$0x9070]  }
0x1c5: {  	v50 =	vld [tilespmem:s18+$0x1C00]  }
0x1c6: {  	v51 =	vld [tilespmem:s18+$0x1C10]  }
0x1c7: {  	v52 =	vld [tilespmem:s18+$0x1C20]  }
0x1c8: {  	v53 =	vld [tilespmem:s18+$0x1C30]  }
0x1c9: {  	v54 =	vld [tilespmem:s18+$0x1C40]  }
0x1ca: {  	v38 =	vsub.f32 v50, v38;
	v50 =	vld [tilespmem:s18+$0x1C50]  }
0x1cb: {  	v39 =	vsub.f32 v51, v39;
	v51 =	vld [tilespmem:s18+$0x1C60]  }
0x1cc: {  	[tilespmem:s18+$0x1C00] =	vst v38;
	v38 =	vsub.f32 v52, v40;
	v40 =	vld [tilespmem:s18+$0x1C70]  }
0x1cd: {  	[tilespmem:s18+$0x1C10] =	vst v39;
	v39 =	vsub.f32 v53, v41;
	v41 =	vld [tilespmem:s18+$0x2000]  }
0x1ce: {  	[tilespmem:s18+$0x1C20] =	vst v38;
	v38 =	vsub.f32 v54, v42;
	v42 =	vld [tilespmem:s18+$0x2010]  }
0x1cf: {  	[tilespmem:s18+$0x1C30] =	vst v39;
	v39 =	vsub.f32 v50, v43;
	v43 =	vld [tilespmem:s18+$0x2020]  }
0x1d0: {  	[tilespmem:s18+$0x1C40] =	vst v38;
	v38 =	vsub.f32 v51, v44;
	v44 =	vld [tilespmem:s18+$0x2030]  }
0x1d1: {  	[tilespmem:s18+$0x1C50] =	vst v39;
	v39 =	vsub.f32 v40, v45;
	v40 =	vld [tilespmem:s18+$0x2040]  }
0x1d2: {  	[tilespmem:s18+$0x1C60] =	vst v38;
	v38 =	vsub.f32 v41, v46;
	v41 =	vld [tilespmem:s18+$0x2050]  }
0x1d3: {  	[tilespmem:s18+$0x1C70] =	vst v39;
	v39 =	vsub.f32 v42, v47;
	v42 =	vld [tilespmem:s18+$0x2060]  }
0x1d4: {  	[tilespmem:s18+$0x2000] =	vst v38;
	v38 =	vsub.f32 v43, v48;
	v43 =	vld [tilespmem:s18+$0x2070]  }
0x1d5: {  	[tilespmem:s18+$0x2010] =	vst v39;
	v39 =	vsub.f32 v44, v49;
	v44 =	vld [tilespmem:s18+$0x2400]  }
0x1d6: {  	[tilespmem:s18+$0x2020] =	vst v38;
	v37 =	vsub.f32 v40, v37;
	v38 =	vld [tilespmem:s18+$0x2410]  }
0x1d7: {  	[tilespmem:s18+$0x2030] =	vst v39;
	v36 =	vsub.f32 v41, v36;
	v39 =	vld [tilespmem:s18+$0x2420]  }
0x1d8: {  	[tilespmem:s18+$0x2040] =	vst v37;
	v35 =	vsub.f32 v42, v35;
	v37 =	vld [tilespmem:s18+$0x2430]  }
0x1d9: {  	[tilespmem:s18+$0x2050] =	vst v36;
	v34 =	vsub.f32 v43, v34;
	v36 =	vld [tilespmem:s18+$0x2440]  }
0x1da: {  	[tilespmem:s18+$0x2060] =	vst v35;
	v33 =	vsub.f32 v44, v33;
	v35 =	vld [tilespmem:s18+$0x2450]  }
0x1db: {  	[tilespmem:s18+$0x2070] =	vst v34;
	v32 =	vsub.f32 v38, v32;
	v34 =	vld [tilespmem:s18+$0x2460]  }
0x1dc: {  	[tilespmem:s18+$0x2400] =	vst v33;
	v31 =	vsub.f32 v39, v31;
	v33 =	vld [tilespmem:s18+$0x2470]  }
0x1dd: {  	[tilespmem:s18+$0x2410] =	vst v32;
	v30 =	vsub.f32 v37, v30;
	v32 =	vld [tilespmem:s18+$0x2800]  }
0x1de: {  	[tilespmem:s18+$0x2420] =	vst v31;
	v29 =	vsub.f32 v36, v29;
	v31 =	vld [tilespmem:s18+$0x2810]  }
0x1df: {  	[tilespmem:s18+$0x2430] =	vst v30;
	v28 =	vsub.f32 v35, v28;
	v30 =	vld [tilespmem:s18+$0x2820]  }
0x1e0: {  	[tilespmem:s18+$0x2440] =	vst v29;
	v27 =	vsub.f32 v34, v27;
	v29 =	vld [tilespmem:s18+$0x2830]  }
0x1e1: {  	[tilespmem:s18+$0x2450] =	vst v28;
	v26 =	vsub.f32 v33, v26;
	v28 =	vld [tilespmem:s18+$0x2840]  }
0x1e2: {  	[tilespmem:s18+$0x2460] =	vst v27;
	v25 =	vsub.f32 v32, v25;
	v27 =	vld [tilespmem:s18+$0x2850]  }
0x1e3: {  	[tilespmem:s18+$0x2470] =	vst v26;
	v24 =	vsub.f32 v31, v24;
	v26 =	vld [tilespmem:s18+$0x2860]  }
0x1e4: {  	[tilespmem:s18+$0x2800] =	vst v25;
	v23 =	vsub.f32 v30, v23;
	v25 =	vld [tilespmem:s18+$0x2870]  }
0x1e5: {  	[tilespmem:s18+$0x2810] =	vst v24;
	v22 =	vsub.f32 v29, v22;
	v24 =	vld [tilespmem:s18+$0x2C00]  }
0x1e6: {  	[tilespmem:s18+$0x2820] =	vst v23;
	v21 =	vsub.f32 v28, v21;
	v23 =	vld [tilespmem:s18+$0x2C10]  }
0x1e7: {  	[tilespmem:s18+$0x2830] =	vst v22;
	v20 =	vsub.f32 v27, v20;
	v22 =	vld [tilespmem:s18+$0x2C20]  }
0x1e8: {  	[tilespmem:s18+$0x2840] =	vst v21;
	v19 =	vsub.f32 v26, v19;
	v21 =	vld [tilespmem:s18+$0x2C30]  }
0x1e9: {  	[tilespmem:s18+$0x2850] =	vst v20;
	v18 =	vsub.f32 v25, v18;
	v20 =	vld [tilespmem:s18+$0x2C40]  }
0x1ea: {  	[tilespmem:s18+$0x2860] =	vst v19;
	v17 =	vsub.f32 v24, v17;
	v19 =	vld [tilespmem:s18+$0x2C50]  }
0x1eb: {  	[tilespmem:s18+$0x2870] =	vst v18;
	v16 =	vsub.f32 v23, v16;
	v18 =	vld [tilespmem:s18+$0x2C60]  }
0x1ec: {  	[tilespmem:s18+$0x2C00] =	vst v17;
	v15 =	vsub.f32 v22, v15;
	v17 =	vld [tilespmem:s18+$0x2C70]  }
0x1ed: {  	[tilespmem:s18+$0x2C10] =	vst v16;
	v14 =	vsub.f32 v21, v14;
	v16 =	vld [tilespmem:s18+$0x3000]  }
0x1ee: {  	[tilespmem:s18+$0x2C20] =	vst v15;
	v15 =	vsub.f32 v20, v13;
	v20 =	vld [tilespmem:s18+$0x3010]  }
.Ltmp1:
0x1ef: {  	[tilespmem:s18+$0x2C30] =	vst v14;
	v14 =	vsub.f32 v19, v12;
	v13 =	vld [tilespmem:s18+$0x3020];
	(pc) =	sbr.rel @p0 .LBB2_5-.Ltmp1, $4  }
0x1f0: {  	[tilespmem:s18+$0x2C40] =	vst v15;
	v15 =	vsub.f32 v18, v11;
	v12 =	vld [tilespmem:s18+$0x3030]  }
0x1f1: {  	[tilespmem:s18+$0x2C50] =	vst v14;
	v17 =	vsub.f32 v17, v10;
	v11 =	vld [tilespmem:s18+$0x3040]  }
0x1f2: {  	[tilespmem:s18+$0x2C60] =	vst v15;
	v14 =	vsub.f32 v16, v9;
	v10 =	vld [tilespmem:s18+$0x3050]  }
0x1f3: {  	s16 =	sadd.s32 $0x200, s16;
	[tilespmem:s18+$0x2C70] =	vst v17;
	v9 =	vsub.f32 v20, v8;
	v8 =	vld [tilespmem:s18+$0x3060]  }
0x1f4: {  	[tilespmem:s18+$0x3000] =	vst v14;
	v7 =	vsub.f32 v13, v7;
	v13 =	vld [tilespmem:s18+$0x3070]  }
0x1f5: {  	[tilespmem:s18+$0x3010] =	vst v9;
	v6 =	vsub.f32 v12, v6  }
0x1f6: {  	[tilespmem:s18+$0x3020] =	vst v7;
	v5 =	vsub.f32 v11, v5  }
0x1f7: {  	[tilespmem:s18+$0x3030] =	vst v6;
	v4 =	vsub.f32 v10, v4  }
0x1f8: {  	[tilespmem:s18+$0x3040] =	vst v5;
	v3 =	vsub.f32 v8, v3  }
0x1f9: {  	[tilespmem:s18+$0x3050] =	vst v4;
	v2 =	vsub.f32 v13, v2  }
0x1fa: {  	s16 =	sor.u32 $0x300, s17;
	[tilespmem:s18+$0x3060] =	vst v3  }
0x1fb: {  	s17 =	sadd.s32 s4, s16;
	[tilespmem:s18+$0x3070] =	vst v2  }
0x1fc: {  	[hbm4b:s17+s6] =	stream.linear.scatter [tilespmem:s20], [sflag:$0xA], $0x1800, $0x38;
	[tilespmem:$0xC400] =	vst v63  }
0x1fd: {  	s16 =	sadd.s32 s5, s16  }
0x1fe: {  	[hbm4b:s16+s6] =	stream.linear.scatter [tilespmem:s23], [sflag:$0xE], $0x1800, $0x38;
	[tilespmem:$0xC400] =	vst v63  }
0x1ff: {  	_ =	swait.ge [sflag:s22], $0x1800  }
0x200: {  	[sflag:s22] =	ssyncset.done $0x0  }
0x201: {  	[sflag:s22] =	ssyncadd.s32 $0xFFFFE800  }
0x202: {  	_ =	swait.ge [sflag:s9], $0x1800  }
0x203: {  	p0 =	seq.s32 s15, $0x1F;
	[sflag:s9] =	ssyncset.done $0x0  }
0x204: {  	s16 =	simm.s32 @!p0 $0x9;
	[sflag:s9] =	ssyncadd.s32 $0xFFFFE800  }
0x205: {  	_ =	swait.ge @!p0 [sflag:s16], $0x1800  }
0x206: {  	[sflag:s16] =	ssyncset.done @!p0 $0x0  }
0x207: {  	[sflag:s16] =	ssyncadd.s32 @!p0 $0xFFFFE800;
	s16 =	simm.s32 @!p0 $0xD  }
0x208: {  	_ =	swait.ge @!p0 [sflag:s16], $0x1800  }
0x209: {  	[sflag:s16] =	ssyncset.done @!p0 $0x0  }
0x20a: {  	[sflag:s16] =	ssyncadd.s32 @!p0 $0xFFFFE800  }
0x20b: {  	v2 =	vld.msk @!p0 [tilespmem:s29+$0x20], $0xff;
	_ =	sdelay $0x4  }
0x20c: {  	v3 =	vshrl.u32 @!p0 v2, $0x3  }
0x20d: {  	v3 =	vmul.u32 @!p0 $0x30, v3  }
0x20e: {  	v4 =	vlaneseq.u32 @!p0;
	v2 =	vand.u32 @!p0 $0x7, v2  }
0x20f: {  	v2 =	vor.u32 @!p0 v2, v3;
	v3 =	vand.u32 @!p0 $0x7, v4;
	v4 =	vshrl.u32 @!p0 v4, $0x3  }
0x210: {  	v2 =	vperm.xlane @!p0 v2, v3;
	v3 =	vmul.u32 @!p0 $0x8, v4;
	_ =	sdelay $0x1  }
0x211: {  	v2 =	vadd.s32 @!p0 v3, v2;
	_ =	sdelay $0x3  }
0x212: {  	vm1 =	vmmov @!p0 $0xffff;
	s17 =	simm.s32 @!p0 $0x6400;
	s16 =	simm.s32 @!p0 $0x0  }
0x213: {  	[tilespmem:s17], [sflag:$0x5] =	stream.indirect_vreg.gather @!p0 [hbm4b:s2+s16], $0x80, v2, vm1, $0xb8;
	[tilespmem:$0xC400] =	vst v63  }
0x214: {  	s17 =	sadd.s32 @!p0 $0x20, s29  }
0x215: {  	s18 =	simm.s32 @!p0 $0x6C00;
	s17 =	sadd.s32 @!p0 s7, s17  }
0x216: {  	[tilespmem:s18], [sflag:$0x5] =	stream.indirect_vreg.gather @!p0 [hbm4b:s10+s16], $0x80, v2, vm1, $0xb8;
	[tilespmem:$0xC400] =	vst v63  }
0x217: {  	s17 =	sshrl.u32 @!p0 s17, $0x3  }
0x218: {  	s18 =	simm.s32 @!p0 $0x7400;
	s17 =	smul.u32 @!p0 $0x300, s17  }
0x219: {  	[tilespmem:s18], [sflag:$0x5] =	stream.indirect_vreg.gather @!p0 [hbm4b:s11+s16], $0x80, v2, vm1, $0xb8;
	[tilespmem:$0xC400] =	vst v63  }
0x21a: {  	s18 =	simm.s32 @!p0 $0x400;
	s17 =	sadd.s32 @!p0 s0, s17  }
0x21b: {  	[tilespmem:s18], [sflag:$0x1] =	stream.linear.gather @!p0 [hbm4b:s17+s16], $0x1800, $0x38;
	[tilespmem:$0xC400] =	vst v63  }
0x21c: {  	s17 =	simm.s32 $0x0  }
0x21d: {  	v12 =	vld [tilespmem:s17+$0x9400]  }
0x21e: {  	v13 =	vld [tilespmem:s17+$0x9410]  }
0x21f: {  	v14 =	vld [tilespmem:s17+$0x9420]  }
0x220: {  	v15 =	vld [tilespmem:s17+$0x9430]  }
0x221: {  	v16 =	vld [tilespmem:s17+$0x9440]  }
0x222: {  	v17 =	vld [tilespmem:s17+$0x9450]  }
0x223: {  	v18 =	vld [tilespmem:s17+$0x9460]  }
0x224: {  	v19 =	vld [tilespmem:s17+$0x9470]  }
0x225: {  	v20 =	vld [tilespmem:s17+$0x9800]  }
0x226: {  	v21 =	vld [tilespmem:s17+$0x9810]  }
0x227: {  	v22 =	vld [tilespmem:s17+$0x9820]  }
0x228: {  	v23 =	vld [tilespmem:s17+$0x9830]  }
0x229: {  	v24 =	vld [tilespmem:s17+$0x9840]  }
0x22a: {  	v25 =	vld [tilespmem:s17+$0x9850]  }
0x22b: {  	v26 =	vld [tilespmem:s17+$0x9860]  }
0x22c: {  	v27 =	vld [tilespmem:s17+$0x9870]  }
0x22d: {  	v28 =	vld [tilespmem:s17+$0x9C00]  }
0x22e: {  	v29 =	vld [tilespmem:s17+$0x9C10]  }
0x22f: {  	v30 =	vld [tilespmem:s17+$0x9C20]  }
0x230: {  	v31 =	vld [tilespmem:s17+$0x9C30]  }
0x231: {  	v32 =	vld [tilespmem:s17+$0x9C40]  }
0x232: {  	v33 =	vld [tilespmem:s17+$0x9C50]  }
0x233: {  	v34 =	vld [tilespmem:s17+$0x9C60]  }
0x234: {  	v35 =	vld [tilespmem:s17+$0x9C70]  }
0x235: {  	v36 =	vld [tilespmem:s17+$0xA000]  }
0x236: {  	v37 =	vld [tilespmem:s17+$0xA010]  }
0x237: {  	v38 =	vld [tilespmem:s17+$0xA020]  }
0x238: {  	v39 =	vld [tilespmem:s17+$0xA030]  }
0x239: {  	v40 =	vld [tilespmem:s17+$0xA040]  }
0x23a: {  	v41 =	vld [tilespmem:s17+$0xA050]  }
0x23b: {  	v42 =	vld [tilespmem:s17+$0xA060]  }
0x23c: {  	v43 =	vld [tilespmem:s17+$0xA070]  }
0x23d: {  	v44 =	vld [tilespmem:s17+$0xA400]  }
0x23e: {  	v45 =	vld [tilespmem:s17+$0xA410]  }
0x23f: {  	v46 =	vld [tilespmem:s17+$0xA420]  }
0x240: {  	v47 =	vld [tilespmem:s17+$0xA430]  }
0x241: {  	v48 =	vld [tilespmem:s17+$0xA440]  }
0x242: {  	v49 =	vld [tilespmem:s17+$0xA450]  }
0x243: {  	v11 =	vld [tilespmem:s17+$0xA460]  }
0x244: {  	v10 =	vld [tilespmem:s17+$0xA470]  }
0x245: {  	v8 =	vld [tilespmem:s17+$0xA800]  }
0x246: {  	v9 =	vld [tilespmem:s17+$0xA810]  }
0x247: {  	v7 =	vld [tilespmem:s17+$0xA820]  }
0x248: {  	v6 =	vld [tilespmem:s17+$0xA830]  }
0x249: {  	v5 =	vld [tilespmem:s17+$0xA840]  }
0x24a: {  	v4 =	vld [tilespmem:s17+$0xA850]  }
0x24b: {  	v3 =	vld [tilespmem:s17+$0xA860]  }
0x24c: {  	v2 =	vld [tilespmem:s17+$0xA870]  }
0x24d: {  	v50 =	vld [tilespmem:s17+$0x3400]  }
0x24e: {  	v52 =	vld [tilespmem:s17+$0x3420]  }
0x24f: {  	v51 =	vld [tilespmem:s17+$0x3410]  }
0x250: {  	v53 =	vld [tilespmem:s17+$0x3430]  }
0x251: {  	v54 =	vld [tilespmem:s17+$0x3440]  }
0x252: {  	v61 =	vld [tilespmem:s17+$0x3450];
	v12 =	vsub.f32 v50, v12  }
0x253: {  	v55 =	vld [tilespmem:s17+$0x3460];
	v14 =	vsub.f32 v52, v14  }
0x254: {  	v13 =	vsub.f32 v51, v13;
	[tilespmem:s17+$0x3400] =	vst v12;
	v12 =	vld [tilespmem:s17+$0x3470]  }
0x255: {  	v15 =	vsub.f32 v53, v15;
	[tilespmem:s17+$0x3420] =	vst v14;
	v14 =	vld [tilespmem:s17+$0x3810]  }
0x256: {  	v16 =	vsub.f32 v54, v16;
	[tilespmem:s17+$0x3410] =	vst v13;
	v13 =	vld [tilespmem:s17+$0x3800]  }
0x257: {  	v62 =	vld [tilespmem:s17+$0x3830];
	v17 =	vsub.f32 v61, v17;
	[tilespmem:s17+$0x3430] =	vst v15  }
0x258: {  	v18 =	vsub.f32 v55, v18;
	v15 =	vld [tilespmem:s17+$0x3820];
	[tilespmem:s17+$0x3440] =	vst v16  }
0x259: {  	v63 =	vld [tilespmem:s17+$0x3840];
	[tilespmem:s17+$0x3450] =	vst v17;
	v12 =	vsub.f32 v12, v19  }
0x25a: {  	v50 =	vld [tilespmem:s17+$0x3850];
	[tilespmem:s17+$0x3460] =	vst v18;
	v14 =	vsub.f32 v14, v21  }
0x25b: {  	v13 =	vsub.f32 v13, v20;
	[tilespmem:s17+$0x3470] =	vst v12;
	v12 =	vld [tilespmem:s17+$0x3860]  }
0x25c: {  	v16 =	vsub.f32 v62, v23;
	[tilespmem:s17+$0x3810] =	vst v14;
	v14 =	vld [tilespmem:s17+$0x3C00]  }
0x25d: {  	v15 =	vsub.f32 v15, v22;
	[tilespmem:s17+$0x3800] =	vst v13;
	v13 =	vld [tilespmem:s17+$0x3870]  }
0x25e: {  	v51 =	vld [tilespmem:s17+$0x3C20];
	v17 =	vsub.f32 v63, v24;
	[tilespmem:s17+$0x3830] =	vst v16  }
0x25f: {  	v18 =	vsub.f32 v50, v25;
	[tilespmem:s17+$0x3820] =	vst v15;
	v15 =	vld [tilespmem:s17+$0x3C10]  }
0x260: {  	v52 =	vld [tilespmem:s17+$0x3C30];
	[tilespmem:s17+$0x3840] =	vst v17;
	v12 =	vsub.f32 v12, v26  }
0x261: {  	v53 =	vld [tilespmem:s17+$0x3C40];
	[tilespmem:s17+$0x3850] =	vst v18;
	v14 =	vsub.f32 v14, v28  }
0x262: {  	v13 =	vsub.f32 v13, v27;
	[tilespmem:s17+$0x3860] =	vst v12;
	v12 =	vld [tilespmem:s17+$0x3C50]  }
0x263: {  	v16 =	vsub.f32 v51, v30;
	[tilespmem:s17+$0x3C00] =	vst v14;
	v14 =	vld [tilespmem:s17+$0x3C70]  }
0x264: {  	v15 =	vsub.f32 v15, v29;
	[tilespmem:s17+$0x3870] =	vst v13;
	v13 =	vld [tilespmem:s17+$0x3C60]  }
0x265: {  	v54 =	vld [tilespmem:s17+$0x4010];
	v17 =	vsub.f32 v52, v31;
	[tilespmem:s17+$0x3C20] =	vst v16  }
0x266: {  	v18 =	vsub.f32 v53, v32;
	[tilespmem:s17+$0x3C10] =	vst v15;
	v15 =	vld [tilespmem:s17+$0x4000]  }
0x267: {  	v55 =	vld [tilespmem:s17+$0x4020];
	[tilespmem:s17+$0x3C30] =	vst v17;
	v12 =	vsub.f32 v12, v33  }
0x268: {  	v56 =	vld [tilespmem:s17+$0x4030];
	[tilespmem:s17+$0x3C40] =	vst v18;
	v14 =	vsub.f32 v14, v35  }
0x269: {  	v13 =	vsub.f32 v13, v34;
	[tilespmem:s17+$0x3C50] =	vst v12;
	v12 =	vld [tilespmem:s17+$0x4040]  }
0x26a: {  	v16 =	vsub.f32 v54, v37;
	[tilespmem:s17+$0x3C70] =	vst v14;
	v14 =	vld [tilespmem:s17+$0x4060]  }
0x26b: {  	v15 =	vsub.f32 v15, v36;
	[tilespmem:s17+$0x3C60] =	vst v13;
	v13 =	vld [tilespmem:s17+$0x4050]  }
0x26c: {  	v57 =	vld [tilespmem:s17+$0x4400];
	v17 =	vsub.f32 v55, v38;
	[tilespmem:s17+$0x4010] =	vst v16  }
0x26d: {  	v18 =	vsub.f32 v56, v39;
	[tilespmem:s17+$0x4000] =	vst v15;
	v15 =	vld [tilespmem:s17+$0x4070]  }
0x26e: {  	v58 =	vld [tilespmem:s17+$0x4410];
	[tilespmem:s17+$0x4020] =	vst v17;
	v12 =	vsub.f32 v12, v40  }
0x26f: {  	v59 =	vld [tilespmem:s17+$0x4420];
	[tilespmem:s17+$0x4030] =	vst v18;
	v14 =	vsub.f32 v14, v42  }
0x270: {  	v13 =	vsub.f32 v13, v41;
	[tilespmem:s17+$0x4040] =	vst v12;
	v12 =	vld [tilespmem:s17+$0x4430]  }
0x271: {  	v16 =	vsub.f32 v57, v44;
	[tilespmem:s17+$0x4060] =	vst v14;
	v14 =	vld [tilespmem:s17+$0x4450]  }
0x272: {  	v15 =	vsub.f32 v15, v43;
	[tilespmem:s17+$0x4050] =	vst v13;
	v13 =	vld [tilespmem:s17+$0x4440]  }
0x273: {  	v60 =	vld [tilespmem:s17+$0x4470];
	v17 =	vsub.f32 v58, v45;
	[tilespmem:s17+$0x4400] =	vst v16  }
0x274: {  	v18 =	vsub.f32 v59, v46;
	[tilespmem:s17+$0x4070] =	vst v15;
	v15 =	vld [tilespmem:s17+$0x4460]  }
0x275: {  	v61 =	vld [tilespmem:s17+$0x4800];
	[tilespmem:s17+$0x4410] =	vst v17;
	v12 =	vsub.f32 v12, v47  }
0x276: {  	v62 =	vld [tilespmem:s17+$0x4810];
	[tilespmem:s17+$0x4420] =	vst v18;
	v14 =	vsub.f32 v14, v49  }
0x277: {  	v63 =	vsub.f32 v13, v48;
	v13 =	vld [tilespmem:s17+$0x4820];
	[tilespmem:s17+$0x4430] =	vst v12  }
0x278: {  	v12 =	vld [tilespmem:s17+$0x4830];
	[tilespmem:s17+$0x4450] =	vst v14;
	v14 =	vsub.f32 v60, v10  }
0x279: {  	v15 =	vsub.f32 v15, v11;
	v11 =	vld [tilespmem:s17+$0x4840];
	[tilespmem:s17+$0x4440] =	vst v63  }
0x27a: {  	v10 =	vld [tilespmem:s17+$0x4850];
	[tilespmem:s17+$0x4470] =	vst v14;
	v14 =	vsub.f32 v61, v8  }
0x27b: {  	s16 =	simm.s32 $0x200;
	v9 =	vsub.f32 v62, v9;
	[tilespmem:s17+$0x4460] =	vst v15;
	v8 =	vld [tilespmem:s17+$0x4860]  }
.LBB2_7:
0x27c: {  	s18 =	sshra.s32 s16, $0x2;
	p1 =	sne.s32 s16, $0xE00;
	[tilespmem:s17+$0x4800] =	vst v14;
	v7 =	vsub.f32 v13, v7;
	v13 =	vld [tilespmem:s17+$0x4870]  }
0x27d: {  	v38 =	vld [tilespmem:s18+$0x9400];
	[tilespmem:s17+$0x4810] =	vst v9;
	v6 =	vsub.f32 v12, v6  }
0x27e: {  	v39 =	vld [tilespmem:s18+$0x9410];
	[tilespmem:s17+$0x4820] =	vst v7;
	v5 =	vsub.f32 v11, v5  }
0x27f: {  	v40 =	vld [tilespmem:s18+$0x9420];
	[tilespmem:s17+$0x4830] =	vst v6;
	v4 =	vsub.f32 v10, v4  }
0x280: {  	v41 =	vld [tilespmem:s18+$0x9430];
	[tilespmem:s17+$0x4840] =	vst v5;
	v3 =	vsub.f32 v8, v3  }
0x281: {  	v42 =	vld [tilespmem:s18+$0x9440];
	[tilespmem:s17+$0x4850] =	vst v4;
	v2 =	vsub.f32 v13, v2  }
0x282: {  	v43 =	vld [tilespmem:s18+$0x9450];
	[tilespmem:s17+$0x4860] =	vst v3  }
0x283: {  	v44 =	vld [tilespmem:s18+$0x9460];
	[tilespmem:s17+$0x4870] =	vst v2;
	s17 =	smov.u32 s18  }
0x284: {  	v45 =	vld [tilespmem:s17+$0x9470]  }
0x285: {  	v46 =	vld [tilespmem:s17+$0x9800]  }
0x286: {  	v47 =	vld [tilespmem:s17+$0x9810]  }
0x287: {  	v48 =	vld [tilespmem:s17+$0x9820]  }
0x288: {  	v49 =	vld [tilespmem:s17+$0x9830]  }
0x289: {  	v37 =	vld [tilespmem:s17+$0x9840]  }
0x28a: {  	v36 =	vld [tilespmem:s17+$0x9850]  }
0x28b: {  	v35 =	vld [tilespmem:s17+$0x9860]  }
0x28c: {  	v34 =	vld [tilespmem:s17+$0x9870]  }
0x28d: {  	v33 =	vld [tilespmem:s17+$0x9C00]  }
0x28e: {  	v32 =	vld [tilespmem:s17+$0x9C10]  }
0x28f: {  	v31 =	vld [tilespmem:s17+$0x9C20]  }
0x290: {  	v30 =	vld [tilespmem:s17+$0x9C30]  }
0x291: {  	v29 =	vld [tilespmem:s17+$0x9C40]  }
0x292: {  	v28 =	vld [tilespmem:s17+$0x9C50]  }
0x293: {  	v27 =	vld [tilespmem:s17+$0x9C60]  }
0x294: {  	v26 =	vld [tilespmem:s17+$0x9C70]  }
0x295: {  	v25 =	vld [tilespmem:s17+$0xA000]  }
0x296: {  	v24 =	vld [tilespmem:s17+$0xA010]  }
0x297: {  	v23 =	vld [tilespmem:s17+$0xA020]  }
0x298: {  	v22 =	vld [tilespmem:s17+$0xA030]  }
0x299: {  	v21 =	vld [tilespmem:s17+$0xA040]  }
0x29a: {  	v20 =	vld [tilespmem:s17+$0xA050]  }
0x29b: {  	v19 =	vld [tilespmem:s17+$0xA060]  }
0x29c: {  	v18 =	vld [tilespmem:s17+$0xA070]  }
0x29d: {  	v17 =	vld [tilespmem:s17+$0xA400]  }
0x29e: {  	v16 =	vld [tilespmem:s17+$0xA410]  }
0x29f: {  	v15 =	vld [tilespmem:s17+$0xA420]  }
0x2a0: {  	v14 =	vld [tilespmem:s17+$0xA430]  }
0x2a1: {  	v13 =	vld [tilespmem:s17+$0xA440]  }
0x2a2: {  	v12 =	vld [tilespmem:s17+$0xA450]  }
0x2a3: {  	v11 =	vld [tilespmem:s17+$0xA460]  }
0x2a4: {  	v10 =	vld [tilespmem:s17+$0xA470]  }
0x2a5: {  	v9 =	vld [tilespmem:s17+$0xA800]  }
0x2a6: {  	v8 =	vld [tilespmem:s17+$0xA810]  }
0x2a7: {  	v7 =	vld [tilespmem:s17+$0xA820]  }
0x2a8: {  	v6 =	vld [tilespmem:s17+$0xA830]  }
0x2a9: {  	v5 =	vld [tilespmem:s17+$0xA840]  }
0x2aa: {  	v4 =	vld [tilespmem:s17+$0xA850]  }
0x2ab: {  	v3 =	vld [tilespmem:s17+$0xA860]  }
0x2ac: {  	v2 =	vld [tilespmem:s17+$0xA870]  }
0x2ad: {  	v50 =	vld [tilespmem:s17+$0x3400]  }
0x2ae: {  	v51 =	vld [tilespmem:s17+$0x3410]  }
0x2af: {  	v52 =	vld [tilespmem:s17+$0x3420]  }
0x2b0: {  	v53 =	vld [tilespmem:s17+$0x3430]  }
0x2b1: {  	v54 =	vld [tilespmem:s17+$0x3440]  }
0x2b2: {  	v38 =	vsub.f32 v50, v38;
	v50 =	vld [tilespmem:s17+$0x3450]  }
0x2b3: {  	v39 =	vsub.f32 v51, v39;
	v51 =	vld [tilespmem:s17+$0x3460]  }
0x2b4: {  	[tilespmem:s17+$0x3400] =	vst v38;
	v38 =	vsub.f32 v52, v40;
	v40 =	vld [tilespmem:s17+$0x3470]  }
0x2b5: {  	[tilespmem:s17+$0x3410] =	vst v39;
	v39 =	vsub.f32 v53, v41;
	v41 =	vld [tilespmem:s17+$0x3800]  }
0x2b6: {  	[tilespmem:s17+$0x3420] =	vst v38;
	v38 =	vsub.f32 v54, v42;
	v42 =	vld [tilespmem:s17+$0x3810]  }
0x2b7: {  	[tilespmem:s17+$0x3430] =	vst v39;
	v39 =	vsub.f32 v50, v43;
	v43 =	vld [tilespmem:s17+$0x3820]  }
0x2b8: {  	[tilespmem:s17+$0x3440] =	vst v38;
	v38 =	vsub.f32 v51, v44;
	v44 =	vld [tilespmem:s17+$0x3830]  }
0x2b9: {  	[tilespmem:s17+$0x3450] =	vst v39;
	v39 =	vsub.f32 v40, v45;
	v40 =	vld [tilespmem:s17+$0x3840]  }
0x2ba: {  	[tilespmem:s17+$0x3460] =	vst v38;
	v38 =	vsub.f32 v41, v46;
	v41 =	vld [tilespmem:s17+$0x3850]  }
0x2bb: {  	[tilespmem:s17+$0x3470] =	vst v39;
	v39 =	vsub.f32 v42, v47;
	v42 =	vld [tilespmem:s17+$0x3860]  }
0x2bc: {  	[tilespmem:s17+$0x3800] =	vst v38;
	v38 =	vsub.f32 v43, v48;
	v43 =	vld [tilespmem:s17+$0x3870]  }
0x2bd: {  	[tilespmem:s17+$0x3810] =	vst v39;
	v39 =	vsub.f32 v44, v49;
	v44 =	vld [tilespmem:s17+$0x3C00]  }
0x2be: {  	[tilespmem:s17+$0x3820] =	vst v38;
	v37 =	vsub.f32 v40, v37;
	v38 =	vld [tilespmem:s17+$0x3C10]  }
0x2bf: {  	[tilespmem:s17+$0x3830] =	vst v39;
	v36 =	vsub.f32 v41, v36;
	v39 =	vld [tilespmem:s17+$0x3C20]  }
0x2c0: {  	[tilespmem:s17+$0x3840] =	vst v37;
	v35 =	vsub.f32 v42, v35;
	v37 =	vld [tilespmem:s17+$0x3C30]  }
0x2c1: {  	[tilespmem:s17+$0x3850] =	vst v36;
	v34 =	vsub.f32 v43, v34;
	v36 =	vld [tilespmem:s17+$0x3C40]  }
0x2c2: {  	[tilespmem:s17+$0x3860] =	vst v35;
	v33 =	vsub.f32 v44, v33;
	v35 =	vld [tilespmem:s17+$0x3C50]  }
0x2c3: {  	[tilespmem:s17+$0x3870] =	vst v34;
	v32 =	vsub.f32 v38, v32;
	v34 =	vld [tilespmem:s17+$0x3C60]  }
0x2c4: {  	[tilespmem:s17+$0x3C00] =	vst v33;
	v31 =	vsub.f32 v39, v31;
	v33 =	vld [tilespmem:s17+$0x3C70]  }
0x2c5: {  	[tilespmem:s17+$0x3C10] =	vst v32;
	v30 =	vsub.f32 v37, v30;
	v32 =	vld [tilespmem:s17+$0x4000]  }
0x2c6: {  	[tilespmem:s17+$0x3C20] =	vst v31;
	v29 =	vsub.f32 v36, v29;
	v31 =	vld [tilespmem:s17+$0x4010]  }
0x2c7: {  	[tilespmem:s17+$0x3C30] =	vst v30;
	v28 =	vsub.f32 v35, v28;
	v30 =	vld [tilespmem:s17+$0x4020]  }
0x2c8: {  	[tilespmem:s17+$0x3C40] =	vst v29;
	v27 =	vsub.f32 v34, v27;
	v29 =	vld [tilespmem:s17+$0x4030]  }
0x2c9: {  	[tilespmem:s17+$0x3C50] =	vst v28;
	v26 =	vsub.f32 v33, v26;
	v28 =	vld [tilespmem:s17+$0x4040]  }
0x2ca: {  	[tilespmem:s17+$0x3C60] =	vst v27;
	v25 =	vsub.f32 v32, v25;
	v27 =	vld [tilespmem:s17+$0x4050]  }
0x2cb: {  	[tilespmem:s17+$0x3C70] =	vst v26;
	v24 =	vsub.f32 v31, v24;
	v26 =	vld [tilespmem:s17+$0x4060]  }
0x2cc: {  	[tilespmem:s17+$0x4000] =	vst v25;
	v23 =	vsub.f32 v30, v23;
	v25 =	vld [tilespmem:s17+$0x4070]  }
0x2cd: {  	[tilespmem:s17+$0x4010] =	vst v24;
	v22 =	vsub.f32 v29, v22;
	v24 =	vld [tilespmem:s17+$0x4400]  }
0x2ce: {  	[tilespmem:s17+$0x4020] =	vst v23;
	v21 =	vsub.f32 v28, v21;
	v23 =	vld [tilespmem:s17+$0x4410]  }
0x2cf: {  	[tilespmem:s17+$0x4030] =	vst v22;
	v20 =	vsub.f32 v27, v20;
	v22 =	vld [tilespmem:s17+$0x4420]  }
0x2d0: {  	[tilespmem:s17+$0x4040] =	vst v21;
	v19 =	vsub.f32 v26, v19;
	v21 =	vld [tilespmem:s17+$0x4430]  }
0x2d1: {  	[tilespmem:s17+$0x4050] =	vst v20;
	v18 =	vsub.f32 v25, v18;
	v20 =	vld [tilespmem:s17+$0x4440]  }
0x2d2: {  	[tilespmem:s17+$0x4060] =	vst v19;
	v17 =	vsub.f32 v24, v17;
	v19 =	vld [tilespmem:s17+$0x4450]  }
0x2d3: {  	[tilespmem:s17+$0x4070] =	vst v18;
	v16 =	vsub.f32 v23, v16;
	v18 =	vld [tilespmem:s17+$0x4460]  }
0x2d4: {  	[tilespmem:s17+$0x4400] =	vst v17;
	v15 =	vsub.f32 v22, v15;
	v17 =	vld [tilespmem:s17+$0x4470]  }
0x2d5: {  	[tilespmem:s17+$0x4410] =	vst v16;
	v14 =	vsub.f32 v21, v14;
	v16 =	vld [tilespmem:s17+$0x4800]  }
0x2d6: {  	[tilespmem:s17+$0x4420] =	vst v15;
	v15 =	vsub.f32 v20, v13;
	v20 =	vld [tilespmem:s17+$0x4810]  }
.Ltmp2:
0x2d7: {  	[tilespmem:s17+$0x4430] =	vst v14;
	v14 =	vsub.f32 v19, v12;
	v13 =	vld [tilespmem:s17+$0x4820];
	(pc) =	sbr.rel @p1 .LBB2_7-.Ltmp2, $4  }
0x2d8: {  	[tilespmem:s17+$0x4440] =	vst v15;
	v15 =	vsub.f32 v18, v11;
	v12 =	vld [tilespmem:s17+$0x4830]  }
0x2d9: {  	[tilespmem:s17+$0x4450] =	vst v14;
	v17 =	vsub.f32 v17, v10;
	v11 =	vld [tilespmem:s17+$0x4840]  }
0x2da: {  	[tilespmem:s17+$0x4460] =	vst v15;
	v14 =	vsub.f32 v16, v9;
	v10 =	vld [tilespmem:s17+$0x4850]  }
0x2db: {  	s16 =	sadd.s32 $0x200, s16;
	[tilespmem:s17+$0x4470] =	vst v17;
	v9 =	vsub.f32 v20, v8;
	v8 =	vld [tilespmem:s17+$0x4860]  }
0x2dc: {  	[tilespmem:s17+$0x4800] =	vst v14;
	v7 =	vsub.f32 v13, v7;
	v13 =	vld [tilespmem:s17+$0x4870]  }
0x2dd: {  	[tilespmem:s17+$0x4810] =	vst v9;
	v6 =	vsub.f32 v12, v6  }
0x2de: {  	[tilespmem:s17+$0x4820] =	vst v7;
	v5 =	vsub.f32 v11, v5  }
0x2df: {  	[tilespmem:s17+$0x4830] =	vst v6;
	v4 =	vsub.f32 v10, v4  }
0x2e0: {  	[tilespmem:s17+$0x4840] =	vst v5;
	v3 =	vsub.f32 v8, v3  }
0x2e1: {  	[tilespmem:s17+$0x4850] =	vst v4;
	v2 =	vsub.f32 v13, v2  }
0x2e2: {  	[tilespmem:s17+$0x4860] =	vst v3  }
0x2e3: {  	s16 =	sadd.s32 s4, s28;
	[tilespmem:s17+$0x4870] =	vst v2  }
0x2e4: {  	[hbm4b:s16+s6] =	stream.linear.scatter [tilespmem:s26], [sflag:$0xB], $0x1800, $0x38;
	[tilespmem:$0xC400] =	vst v63  }
0x2e5: {  	s28 =	sadd.s32 s5, s28  }
0x2e6: {  	[hbm4b:s28+s6] =	stream.linear.scatter [tilespmem:s30], [sflag:$0xF], $0x1800, $0x38;
	[tilespmem:$0xC400] =	vst v63  }
0x2e7: {  	_ =	swait.ge [sflag:s13], $0x1800  }
0x2e8: {  	[sflag:s13] =	ssyncset.done $0x0  }
0x2e9: {  	[sflag:s13] =	ssyncadd.s32 $0xFFFFE800  }
0x2ea: {  	_ =	swait.ge [sflag:s14], $0x1800  }
0x2eb: {  	[sflag:s14] =	ssyncset.done $0x0  }
0x2ec: {  	s16 =	simm.s32 @!p0 $0xA;
	[sflag:s14] =	ssyncadd.s32 $0xFFFFE800  }
0x2ed: {  	_ =	swait.ge @!p0 [sflag:s16], $0x1800  }
0x2ee: {  	[sflag:s16] =	ssyncset.done @!p0 $0x0  }
0x2ef: {  	[sflag:s16] =	ssyncadd.s32 @!p0 $0xFFFFE800;
	s16 =	simm.s32 @!p0 $0xE  }
0x2f0: {  	_ =	swait.ge @!p0 [sflag:s16], $0x1800  }
0x2f1: {  	[sflag:s16] =	ssyncset.done @!p0 $0x0  }
0x2f2: {  	[sflag:s16] =	ssyncadd.s32 @!p0 $0xFFFFE800  }
0x2f3: {  	v2 =	vld.msk @!p0 [tilespmem:s29+$0x28], $0xff;
	_ =	sdelay $0x4  }
0x2f4: {  	v3 =	vshrl.u32 @!p0 v2, $0x3  }
0x2f5: {  	v3 =	vmul.u32 @!p0 $0x30, v3  }
0x2f6: {  	v4 =	vlaneseq.u32 @!p0;
	v2 =	vand.u32 @!p0 $0x7, v2  }
0x2f7: {  	v2 =	vor.u32 @!p0 v2, v3;
	v3 =	vand.u32 @!p0 $0x7, v4;
	v4 =	vshrl.u32 @!p0 v4, $0x3  }
0x2f8: {  	v2 =	vperm.xlane @!p0 v2, v3;
	v3 =	vmul.u32 @!p0 $0x8, v4;
	_ =	sdelay $0x1  }
0x2f9: {  	v2 =	vadd.s32 @!p0 v3, v2;
	_ =	sdelay $0x3  }
0x2fa: {  	s17 =	simm.s32 @!p0 $0x7C00;
	s16 =	simm.s32 @!p0 $0x0  }
0x2fb: {  	[tilespmem:s17], [sflag:$0x6] =	stream.indirect_vreg.gather @!p0 [hbm4b:s2+s16], $0x80, v2, vm1, $0xb8;
	[tilespmem:$0xC400] =	vst v63  }
0x2fc: {  	s17 =	sadd.s32 @!p0 $0x28, s29  }
0x2fd: {  	s18 =	simm.s32 @!p0 $0x8400;
	s17 =	sadd.s32 @!p0 s7, s17  }
0x2fe: {  	[tilespmem:s18], [sflag:$0x6] =	stream.indirect_vreg.gather @!p0 [hbm4b:s10+s16], $0x80, v2, vm1, $0xb8;
	[tilespmem:$0xC400] =	vst v63  }
0x2ff: {  	s17 =	sshrl.u32 @!p0 s17, $0x3  }
0x300: {  	s18 =	simm.s32 @!p0 $0x8C00;
	s17 =	smul.u32 @!p0 $0x300, s17  }
0x301: {  	[tilespmem:s18], [sflag:$0x6] =	stream.indirect_vreg.gather @!p0 [hbm4b:s11+s16], $0x80, v2, vm1, $0xb8;
	[tilespmem:$0xC400] =	vst v63  }
0x302: {  	s18 =	simm.s32 @!p0 $0x1C00;
	s17 =	sadd.s32 @!p0 s0, s17  }
0x303: {  	[tilespmem:s18], [sflag:$0x2] =	stream.linear.gather @!p0 [hbm4b:s17+s16], $0x1800, $0x38;
	[tilespmem:$0xC400] =	vst v63  }
0x304: {  	s17 =	simm.s32 $0x0  }
0x305: {  	v12 =	vld [tilespmem:s17+$0xAC00]  }
0x306: {  	v13 =	vld [tilespmem:s17+$0xAC10]  }
0x307: {  	v14 =	vld [tilespmem:s17+$0xAC20]  }
0x308: {  	v15 =	vld [tilespmem:s17+$0xAC30]  }
0x309: {  	v16 =	vld [tilespmem:s17+$0xAC40]  }
0x30a: {  	v17 =	vld [tilespmem:s17+$0xAC50]  }
0x30b: {  	v18 =	vld [tilespmem:s17+$0xAC60]  }
0x30c: {  	v19 =	vld [tilespmem:s17+$0xAC70]  }
0x30d: {  	v20 =	vld [tilespmem:s17+$0xB000]  }
0x30e: {  	v21 =	vld [tilespmem:s17+$0xB010]  }
0x30f: {  	v22 =	vld [tilespmem:s17+$0xB020]  }
0x310: {  	v23 =	vld [tilespmem:s17+$0xB030]  }
0x311: {  	v24 =	vld [tilespmem:s17+$0xB040]  }
0x312: {  	v25 =	vld [tilespmem:s17+$0xB050]  }
0x313: {  	v26 =	vld [tilespmem:s17+$0xB060]  }
0x314: {  	v27 =	vld [tilespmem:s17+$0xB070]  }
0x315: {  	v28 =	vld [tilespmem:s17+$0xB400]  }
0x316: {  	v29 =	vld [tilespmem:s17+$0xB410]  }
0x317: {  	v30 =	vld [tilespmem:s17+$0xB420]  }
0x318: {  	v31 =	vld [tilespmem:s17+$0xB430]  }
0x319: {  	v32 =	vld [tilespmem:s17+$0xB440]  }
0x31a: {  	v33 =	vld [tilespmem:s17+$0xB450]  }
0x31b: {  	v34 =	vld [tilespmem:s17+$0xB460]  }
0x31c: {  	v35 =	vld [tilespmem:s17+$0xB470]  }
0x31d: {  	v36 =	vld [tilespmem:s17+$0xB800]  }
0x31e: {  	v37 =	vld [tilespmem:s17+$0xB810]  }
0x31f: {  	v38 =	vld [tilespmem:s17+$0xB820]  }
0x320: {  	v39 =	vld [tilespmem:s17+$0xB830]  }
0x321: {  	v40 =	vld [tilespmem:s17+$0xB840]  }
0x322: {  	v41 =	vld [tilespmem:s17+$0xB850]  }
0x323: {  	v42 =	vld [tilespmem:s17+$0xB860]  }
0x324: {  	v43 =	vld [tilespmem:s17+$0xB870]  }
0x325: {  	v44 =	vld [tilespmem:s17+$0xBC00]  }
0x326: {  	v45 =	vld [tilespmem:s17+$0xBC10]  }
0x327: {  	v46 =	vld [tilespmem:s17+$0xBC20]  }
0x328: {  	v47 =	vld [tilespmem:s17+$0xBC30]  }
0x329: {  	v48 =	vld [tilespmem:s17+$0xBC40]  }
0x32a: {  	v49 =	vld [tilespmem:s17+$0xBC50]  }
0x32b: {  	v11 =	vld [tilespmem:s17+$0xBC60]  }
0x32c: {  	v10 =	vld [tilespmem:s17+$0xBC70]  }
0x32d: {  	v8 =	vld [tilespmem:s17+$0xC000]  }
0x32e: {  	v9 =	vld [tilespmem:s17+$0xC010]  }
0x32f: {  	v7 =	vld [tilespmem:s17+$0xC020]  }
0x330: {  	v6 =	vld [tilespmem:s17+$0xC030]  }
0x331: {  	v5 =	vld [tilespmem:s17+$0xC040]  }
0x332: {  	v4 =	vld [tilespmem:s17+$0xC050]  }
0x333: {  	v3 =	vld [tilespmem:s17+$0xC060]  }
0x334: {  	v2 =	vld [tilespmem:s17+$0xC070]  }
0x335: {  	v50 =	vld [tilespmem:s17+$0x4C00]  }
0x336: {  	v52 =	vld [tilespmem:s17+$0x4C20]  }
0x337: {  	v51 =	vld [tilespmem:s17+$0x4C10]  }
0x338: {  	v53 =	vld [tilespmem:s17+$0x4C30]  }
0x339: {  	v54 =	vld [tilespmem:s17+$0x4C40]  }
0x33a: {  	v61 =	vld [tilespmem:s17+$0x4C50];
	v12 =	vsub.f32 v50, v12  }
0x33b: {  	v55 =	vld [tilespmem:s17+$0x4C60];
	v14 =	vsub.f32 v52, v14  }
0x33c: {  	v13 =	vsub.f32 v51, v13;
	[tilespmem:s17+$0x4C00] =	vst v12;
	v12 =	vld [tilespmem:s17+$0x4C70]  }
0x33d: {  	v15 =	vsub.f32 v53, v15;
	[tilespmem:s17+$0x4C20] =	vst v14;
	v14 =	vld [tilespmem:s17+$0x5010]  }
0x33e: {  	v16 =	vsub.f32 v54, v16;
	[tilespmem:s17+$0x4C10] =	vst v13;
	v13 =	vld [tilespmem:s17+$0x5000]  }
0x33f: {  	v62 =	vld [tilespmem:s17+$0x5030];
	v17 =	vsub.f32 v61, v17;
	[tilespmem:s17+$0x4C30] =	vst v15  }
0x340: {  	v18 =	vsub.f32 v55, v18;
	v15 =	vld [tilespmem:s17+$0x5020];
	[tilespmem:s17+$0x4C40] =	vst v16  }
0x341: {  	v63 =	vld [tilespmem:s17+$0x5040];
	[tilespmem:s17+$0x4C50] =	vst v17;
	v12 =	vsub.f32 v12, v19  }
0x342: {  	v50 =	vld [tilespmem:s17+$0x5050];
	[tilespmem:s17+$0x4C60] =	vst v18;
	v14 =	vsub.f32 v14, v21  }
0x343: {  	v13 =	vsub.f32 v13, v20;
	[tilespmem:s17+$0x4C70] =	vst v12;
	v12 =	vld [tilespmem:s17+$0x5060]  }
0x344: {  	v16 =	vsub.f32 v62, v23;
	[tilespmem:s17+$0x5010] =	vst v14;
	v14 =	vld [tilespmem:s17+$0x5400]  }
0x345: {  	v15 =	vsub.f32 v15, v22;
	[tilespmem:s17+$0x5000] =	vst v13;
	v13 =	vld [tilespmem:s17+$0x5070]  }
0x346: {  	v51 =	vld [tilespmem:s17+$0x5420];
	v17 =	vsub.f32 v63, v24;
	[tilespmem:s17+$0x5030] =	vst v16  }
0x347: {  	v18 =	vsub.f32 v50, v25;
	[tilespmem:s17+$0x5020] =	vst v15;
	v15 =	vld [tilespmem:s17+$0x5410]  }
0x348: {  	v52 =	vld [tilespmem:s17+$0x5430];
	[tilespmem:s17+$0x5040] =	vst v17;
	v12 =	vsub.f32 v12, v26  }
0x349: {  	v53 =	vld [tilespmem:s17+$0x5440];
	[tilespmem:s17+$0x5050] =	vst v18;
	v14 =	vsub.f32 v14, v28  }
0x34a: {  	v13 =	vsub.f32 v13, v27;
	[tilespmem:s17+$0x5060] =	vst v12;
	v12 =	vld [tilespmem:s17+$0x5450]  }
0x34b: {  	v16 =	vsub.f32 v51, v30;
	[tilespmem:s17+$0x5400] =	vst v14;
	v14 =	vld [tilespmem:s17+$0x5470]  }
0x34c: {  	v15 =	vsub.f32 v15, v29;
	[tilespmem:s17+$0x5070] =	vst v13;
	v13 =	vld [tilespmem:s17+$0x5460]  }
0x34d: {  	v54 =	vld [tilespmem:s17+$0x5810];
	v17 =	vsub.f32 v52, v31;
	[tilespmem:s17+$0x5420] =	vst v16  }
0x34e: {  	v18 =	vsub.f32 v53, v32;
	[tilespmem:s17+$0x5410] =	vst v15;
	v15 =	vld [tilespmem:s17+$0x5800]  }
0x34f: {  	v55 =	vld [tilespmem:s17+$0x5820];
	[tilespmem:s17+$0x5430] =	vst v17;
	v12 =	vsub.f32 v12, v33  }
0x350: {  	v56 =	vld [tilespmem:s17+$0x5830];
	[tilespmem:s17+$0x5440] =	vst v18;
	v14 =	vsub.f32 v14, v35  }
0x351: {  	v13 =	vsub.f32 v13, v34;
	[tilespmem:s17+$0x5450] =	vst v12;
	v12 =	vld [tilespmem:s17+$0x5840]  }
0x352: {  	v16 =	vsub.f32 v54, v37;
	[tilespmem:s17+$0x5470] =	vst v14;
	v14 =	vld [tilespmem:s17+$0x5860]  }
0x353: {  	v15 =	vsub.f32 v15, v36;
	[tilespmem:s17+$0x5460] =	vst v13;
	v13 =	vld [tilespmem:s17+$0x5850]  }
0x354: {  	v57 =	vld [tilespmem:s17+$0x5C00];
	v17 =	vsub.f32 v55, v38;
	[tilespmem:s17+$0x5810] =	vst v16  }
0x355: {  	v18 =	vsub.f32 v56, v39;
	[tilespmem:s17+$0x5800] =	vst v15;
	v15 =	vld [tilespmem:s17+$0x5870]  }
0x356: {  	v58 =	vld [tilespmem:s17+$0x5C10];
	[tilespmem:s17+$0x5820] =	vst v17;
	v12 =	vsub.f32 v12, v40  }
0x357: {  	v59 =	vld [tilespmem:s17+$0x5C20];
	[tilespmem:s17+$0x5830] =	vst v18;
	v14 =	vsub.f32 v14, v42  }
0x358: {  	v13 =	vsub.f32 v13, v41;
	[tilespmem:s17+$0x5840] =	vst v12;
	v12 =	vld [tilespmem:s17+$0x5C30]  }
0x359: {  	v16 =	vsub.f32 v57, v44;
	[tilespmem:s17+$0x5860] =	vst v14;
	v14 =	vld [tilespmem:s17+$0x5C50]  }
0x35a: {  	v15 =	vsub.f32 v15, v43;
	[tilespmem:s17+$0x5850] =	vst v13;
	v13 =	vld [tilespmem:s17+$0x5C40]  }
0x35b: {  	v60 =	vld [tilespmem:s17+$0x5C70];
	v17 =	vsub.f32 v58, v45;
	[tilespmem:s17+$0x5C00] =	vst v16  }
0x35c: {  	v18 =	vsub.f32 v59, v46;
	[tilespmem:s17+$0x5870] =	vst v15;
	v15 =	vld [tilespmem:s17+$0x5C60]  }
0x35d: {  	v61 =	vld [tilespmem:s17+$0x6000];
	[tilespmem:s17+$0x5C10] =	vst v17;
	v12 =	vsub.f32 v12, v47  }
0x35e: {  	v62 =	vld [tilespmem:s17+$0x6010];
	[tilespmem:s17+$0x5C20] =	vst v18;
	v14 =	vsub.f32 v14, v49  }
0x35f: {  	v63 =	vsub.f32 v13, v48;
	v13 =	vld [tilespmem:s17+$0x6020];
	[tilespmem:s17+$0x5C30] =	vst v12  }
0x360: {  	v12 =	vld [tilespmem:s17+$0x6030];
	[tilespmem:s17+$0x5C50] =	vst v14;
	v14 =	vsub.f32 v60, v10  }
0x361: {  	v15 =	vsub.f32 v15, v11;
	v11 =	vld [tilespmem:s17+$0x6040];
	[tilespmem:s17+$0x5C40] =	vst v63  }
0x362: {  	v10 =	vld [tilespmem:s17+$0x6050];
	[tilespmem:s17+$0x5C70] =	vst v14;
	v14 =	vsub.f32 v61, v8  }
0x363: {  	s16 =	simm.s32 $0x200;
	v9 =	vsub.f32 v62, v9;
	[tilespmem:s17+$0x5C60] =	vst v15;
	v8 =	vld [tilespmem:s17+$0x6060]  }
.LBB2_9:
0x364: {  	s18 =	sshra.s32 s16, $0x2;
	p0 =	sne.s32 s16, $0xE00;
	[tilespmem:s17+$0x6000] =	vst v14;
	v7 =	vsub.f32 v13, v7;
	v13 =	vld [tilespmem:s17+$0x6070]  }
0x365: {  	v38 =	vld [tilespmem:s18+$0xAC00];
	[tilespmem:s17+$0x6010] =	vst v9;
	v6 =	vsub.f32 v12, v6  }
0x366: {  	v39 =	vld [tilespmem:s18+$0xAC10];
	[tilespmem:s17+$0x6020] =	vst v7;
	v5 =	vsub.f32 v11, v5  }
0x367: {  	v40 =	vld [tilespmem:s18+$0xAC20];
	[tilespmem:s17+$0x6030] =	vst v6;
	v4 =	vsub.f32 v10, v4  }
0x368: {  	v41 =	vld [tilespmem:s18+$0xAC30];
	[tilespmem:s17+$0x6040] =	vst v5;
	v3 =	vsub.f32 v8, v3  }
0x369: {  	v42 =	vld [tilespmem:s18+$0xAC40];
	[tilespmem:s17+$0x6050] =	vst v4;
	v2 =	vsub.f32 v13, v2  }
0x36a: {  	v43 =	vld [tilespmem:s18+$0xAC50];
	[tilespmem:s17+$0x6060] =	vst v3  }
0x36b: {  	v44 =	vld [tilespmem:s18+$0xAC60];
	[tilespmem:s17+$0x6070] =	vst v2;
	s17 =	smov.u32 s18  }
0x36c: {  	v45 =	vld [tilespmem:s17+$0xAC70]  }
0x36d: {  	v46 =	vld [tilespmem:s17+$0xB000]  }
0x36e: {  	v47 =	vld [tilespmem:s17+$0xB010]  }
0x36f: {  	v48 =	vld [tilespmem:s17+$0xB020]  }
0x370: {  	v49 =	vld [tilespmem:s17+$0xB030]  }
0x371: {  	v37 =	vld [tilespmem:s17+$0xB040]  }
0x372: {  	v36 =	vld [tilespmem:s17+$0xB050]  }
0x373: {  	v35 =	vld [tilespmem:s17+$0xB060]  }
0x374: {  	v34 =	vld [tilespmem:s17+$0xB070]  }
0x375: {  	v33 =	vld [tilespmem:s17+$0xB400]  }
0x376: {  	v32 =	vld [tilespmem:s17+$0xB410]  }
0x377: {  	v31 =	vld [tilespmem:s17+$0xB420]  }
0x378: {  	v30 =	vld [tilespmem:s17+$0xB430]  }
0x379: {  	v29 =	vld [tilespmem:s17+$0xB440]  }
0x37a: {  	v28 =	vld [tilespmem:s17+$0xB450]  }
0x37b: {  	v27 =	vld [tilespmem:s17+$0xB460]  }
0x37c: {  	v26 =	vld [tilespmem:s17+$0xB470]  }
0x37d: {  	v25 =	vld [tilespmem:s17+$0xB800]  }
0x37e: {  	v24 =	vld [tilespmem:s17+$0xB810]  }
0x37f: {  	v23 =	vld [tilespmem:s17+$0xB820]  }
0x380: {  	v22 =	vld [tilespmem:s17+$0xB830]  }
0x381: {  	v21 =	vld [tilespmem:s17+$0xB840]  }
0x382: {  	v20 =	vld [tilespmem:s17+$0xB850]  }
0x383: {  	v19 =	vld [tilespmem:s17+$0xB860]  }
0x384: {  	v18 =	vld [tilespmem:s17+$0xB870]  }
0x385: {  	v17 =	vld [tilespmem:s17+$0xBC00]  }
0x386: {  	v16 =	vld [tilespmem:s17+$0xBC10]  }
0x387: {  	v15 =	vld [tilespmem:s17+$0xBC20]  }
0x388: {  	v14 =	vld [tilespmem:s17+$0xBC30]  }
0x389: {  	v13 =	vld [tilespmem:s17+$0xBC40]  }
0x38a: {  	v12 =	vld [tilespmem:s17+$0xBC50]  }
0x38b: {  	v11 =	vld [tilespmem:s17+$0xBC60]  }
0x38c: {  	v10 =	vld [tilespmem:s17+$0xBC70]  }
0x38d: {  	v9 =	vld [tilespmem:s17+$0xC000]  }
0x38e: {  	v8 =	vld [tilespmem:s17+$0xC010]  }
0x38f: {  	v7 =	vld [tilespmem:s17+$0xC020]  }
0x390: {  	v6 =	vld [tilespmem:s17+$0xC030]  }
0x391: {  	v5 =	vld [tilespmem:s17+$0xC040]  }
0x392: {  	v4 =	vld [tilespmem:s17+$0xC050]  }
0x393: {  	v3 =	vld [tilespmem:s17+$0xC060]  }
0x394: {  	v2 =	vld [tilespmem:s17+$0xC070]  }
0x395: {  	v50 =	vld [tilespmem:s17+$0x4C00]  }
0x396: {  	v51 =	vld [tilespmem:s17+$0x4C10]  }
0x397: {  	v52 =	vld [tilespmem:s17+$0x4C20]  }
0x398: {  	v53 =	vld [tilespmem:s17+$0x4C30]  }
0x399: {  	v54 =	vld [tilespmem:s17+$0x4C40]  }
0x39a: {  	v38 =	vsub.f32 v50, v38;
	v50 =	vld [tilespmem:s17+$0x4C50]  }
0x39b: {  	v39 =	vsub.f32 v51, v39;
	v51 =	vld [tilespmem:s17+$0x4C60]  }
0x39c: {  	[tilespmem:s17+$0x4C00] =	vst v38;
	v38 =	vsub.f32 v52, v40;
	v40 =	vld [tilespmem:s17+$0x4C70]  }
0x39d: {  	[tilespmem:s17+$0x4C10] =	vst v39;
	v39 =	vsub.f32 v53, v41;
	v41 =	vld [tilespmem:s17+$0x5000]  }
0x39e: {  	[tilespmem:s17+$0x4C20] =	vst v38;
	v38 =	vsub.f32 v54, v42;
	v42 =	vld [tilespmem:s17+$0x5010]  }
0x39f: {  	[tilespmem:s17+$0x4C30] =	vst v39;
	v39 =	vsub.f32 v50, v43;
	v43 =	vld [tilespmem:s17+$0x5020]  }
0x3a0: {  	[tilespmem:s17+$0x4C40] =	vst v38;
	v38 =	vsub.f32 v51, v44;
	v44 =	vld [tilespmem:s17+$0x5030]  }
0x3a1: {  	[tilespmem:s17+$0x4C50] =	vst v39;
	v39 =	vsub.f32 v40, v45;
	v40 =	vld [tilespmem:s17+$0x5040]  }
0x3a2: {  	[tilespmem:s17+$0x4C60] =	vst v38;
	v38 =	vsub.f32 v41, v46;
	v41 =	vld [tilespmem:s17+$0x5050]  }
0x3a3: {  	[tilespmem:s17+$0x4C70] =	vst v39;
	v39 =	vsub.f32 v42, v47;
	v42 =	vld [tilespmem:s17+$0x5060]  }
0x3a4: {  	[tilespmem:s17+$0x5000] =	vst v38;
	v38 =	vsub.f32 v43, v48;
	v43 =	vld [tilespmem:s17+$0x5070]  }
0x3a5: {  	[tilespmem:s17+$0x5010] =	vst v39;
	v39 =	vsub.f32 v44, v49;
	v44 =	vld [tilespmem:s17+$0x5400]  }
0x3a6: {  	[tilespmem:s17+$0x5020] =	vst v38;
	v37 =	vsub.f32 v40, v37;
	v38 =	vld [tilespmem:s17+$0x5410]  }
0x3a7: {  	[tilespmem:s17+$0x5030] =	vst v39;
	v36 =	vsub.f32 v41, v36;
	v39 =	vld [tilespmem:s17+$0x5420]  }
0x3a8: {  	[tilespmem:s17+$0x5040] =	vst v37;
	v35 =	vsub.f32 v42, v35;
	v37 =	vld [tilespmem:s17+$0x5430]  }
0x3a9: {  	[tilespmem:s17+$0x5050] =	vst v36;
	v34 =	vsub.f32 v43, v34;
	v36 =	vld [tilespmem:s17+$0x5440]  }
0x3aa: {  	[tilespmem:s17+$0x5060] =	vst v35;
	v33 =	vsub.f32 v44, v33;
	v35 =	vld [tilespmem:s17+$0x5450]  }
0x3ab: {  	[tilespmem:s17+$0x5070] =	vst v34;
	v32 =	vsub.f32 v38, v32;
	v34 =	vld [tilespmem:s17+$0x5460]  }
0x3ac: {  	[tilespmem:s17+$0x5400] =	vst v33;
	v31 =	vsub.f32 v39, v31;
	v33 =	vld [tilespmem:s17+$0x5470]  }
0x3ad: {  	[tilespmem:s17+$0x5410] =	vst v32;
	v30 =	vsub.f32 v37, v30;
	v32 =	vld [tilespmem:s17+$0x5800]  }
0x3ae: {  	[tilespmem:s17+$0x5420] =	vst v31;
	v29 =	vsub.f32 v36, v29;
	v31 =	vld [tilespmem:s17+$0x5810]  }
0x3af: {  	[tilespmem:s17+$0x5430] =	vst v30;
	v28 =	vsub.f32 v35, v28;
	v30 =	vld [tilespmem:s17+$0x5820]  }
0x3b0: {  	[tilespmem:s17+$0x5440] =	vst v29;
	v27 =	vsub.f32 v34, v27;
	v29 =	vld [tilespmem:s17+$0x5830]  }
0x3b1: {  	[tilespmem:s17+$0x5450] =	vst v28;
	v26 =	vsub.f32 v33, v26;
	v28 =	vld [tilespmem:s17+$0x5840]  }
0x3b2: {  	[tilespmem:s17+$0x5460] =	vst v27;
	v25 =	vsub.f32 v32, v25;
	v27 =	vld [tilespmem:s17+$0x5850]  }
0x3b3: {  	[tilespmem:s17+$0x5470] =	vst v26;
	v24 =	vsub.f32 v31, v24;
	v26 =	vld [tilespmem:s17+$0x5860]  }
0x3b4: {  	[tilespmem:s17+$0x5800] =	vst v25;
	v23 =	vsub.f32 v30, v23;
	v25 =	vld [tilespmem:s17+$0x5870]  }
0x3b5: {  	[tilespmem:s17+$0x5810] =	vst v24;
	v22 =	vsub.f32 v29, v22;
	v24 =	vld [tilespmem:s17+$0x5C00]  }
0x3b6: {  	[tilespmem:s17+$0x5820] =	vst v23;
	v21 =	vsub.f32 v28, v21;
	v23 =	vld [tilespmem:s17+$0x5C10]  }
0x3b7: {  	[tilespmem:s17+$0x5830] =	vst v22;
	v20 =	vsub.f32 v27, v20;
	v22 =	vld [tilespmem:s17+$0x5C20]  }
0x3b8: {  	[tilespmem:s17+$0x5840] =	vst v21;
	v19 =	vsub.f32 v26, v19;
	v21 =	vld [tilespmem:s17+$0x5C30]  }
0x3b9: {  	[tilespmem:s17+$0x5850] =	vst v20;
	v18 =	vsub.f32 v25, v18;
	v20 =	vld [tilespmem:s17+$0x5C40]  }
0x3ba: {  	[tilespmem:s17+$0x5860] =	vst v19;
	v17 =	vsub.f32 v24, v17;
	v19 =	vld [tilespmem:s17+$0x5C50]  }
0x3bb: {  	[tilespmem:s17+$0x5870] =	vst v18;
	v16 =	vsub.f32 v23, v16;
	v18 =	vld [tilespmem:s17+$0x5C60]  }
0x3bc: {  	[tilespmem:s17+$0x5C00] =	vst v17;
	v15 =	vsub.f32 v22, v15;
	v17 =	vld [tilespmem:s17+$0x5C70]  }
0x3bd: {  	[tilespmem:s17+$0x5C10] =	vst v16;
	v14 =	vsub.f32 v21, v14;
	v16 =	vld [tilespmem:s17+$0x6000]  }
0x3be: {  	[tilespmem:s17+$0x5C20] =	vst v15;
	v15 =	vsub.f32 v20, v13;
	v20 =	vld [tilespmem:s17+$0x6010]  }
.Ltmp3:
0x3bf: {  	[tilespmem:s17+$0x5C30] =	vst v14;
	v14 =	vsub.f32 v19, v12;
	v13 =	vld [tilespmem:s17+$0x6020];
	(pc) =	sbr.rel @p0 .LBB2_9-.Ltmp3, $4  }
0x3c0: {  	[tilespmem:s17+$0x5C40] =	vst v15;
	v15 =	vsub.f32 v18, v11;
	v12 =	vld [tilespmem:s17+$0x6030]  }
0x3c1: {  	[tilespmem:s17+$0x5C50] =	vst v14;
	v17 =	vsub.f32 v17, v10;
	v11 =	vld [tilespmem:s17+$0x6040]  }
0x3c2: {  	[tilespmem:s17+$0x5C60] =	vst v15;
	v14 =	vsub.f32 v16, v9;
	v10 =	vld [tilespmem:s17+$0x6050]  }
0x3c3: {  	s16 =	sadd.s32 $0x200, s16;
	[tilespmem:s17+$0x5C70] =	vst v17;
	v9 =	vsub.f32 v20, v8;
	v8 =	vld [tilespmem:s17+$0x6060]  }
0x3c4: {  	[tilespmem:s17+$0x6000] =	vst v14;
	v7 =	vsub.f32 v13, v7;
	v63 =	vld [tilespmem:s17+$0x6070]  }
0x3c5: {  	[tilespmem:s17+$0x6010] =	vst v9;
	v6 =	vsub.f32 v12, v6  }
0x3c6: {  	[tilespmem:s17+$0x6020] =	vst v7;
	v5 =	vsub.f32 v11, v5  }
0x3c7: {  	[tilespmem:s17+$0x6030] =	vst v6;
	v4 =	vsub.f32 v10, v4  }
0x3c8: {  	s15 =	sadd.s32 $0x1, s15;
	[tilespmem:s17+$0x6040] =	vst v5;
	v3 =	vsub.f32 v8, v3  }
0x3c9: {  	p0 =	sne.s32 s15, $0x20;
	[tilespmem:s17+$0x6050] =	vst v4;
	v2 =	vsub.f32 v63, v2  }
.Ltmp4:
0x3ca: {  	[tilespmem:s17+$0x6060] =	vst v3;
	(pc) =	sbr.rel @p0 .LBB2_2-.Ltmp4, $4  }
0x3cb: {  	s16 =	sadd.s32 s4, s12;
	[tilespmem:s17+$0x6070] =	vst v2  }
0x3cc: {  	[hbm4b:s16+s6] =	stream.linear.scatter [tilespmem:s1], [sflag:$0xC], $0x1800, $0x38;
	[tilespmem:$0xC400] =	vst v63  }
0x3cd: {  	s29 =	sadd.s32 s5, s12  }
0x3ce: {  	[hbm4b:s29+s6] =	stream.linear.scatter [tilespmem:s21], [sflag:$0x10], $0x1800, $0x38;
	[tilespmem:$0xC400] =	vst v63  }
0x3cf: {  	s12 =	simm.s32 $0x9  }
0x3d0: {  	_ =	swait.ge [sflag:s12], $0x1800  }
0x3d1: {  	[sflag:s12] =	ssyncset.done $0x0  }
0x3d2: {  	s15 =	simm.s32 $0xD;
	[sflag:s12] =	ssyncadd.s32 $0xFFFFE800  }
0x3d3: {  	_ =	swait.ge [sflag:s15], $0x1800  }
0x3d4: {  	[sflag:s15] =	ssyncset.done $0x0  }
0x3d5: {  	s16 =	simm.s32 $0xA;
	[sflag:s15] =	ssyncadd.s32 $0xFFFFE800  }
0x3d6: {  	_ =	swait.ge [sflag:s16], $0x1800  }
0x3d7: {  	[sflag:s16] =	ssyncset.done $0x0  }
0x3d8: {  	s17 =	simm.s32 $0xE;
	[sflag:s16] =	ssyncadd.s32 $0xFFFFE800  }
0x3d9: {  	_ =	swait.ge [sflag:s17], $0x1800  }
0x3da: {  	[sflag:s17] =	ssyncset.done $0x0  }
0x3db: {  	s18 =	simm.s32 $0xB;
	[sflag:s17] =	ssyncadd.s32 $0xFFFFE800  }
0x3dc: {  	_ =	swait.ge [sflag:s18], $0x1800  }
0x3dd: {  	[sflag:s18] =	ssyncset.done $0x0  }
0x3de: {  	s19 =	simm.s32 $0xF;
	[sflag:s18] =	ssyncadd.s32 $0xFFFFE800  }
0x3df: {  	_ =	swait.ge [sflag:s19], $0x1800  }
0x3e0: {  	[sflag:s19] =	ssyncset.done $0x0  }
0x3e1: {  	s28 =	simm.s32 $0xC;
	[sflag:s19] =	ssyncadd.s32 $0xFFFFE800  }
0x3e2: {  	_ =	swait.ge [sflag:s28], $0x1800  }
0x3e3: {  	[sflag:s28] =	ssyncset.done $0x0  }
0x3e4: {  	s15 =	simm.s32 $0x10;
	[sflag:s28] =	ssyncadd.s32 $0xFFFFE800  }
0x3e5: {  	_ =	swait.ge [sflag:s15], $0x1800  }
0x3e6: {  	s16 =	rddreg [dreg:$0xa]  }
0x3e7: {  	s29 =	rddreg [dreg:$0x9];
	s16 =	sadd.s32 $0x1, s16  }
0x3e8: {  	p0 =	sne.s32 s16, s29  }
.Ltmp5:
0x3e9: {  	_ = 	snop;
	(pc) =	sbr.rel @p0 .LBB2_1-.Ltmp5, $3  }
0x3ea: {  	_ =	sdelay $0x1  }
0x3eb: {  	[sflag:s15] =	ssyncset.done $0x0  }
0x3ec: {  	[sflag:s15] =	ssyncadd.s32 $0xFFFFE800  }
0x3ed: {  	_ =	sfence.sel $0x180000  }
0x3ee: {  	[bflag:$0x0] =	sbarrier.arrive $0xFFFF  }
0x3ef: {  	_ =	strace $0x90000047  }
0x3f0: {  	s0 =	stileid.u32;
	[bflag:$0x2] =	sbarrier.arrive $0xFFFF  }
0x3f1: {  	p0 =	sne.s32 s0, $0x0;
	s0 =	rddreg [dreg:$0x5]  }
0x3f2: {  	s0 =	sadd.s32 @!p0 $0x100000, s0  }
0x3f3: {  	[sflag:s0] =	ssyncadd.tile.s32 @!p0 $0x1;
	_ =	shalt  }
.Lfunc_end2:
_tile_overlayer_lowered:
.L_overlay_start_2:
0x3f4: {  	(tag) =	ssettag $0x2  }
0x3f5: {  	s0 =	rddreg [dreg:$0x0];
	s2 =	stileid.u32  }
0x3f6: {  	s1 =	rddreg [dreg:$0x1];
	p0 =	sne.s32 s2, $0x0  }
0x3f7: {  	s3 =	rddreg [dreg:$0x2];
	[bflag:$0x3] =	sbarrier.arrive $0xFFFF;
	s2 =	simm.s32 @!p0 $0x1C11  }
0x3f8: {  	[timem:s3], [sflag:s2] =	dma.local @!p0 [hbm:s0], s1  }
0x3f9: {  	s0 =	simm.s32 @!p0 $0x11  }
0x3fa: {  	_ =	swait.ge @!p0 [sflag:s0], s1  }
0x3fb: {  	s1 =	ssub.s32 @!p0 $0x0, s1;
	[sflag:s0] =	ssyncset.done @!p0 $0x0  }
0x3fc: {  	[sflag:s0] =	ssyncadd.s32 @!p0 s1  }
0x3fd: {  	[bflag:$0x3] =	sbarrier.arrive $0xFFFF  }
0x3fe: {  	_ =	shalt  }

</sc_bundles>
